<compile_context>
chip_gen: v7x
topology: tpu7x:2x2x1
jax: 0.10.2.dev20260603
libtpu: 0.0.44.dev20260713+nightly
codegen_flags: <defaults>
</compile_context>

<pallas_src>
import functools

import jax
import jax.numpy as jnp
from jax import lax
from jax.experimental import pallas as pl
from jax.experimental.pallas import tpu as pltpu
from jax.experimental.pallas import tpu_sc as plsc

N = 10000
E = 320000
D = 128
NW = 32
EPAD = 327680
C1 = 64
CPW1 = 160
C2 = 128
CPW2 = 80
AGG_ROWS = 10240
RPT = AGG_ROWS // 16


def _tc1_body(feat_ref, ws_ref, wd_ref, bd_ref, sf_ref, df_ref):
    f = feat_ref[...]
    sf_ref[...] = jnp.dot(f, ws_ref[...], preferred_element_type=jnp.float32)
    df_ref[...] = (
        jnp.dot(f, wd_ref[...], preferred_element_type=jnp.float32) + bd_ref[...]
    )


def _tc1(feat, ws_t, wd_t, bd):
    grid = (10,)
    blk = N // 10
    return pl.pallas_call(
        _tc1_body,
        grid=grid,
        in_specs=[
            pl.BlockSpec((blk, D), lambda i: (i, 0)),
            pl.BlockSpec((D, D), lambda i: (0, 0)),
            pl.BlockSpec((D, D), lambda i: (0, 0)),
            pl.BlockSpec((1, D), lambda i: (0, 0)),
        ],
        out_specs=[
            pl.BlockSpec((blk, D), lambda i: (i, 0)),
            pl.BlockSpec((blk, D), lambda i: (i, 0)),
        ],
        out_shape=[
            jax.ShapeDtypeStruct((N, D), jnp.float32),
            jax.ShapeDtypeStruct((N, D), jnp.float32),
        ],
    )(feat, ws_t, wd_t, bd)


def _tc2_body(aggp_ref, wr_ref, br_ref, ws_ref, wd_ref, bd_ref, s2_ref, d2_ref):
    a = aggp_ref[0] + aggp_ref[1]
    out = jnp.dot(a, wr_ref[...], preferred_element_type=jnp.float32) + br_ref[...]
    s2_ref[...] = jnp.dot(out, ws_ref[...], preferred_element_type=jnp.float32)
    d2_ref[...] = (
        jnp.dot(out, wd_ref[...], preferred_element_type=jnp.float32) + bd_ref[...]
    )


def _tc2(aggp, wr_t, br, ws_t, wd_t, bd):
    grid = (10,)
    blk = N // 10
    return pl.pallas_call(
        _tc2_body,
        grid=grid,
        in_specs=[
            pl.BlockSpec((2, blk, D), lambda i: (0, i, 0)),
            pl.BlockSpec((D, D), lambda i: (0, 0)),
            pl.BlockSpec((1, D), lambda i: (0, 0)),
            pl.BlockSpec((D, D), lambda i: (0, 0)),
            pl.BlockSpec((D, D), lambda i: (0, 0)),
            pl.BlockSpec((1, D), lambda i: (0, 0)),
        ],
        out_specs=[
            pl.BlockSpec((blk, D), lambda i: (i, 0)),
            pl.BlockSpec((blk, D), lambda i: (i, 0)),
        ],
        out_shape=[
            jax.ShapeDtypeStruct((N, D), jnp.float32),
            jax.ShapeDtypeStruct((N, D), jnp.float32),
        ],
    )(aggp, wr_t, br, ws_t, wd_t, bd)


STAGE1 = 32


def _sc1_body(cidx_hbm, didx_hbm, t_hbm, agg_hbm,
              cidx_v, didx_v, buf0, buf1, agg_sh, semG0, semG1):
    c = lax.axis_index("c")
    s = lax.axis_index("s")
    wid = c * 16 + s

    def _zrow(r, carry):
        for k in range(D // 16):
            buf0[r, pl.ds(k * 16, 16)] = jnp.zeros((16,), jnp.float32)
        return carry

    lax.fori_loop(0, 2 * C1, _zrow, 0)
    for j in range(RPT // (2 * C1)):
        pltpu.sync_copy(buf0, agg_sh.at[pl.ds(s * RPT + j * 2 * C1, 2 * C1), :])
    plsc.subcore_barrier()

    base = wid * CPW1
    bufs = ((buf0, semG0), (buf1, semG1))

    def _issue(j, b):
        bf, semG = bufs[b]
        pltpu.async_copy(t_hbm.at[cidx_v.at[j]], bf, semG)

    def _slot(j, b):
        bf, semG = bufs[b]
        pltpu.make_async_copy(t_hbm.at[cidx_v.at[j]], bf, semG).wait()

        def _vrow(r, cc):
            for k in range(D // 16):
                sl = pl.ds(k * 16, 16)
                bf[r, sl] = bf[r, sl] + bf[C1 + r, sl]
            return cc

        lax.fori_loop(0, C1, _vrow, 0)
        pltpu.sync_copy(bf.at[pl.ds(0, C1), :], agg_sh.at[didx_v.at[j]],
                        add=True)
        pl.when(j + 2 < STAGE1)(lambda: _issue(j + 2, b))

    def _pair(jj, carry):
        _slot(2 * jj, 0)
        _slot(2 * jj + 1, 1)
        return carry

    for h in range(CPW1 // STAGE1):
        pltpu.sync_copy(cidx_hbm.at[pl.ds(base + h * STAGE1, STAGE1), :], cidx_v)
        pltpu.sync_copy(didx_hbm.at[pl.ds(base + h * STAGE1, STAGE1), :], didx_v)
        _issue(0, 0)
        _issue(1, 1)
        lax.fori_loop(0, STAGE1 // 2, _pair, 0)
    plsc.subcore_barrier()

    for j in range(RPT // C2):
        row = s * RPT + j * C2
        pltpu.sync_copy(agg_sh.at[pl.ds(row, C2), :],
                        agg_hbm.at[c, pl.ds(row, C2), :])


def _sc1(cidx2d, didx2d, t):
    mesh = plsc.VectorSubcoreMesh(core_axis_name="c", subcore_axis_name="s")
    fn = functools.partial(
        pl.kernel,
        mesh=mesh,
        out_type=jax.ShapeDtypeStruct((2, AGG_ROWS, D), jnp.float32),
        scratch_types=[
            pltpu.VMEM((STAGE1, 2 * C1), jnp.int32),
            pltpu.VMEM((STAGE1, C1), jnp.int32),
            pltpu.VMEM((2 * C1, D), jnp.float32),
            pltpu.VMEM((2 * C1, D), jnp.float32),
            pltpu.VMEM_SHARED((AGG_ROWS, D), jnp.float32),
            pltpu.SemaphoreType.DMA,
            pltpu.SemaphoreType.DMA,
        ],
    )(_sc1_body)
    return fn(cidx2d, didx2d, t)


def _sc2_body(src_hbm, dst_hbm, s2_hbm, d2_hbm, out_hbm,
              sidx_v, didx_v, bufS0, bufD0, bufO0, bufS1, bufD1, bufO1,
              semG0, semG1, semW0, semW1):
    c = lax.axis_index("c")
    s = lax.axis_index("s")
    wid = c * 16 + s
    base = wid * CPW2
    pltpu.sync_copy(src_hbm.at[pl.ds(base, CPW2), :], sidx_v)
    pltpu.sync_copy(dst_hbm.at[pl.ds(base, CPW2), :], didx_v)

    nchunks = jnp.where(wid == NW - 1, (E - (NW - 1) * CPW2 * C2) // C2, CPW2)
    bufs = ((bufS0, bufD0, bufO0, semG0, semW0),
            (bufS1, bufD1, bufO1, semG1, semW1))

    def _issue(j, b):
        bS, bD, _, semG, _ = bufs[b]
        pltpu.async_copy(s2_hbm.at[sidx_v.at[j]], bS, semG)
        pltpu.async_copy(d2_hbm.at[didx_v.at[j]], bD, semG)

    def _out_ref(j):
        return out_hbm.at[pl.ds(wid * CPW2 * C2 + j * C2, C2), :]

    def _slot(j, b):
        bS, bD, bO, semG, semW = bufs[b]
        pltpu.make_async_copy(s2_hbm.at[sidx_v.at[j]], bS, semG).wait()
        pltpu.make_async_copy(d2_hbm.at[didx_v.at[j]], bD, semG).wait()
        pl.when(j >= 2)(
            lambda: pltpu.make_async_copy(bO, _out_ref(j - 2), semW).wait())

        def _vrow(r, cc):
            for k in range(D // 16):
                sl = pl.ds(k * 16, 16)
                bO[r, sl] = bS[r, sl] + bD[r, sl]
            return cc

        lax.fori_loop(0, C2, _vrow, 0)
        pltpu.async_copy(bO, _out_ref(j), semW)
        pl.when(j + 2 < nchunks)(lambda: _issue(j + 2, b))

    def _pair(jj, carry):
        _slot(2 * jj, 0)
        _slot(2 * jj + 1, 1)
        return carry

    _issue(0, 0)
    _issue(1, 1)
    lax.fori_loop(0, nchunks // 2, _pair, 0)
    pltpu.make_async_copy(bufO0, _out_ref(nchunks - 2), semW0).wait()
    pltpu.make_async_copy(bufO1, _out_ref(nchunks - 1), semW1).wait()


def _sc2(src2d, dst2d, s2, d2):
    mesh = plsc.VectorSubcoreMesh(core_axis_name="c", subcore_axis_name="s")
    fn = functools.partial(
        pl.kernel,
        mesh=mesh,
        out_type=jax.ShapeDtypeStruct((E, D), jnp.float32),
        scratch_types=[
            pltpu.VMEM((CPW2, C2), jnp.int32),
            pltpu.VMEM((CPW2, C2), jnp.int32),
            pltpu.VMEM((C2, D), jnp.float32),
            pltpu.VMEM((C2, D), jnp.float32),
            pltpu.VMEM((C2, D), jnp.float32),
            pltpu.VMEM((C2, D), jnp.float32),
            pltpu.VMEM((C2, D), jnp.float32),
            pltpu.VMEM((C2, D), jnp.float32),
            pltpu.SemaphoreType.DMA,
            pltpu.SemaphoreType.DMA,
            pltpu.SemaphoreType.DMA,
            pltpu.SemaphoreType.DMA,
        ],
    )(_sc2_body)
    return fn(src2d, dst2d, s2, d2)


def kernel(feat, edge_index, W_src, W_dst, b_dst, W_res, b_res):
    src = edge_index[0]
    dst = edge_index[1]
    pad = EPAD - E
    src_p = jnp.concatenate([src, jnp.zeros((pad,), jnp.int32)])
    pad_dst = N + jnp.arange(pad, dtype=jnp.int32) % (AGG_ROWS - N)
    dst_p = jnp.concatenate([dst, pad_dst])
    src_c1 = src_p.reshape(EPAD // C1, C1)
    dst_c1 = dst_p.reshape(EPAD // C1, C1)
    src_c2 = src_p.reshape(EPAD // C2, C2)
    dst_c2 = dst_p.reshape(EPAD // C2, C2)

    ws_t = W_src.T
    wd_t = W_dst.T
    wr_t = W_res.T
    bd = b_dst.reshape(1, D)
    br = b_res.reshape(1, D)

    sf, df = _tc1(feat, ws_t, wd_t, bd)
    t = jnp.concatenate([sf, df])
    dst_g = jnp.where(dst_p < N, dst_p + N, N)
    cidx_c1 = jnp.concatenate(
        [src_p.reshape(EPAD // C1, C1), dst_g.reshape(EPAD // C1, C1)], axis=1)
    aggp = _sc1(cidx_c1, dst_c1, t)
    s2, d2 = _tc2(aggp, wr_t, br, ws_t, wd_t, bd)
    return _sc2(src_c2, dst_c2, s2, d2)

# --- scband reference (transcript-rebuilt; emitter-appended) ---
"""Pipeline reference for scband-nrimessage-passing-25142738550916 (READ-ONLY COPY).

The authoritative reference and input builder live on the scoring server;
editing this copy changes nothing except your own understanding.
"""

import jax, jax.numpy as jnp
import numpy as np

N_NODES = 10000
N_EDGES = 320000
FEAT_DIM = 128


def setup_inputs(seed: int = 0) -> dict:
    key = jax.random.key(seed)
    ks = jax.random.split(key, 8)
    feat = jax.random.normal(ks[0], (N_NODES, FEAT_DIM), dtype=jnp.float32)
    edge_index = jax.random.randint(ks[1], (2, N_EDGES), 0, N_NODES, dtype=jnp.int32)
    scale = 1.0 / np.sqrt(FEAT_DIM)
    W_src = jax.random.normal(ks[2], (FEAT_DIM, FEAT_DIM), dtype=jnp.float32) * scale
    W_dst = jax.random.normal(ks[3], (FEAT_DIM, FEAT_DIM), dtype=jnp.float32) * scale
    b_dst = jax.random.normal(ks[4], (FEAT_DIM,), dtype=jnp.float32) * scale
    W_res = jax.random.normal(ks[5], (FEAT_DIM, FEAT_DIM), dtype=jnp.float32) * scale
    b_res = jax.random.normal(ks[6], (FEAT_DIM,), dtype=jnp.float32) * scale
    return {
        "feat": feat,
        "edge_index": edge_index,
        "W_src": W_src,
        "W_dst": W_dst,
        "b_dst": b_dst,
        "W_res": W_res,
        "b_res": b_res,
    }


def reference(feat, edge_index, W_src, W_dst, b_dst, W_res, b_res):
    src = edge_index[0]
    dst = edge_index[1]
    # First round: linear transforms on node features
    src_feat = feat @ W_src.T               # src_trans (no bias)
    dst_feat = feat @ W_dst.T + b_dst       # dst_trans (bias)
    # Message: u_add_v -> message[e] = src_feat[src[e]] + dst_feat[dst[e]]
    message = src_feat[src] + dst_feat[dst]
    # Reduce: sum of incoming messages into destination node
    agg = jnp.zeros((feat.shape[0], feat.shape[1]), dtype=feat.dtype).at[dst].add(message)
    # res_trans
    out = agg @ W_res.T + b_res
    # Second round: apply_edges u_add_v on transformed out features
    src_feat2 = out @ W_src.T
    dst_feat2 = out @ W_dst.T + b_dst
    edge_out = src_feat2[src] + dst_feat2[dst]
    return edge_out

if __name__ == "__main__":
    import jax
    _d = setup_inputs()
    print(jax.jit(kernel)(*tuple(_d.values())))

</pallas_src>

<mosaic_0001>
#map = affine_map<(d0, d1) -> (0, 0)>
#map1 = affine_map<(d0, d1) -> (0, 0, 0)>
module attributes {stable_mosaic.version = 14 : i64} {
  func.func @_sc1_body(%arg0: i32, %arg1: i32, %arg2: memref<5120x128xi32, #tpu.memory_space<hbm>>, %arg3: memref<5120x64xi32, #tpu.memory_space<hbm>>, %arg4: memref<20000x128xf32, #tpu.memory_space<hbm>>, %arg5: memref<2x10240x128xf32, #tpu.memory_space<hbm>>, %arg6: memref<32x128xi32, #tpu.memory_space<vmem>>, %arg7: memref<32x64xi32, #tpu.memory_space<vmem>>, %arg8: memref<128x128xf32, #tpu.memory_space<vmem>>, %arg9: memref<128x128xf32, #tpu.memory_space<vmem>>, %arg10: memref<10240x128xf32, #tpu.memory_space<vmem_shared>>, %arg11: memref<!tpu.dma_semaphore, #tpu.memory_space<semaphore_mem>>, %arg12: memref<!tpu.dma_semaphore, #tpu.memory_space<semaphore_mem>>) attributes {dimension_semantics = [#tpu.dimension_semantics<core_parallel>, #tpu.dimension_semantics<subcore_parallel>], iteration_bounds = array<i64: 2, 16>, scalar_prefetch = 0 : i64, scratch_operands = 7 : i64, tpu.core_type = #tpu.core_type<sc_vector_subcore>, window_params = [{transform_indices = #map}, {transform_indices = #map}, {transform_indices = #map}, {transform_indices = #map1}]} {
    %mul3A = arith.constant 16 : i32
    %mul3A_0 = arith.muli %arg0, %mul3A : i32
    %add3A = arith.addi %mul3A_0, %arg1 : i32
    %scan3A = arith.constant 0 : i32
    %scan3A_1 = arith.constant 0 : i32
    %scan3A_2 = arith.constant 128 : i32
    %scan3A_3 = arith.addi %scan3A_1, %scan3A_2 : i32
    %scan3A_4 = arith.constant 1 : i32
    scf.for %scan3A_168 = %scan3A_1 to %scan3A_3 step %scan3A_4  : i32 {
      %broadcast_in_dim3A = arith.constant 0.000000e+00 : f32
      %broadcast_in_dim3A_169 = vector.broadcast %broadcast_in_dim3A : f32 to vector<16xf32>
      %swap3A = arith.index_cast %scan3A_168 : i32 to index
      %swap3A_170 = arith.constant 0 : index
      %swap3A_171 = tpu.vector_load %arg8[%swap3A, %swap3A_170] {strides = array<i32>} : memref<128x128xf32, #tpu.memory_space<vmem>>, vector<1x16xf32>,
      %swap3A_172 = vector.shape_cast %swap3A_171 : vector<1x16xf32> to vector<16xf32>
      %swap3A_173 = vector.shape_cast %broadcast_in_dim3A_169 : vector<16xf32> to vector<1x16xf32>
      tpu.vector_store %arg8[%swap3A, %swap3A_170], %swap3A_173 {strides = array<i32>} : memref<128x128xf32, #tpu.memory_space<vmem>>, vector<1x16xf32>,
      %broadcast_in_dim3A_174 = arith.constant 0.000000e+00 : f32
      %broadcast_in_dim3A_175 = vector.broadcast %broadcast_in_dim3A_174 : f32 to vector<16xf32>
      %swap3A_176 = arith.index_cast %scan3A_168 : i32 to index
      %swap3A_177 = arith.constant 16 : index
      %swap3A_178 = tpu.vector_load %arg8[%swap3A_176, %swap3A_177] {strides = array<i32>} : memref<128x128xf32, #tpu.memory_space<vmem>>, vector<1x16xf32>,
      %swap3A_179 = vector.shape_cast %swap3A_178 : vector<1x16xf32> to vector<16xf32>
      %swap3A_180 = vector.shape_cast %broadcast_in_dim3A_175 : vector<16xf32> to vector<1x16xf32>
      tpu.vector_store %arg8[%swap3A_176, %swap3A_177], %swap3A_180 {strides = array<i32>} : memref<128x128xf32, #tpu.memory_space<vmem>>, vector<1x16xf32>,
      %broadcast_in_dim3A_181 = arith.constant 0.000000e+00 : f32
      %broadcast_in_dim3A_182 = vector.broadcast %broadcast_in_dim3A_181 : f32 to vector<16xf32>
      %swap3A_183 = arith.index_cast %scan3A_168 : i32 to index
      %swap3A_184 = arith.constant 32 : index
      %swap3A_185 = tpu.vector_load %arg8[%swap3A_183, %swap3A_184] {strides = array<i32>} : memref<128x128xf32, #tpu.memory_space<vmem>>, vector<1x16xf32>,
      %swap3A_186 = vector.shape_cast %swap3A_185 : vector<1x16xf32> to vector<16xf32>
      %swap3A_187 = vector.shape_cast %broadcast_in_dim3A_182 : vector<16xf32> to vector<1x16xf32>
      tpu.vector_store %arg8[%swap3A_183, %swap3A_184], %swap3A_187 {strides = array<i32>} : memref<128x128xf32, #tpu.memory_space<vmem>>, vector<1x16xf32>,
      %broadcast_in_dim3A_188 = arith.constant 0.000000e+00 : f32
      %broadcast_in_dim3A_189 = vector.broadcast %broadcast_in_dim3A_188 : f32 to vector<16xf32>
      %swap3A_190 = arith.index_cast %scan3A_168 : i32 to index
      %swap3A_191 = arith.constant 48 : index
      %swap3A_192 = tpu.vector_load %arg8[%swap3A_190, %swap3A_191] {strides = array<i32>} : memref<128x128xf32, #tpu.memory_space<vmem>>, vector<1x16xf32>,
      %swap3A_193 = vector.shape_cast %swap3A_192 : vector<1x16xf32> to vector<16xf32>
      %swap3A_194 = vector.shape_cast %broadcast_in_dim3A_189 : vector<16xf32> to vector<1x16xf32>
      tpu.vector_store %arg8[%swap3A_190, %swap3A_191], %swap3A_194 {strides = array<i32>} : memref<128x128xf32, #tpu.memory_space<vmem>>, vector<1x16xf32>,
      %broadcast_in_dim3A_195 = arith.constant 0.000000e+00 : f32
      %broadcast_in_dim3A_196 = vector.broadcast %broadcast_in_dim3A_195 : f32 to vector<16xf32>
      %swap3A_197 = arith.index_cast %scan3A_168 : i32 to index
      %swap3A_198 = arith.constant 64 : index
      %swap3A_199 = tpu.vector_load %arg8[%swap3A_197, %swap3A_198] {strides = array<i32>} : memref<128x128xf32, #tpu.memory_space<vmem>>, vector<1x16xf32>,
      %swap3A_200 = vector.shape_cast %swap3A_199 : vector<1x16xf32> to vector<16xf32>
      %swap3A_201 = vector.shape_cast %broadcast_in_dim3A_196 : vector<16xf32> to vector<1x16xf32>
      tpu.vector_store %arg8[%swap3A_197, %swap3A_198], %swap3A_201 {strides = array<i32>} : memref<128x128xf32, #tpu.memory_space<vmem>>, vector<1x16xf32>,
      %broadcast_in_dim3A_202 = arith.constant 0.000000e+00 : f32
      %broadcast_in_dim3A_203 = vector.broadcast %broadcast_in_dim3A_202 : f32 to vector<16xf32>
      %swap3A_204 = arith.index_cast %scan3A_168 : i32 to index
      %swap3A_205 = arith.constant 80 : index
      %swap3A_206 = tpu.vector_load %arg8[%swap3A_204, %swap3A_205] {strides = array<i32>} : memref<128x128xf32, #tpu.memory_space<vmem>>, vector<1x16xf32>,
      %swap3A_207 = vector.shape_cast %swap3A_206 : vector<1x16xf32> to vector<16xf32>
      %swap3A_208 = vector.shape_cast %broadcast_in_dim3A_203 : vector<16xf32> to vector<1x16xf32>
      tpu.vector_store %arg8[%swap3A_204, %swap3A_205], %swap3A_208 {strides = array<i32>} : memref<128x128xf32, #tpu.memory_space<vmem>>, vector<1x16xf32>,
      %broadcast_in_dim3A_209 = arith.constant 0.000000e+00 : f32
      %broadcast_in_dim3A_210 = vector.broadcast %broadcast_in_dim3A_209 : f32 to vector<16xf32>
      %swap3A_211 = arith.index_cast %scan3A_168 : i32 to index
      %swap3A_212 = arith.constant 96 : index
      %swap3A_213 = tpu.vector_load %arg8[%swap3A_211, %swap3A_212] {strides = array<i32>} : memref<128x128xf32, #tpu.memory_space<vmem>>, vector<1x16xf32>,
      %swap3A_214 = vector.shape_cast %swap3A_213 : vector<1x16xf32> to vector<16xf32>
      %swap3A_215 = vector.shape_cast %broadcast_in_dim3A_210 : vector<16xf32> to vector<1x16xf32>
      tpu.vector_store %arg8[%swap3A_211, %swap3A_212], %swap3A_215 {strides = array<i32>} : memref<128x128xf32, #tpu.memory_space<vmem>>, vector<1x16xf32>,
      %broadcast_in_dim3A_216 = arith.constant 0.000000e+00 : f32
      %broadcast_in_dim3A_217 = vector.broadcast %broadcast_in_dim3A_216 : f32 to vector<16xf32>
      %swap3A_218 = arith.index_cast %scan3A_168 : i32 to index
      %swap3A_219 = arith.constant 112 : index
      %swap3A_220 = tpu.vector_load %arg8[%swap3A_218, %swap3A_219] {strides = array<i32>} : memref<128x128xf32, #tpu.memory_space<vmem>>, vector<1x16xf32>,
      %swap3A_221 = vector.shape_cast %swap3A_220 : vector<1x16xf32> to vector<16xf32>
      %swap3A_222 = vector.shape_cast %broadcast_in_dim3A_217 : vector<16xf32> to vector<1x16xf32>
      tpu.vector_store %arg8[%swap3A_218, %swap3A_219], %swap3A_222 {strides = array<i32>} : memref<128x128xf32, #tpu.memory_space<vmem>>, vector<1x16xf32>,
    }
    %scan3A_5 = arith.constant 128 : i32
    %mul3A_6 = arith.constant 640 : i32
    %mul3A_7 = arith.muli %arg1, %mul3A_6 : i32
    %add3A_8 = arith.constant 0 : i32
    %add3A_9 = arith.addi %mul3A_7, %add3A_8 : i32
    "tpu.region"() ({
      %run_scoped3A = tpu.sem_alloc : memref<!tpu.dma_semaphore, #tpu.memory_space<semaphore_mem>>
      %dma_start3A_168 = arith.constant 0 : i32
      %dma_start3A_169 = tpu.memref_slice %arg10[%add3A_9, %dma_start3A_168] : memref<10240x128xf32, #tpu.memory_space<vmem_shared>> -> memref<128x128xf32, #tpu.memory_space<vmem_shared>>
      %dma_start3A_170 = arith.constant 0 : i32
      %dma_start3A_171 = tpu.memref_slice %arg10[%add3A_9, %dma_start3A_170] : memref<10240x128xf32, #tpu.memory_space<vmem_shared>> -> memref<128x128xf32, #tpu.memory_space<vmem_shared>>
      tpu.enqueue_dma source(%arg8 : memref<128x128xf32, #tpu.memory_space<vmem>>) target(%dma_start3A_171 : memref<128x128xf32, #tpu.memory_space<vmem_shared>>) target_semaphore(%run_scoped3A : memref<!tpu.dma_semaphore, #tpu.memory_space<semaphore_mem>>)
      %dma_wait3A = arith.constant 0 : i32
      %dma_wait3A_172 = tpu.memref_slice %arg10[%add3A_9, %dma_wait3A] : memref<10240x128xf32, #tpu.memory_space<vmem_shared>> -> memref<128x128xf32, #tpu.memory_space<vmem_shared>>
      %dma_wait3A_173 = arith.constant 0 : i32
      %dma_wait3A_174 = tpu.memref_slice %arg10[%add3A_9, %dma_wait3A_173] : memref<10240x128xf32, #tpu.memory_space<vmem_shared>> -> memref<128x128xf32, #tpu.memory_space<vmem_shared>>
      tpu.wait_dma2 semaphore(%run_scoped3A : memref<!tpu.dma_semaphore, #tpu.memory_space<semaphore_mem>>) src(%arg8 : memref<128x128xf32, #tpu.memory_space<vmem>>) dst(%dma_wait3A_174 : memref<128x128xf32, #tpu.memory_space<vmem_shared>>)
      tpu.yield
    }) : () -> ()
    %mul3A_10 = arith.constant 640 : i32
    %mul3A_11 = arith.muli %arg1, %mul3A_10 : i32
    %add3A_12 = arith.constant 128 : i32
    %add3A_13 = arith.addi %mul3A_11, %add3A_12 : i32
    "tpu.region"() ({
      %run_scoped3A = tpu.sem_alloc : memref<!tpu.dma_semaphore, #tpu.memory_space<semaphore_mem>>
      %dma_start3A_168 = arith.constant 0 : i32
      %dma_start3A_169 = tpu.memref_slice %arg10[%add3A_13, %dma_start3A_168] : memref<10240x128xf32, #tpu.memory_space<vmem_shared>> -> memref<128x128xf32, #tpu.memory_space<vmem_shared>>
      %dma_start3A_170 = arith.constant 0 : i32
      %dma_start3A_171 = tpu.memref_slice %arg10[%add3A_13, %dma_start3A_170] : memref<10240x128xf32, #tpu.memory_space<vmem_shared>> -> memref<128x128xf32, #tpu.memory_space<vmem_shared>>
      tpu.enqueue_dma source(%arg8 : memref<128x128xf32, #tpu.memory_space<vmem>>) target(%dma_start3A_171 : memref<128x128xf32, #tpu.memory_space<vmem_shared>>) target_semaphore(%run_scoped3A : memref<!tpu.dma_semaphore, #tpu.memory_space<semaphore_mem>>)
      %dma_wait3A = arith.constant 0 : i32
      %dma_wait3A_172 = tpu.memref_slice %arg10[%add3A_13, %dma_wait3A] : memref<10240x128xf32, #tpu.memory_space<vmem_shared>> -> memref<128x128xf32, #tpu.memory_space<vmem_shared>>
      %dma_wait3A_173 = arith.constant 0 : i32
      %dma_wait3A_174 = tpu.memref_slice %arg10[%add3A_13, %dma_wait3A_173] : memref<10240x128xf32, #tpu.memory_space<vmem_shared>> -> memref<128x128xf32, #tpu.memory_space<vmem_shared>>
      tpu.wait_dma2 semaphore(%run_scoped3A : memref<!tpu.dma_semaphore, #tpu.memory_space<semaphore_mem>>) src(%arg8 : memref<128x128xf32, #tpu.memory_space<vmem>>) dst(%dma_wait3A_174 : memref<128x128xf32, #tpu.memory_space<vmem_shared>>)
      tpu.yield
    }) : () -> ()
    %mul3A_14 = arith.constant 640 : i32
    %mul3A_15 = arith.muli %arg1, %mul3A_14 : i32
    %add3A_16 = arith.constant 256 : i32
    %add3A_17 = arith.addi %mul3A_15, %add3A_16 : i32
    "tpu.region"() ({
      %run_scoped3A = tpu.sem_alloc : memref<!tpu.dma_semaphore, #tpu.memory_space<semaphore_mem>>
      %dma_start3A_168 = arith.constant 0 : i32
      %dma_start3A_169 = tpu.memref_slice %arg10[%add3A_17, %dma_start3A_168] : memref<10240x128xf32, #tpu.memory_space<vmem_shared>> -> memref<128x128xf32, #tpu.memory_space<vmem_shared>>
      %dma_start3A_170 = arith.constant 0 : i32
      %dma_start3A_171 = tpu.memref_slice %arg10[%add3A_17, %dma_start3A_170] : memref<10240x128xf32, #tpu.memory_space<vmem_shared>> -> memref<128x128xf32, #tpu.memory_space<vmem_shared>>
      tpu.enqueue_dma source(%arg8 : memref<128x128xf32, #tpu.memory_space<vmem>>) target(%dma_start3A_171 : memref<128x128xf32, #tpu.memory_space<vmem_shared>>) target_semaphore(%run_scoped3A : memref<!tpu.dma_semaphore, #tpu.memory_space<semaphore_mem>>)
      %dma_wait3A = arith.constant 0 : i32
      %dma_wait3A_172 = tpu.memref_slice %arg10[%add3A_17, %dma_wait3A] : memref<10240x128xf32, #tpu.memory_space<vmem_shared>> -> memref<128x128xf32, #tpu.memory_space<vmem_shared>>
      %dma_wait3A_173 = arith.constant 0 : i32
      %dma_wait3A_174 = tpu.memref_slice %arg10[%add3A_17, %dma_wait3A_173] : memref<10240x128xf32, #tpu.memory_space<vmem_shared>> -> memref<128x128xf32, #tpu.memory_space<vmem_shared>>
      tpu.wait_dma2 semaphore(%run_scoped3A : memref<!tpu.dma_semaphore, #tpu.memory_space<semaphore_mem>>) src(%arg8 : memref<128x128xf32, #tpu.memory_space<vmem>>) dst(%dma_wait3A_174 : memref<128x128xf32, #tpu.memory_space<vmem_shared>>)
      tpu.yield
    }) : () -> ()
    %mul3A_18 = arith.constant 640 : i32
    %mul3A_19 = arith.muli %arg1, %mul3A_18 : i32
    %add3A_20 = arith.constant 384 : i32
    %add3A_21 = arith.addi %mul3A_19, %add3A_20 : i32
    "tpu.region"() ({
      %run_scoped3A = tpu.sem_alloc : memref<!tpu.dma_semaphore, #tpu.memory_space<semaphore_mem>>
      %dma_start3A_168 = arith.constant 0 : i32
      %dma_start3A_169 = tpu.memref_slice %arg10[%add3A_21, %dma_start3A_168] : memref<10240x128xf32, #tpu.memory_space<vmem_shared>> -> memref<128x128xf32, #tpu.memory_space<vmem_shared>>
      %dma_start3A_170 = arith.constant 0 : i32
      %dma_start3A_171 = tpu.memref_slice %arg10[%add3A_21, %dma_start3A_170] : memref<10240x128xf32, #tpu.memory_space<vmem_shared>> -> memref<128x128xf32, #tpu.memory_space<vmem_shared>>
      tpu.enqueue_dma source(%arg8 : memref<128x128xf32, #tpu.memory_space<vmem>>) target(%dma_start3A_171 : memref<128x128xf32, #tpu.memory_space<vmem_shared>>) target_semaphore(%run_scoped3A : memref<!tpu.dma_semaphore, #tpu.memory_space<semaphore_mem>>)
      %dma_wait3A = arith.constant 0 : i32
      %dma_wait3A_172 = tpu.memref_slice %arg10[%add3A_21, %dma_wait3A] : memref<10240x128xf32, #tpu.memory_space<vmem_shared>> -> memref<128x128xf32, #tpu.memory_space<vmem_shared>>
      %dma_wait3A_173 = arith.constant 0 : i32
      %dma_wait3A_174 = tpu.memref_slice %arg10[%add3A_21, %dma_wait3A_173] : memref<10240x128xf32, #tpu.memory_space<vmem_shared>> -> memref<128x128xf32, #tpu.memory_space<vmem_shared>>
      tpu.wait_dma2 semaphore(%run_scoped3A : memref<!tpu.dma_semaphore, #tpu.memory_space<semaphore_mem>>) src(%arg8 : memref<128x128xf32, #tpu.memory_space<vmem>>) dst(%dma_wait3A_174 : memref<128x128xf32, #tpu.memory_space<vmem_shared>>)
      tpu.yield
    }) : () -> ()
    %mul3A_22 = arith.constant 640 : i32
    %mul3A_23 = arith.muli %arg1, %mul3A_22 : i32
    %add3A_24 = arith.constant 512 : i32
    %add3A_25 = arith.addi %mul3A_23, %add3A_24 : i32
    "tpu.region"() ({
      %run_scoped3A = tpu.sem_alloc : memref<!tpu.dma_semaphore, #tpu.memory_space<semaphore_mem>>
      %dma_start3A_168 = arith.constant 0 : i32
      %dma_start3A_169 = tpu.memref_slice %arg10[%add3A_25, %dma_start3A_168] : memref<10240x128xf32, #tpu.memory_space<vmem_shared>> -> memref<128x128xf32, #tpu.memory_space<vmem_shared>>
      %dma_start3A_170 = arith.constant 0 : i32
      %dma_start3A_171 = tpu.memref_slice %arg10[%add3A_25, %dma_start3A_170] : memref<10240x128xf32, #tpu.memory_space<vmem_shared>> -> memref<128x128xf32, #tpu.memory_space<vmem_shared>>
      tpu.enqueue_dma source(%arg8 : memref<128x128xf32, #tpu.memory_space<vmem>>) target(%dma_start3A_171 : memref<128x128xf32, #tpu.memory_space<vmem_shared>>) target_semaphore(%run_scoped3A : memref<!tpu.dma_semaphore, #tpu.memory_space<semaphore_mem>>)
      %dma_wait3A = arith.constant 0 : i32
      %dma_wait3A_172 = tpu.memref_slice %arg10[%add3A_25, %dma_wait3A] : memref<10240x128xf32, #tpu.memory_space<vmem_shared>> -> memref<128x128xf32, #tpu.memory_space<vmem_shared>>
      %dma_wait3A_173 = arith.constant 0 : i32
      %dma_wait3A_174 = tpu.memref_slice %arg10[%add3A_25, %dma_wait3A_173] : memref<10240x128xf32, #tpu.memory_space<vmem_shared>> -> memref<128x128xf32, #tpu.memory_space<vmem_shared>>
      tpu.wait_dma2 semaphore(%run_scoped3A : memref<!tpu.dma_semaphore, #tpu.memory_space<semaphore_mem>>) src(%arg8 : memref<128x128xf32, #tpu.memory_space<vmem>>) dst(%dma_wait3A_174 : memref<128x128xf32, #tpu.memory_space<vmem_shared>>)
      tpu.yield
    }) : () -> ()
    %barrier3A = arith.constant 0 : index
    tpu.barrier barrier_id(%barrier3A)
    %mul3A_26 = arith.constant 160 : i32
    %mul3A_27 = arith.muli %add3A, %mul3A_26 : i32
    %add3A_28 = arith.constant 0 : i32
    %add3A_29 = arith.addi %mul3A_27, %add3A_28 : i32
    "tpu.region"() ({
      %run_scoped3A = tpu.sem_alloc : memref<!tpu.dma_semaphore, #tpu.memory_space<semaphore_mem>>
      %dma_start3A_168 = arith.constant 0 : i32
      %dma_start3A_169 = tpu.memref_slice %arg2[%add3A_29, %dma_start3A_168] : memref<5120x128xi32, #tpu.memory_space<hbm>> -> memref<32x128xi32, #tpu.memory_space<hbm>>
      %dma_start3A_170 = arith.constant 0 : i32
      %dma_start3A_171 = tpu.memref_slice %arg2[%add3A_29, %dma_start3A_170] : memref<5120x128xi32, #tpu.memory_space<hbm>> -> memref<32x128xi32, #tpu.memory_space<hbm>>
      tpu.enqueue_dma source(%dma_start3A_171 : memref<32x128xi32, #tpu.memory_space<hbm>>) target(%arg6 : memref<32x128xi32, #tpu.memory_space<vmem>>) target_semaphore(%run_scoped3A : memref<!tpu.dma_semaphore, #tpu.memory_space<semaphore_mem>>)
      %dma_wait3A = arith.constant 0 : i32
      %dma_wait3A_172 = tpu.memref_slice %arg2[%add3A_29, %dma_wait3A] : memref<5120x128xi32, #tpu.memory_space<hbm>> -> memref<32x128xi32, #tpu.memory_space<hbm>>
      %dma_wait3A_173 = arith.constant 0 : i32
      %dma_wait3A_174 = tpu.memref_slice %arg2[%add3A_29, %dma_wait3A_173] : memref<5120x128xi32, #tpu.memory_space<hbm>> -> memref<32x128xi32, #tpu.memory_space<hbm>>
      tpu.wait_dma2 semaphore(%run_scoped3A : memref<!tpu.dma_semaphore, #tpu.memory_space<semaphore_mem>>) src(%dma_wait3A_174 : memref<32x128xi32, #tpu.memory_space<hbm>>) dst(%arg6 : memref<32x128xi32, #tpu.memory_space<vmem>>)
      tpu.yield
    }) : () -> ()
    %add3A_30 = arith.constant 0 : i32
    %add3A_31 = arith.addi %mul3A_27, %add3A_30 : i32
    "tpu.region"() ({
      %run_scoped3A = tpu.sem_alloc : memref<!tpu.dma_semaphore, #tpu.memory_space<semaphore_mem>>
      %dma_start3A_168 = arith.constant 0 : i32
      %dma_start3A_169 = tpu.memref_slice %arg3[%add3A_31, %dma_start3A_168] : memref<5120x64xi32, #tpu.memory_space<hbm>> -> memref<32x64xi32, #tpu.memory_space<hbm>>
      %dma_start3A_170 = arith.constant 0 : i32
      %dma_start3A_171 = tpu.memref_slice %arg3[%add3A_31, %dma_start3A_170] : memref<5120x64xi32, #tpu.memory_space<hbm>> -> memref<32x64xi32, #tpu.memory_space<hbm>>
      tpu.enqueue_dma source(%dma_start3A_171 : memref<32x64xi32, #tpu.memory_space<hbm>>) target(%arg7 : memref<32x64xi32, #tpu.memory_space<vmem>>) target_semaphore(%run_scoped3A : memref<!tpu.dma_semaphore, #tpu.memory_space<semaphore_mem>>)
      %dma_wait3A = arith.constant 0 : i32
      %dma_wait3A_172 = tpu.memref_slice %arg3[%add3A_31, %dma_wait3A] : memref<5120x64xi32, #tpu.memory_space<hbm>> -> memref<32x64xi32, #tpu.memory_space<hbm>>
      %dma_wait3A_173 = arith.constant 0 : i32
      %dma_wait3A_174 = tpu.memref_slice %arg3[%add3A_31, %dma_wait3A_173] : memref<5120x64xi32, #tpu.memory_space<hbm>> -> memref<32x64xi32, #tpu.memory_space<hbm>>
      tpu.wait_dma2 semaphore(%run_scoped3A : memref<!tpu.dma_semaphore, #tpu.memory_space<semaphore_mem>>) src(%dma_wait3A_174 : memref<32x64xi32, #tpu.memory_space<hbm>>) dst(%arg7 : memref<32x64xi32, #tpu.memory_space<vmem>>)
      tpu.yield
    }) : () -> ()
    %dma_start3A = arith.constant 0 : i32
    %dma_start3A_32 = arith.constant 0 : i32
    %dma_start3A_33 = tpu.memref_slice %arg6[%dma_start3A, %dma_start3A_32] : memref<32x128xi32, #tpu.memory_space<vmem>> -> memref<1x128xi32, #tpu.memory_space<vmem>>
    %dma_start3A_34 = tpu.memref_squeeze %dma_start3A_33 : memref<1x128xi32, #tpu.memory_space<vmem>> -> memref<128xi32, #tpu.memory_space<vmem>>
    %dma_start3A_35 = arith.constant 0 : i32
    %dma_start3A_36 = arith.constant 0 : i32
    %dma_start3A_37 = tpu.memref_slice %arg4[%dma_start3A_35, %dma_start3A_36] : memref<20000x128xf32, #tpu.memory_space<hbm>> -> memref<20000x128xf32, #tpu.memory_space<hbm>>
    tpu.enqueue_indirect_dma source(%dma_start3A_37 : memref<20000x128xf32, #tpu.memory_space<hbm>>) target(%arg8 : memref<128x128xf32, #tpu.memory_space<vmem>>) offsets(%dma_start3A_34 : memref<128xi32, #tpu.memory_space<vmem>>) semaphore(%arg11 : memref<!tpu.dma_semaphore, #tpu.memory_space<semaphore_mem>>)
    %dma_start3A_38 = arith.constant 1 : i32
    %dma_start3A_39 = arith.constant 0 : i32
    %dma_start3A_40 = tpu.memref_slice %arg6[%dma_start3A_38, %dma_start3A_39] : memref<32x128xi32, #tpu.memory_space<vmem>> -> memref<1x128xi32, #tpu.memory_space<vmem>>
    %dma_start3A_41 = tpu.memref_squeeze %dma_start3A_40 : memref<1x128xi32, #tpu.memory_space<vmem>> -> memref<128xi32, #tpu.memory_space<vmem>>
    %dma_start3A_42 = arith.constant 0 : i32
    %dma_start3A_43 = arith.constant 0 : i32
    %dma_start3A_44 = tpu.memref_slice %arg4[%dma_start3A_42, %dma_start3A_43] : memref<20000x128xf32, #tpu.memory_space<hbm>> -> memref<20000x128xf32, #tpu.memory_space<hbm>>
    tpu.enqueue_indirect_dma source(%dma_start3A_44 : memref<20000x128xf32, #tpu.memory_space<hbm>>) target(%arg9 : memref<128x128xf32, #tpu.memory_space<vmem>>) offsets(%dma_start3A_41 : memref<128xi32, #tpu.memory_space<vmem>>) semaphore(%arg12 : memref<!tpu.dma_semaphore, #tpu.memory_space<semaphore_mem>>)
    %scan3A_45 = arith.constant 0 : i32
    %scan3A_46 = arith.constant 0 : i32
    %scan3A_47 = arith.constant 16 : i32
    %scan3A_48 = arith.addi %scan3A_46, %scan3A_47 : i32
    %scan3A_49 = arith.constant 1 : i32
    scf.for %scan3A_168 = %scan3A_46 to %scan3A_48 step %scan3A_49  : i32 {
      %mul3A_169 = arith.constant 2 : i32
      %mul3A_170 = arith.muli %mul3A_169, %scan3A_168 : i32
      %dma_wait3A = arith.constant 0 : i32
      %dma_wait3A_171 = tpu.memref_slice %arg6[%mul3A_170, %dma_wait3A] : memref<32x128xi32, #tpu.memory_space<vmem>> -> memref<1x128xi32, #tpu.memory_space<vmem>>
      %dma_wait3A_172 = tpu.memref_squeeze %dma_wait3A_171 : memref<1x128xi32, #tpu.memory_space<vmem>> -> memref<128xi32, #tpu.memory_space<vmem>>
      %dma_wait3A_173 = arith.constant 0 : i32
      %dma_wait3A_174 = arith.constant 0 : i32
      %dma_wait3A_175 = tpu.memref_slice %arg4[%dma_wait3A_173, %dma_wait3A_174] : memref<20000x128xf32, #tpu.memory_space<hbm>> -> memref<20000x128xf32, #tpu.memory_space<hbm>>
      tpu.wait_indirect_dma semaphore(%arg11 : memref<!tpu.dma_semaphore, #tpu.memory_space<semaphore_mem>>) src(%dma_wait3A_175 : memref<20000x128xf32, #tpu.memory_space<hbm>>) dst(%arg8 : memref<128x128xf32, #tpu.memory_space<vmem>>)
      %scan3A_176 = arith.constant 0 : i32
      %scan3A_177 = arith.constant 0 : i32
      %scan3A_178 = arith.constant 64 : i32
      %scan3A_179 = arith.addi %scan3A_177, %scan3A_178 : i32
      %scan3A_180 = arith.constant 1 : i32
      scf.for %scan3A_209 = %scan3A_177 to %scan3A_179 step %scan3A_180  : i32 {
        %get3A = arith.index_cast %scan3A_209 : i32 to index
        %get3A_210 = arith.constant 0 : index
        %get3A_211 = tpu.vector_load %arg8[%get3A, %get3A_210] {strides = array<i32>} : memref<128x128xf32, #tpu.memory_space<vmem>>, vector<1x16xf32>,
        %get3A_212 = vector.shape_cast %get3A_211 : vector<1x16xf32> to vector<16xf32>
        %add3A_213 = arith.constant 64 : i32
        %add3A_214 = arith.addi %add3A_213, %scan3A_209 : i32
        %get3A_215 = arith.index_cast %add3A_214 : i32 to index
        %get3A_216 = arith.constant 0 : index
        %get3A_217 = tpu.vector_load %arg8[%get3A_215, %get3A_216] {strides = array<i32>} : memref<128x128xf32, #tpu.memory_space<vmem>>, vector<1x16xf32>,
        %get3A_218 = vector.shape_cast %get3A_217 : vector<1x16xf32> to vector<16xf32>
        %add3A_219 = arith.addf %get3A_212, %get3A_218 : vector<16xf32>
        %swap3A = arith.index_cast %scan3A_209 : i32 to index
        %swap3A_220 = arith.constant 0 : index
        %swap3A_221 = tpu.vector_load %arg8[%swap3A, %swap3A_220] {strides = array<i32>} : memref<128x128xf32, #tpu.memory_space<vmem>>, vector<1x16xf32>,
        %swap3A_222 = vector.shape_cast %swap3A_221 : vector<1x16xf32> to vector<16xf32>
        %swap3A_223 = vector.shape_cast %add3A_219 : vector<16xf32> to vector<1x16xf32>
        tpu.vector_store %arg8[%swap3A, %swap3A_220], %swap3A_223 {strides = array<i32>} : memref<128x128xf32, #tpu.memory_space<vmem>>, vector<1x16xf32>,
        %get3A_224 = arith.index_cast %scan3A_209 : i32 to index
        %get3A_225 = arith.constant 16 : index
        %get3A_226 = tpu.vector_load %arg8[%get3A_224, %get3A_225] {strides = array<i32>} : memref<128x128xf32, #tpu.memory_space<vmem>>, vector<1x16xf32>,
        %get3A_227 = vector.shape_cast %get3A_226 : vector<1x16xf32> to vector<16xf32>
        %add3A_228 = arith.constant 64 : i32
        %add3A_229 = arith.addi %add3A_228, %scan3A_209 : i32
        %get3A_230 = arith.index_cast %add3A_229 : i32 to index
        %get3A_231 = arith.constant 16 : index
        %get3A_232 = tpu.vector_load %arg8[%get3A_230, %get3A_231] {strides = array<i32>} : memref<128x128xf32, #tpu.memory_space<vmem>>, vector<1x16xf32>,
        %get3A_233 = vector.shape_cast %get3A_232 : vector<1x16xf32> to vector<16xf32>
        %add3A_234 = arith.addf %get3A_227, %get3A_233 : vector<16xf32>
        %swap3A_235 = arith.index_cast %scan3A_209 : i32 to index
        %swap3A_236 = arith.constant 16 : index
        %swap3A_237 = tpu.vector_load %arg8[%swap3A_235, %swap3A_236] {strides = array<i32>} : memref<128x128xf32, #tpu.memory_space<vmem>>, vector<1x16xf32>,
        %swap3A_238 = vector.shape_cast %swap3A_237 : vector<1x16xf32> to vector<16xf32>
        %swap3A_239 = vector.shape_cast %add3A_234 : vector<16xf32> to vector<1x16xf32>
        tpu.vector_store %arg8[%swap3A_235, %swap3A_236], %swap3A_239 {strides = array<i32>} : memref<128x128xf32, #tpu.memory_space<vmem>>, vector<1x16xf32>,
        %get3A_240 = arith.index_cast %scan3A_209 : i32 to index
        %get3A_241 = arith.constant 32 : index
        %get3A_242 = tpu.vector_load %arg8[%get3A_240, %get3A_241] {strides = array<i32>} : memref<128x128xf32, #tpu.memory_space<vmem>>, vector<1x16xf32>,
        %get3A_243 = vector.shape_cast %get3A_242 : vector<1x16xf32> to vector<16xf32>
        %add3A_244 = arith.constant 64 : i32
        %add3A_245 = arith.addi %add3A_244, %scan3A_209 : i32
        %get3A_246 = arith.index_cast %add3A_245 : i32 to index
        %get3A_247 = arith.constant 32 : index
        %get3A_248 = tpu.vector_load %arg8[%get3A_246, %get3A_247] {strides = array<i32>} : memref<128x128xf32, #tpu.memory_space<vmem>>, vector<1x16xf32>,
        %get3A_249 = vector.shape_cast %get3A_248 : vector<1x16xf32> to vector<16xf32>
        %add3A_250 = arith.addf %get3A_243, %get3A_249 : vector<16xf32>
        %swap3A_251 = arith.index_cast %scan3A_209 : i32 to index
        %swap3A_252 = arith.constant 32 : index
        %swap3A_253 = tpu.vector_load %arg8[%swap3A_251, %swap3A_252] {strides = array<i32>} : memref<128x128xf32, #tpu.memory_space<vmem>>, vector<1x16xf32>,
        %swap3A_254 = vector.shape_cast %swap3A_253 : vector<1x16xf32> to vector<16xf32>
        %swap3A_255 = vector.shape_cast %add3A_250 : vector<16xf32> to vector<1x16xf32>
        tpu.vector_store %arg8[%swap3A_251, %swap3A_252], %swap3A_255 {strides = array<i32>} : memref<128x128xf32, #tpu.memory_space<vmem>>, vector<1x16xf32>,
        %get3A_256 = arith.index_cast %scan3A_209 : i32 to index
        %get3A_257 = arith.constant 48 : index
        %get3A_258 = tpu.vector_load %arg8[%get3A_256, %get3A_257] {strides = array<i32>} : memref<128x128xf32, #tpu.memory_space<vmem>>, vector<1x16xf32>,
        %get3A_259 = vector.shape_cast %get3A_258 : vector<1x16xf32> to vector<16xf32>
        %add3A_260 = arith.constant 64 : i32
        %add3A_261 = arith.addi %add3A_260, %scan3A_209 : i32
        %get3A_262 = arith.index_cast %add3A_261 : i32 to index
        %get3A_263 = arith.constant 48 : index
        %get3A_264 = tpu.vector_load %arg8[%get3A_262, %get3A_263] {strides = array<i32>} : memref<128x128xf32, #tpu.memory_space<vmem>>, vector<1x16xf32>,
        %get3A_265 = vector.shape_cast %get3A_264 : vector<1x16xf32> to vector<16xf32>
        %add3A_266 = arith.addf %get3A_259, %get3A_265 : vector<16xf32>
        %swap3A_267 = arith.index_cast %scan3A_209 : i32 to index
        %swap3A_268 = arith.constant 48 : index
        %swap3A_269 = tpu.vector_load %arg8[%swap3A_267, %swap3A_268] {strides = array<i32>} : memref<128x128xf32, #tpu.memory_space<vmem>>, vector<1x16xf32>,
        %swap3A_270 = vector.shape_cast %swap3A_269 : vector<1x16xf32> to vector<16xf32>
        %swap3A_271 = vector.shape_cast %add3A_266 : vector<16xf32> to vector<1x16xf32>
        tpu.vector_store %arg8[%swap3A_267, %swap3A_268], %swap3A_271 {strides = array<i32>} : memref<128x128xf32, #tpu.memory_space<vmem>>, vector<1x16xf32>,
        %get3A_272 = arith.index_cast %scan3A_209 : i32 to index
        %get3A_273 = arith.constant 64 : index
        %get3A_274 = tpu.vector_load %arg8[%get3A_272, %get3A_273] {strides = array<i32>} : memref<128x128xf32, #tpu.memory_space<vmem>>, vector<1x16xf32>,
        %get3A_275 = vector.shape_cast %get3A_274 : vector<1x16xf32> to vector<16xf32>
        %add3A_276 = arith.constant 64 : i32
        %add3A_277 = arith.addi %add3A_276, %scan3A_209 : i32
        %get3A_278 = arith.index_cast %add3A_277 : i32 to index
        %get3A_279 = arith.constant 64 : index
        %get3A_280 = tpu.vector_load %arg8[%get3A_278, %get3A_279] {strides = array<i32>} : memref<128x128xf32, #tpu.memory_space<vmem>>, vector<1x16xf32>,
        %get3A_281 = vector.shape_cast %get3A_280 : vector<1x16xf32> to vector<16xf32>
        %add3A_282 = arith.addf %get3A_275, %get3A_281 : vector<16xf32>
        %swap3A_283 = arith.index_cast %scan3A_209 : i32 to index
        %swap3A_284 = arith.constant 64 : index
        %swap3A_285 = tpu.vector_load %arg8[%swap3A_283, %swap3A_284] {strides = array<i32>} : memref<128x128xf32, #tpu.memory_space<vmem>>, vector<1x16xf32>,
        %swap3A_286 = vector.shape_cast %swap3A_285 : vector<1x16xf32> to vector<16xf32>
        %swap3A_287 = vector.shape_cast %add3A_282 : vector<16xf32> to vector<1x16xf32>
        tpu.vector_store %arg8[%swap3A_283, %swap3A_284], %swap3A_287 {strides = array<i32>} : memref<128x128xf32, #tpu.memory_space<vmem>>, vector<1x16xf32>,
        %get3A_288 = arith.index_cast %scan3A_209 : i32 to index
        %get3A_289 = arith.constant 80 : index
        %get3A_290 = tpu.vector_load %arg8[%get3A_288, %get3A_289] {strides = array<i32>} : memref<128x128xf32, #tpu.memory_space<vmem>>, vector<1x16xf32>,
        %get3A_291 = vector.shape_cast %get3A_290 : vector<1x16xf32> to vector<16xf32>
        %add3A_292 = arith.constant 64 : i32
        %add3A_293 = arith.addi %add3A_292, %scan3A_209 : i32
        %get3A_294 = arith.index_cast %add3A_293 : i32 to index
        %get3A_295 = arith.constant 80 : index
        %get3A_296 = tpu.vector_load %arg8[%get3A_294, %get3A_295] {strides = array<i32>} : memref<128x128xf32, #tpu.memory_space<vmem>>, vector<1x16xf32>,
        %get3A_297 = vector.shape_cast %get3A_296 : vector<1x16xf32> to vector<16xf32>
        %add3A_298 = arith.addf %get3A_291, %get3A_297 : vector<16xf32>
        %swap3A_299 = arith.index_cast %scan3A_209 : i32 to index
        %swap3A_300 = arith.constant 80 : index
        %swap3A_301 = tpu.vector_load %arg8[%swap3A_299, %swap3A_300] {strides = array<i32>} : memref<128x128xf32, #tpu.memory_space<vmem>>, vector<1x16xf32>,
        %swap3A_302 = vector.shape_cast %swap3A_301 : vector<1x16xf32> to vector<16xf32>
        %swap3A_303 = vector.shape_cast %add3A_298 : vector<16xf32> to vector<1x16xf32>
        tpu.vector_store %arg8[%swap3A_299, %swap3A_300], %swap3A_303 {strides = array<i32>} : memref<128x128xf32, #tpu.memory_space<vmem>>, vector<1x16xf32>,
        %get3A_304 = arith.index_cast %scan3A_209 : i32 to index
        %get3A_305 = arith.constant 96 : index
        %get3A_306 = tpu.vector_load %arg8[%get3A_304, %get3A_305] {strides = array<i32>} : memref<128x128xf32, #tpu.memory_space<vmem>>, vector<1x16xf32>,
        %get3A_307 = vector.shape_cast %get3A_306 : vector<1x16xf32> to vector<16xf32>
        %add3A_308 = arith.constant 64 : i32
        %add3A_309 = arith.addi %add3A_308, %scan3A_209 : i32
        %get3A_310 = arith.index_cast %add3A_309 : i32 to index
        %get3A_311 = arith.constant 96 : index
        %get3A_312 = tpu.vector_load %arg8[%get3A_310, %get3A_311] {strides = array<i32>} : memref<128x128xf32, #tpu.memory_space<vmem>>, vector<1x16xf32>,
        %get3A_313 = vector.shape_cast %get3A_312 : vector<1x16xf32> to vector<16xf32>
        %add3A_314 = arith.addf %get3A_307, %get3A_313 : vector<16xf32>
        %swap3A_315 = arith.index_cast %scan3A_209 : i32 to index
        %swap3A_316 = arith.constant 96 : index
        %swap3A_317 = tpu.vector_load %arg8[%swap3A_315, %swap3A_316] {strides = array<i32>} : memref<128x128xf32, #tpu.memory_space<vmem>>, vector<1x16xf32>,
        %swap3A_318 = vector.shape_cast %swap3A_317 : vector<1x16xf32> to vector<16xf32>
        %swap3A_319 = vector.shape_cast %add3A_314 : vector<16xf32> to vector<1x16xf32>
        tpu.vector_store %arg8[%swap3A_315, %swap3A_316], %swap3A_319 {strides = array<i32>} : memref<128x128xf32, #tpu.memory_space<vmem>>, vector<1x16xf32>,
        %get3A_320 = arith.index_cast %scan3A_209 : i32 to index
        %get3A_321 = arith.constant 112 : index
        %get3A_322 = tpu.vector_load %arg8[%get3A_320, %get3A_321] {strides = array<i32>} : memref<128x128xf32, #tpu.memory_space<vmem>>, vector<1x16xf32>,
        %get3A_323 = vector.shape_cast %get3A_322 : vector<1x16xf32> to vector<16xf32>
        %add3A_324 = arith.constant 64 : i32
        %add3A_325 = arith.addi %add3A_324, %scan3A_209 : i32
        %get3A_326 = arith.index_cast %add3A_325 : i32 to index
        %get3A_327 = arith.constant 112 : index
        %get3A_328 = tpu.vector_load %arg8[%get3A_326, %get3A_327] {strides = array<i32>} : memref<128x128xf32, #tpu.memory_space<vmem>>, vector<1x16xf32>,
        %get3A_329 = vector.shape_cast %get3A_328 : vector<1x16xf32> to vector<16xf32>
        %add3A_330 = arith.addf %get3A_323, %get3A_329 : vector<16xf32>
        %swap3A_331 = arith.index_cast %scan3A_209 : i32 to index
        %swap3A_332 = arith.constant 112 : index
        %swap3A_333 = tpu.vector_load %arg8[%swap3A_331, %swap3A_332] {strides = array<i32>} : memref<128x128xf32, #tpu.memory_space<vmem>>, vector<1x16xf32>,
        %swap3A_334 = vector.shape_cast %swap3A_333 : vector<1x16xf32> to vector<16xf32>
        %swap3A_335 = vector.shape_cast %add3A_330 : vector<16xf32> to vector<1x16xf32>
        tpu.vector_store %arg8[%swap3A_331, %swap3A_332], %swap3A_335 {strides = array<i32>} : memref<128x128xf32, #tpu.memory_space<vmem>>, vector<1x16xf32>,
      }
      %scan3A_181 = arith.constant 64 : i32
      "tpu.region"() ({
        %run_scoped3A = tpu.sem_alloc : memref<!tpu.dma_semaphore, #tpu.memory_space<semaphore_mem>>
        %dma_start3A_209 = arith.constant 0 : i32
        %dma_start3A_210 = arith.constant 0 : i32
        %dma_start3A_211 = tpu.memref_slice %arg8[%dma_start3A_209, %dma_start3A_210] : memref<128x128xf32, #tpu.memory_space<vmem>> -> memref<64x128xf32, #tpu.memory_space<vmem>>
        %dma_start3A_212 = arith.constant 0 : i32
        %dma_start3A_213 = tpu.memref_slice %arg7[%mul3A_170, %dma_start3A_212] : memref<32x64xi32, #tpu.memory_space<vmem>> -> memref<1x64xi32, #tpu.memory_space<vmem>>
        %dma_start3A_214 = tpu.memref_squeeze %dma_start3A_213 : memref<1x64xi32, #tpu.memory_space<vmem>> -> memref<64xi32, #tpu.memory_space<vmem>>
        %dma_start3A_215 = arith.constant 0 : i32
        %dma_start3A_216 = arith.constant 0 : i32
        %dma_start3A_217 = tpu.memref_slice %arg10[%dma_start3A_215, %dma_start3A_216] : memref<10240x128xf32, #tpu.memory_space<vmem_shared>> -> memref<10240x128xf32, #tpu.memory_space<vmem_shared>>
        tpu.enqueue_indirect_dma source(%dma_start3A_211 : memref<64x128xf32, #tpu.memory_space<vmem>>) target(%dma_start3A_217 : memref<10240x128xf32, #tpu.memory_space<vmem_shared>>) offsets(%dma_start3A_214 : memref<64xi32, #tpu.memory_space<vmem>>) semaphore(%run_scoped3A : memref<!tpu.dma_semaphore, #tpu.memory_space<semaphore_mem>>) {add = true}
        %dma_wait3A_218 = arith.constant 0 : i32
        %dma_wait3A_219 = arith.constant 0 : i32
        %dma_wait3A_220 = tpu.memref_slice %arg8[%dma_wait3A_218, %dma_wait3A_219] : memref<128x128xf32, #tpu.memory_space<vmem>> -> memref<64x128xf32, #tpu.memory_space<vmem>>
        %dma_wait3A_221 = arith.constant 0 : i32
        %dma_wait3A_222 = tpu.memref_slice %arg7[%mul3A_170, %dma_wait3A_221] : memref<32x64xi32, #tpu.memory_space<vmem>> -> memref<1x64xi32, #tpu.memory_space<vmem>>
        %dma_wait3A_223 = tpu.memref_squeeze %dma_wait3A_222 : memref<1x64xi32, #tpu.memory_space<vmem>> -> memref<64xi32, #tpu.memory_space<vmem>>
        %dma_wait3A_224 = arith.constant 0 : i32
        %dma_wait3A_225 = arith.constant 0 : i32
        %dma_wait3A_226 = tpu.memref_slice %arg10[%dma_wait3A_224, %dma_wait3A_225] : memref<10240x128xf32, #tpu.memory_space<vmem_shared>> -> memref<10240x128xf32, #tpu.memory_space<vmem_shared>>
        tpu.wait_indirect_dma semaphore(%run_scoped3A : memref<!tpu.dma_semaphore, #tpu.memory_space<semaphore_mem>>) src(%dma_wait3A_220 : memref<64x128xf32, #tpu.memory_space<vmem>>) dst(%dma_wait3A_226 : memref<10240x128xf32, #tpu.memory_space<vmem_shared>>)
        tpu.yield
      }) : () -> ()
      %add3A_182 = arith.constant 2 : i32
      %add3A_183 = arith.addi %mul3A_170, %add3A_182 : i32
      %lt3A = arith.constant 32 : i32
      %lt3A_184 = arith.cmpi slt, %add3A_183, %lt3A : i32
      %convert_element_type3A = arith.extui %lt3A_184 : i1 to i32
      %cond3A = arith.constant 0 : i32
      %cond3A_185 = arith.cmpi ne, %convert_element_type3A, %cond3A : i32
      scf.if %cond3A_185 {
        %add3A_209 = arith.constant 2 : i32
        %add3A_210 = arith.addi %mul3A_170, %add3A_209 : i32
        %dma_start3A_211 = arith.constant 0 : i32
        %dma_start3A_212 = tpu.memref_slice %arg6[%add3A_210, %dma_start3A_211] : memref<32x128xi32, #tpu.memory_space<vmem>> -> memref<1x128xi32, #tpu.memory_space<vmem>>
        %dma_start3A_213 = tpu.memref_squeeze %dma_start3A_212 : memref<1x128xi32, #tpu.memory_space<vmem>> -> memref<128xi32, #tpu.memory_space<vmem>>
        %dma_start3A_214 = arith.constant 0 : i32
        %dma_start3A_215 = arith.constant 0 : i32
        %dma_start3A_216 = tpu.memref_slice %arg4[%dma_start3A_214, %dma_start3A_215] : memref<20000x128xf32, #tpu.memory_space<hbm>> -> memref<20000x128xf32, #tpu.memory_space<hbm>>
        tpu.enqueue_indirect_dma source(%dma_start3A_216 : memref<20000x128xf32, #tpu.memory_space<hbm>>) target(%arg8 : memref<128x128xf32, #tpu.memory_space<vmem>>) offsets(%dma_start3A_213 : memref<128xi32, #tpu.memory_space<vmem>>) semaphore(%arg11 : memref<!tpu.dma_semaphore, #tpu.memory_space<semaphore_mem>>)
      } else {
      }
      %mul3A_186 = arith.constant 2 : i32
      %mul3A_187 = arith.muli %mul3A_186, %scan3A_168 : i32
      %add3A_188 = arith.constant 1 : i32
      %add3A_189 = arith.addi %mul3A_187, %add3A_188 : i32
      %dma_wait3A_190 = arith.constant 0 : i32
      %dma_wait3A_191 = tpu.memref_slice %arg6[%add3A_189, %dma_wait3A_190] : memref<32x128xi32, #tpu.memory_space<vmem>> -> memref<1x128xi32, #tpu.memory_space<vmem>>
      %dma_wait3A_192 = tpu.memref_squeeze %dma_wait3A_191 : memref<1x128xi32, #tpu.memory_space<vmem>> -> memref<128xi32, #tpu.memory_space<vmem>>
      %dma_wait3A_193 = arith.constant 0 : i32
      %dma_wait3A_194 = arith.constant 0 : i32
      %dma_wait3A_195 = tpu.memref_slice %arg4[%dma_wait3A_193, %dma_wait3A_194] : memref<20000x128xf32, #tpu.memory_space<hbm>> -> memref<20000x128xf32, #tpu.memory_space<hbm>>
      tpu.wait_indirect_dma semaphore(%arg12 : memref<!tpu.dma_semaphore, #tpu.memory_space<semaphore_mem>>) src(%dma_wait3A_195 : memref<20000x128xf32, #tpu.memory_space<hbm>>) dst(%arg9 : memref<128x128xf32, #tpu.memory_space<vmem>>)
      %scan3A_196 = arith.constant 0 : i32
      %scan3A_197 = arith.constant 0 : i32
      %scan3A_198 = arith.constant 64 : i32
      %scan3A_199 = arith.addi %scan3A_197, %scan3A_198 : i32
      %scan3A_200 = arith.constant 1 : i32
      scf.for %scan3A_209 = %scan3A_197 to %scan3A_199 step %scan3A_200  : i32 {
        %get3A = arith.index_cast %scan3A_209 : i32 to index
        %get3A_210 = arith.constant 0 : index
        %get3A_211 = tpu.vector_load %arg9[%get3A, %get3A_210] {strides = array<i32>} : memref<128x128xf32, #tpu.memory_space<vmem>>, vector<1x16xf32>,
        %get3A_212 = vector.shape_cast %get3A_211 : vector<1x16xf32> to vector<16xf32>
        %add3A_213 = arith.constant 64 : i32
        %add3A_214 = arith.addi %add3A_213, %scan3A_209 : i32
        %get3A_215 = arith.index_cast %add3A_214 : i32 to index
        %get3A_216 = arith.constant 0 : index
        %get3A_217 = tpu.vector_load %arg9[%get3A_215, %get3A_216] {strides = array<i32>} : memref<128x128xf32, #tpu.memory_space<vmem>>, vector<1x16xf32>,
        %get3A_218 = vector.shape_cast %get3A_217 : vector<1x16xf32> to vector<16xf32>
        %add3A_219 = arith.addf %get3A_212, %get3A_218 : vector<16xf32>
        %swap3A = arith.index_cast %scan3A_209 : i32 to index
        %swap3A_220 = arith.constant 0 : index
        %swap3A_221 = tpu.vector_load %arg9[%swap3A, %swap3A_220] {strides = array<i32>} : memref<128x128xf32, #tpu.memory_space<vmem>>, vector<1x16xf32>,
        %swap3A_222 = vector.shape_cast %swap3A_221 : vector<1x16xf32> to vector<16xf32>
        %swap3A_223 = vector.shape_cast %add3A_219 : vector<16xf32> to vector<1x16xf32>
        tpu.vector_store %arg9[%swap3A, %swap3A_220], %swap3A_223 {strides = array<i32>} : memref<128x128xf32, #tpu.memory_space<vmem>>, vector<1x16xf32>,
        %get3A_224 = arith.index_cast %scan3A_209 : i32 to index
        %get3A_225 = arith.constant 16 : index
        %get3A_226 = tpu.vector_load %arg9[%get3A_224, %get3A_225] {strides = array<i32>} : memref<128x128xf32, #tpu.memory_space<vmem>>, vector<1x16xf32>,
        %get3A_227 = vector.shape_cast %get3A_226 : vector<1x16xf32> to vector<16xf32>
        %add3A_228 = arith.constant 64 : i32
        %add3A_229 = arith.addi %add3A_228, %scan3A_209 : i32
        %get3A_230 = arith.index_cast %add3A_229 : i32 to index
        %get3A_231 = arith.constant 16 : index
        %get3A_232 = tpu.vector_load %arg9[%get3A_230, %get3A_231] {strides = array<i32>} : memref<128x128xf32, #tpu.memory_space<vmem>>, vector<1x16xf32>,
        %get3A_233 = vector.shape_cast %get3A_232 : vector<1x16xf32> to vector<16xf32>
        %add3A_234 = arith.addf %get3A_227, %get3A_233 : vector<16xf32>
        %swap3A_235 = arith.index_cast %scan3A_209 : i32 to index
        %swap3A_236 = arith.constant 16 : index
        %swap3A_237 = tpu.vector_load %arg9[%swap3A_235, %swap3A_236] {strides = array<i32>} : memref<128x128xf32, #tpu.memory_space<vmem>>, vector<1x16xf32>,
        %swap3A_238 = vector.shape_cast %swap3A_237 : vector<1x16xf32> to vector<16xf32>
        %swap3A_239 = vector.shape_cast %add3A_234 : vector<16xf32> to vector<1x16xf32>
        tpu.vector_store %arg9[%swap3A_235, %swap3A_236], %swap3A_239 {strides = array<i32>} : memref<128x128xf32, #tpu.memory_space<vmem>>, vector<1x16xf32>,
        %get3A_240 = arith.index_cast %scan3A_209 : i32 to index
        %get3A_241 = arith.constant 32 : index
        %get3A_242 = tpu.vector_load %arg9[%get3A_240, %get3A_241] {strides = array<i32>} : memref<128x128xf32, #tpu.memory_space<vmem>>, vector<1x16xf32>,
        %get3A_243 = vector.shape_cast %get3A_242 : vector<1x16xf32> to vector<16xf32>
        %add3A_244 = arith.constant 64 : i32
        %add3A_245 = arith.addi %add3A_244, %scan3A_209 : i32
        %get3A_246 = arith.index_cast %add3A_245 : i32 to index
        %get3A_247 = arith.constant 32 : index
        %get3A_248 = tpu.vector_load %arg9[%get3A_246, %get3A_247] {strides = array<i32>} : memref<128x128xf32, #tpu.memory_space<vmem>>, vector<1x16xf32>,
        %get3A_249 = vector.shape_cast %get3A_248 : vector<1x16xf32> to vector<16xf32>
        %add3A_250 = arith.addf %get3A_243, %get3A_249 : vector<16xf32>
        %swap3A_251 = arith.index_cast %scan3A_209 : i32 to index
        %swap3A_252 = arith.constant 32 : index
        %swap3A_253 = tpu.vector_load %arg9[%swap3A_251, %swap3A_252] {strides = array<i32>} : memref<128x128xf32, #tpu.memory_space<vmem>>, vector<1x16xf32>,
        %swap3A_254 = vector.shape_cast %swap3A_253 : vector<1x16xf32> to vector<16xf32>
        %swap3A_255 = vector.shape_cast %add3A_250 : vector<16xf32> to vector<1x16xf32>
        tpu.vector_store %arg9[%swap3A_251, %swap3A_252], %swap3A_255 {strides = array<i32>} : memref<128x128xf32, #tpu.memory_space<vmem>>, vector<1x16xf32>,
        %get3A_256 = arith.index_cast %scan3A_209 : i32 to index
        %get3A_257 = arith.constant 48 : index
        %get3A_258 = tpu.vector_load %arg9[%get3A_256, %get3A_257] {strides = array<i32>} : memref<128x128xf32, #tpu.memory_space<vmem>>, vector<1x16xf32>,
        %get3A_259 = vector.shape_cast %get3A_258 : vector<1x16xf32> to vector<16xf32>
        %add3A_260 = arith.constant 64 : i32
        %add3A_261 = arith.addi %add3A_260, %scan3A_209 : i32
        %get3A_262 = arith.index_cast %add3A_261 : i32 to index
        %get3A_263 = arith.constant 48 : index
        %get3A_264 = tpu.vector_load %arg9[%get3A_262, %get3A_263] {strides = array<i32>} : memref<128x128xf32, #tpu.memory_space<vmem>>, vector<1x16xf32>,
        %get3A_265 = vector.shape_cast %get3A_264 : vector<1x16xf32> to vector<16xf32>
        %add3A_266 = arith.addf %get3A_259, %get3A_265 : vector<16xf32>
        %swap3A_267 = arith.index_cast %scan3A_209 : i32 to index
        %swap3A_268 = arith.constant 48 : index
        %swap3A_269 = tpu.vector_load %arg9[%swap3A_267, %swap3A_268] {strides = array<i32>} : memref<128x128xf32, #tpu.memory_space<vmem>>, vector<1x16xf32>,
        %swap3A_270 = vector.shape_cast %swap3A_269 : vector<1x16xf32> to vector<16xf32>
        %swap3A_271 = vector.shape_cast %add3A_266 : vector<16xf32> to vector<1x16xf32>
        tpu.vector_store %arg9[%swap3A_267, %swap3A_268], %swap3A_271 {strides = array<i32>} : memref<128x128xf32, #tpu.memory_space<vmem>>, vector<1x16xf32>,
        %get3A_272 = arith.index_cast %scan3A_209 : i32 to index
        %get3A_273 = arith.constant 64 : index
        %get3A_274 = tpu.vector_load %arg9[%get3A_272, %get3A_273] {strides = array<i32>} : memref<128x128xf32, #tpu.memory_space<vmem>>, vector<1x16xf32>,
        %get3A_275 = vector.shape_cast %get3A_274 : vector<1x16xf32> to vector<16xf32>
        %add3A_276 = arith.constant 64 : i32
        %add3A_277 = arith.addi %add3A_276, %scan3A_209 : i32
        %get3A_278 = arith.index_cast %add3A_277 : i32 to index
        %get3A_279 = arith.constant 64 : index
        %get3A_280 = tpu.vector_load %arg9[%get3A_278, %get3A_279] {strides = array<i32>} : memref<128x128xf32, #tpu.memory_space<vmem>>, vector<1x16xf32>,
        %get3A_281 = vector.shape_cast %get3A_280 : vector<1x16xf32> to vector<16xf32>
        %add3A_282 = arith.addf %get3A_275, %get3A_281 : vector<16xf32>
        %swap3A_283 = arith.index_cast %scan3A_209 : i32 to index
        %swap3A_284 = arith.constant 64 : index
        %swap3A_285 = tpu.vector_load %arg9[%swap3A_283, %swap3A_284] {strides = array<i32>} : memref<128x128xf32, #tpu.memory_space<vmem>>, vector<1x16xf32>,
        %swap3A_286 = vector.shape_cast %swap3A_285 : vector<1x16xf32> to vector<16xf32>
        %swap3A_287 = vector.shape_cast %add3A_282 : vector<16xf32> to vector<1x16xf32>
        tpu.vector_store %arg9[%swap3A_283, %swap3A_284], %swap3A_287 {strides = array<i32>} : memref<128x128xf32, #tpu.memory_space<vmem>>, vector<1x16xf32>,
        %get3A_288 = arith.index_cast %scan3A_209 : i32 to index
        %get3A_289 = arith.constant 80 : index
        %get3A_290 = tpu.vector_load %arg9[%get3A_288, %get3A_289] {strides = array<i32>} : memref<128x128xf32, #tpu.memory_space<vmem>>, vector<1x16xf32>,
        %get3A_291 = vector.shape_cast %get3A_290 : vector<1x16xf32> to vector<16xf32>
        %add3A_292 = arith.constant 64 : i32
        %add3A_293 = arith.addi %add3A_292, %scan3A_209 : i32
        %get3A_294 = arith.index_cast %add3A_293 : i32 to index
        %get3A_295 = arith.constant 80 : index
        %get3A_296 = tpu.vector_load %arg9[%get3A_294, %get3A_295] {strides = array<i32>} : memref<128x128xf32, #tpu.memory_space<vmem>>, vector<1x16xf32>,
        %get3A_297 = vector.shape_cast %get3A_296 : vector<1x16xf32> to vector<16xf32>
        %add3A_298 = arith.addf %get3A_291, %get3A_297 : vector<16xf32>
        %swap3A_299 = arith.index_cast %scan3A_209 : i32 to index
        %swap3A_300 = arith.constant 80 : index
        %swap3A_301 = tpu.vector_load %arg9[%swap3A_299, %swap3A_300] {strides = array<i32>} : memref<128x128xf32, #tpu.memory_space<vmem>>, vector<1x16xf32>,
        %swap3A_302 = vector.shape_cast %swap3A_301 : vector<1x16xf32> to vector<16xf32>
        %swap3A_303 = vector.shape_cast %add3A_298 : vector<16xf32> to vector<1x16xf32>
        tpu.vector_store %arg9[%swap3A_299, %swap3A_300], %swap3A_303 {strides = array<i32>} : memref<128x128xf32, #tpu.memory_space<vmem>>, vector<1x16xf32>,
        %get3A_304 = arith.index_cast %scan3A_209 : i32 to index
        %get3A_305 = arith.constant 96 : index
        %get3A_306 = tpu.vector_load %arg9[%get3A_304, %get3A_305] {strides = array<i32>} : memref<128x128xf32, #tpu.memory_space<vmem>>, vector<1x16xf32>,
        %get3A_307 = vector.shape_cast %get3A_306 : vector<1x16xf32> to vector<16xf32>
        %add3A_308 = arith.constant 64 : i32
        %add3A_309 = arith.addi %add3A_308, %scan3A_209 : i32
        %get3A_310 = arith.index_cast %add3A_309 : i32 to index
        %get3A_311 = arith.constant 96 : index
        %get3A_312 = tpu.vector_load %arg9[%get3A_310, %get3A_311] {strides = array<i32>} : memref<128x128xf32, #tpu.memory_space<vmem>>, vector<1x16xf32>,
        %get3A_313 = vector.shape_cast %get3A_312 : vector<1x16xf32> to vector<16xf32>
        %add3A_314 = arith.addf %get3A_307, %get3A_313 : vector<16xf32>
        %swap3A_315 = arith.index_cast %scan3A_209 : i32 to index
        %swap3A_316 = arith.constant 96 : index
        %swap3A_317 = tpu.vector_load %arg9[%swap3A_315, %swap3A_316] {strides = array<i32>} : memref<128x128xf32, #tpu.memory_space<vmem>>, vector<1x16xf32>,
        %swap3A_318 = vector.shape_cast %swap3A_317 : vector<1x16xf32> to vector<16xf32>
        %swap3A_319 = vector.shape_cast %add3A_314 : vector<16xf32> to vector<1x16xf32>
        tpu.vector_store %arg9[%swap3A_315, %swap3A_316], %swap3A_319 {strides = array<i32>} : memref<128x128xf32, #tpu.memory_space<vmem>>, vector<1x16xf32>,
        %get3A_320 = arith.index_cast %scan3A_209 : i32 to index
        %get3A_321 = arith.constant 112 : index
        %get3A_322 = tpu.vector_load %arg9[%get3A_320, %get3A_321] {strides = array<i32>} : memref<128x128xf32, #tpu.memory_space<vmem>>, vector<1x16xf32>,
        %get3A_323 = vector.shape_cast %get3A_322 : vector<1x16xf32> to vector<16xf32>
        %add3A_324 = arith.constant 64 : i32
        %add3A_325 = arith.addi %add3A_324, %scan3A_209 : i32
        %get3A_326 = arith.index_cast %add3A_325 : i32 to index
        %get3A_327 = arith.constant 112 : index
        %get3A_328 = tpu.vector_load %arg9[%get3A_326, %get3A_327] {strides = array<i32>} : memref<128x128xf32, #tpu.memory_space<vmem>>, vector<1x16xf32>,
        %get3A_329 = vector.shape_cast %get3A_328 : vector<1x16xf32> to vector<16xf32>
        %add3A_330 = arith.addf %get3A_323, %get3A_329 : vector<16xf32>
        %swap3A_331 = arith.index_cast %scan3A_209 : i32 to index
        %swap3A_332 = arith.constant 112 : index
        %swap3A_333 = tpu.vector_load %arg9[%swap3A_331, %swap3A_332] {strides = array<i32>} : memref<128x128xf32, #tpu.memory_space<vmem>>, vector<1x16xf32>,
        %swap3A_334 = vector.shape_cast %swap3A_333 : vector<1x16xf32> to vector<16xf32>
        %swap3A_335 = vector.shape_cast %add3A_330 : vector<16xf32> to vector<1x16xf32>
        tpu.vector_store %arg9[%swap3A_331, %swap3A_332], %swap3A_335 {strides = array<i32>} : memref<128x128xf32, #tpu.memory_space<vmem>>, vector<1x16xf32>,
      }
      %scan3A_201 = arith.constant 64 : i32
      "tpu.region"() ({
        %run_scoped3A = tpu.sem_alloc : memref<!tpu.dma_semaphore, #tpu.memory_space<semaphore_mem>>
        %dma_start3A_209 = arith.constant 0 : i32
        %dma_start3A_210 = arith.constant 0 : i32
        %dma_start3A_211 = tpu.memref_slice %arg9[%dma_start3A_209, %dma_start3A_210] : memref<128x128xf32, #tpu.memory_space<vmem>> -> memref<64x128xf32, #tpu.memory_space<vmem>>
        %dma_start3A_212 = arith.constant 0 : i32
        %dma_start3A_213 = tpu.memref_slice %arg7[%add3A_189, %dma_start3A_212] : memref<32x64xi32, #tpu.memory_space<vmem>> -> memref<1x64xi32, #tpu.memory_space<vmem>>
        %dma_start3A_214 = tpu.memref_squeeze %dma_start3A_213 : memref<1x64xi32, #tpu.memory_space<vmem>> -> memref<64xi32, #tpu.memory_space<vmem>>
        %dma_start3A_215 = arith.constant 0 : i32
        %dma_start3A_216 = arith.constant 0 : i32
        %dma_start3A_217 = tpu.memref_slice %arg10[%dma_start3A_215, %dma_start3A_216] : memref<10240x128xf32, #tpu.memory_space<vmem_shared>> -> memref<10240x128xf32, #tpu.memory_space<vmem_shared>>
        tpu.enqueue_indirect_dma source(%dma_start3A_211 : memref<64x128xf32, #tpu.memory_space<vmem>>) target(%dma_start3A_217 : memref<10240x128xf32, #tpu.memory_space<vmem_shared>>) offsets(%dma_start3A_214 : memref<64xi32, #tpu.memory_space<vmem>>) semaphore(%run_scoped3A : memref<!tpu.dma_semaphore, #tpu.memory_space<semaphore_mem>>) {add = true}
        %dma_wait3A_218 = arith.constant 0 : i32
        %dma_wait3A_219 = arith.constant 0 : i32
        %dma_wait3A_220 = tpu.memref_slice %arg9[%dma_wait3A_218, %dma_wait3A_219] : memref<128x128xf32, #tpu.memory_space<vmem>> -> memref<64x128xf32, #tpu.memory_space<vmem>>
        %dma_wait3A_221 = arith.constant 0 : i32
        %dma_wait3A_222 = tpu.memref_slice %arg7[%add3A_189, %dma_wait3A_221] : memref<32x64xi32, #tpu.memory_space<vmem>> -> memref<1x64xi32, #tpu.memory_space<vmem>>
        %dma_wait3A_223 = tpu.memref_squeeze %dma_wait3A_222 : memref<1x64xi32, #tpu.memory_space<vmem>> -> memref<64xi32, #tpu.memory_space<vmem>>
        %dma_wait3A_224 = arith.constant 0 : i32
        %dma_wait3A_225 = arith.constant 0 : i32
        %dma_wait3A_226 = tpu.memref_slice %arg10[%dma_wait3A_224, %dma_wait3A_225] : memref<10240x128xf32, #tpu.memory_space<vmem_shared>> -> memref<10240x128xf32, #tpu.memory_space<vmem_shared>>
        tpu.wait_indirect_dma semaphore(%run_scoped3A : memref<!tpu.dma_semaphore, #tpu.memory_space<semaphore_mem>>) src(%dma_wait3A_220 : memref<64x128xf32, #tpu.memory_space<vmem>>) dst(%dma_wait3A_226 : memref<10240x128xf32, #tpu.memory_space<vmem_shared>>)
        tpu.yield
      }) : () -> ()
      %add3A_202 = arith.constant 2 : i32
      %add3A_203 = arith.addi %add3A_189, %add3A_202 : i32
      %lt3A_204 = arith.constant 32 : i32
      %lt3A_205 = arith.cmpi slt, %add3A_203, %lt3A_204 : i32
      %convert_element_type3A_206 = arith.extui %lt3A_205 : i1 to i32
      %cond3A_207 = arith.constant 0 : i32
      %cond3A_208 = arith.cmpi ne, %convert_element_type3A_206, %cond3A_207 : i32
      scf.if %cond3A_208 {
        %add3A_209 = arith.constant 2 : i32
        %add3A_210 = arith.addi %add3A_189, %add3A_209 : i32
        %dma_start3A_211 = arith.constant 0 : i32
        %dma_start3A_212 = tpu.memref_slice %arg6[%add3A_210, %dma_start3A_211] : memref<32x128xi32, #tpu.memory_space<vmem>> -> memref<1x128xi32, #tpu.memory_space<vmem>>
        %dma_start3A_213 = tpu.memref_squeeze %dma_start3A_212 : memref<1x128xi32, #tpu.memory_space<vmem>> -> memref<128xi32, #tpu.memory_space<vmem>>
        %dma_start3A_214 = arith.constant 0 : i32
        %dma_start3A_215 = arith.constant 0 : i32
        %dma_start3A_216 = tpu.memref_slice %arg4[%dma_start3A_214, %dma_start3A_215] : memref<20000x128xf32, #tpu.memory_space<hbm>> -> memref<20000x128xf32, #tpu.memory_space<hbm>>
        tpu.enqueue_indirect_dma source(%dma_start3A_216 : memref<20000x128xf32, #tpu.memory_space<hbm>>) target(%arg9 : memref<128x128xf32, #tpu.memory_space<vmem>>) offsets(%dma_start3A_213 : memref<128xi32, #tpu.memory_space<vmem>>) semaphore(%arg12 : memref<!tpu.dma_semaphore, #tpu.memory_space<semaphore_mem>>)
      } else {
      }
    }
    %scan3A_50 = arith.constant 16 : i32
    %add3A_51 = arith.constant 32 : i32
    %add3A_52 = arith.addi %mul3A_27, %add3A_51 : i32
    "tpu.region"() ({
      %run_scoped3A = tpu.sem_alloc : memref<!tpu.dma_semaphore, #tpu.memory_space<semaphore_mem>>
      %dma_start3A_168 = arith.constant 0 : i32
      %dma_start3A_169 = tpu.memref_slice %arg2[%add3A_52, %dma_start3A_168] : memref<5120x128xi32, #tpu.memory_space<hbm>> -> memref<32x128xi32, #tpu.memory_space<hbm>>
      %dma_start3A_170 = arith.constant 0 : i32
      %dma_start3A_171 = tpu.memref_slice %arg2[%add3A_52, %dma_start3A_170] : memref<5120x128xi32, #tpu.memory_space<hbm>> -> memref<32x128xi32, #tpu.memory_space<hbm>>
      tpu.enqueue_dma source(%dma_start3A_171 : memref<32x128xi32, #tpu.memory_space<hbm>>) target(%arg6 : memref<32x128xi32, #tpu.memory_space<vmem>>) target_semaphore(%run_scoped3A : memref<!tpu.dma_semaphore, #tpu.memory_space<semaphore_mem>>)
      %dma_wait3A = arith.constant 0 : i32
      %dma_wait3A_172 = tpu.memref_slice %arg2[%add3A_52, %dma_wait3A] : memref<5120x128xi32, #tpu.memory_space<hbm>> -> memref<32x128xi32, #tpu.memory_space<hbm>>
      %dma_wait3A_173 = arith.constant 0 : i32
      %dma_wait3A_174 = tpu.memref_slice %arg2[%add3A_52, %dma_wait3A_173] : memref<5120x128xi32, #tpu.memory_space<hbm>> -> memref<32x128xi32, #tpu.memory_space<hbm>>
      tpu.wait_dma2 semaphore(%run_scoped3A : memref<!tpu.dma_semaphore, #tpu.memory_space<semaphore_mem>>) src(%dma_wait3A_174 : memref<32x128xi32, #tpu.memory_space<hbm>>) dst(%arg6 : memref<32x128xi32, #tpu.memory_space<vmem>>)
      tpu.yield
    }) : () -> ()
    %add3A_53 = arith.constant 32 : i32
    %add3A_54 = arith.addi %mul3A_27, %add3A_53 : i32
    "tpu.region"() ({
      %run_scoped3A = tpu.sem_alloc : memref<!tpu.dma_semaphore, #tpu.memory_space<semaphore_mem>>
      %dma_start3A_168 = arith.constant 0 : i32
      %dma_start3A_169 = tpu.memref_slice %arg3[%add3A_54, %dma_start3A_168] : memref<5120x64xi32, #tpu.memory_space<hbm>> -> memref<32x64xi32, #tpu.memory_space<hbm>>
      %dma_start3A_170 = arith.constant 0 : i32
      %dma_start3A_171 = tpu.memref_slice %arg3[%add3A_54, %dma_start3A_170] : memref<5120x64xi32, #tpu.memory_space<hbm>> -> memref<32x64xi32, #tpu.memory_space<hbm>>
      tpu.enqueue_dma source(%dma_start3A_171 : memref<32x64xi32, #tpu.memory_space<hbm>>) target(%arg7 : memref<32x64xi32, #tpu.memory_space<vmem>>) target_semaphore(%run_scoped3A : memref<!tpu.dma_semaphore, #tpu.memory_space<semaphore_mem>>)
      %dma_wait3A = arith.constant 0 : i32
      %dma_wait3A_172 = tpu.memref_slice %arg3[%add3A_54, %dma_wait3A] : memref<5120x64xi32, #tpu.memory_space<hbm>> -> memref<32x64xi32, #tpu.memory_space<hbm>>
      %dma_wait3A_173 = arith.constant 0 : i32
      %dma_wait3A_174 = tpu.memref_slice %arg3[%add3A_54, %dma_wait3A_173] : memref<5120x64xi32, #tpu.memory_space<hbm>> -> memref<32x64xi32, #tpu.memory_space<hbm>>
      tpu.wait_dma2 semaphore(%run_scoped3A : memref<!tpu.dma_semaphore, #tpu.memory_space<semaphore_mem>>) src(%dma_wait3A_174 : memref<32x64xi32, #tpu.memory_space<hbm>>) dst(%arg7 : memref<32x64xi32, #tpu.memory_space<vmem>>)
      tpu.yield
    }) : () -> ()
    %dma_start3A_55 = arith.constant 0 : i32
    %dma_start3A_56 = arith.constant 0 : i32
    %dma_start3A_57 = tpu.memref_slice %arg6[%dma_start3A_55, %dma_start3A_56] : memref<32x128xi32, #tpu.memory_space<vmem>> -> memref<1x128xi32, #tpu.memory_space<vmem>>
    %dma_start3A_58 = tpu.memref_squeeze %dma_start3A_57 : memref<1x128xi32, #tpu.memory_space<vmem>> -> memref<128xi32, #tpu.memory_space<vmem>>
    %dma_start3A_59 = arith.constant 0 : i32
    %dma_start3A_60 = arith.constant 0 : i32
    %dma_start3A_61 = tpu.memref_slice %arg4[%dma_start3A_59, %dma_start3A_60] : memref<20000x128xf32, #tpu.memory_space<hbm>> -> memref<20000x128xf32, #tpu.memory_space<hbm>>
    tpu.enqueue_indirect_dma source(%dma_start3A_61 : memref<20000x128xf32, #tpu.memory_space<hbm>>) target(%arg8 : memref<128x128xf32, #tpu.memory_space<vmem>>) offsets(%dma_start3A_58 : memref<128xi32, #tpu.memory_space<vmem>>) semaphore(%arg11 : memref<!tpu.dma_semaphore, #tpu.memory_space<semaphore_mem>>)
    %dma_start3A_62 = arith.constant 1 : i32
    %dma_start3A_63 = arith.constant 0 : i32
    %dma_start3A_64 = tpu.memref_slice %arg6[%dma_start3A_62, %dma_start3A_63] : memref<32x128xi32, #tpu.memory_space<vmem>> -> memref<1x128xi32, #tpu.memory_space<vmem>>
    %dma_start3A_65 = tpu.memref_squeeze %dma_start3A_64 : memref<1x128xi32, #tpu.memory_space<vmem>> -> memref<128xi32, #tpu.memory_space<vmem>>
    %dma_start3A_66 = arith.constant 0 : i32
    %dma_start3A_67 = arith.constant 0 : i32
    %dma_start3A_68 = tpu.memref_slice %arg4[%dma_start3A_66, %dma_start3A_67] : memref<20000x128xf32, #tpu.memory_space<hbm>> -> memref<20000x128xf32, #tpu.memory_space<hbm>>
    tpu.enqueue_indirect_dma source(%dma_start3A_68 : memref<20000x128xf32, #tpu.memory_space<hbm>>) target(%arg9 : memref<128x128xf32, #tpu.memory_space<vmem>>) offsets(%dma_start3A_65 : memref<128xi32, #tpu.memory_space<vmem>>) semaphore(%arg12 : memref<!tpu.dma_semaphore, #tpu.memory_space<semaphore_mem>>)
    %scan3A_69 = arith.constant 0 : i32
    %scan3A_70 = arith.constant 0 : i32
    %scan3A_71 = arith.constant 16 : i32
    %scan3A_72 = arith.addi %scan3A_70, %scan3A_71 : i32
    %scan3A_73 = arith.constant 1 : i32
    scf.for %scan3A_168 = %scan3A_70 to %scan3A_72 step %scan3A_73  : i32 {
      %mul3A_169 = arith.constant 2 : i32
      %mul3A_170 = arith.muli %mul3A_169, %scan3A_168 : i32
      %dma_wait3A = arith.constant 0 : i32
      %dma_wait3A_171 = tpu.memref_slice %arg6[%mul3A_170, %dma_wait3A] : memref<32x128xi32, #tpu.memory_space<vmem>> -> memref<1x128xi32, #tpu.memory_space<vmem>>
      %dma_wait3A_172 = tpu.memref_squeeze %dma_wait3A_171 : memref<1x128xi32, #tpu.memory_space<vmem>> -> memref<128xi32, #tpu.memory_space<vmem>>
      %dma_wait3A_173 = arith.constant 0 : i32
      %dma_wait3A_174 = arith.constant 0 : i32
      %dma_wait3A_175 = tpu.memref_slice %arg4[%dma_wait3A_173, %dma_wait3A_174] : memref<20000x128xf32, #tpu.memory_space<hbm>> -> memref<20000x128xf32, #tpu.memory_space<hbm>>
      tpu.wait_indirect_dma semaphore(%arg11 : memref<!tpu.dma_semaphore, #tpu.memory_space<semaphore_mem>>) src(%dma_wait3A_175 : memref<20000x128xf32, #tpu.memory_space<hbm>>) dst(%arg8 : memref<128x128xf32, #tpu.memory_space<vmem>>)
      %scan3A_176 = arith.constant 0 : i32
      %scan3A_177 = arith.constant 0 : i32
      %scan3A_178 = arith.constant 64 : i32
      %scan3A_179 = arith.addi %scan3A_177, %scan3A_178 : i32
      %scan3A_180 = arith.constant 1 : i32
      scf.for %scan3A_209 = %scan3A_177 to %scan3A_179 step %scan3A_180  : i32 {
        %get3A = arith.index_cast %scan3A_209 : i32 to index
        %get3A_210 = arith.constant 0 : index
        %get3A_211 = tpu.vector_load %arg8[%get3A, %get3A_210] {strides = array<i32>} : memref<128x128xf32, #tpu.memory_space<vmem>>, vector<1x16xf32>,
        %get3A_212 = vector.shape_cast %get3A_211 : vector<1x16xf32> to vector<16xf32>
        %add3A_213 = arith.constant 64 : i32
        %add3A_214 = arith.addi %add3A_213, %scan3A_209 : i32
        %get3A_215 = arith.index_cast %add3A_214 : i32 to index
        %get3A_216 = arith.constant 0 : index
        %get3A_217 = tpu.vector_load %arg8[%get3A_215, %get3A_216] {strides = array<i32>} : memref<128x128xf32, #tpu.memory_space<vmem>>, vector<1x16xf32>,
        %get3A_218 = vector.shape_cast %get3A_217 : vector<1x16xf32> to vector<16xf32>
        %add3A_219 = arith.addf %get3A_212, %get3A_218 : vector<16xf32>
        %swap3A = arith.index_cast %scan3A_209 : i32 to index
        %swap3A_220 = arith.constant 0 : index
        %swap3A_221 = tpu.vector_load %arg8[%swap3A, %swap3A_220] {strides = array<i32>} : memref<128x128xf32, #tpu.memory_space<vmem>>, vector<1x16xf32>,
        %swap3A_222 = vector.shape_cast %swap3A_221 : vector<1x16xf32> to vector<16xf32>
        %swap3A_223 = vector.shape_cast %add3A_219 : vector<16xf32> to vector<1x16xf32>
        tpu.vector_store %arg8[%swap3A, %swap3A_220], %swap3A_223 {strides = array<i32>} : memref<128x128xf32, #tpu.memory_space<vmem>>, vector<1x16xf32>,
        %get3A_224 = arith.index_cast %scan3A_209 : i32 to index
        %get3A_225 = arith.constant 16 : index
        %get3A_226 = tpu.vector_load %arg8[%get3A_224, %get3A_225] {strides = array<i32>} : memref<128x128xf32, #tpu.memory_space<vmem>>, vector<1x16xf32>,
        %get3A_227 = vector.shape_cast %get3A_226 : vector<1x16xf32> to vector<16xf32>
        %add3A_228 = arith.constant 64 : i32
        %add3A_229 = arith.addi %add3A_228, %scan3A_209 : i32
        %get3A_230 = arith.index_cast %add3A_229 : i32 to index
        %get3A_231 = arith.constant 16 : index
        %get3A_232 = tpu.vector_load %arg8[%get3A_230, %get3A_231] {strides = array<i32>} : memref<128x128xf32, #tpu.memory_space<vmem>>, vector<1x16xf32>,
        %get3A_233 = vector.shape_cast %get3A_232 : vector<1x16xf32> to vector<16xf32>
        %add3A_234 = arith.addf %get3A_227, %get3A_233 : vector<16xf32>
        %swap3A_235 = arith.index_cast %scan3A_209 : i32 to index
        %swap3A_236 = arith.constant 16 : index
        %swap3A_237 = tpu.vector_load %arg8[%swap3A_235, %swap3A_236] {strides = array<i32>} : memref<128x128xf32, #tpu.memory_space<vmem>>, vector<1x16xf32>,
        %swap3A_238 = vector.shape_cast %swap3A_237 : vector<1x16xf32> to vector<16xf32>
        %swap3A_239 = vector.shape_cast %add3A_234 : vector<16xf32> to vector<1x16xf32>
        tpu.vector_store %arg8[%swap3A_235, %swap3A_236], %swap3A_239 {strides = array<i32>} : memref<128x128xf32, #tpu.memory_space<vmem>>, vector<1x16xf32>,
        %get3A_240 = arith.index_cast %scan3A_209 : i32 to index
        %get3A_241 = arith.constant 32 : index
        %get3A_242 = tpu.vector_load %arg8[%get3A_240, %get3A_241] {strides = array<i32>} : memref<128x128xf32, #tpu.memory_space<vmem>>, vector<1x16xf32>,
        %get3A_243 = vector.shape_cast %get3A_242 : vector<1x16xf32> to vector<16xf32>
        %add3A_244 = arith.constant 64 : i32
        %add3A_245 = arith.addi %add3A_244, %scan3A_209 : i32
        %get3A_246 = arith.index_cast %add3A_245 : i32 to index
        %get3A_247 = arith.constant 32 : index
        %get3A_248 = tpu.vector_load %arg8[%get3A_246, %get3A_247] {strides = array<i32>} : memref<128x128xf32, #tpu.memory_space<vmem>>, vector<1x16xf32>,
        %get3A_249 = vector.shape_cast %get3A_248 : vector<1x16xf32> to vector<16xf32>
        %add3A_250 = arith.addf %get3A_243, %get3A_249 : vector<16xf32>
        %swap3A_251 = arith.index_cast %scan3A_209 : i32 to index
        %swap3A_252 = arith.constant 32 : index
        %swap3A_253 = tpu.vector_load %arg8[%swap3A_251, %swap3A_252] {strides = array<i32>} : memref<128x128xf32, #tpu.memory_space<vmem>>, vector<1x16xf32>,
        %swap3A_254 = vector.shape_cast %swap3A_253 : vector<1x16xf32> to vector<16xf32>
        %swap3A_255 = vector.shape_cast %add3A_250 : vector<16xf32> to vector<1x16xf32>
        tpu.vector_store %arg8[%swap3A_251, %swap3A_252], %swap3A_255 {strides = array<i32>} : memref<128x128xf32, #tpu.memory_space<vmem>>, vector<1x16xf32>,
        %get3A_256 = arith.index_cast %scan3A_209 : i32 to index
        %get3A_257 = arith.constant 48 : index
        %get3A_258 = tpu.vector_load %arg8[%get3A_256, %get3A_257] {strides = array<i32>} : memref<128x128xf32, #tpu.memory_space<vmem>>, vector<1x16xf32>,
        %get3A_259 = vector.shape_cast %get3A_258 : vector<1x16xf32> to vector<16xf32>
        %add3A_260 = arith.constant 64 : i32
        %add3A_261 = arith.addi %add3A_260, %scan3A_209 : i32
        %get3A_262 = arith.index_cast %add3A_261 : i32 to index
        %get3A_263 = arith.constant 48 : index
        %get3A_264 = tpu.vector_load %arg8[%get3A_262, %get3A_263] {strides = array<i32>} : memref<128x128xf32, #tpu.memory_space<vmem>>, vector<1x16xf32>,
        %get3A_265 = vector.shape_cast %get3A_264 : vector<1x16xf32> to vector<16xf32>
        %add3A_266 = arith.addf %get3A_259, %get3A_265 : vector<16xf32>
        %swap3A_267 = arith.index_cast %scan3A_209 : i32 to index
        %swap3A_268 = arith.constant 48 : index
        %swap3A_269 = tpu.vector_load %arg8[%swap3A_267, %swap3A_268] {strides = array<i32>} : memref<128x128xf32, #tpu.memory_space<vmem>>, vector<1x16xf32>,
        %swap3A_270 = vector.shape_cast %swap3A_269 : vector<1x16xf32> to vector<16xf32>
        %swap3A_271 = vector.shape_cast %add3A_266 : vector<16xf32> to vector<1x16xf32>
        tpu.vector_store %arg8[%swap3A_267, %swap3A_268], %swap3A_271 {strides = array<i32>} : memref<128x128xf32, #tpu.memory_space<vmem>>, vector<1x16xf32>,
        %get3A_272 = arith.index_cast %scan3A_209 : i32 to index
        %get3A_273 = arith.constant 64 : index
        %get3A_274 = tpu.vector_load %arg8[%get3A_272, %get3A_273] {strides = array<i32>} : memref<128x128xf32, #tpu.memory_space<vmem>>, vector<1x16xf32>,
        %get3A_275 = vector.shape_cast %get3A_274 : vector<1x16xf32> to vector<16xf32>
        %add3A_276 = arith.constant 64 : i32
        %add3A_277 = arith.addi %add3A_276, %scan3A_209 : i32
        %get3A_278 = arith.index_cast %add3A_277 : i32 to index
        %get3A_279 = arith.constant 64 : index
        %get3A_280 = tpu.vector_load %arg8[%get3A_278, %get3A_279] {strides = array<i32>} : memref<128x128xf32, #tpu.memory_space<vmem>>, vector<1x16xf32>,
        %get3A_281 = vector.shape_cast %get3A_280 : vector<1x16xf32> to vector<16xf32>
        %add3A_282 = arith.addf %get3A_275, %get3A_281 : vector<16xf32>
        %swap3A_283 = arith.index_cast %scan3A_209 : i32 to index
        %swap3A_284 = arith.constant 64 : index
        %swap3A_285 = tpu.vector_load %arg8[%swap3A_283, %swap3A_284] {strides = array<i32>} : memref<128x128xf32, #tpu.memory_space<vmem>>, vector<1x16xf32>,
        %swap3A_286 = vector.shape_cast %swap3A_285 : vector<1x16xf32> to vector<16xf32>
        %swap3A_287 = vector.shape_cast %add3A_282 : vector<16xf32> to vector<1x16xf32>
        tpu.vector_store %arg8[%swap3A_283, %swap3A_284], %swap3A_287 {strides = array<i32>} : memref<128x128xf32, #tpu.memory_space<vmem>>, vector<1x16xf32>,
        %get3A_288 = arith.index_cast %scan3A_209 : i32 to index
        %get3A_289 = arith.constant 80 : index
        %get3A_290 = tpu.vector_load %arg8[%get3A_288, %get3A_289] {strides = array<i32>} : memref<128x128xf32, #tpu.memory_space<vmem>>, vector<1x16xf32>,
        %get3A_291 = vector.shape_cast %get3A_290 : vector<1x16xf32> to vector<16xf32>
        %add3A_292 = arith.constant 64 : i32
        %add3A_293 = arith.addi %add3A_292, %scan3A_209 : i32
        %get3A_294 = arith.index_cast %add3A_293 : i32 to index
        %get3A_295 = arith.constant 80 : index
        %get3A_296 = tpu.vector_load %arg8[%get3A_294, %get3A_295] {strides = array<i32>} : memref<128x128xf32, #tpu.memory_space<vmem>>, vector<1x16xf32>,
        %get3A_297 = vector.shape_cast %get3A_296 : vector<1x16xf32> to vector<16xf32>
        %add3A_298 = arith.addf %get3A_291, %get3A_297 : vector<16xf32>
        %swap3A_299 = arith.index_cast %scan3A_209 : i32 to index
        %swap3A_300 = arith.constant 80 : index
        %swap3A_301 = tpu.vector_load %arg8[%swap3A_299, %swap3A_300] {strides = array<i32>} : memref<128x128xf32, #tpu.memory_space<vmem>>, vector<1x16xf32>,
        %swap3A_302 = vector.shape_cast %swap3A_301 : vector<1x16xf32> to vector<16xf32>
        %swap3A_303 = vector.shape_cast %add3A_298 : vector<16xf32> to vector<1x16xf32>
        tpu.vector_store %arg8[%swap3A_299, %swap3A_300], %swap3A_303 {strides = array<i32>} : memref<128x128xf32, #tpu.memory_space<vmem>>, vector<1x16xf32>,
        %get3A_304 = arith.index_cast %scan3A_209 : i32 to index
        %get3A_305 = arith.constant 96 : index
        %get3A_306 = tpu.vector_load %arg8[%get3A_304, %get3A_305] {strides = array<i32>} : memref<128x128xf32, #tpu.memory_space<vmem>>, vector<1x16xf32>,
        %get3A_307 = vector.shape_cast %get3A_306 : vector<1x16xf32> to vector<16xf32>
        %add3A_308 = arith.constant 64 : i32
        %add3A_309 = arith.addi %add3A_308, %scan3A_209 : i32
        %get3A_310 = arith.index_cast %add3A_309 : i32 to index
        %get3A_311 = arith.constant 96 : index
        %get3A_312 = tpu.vector_load %arg8[%get3A_310, %get3A_311] {strides = array<i32>} : memref<128x128xf32, #tpu.memory_space<vmem>>, vector<1x16xf32>,
        %get3A_313 = vector.shape_cast %get3A_312 : vector<1x16xf32> to vector<16xf32>
        %add3A_314 = arith.addf %get3A_307, %get3A_313 : vector<16xf32>
        %swap3A_315 = arith.index_cast %scan3A_209 : i32 to index
        %swap3A_316 = arith.constant 96 : index
        %swap3A_317 = tpu.vector_load %arg8[%swap3A_315, %swap3A_316] {strides = array<i32>} : memref<128x128xf32, #tpu.memory_space<vmem>>, vector<1x16xf32>,
        %swap3A_318 = vector.shape_cast %swap3A_317 : vector<1x16xf32> to vector<16xf32>
        %swap3A_319 = vector.shape_cast %add3A_314 : vector<16xf32> to vector<1x16xf32>
        tpu.vector_store %arg8[%swap3A_315, %swap3A_316], %swap3A_319 {strides = array<i32>} : memref<128x128xf32, #tpu.memory_space<vmem>>, vector<1x16xf32>,
        %get3A_320 = arith.index_cast %scan3A_209 : i32 to index
        %get3A_321 = arith.constant 112 : index
        %get3A_322 = tpu.vector_load %arg8[%get3A_320, %get3A_321] {strides = array<i32>} : memref<128x128xf32, #tpu.memory_space<vmem>>, vector<1x16xf32>,
        %get3A_323 = vector.shape_cast %get3A_322 : vector<1x16xf32> to vector<16xf32>
        %add3A_324 = arith.constant 64 : i32
        %add3A_325 = arith.addi %add3A_324, %scan3A_209 : i32
        %get3A_326 = arith.index_cast %add3A_325 : i32 to index
        %get3A_327 = arith.constant 112 : index
        %get3A_328 = tpu.vector_load %arg8[%get3A_326, %get3A_327] {strides = array<i32>} : memref<128x128xf32, #tpu.memory_space<vmem>>, vector<1x16xf32>,
        %get3A_329 = vector.shape_cast %get3A_328 : vector<1x16xf32> to vector<16xf32>
        %add3A_330 = arith.addf %get3A_323, %get3A_329 : vector<16xf32>
        %swap3A_331 = arith.index_cast %scan3A_209 : i32 to index
        %swap3A_332 = arith.constant 112 : index
        %swap3A_333 = tpu.vector_load %arg8[%swap3A_331, %swap3A_332] {strides = array<i32>} : memref<128x128xf32, #tpu.memory_space<vmem>>, vector<1x16xf32>,
        %swap3A_334 = vector.shape_cast %swap3A_333 : vector<1x16xf32> to vector<16xf32>
        %swap3A_335 = vector.shape_cast %add3A_330 : vector<16xf32> to vector<1x16xf32>
        tpu.vector_store %arg8[%swap3A_331, %swap3A_332], %swap3A_335 {strides = array<i32>} : memref<128x128xf32, #tpu.memory_space<vmem>>, vector<1x16xf32>,
      }
      %scan3A_181 = arith.constant 64 : i32
      "tpu.region"() ({
        %run_scoped3A = tpu.sem_alloc : memref<!tpu.dma_semaphore, #tpu.memory_space<semaphore_mem>>
        %dma_start3A_209 = arith.constant 0 : i32
        %dma_start3A_210 = arith.constant 0 : i32
        %dma_start3A_211 = tpu.memref_slice %arg8[%dma_start3A_209, %dma_start3A_210] : memref<128x128xf32, #tpu.memory_space<vmem>> -> memref<64x128xf32, #tpu.memory_space<vmem>>
        %dma_start3A_212 = arith.constant 0 : i32
        %dma_start3A_213 = tpu.memref_slice %arg7[%mul3A_170, %dma_start3A_212] : memref<32x64xi32, #tpu.memory_space<vmem>> -> memref<1x64xi32, #tpu.memory_space<vmem>>
        %dma_start3A_214 = tpu.memref_squeeze %dma_start3A_213 : memref<1x64xi32, #tpu.memory_space<vmem>> -> memref<64xi32, #tpu.memory_space<vmem>>
        %dma_start3A_215 = arith.constant 0 : i32
        %dma_start3A_216 = arith.constant 0 : i32
        %dma_start3A_217 = tpu.memref_slice %arg10[%dma_start3A_215, %dma_start3A_216] : memref<10240x128xf32, #tpu.memory_space<vmem_shared>> -> memref<10240x128xf32, #tpu.memory_space<vmem_shared>>
        tpu.enqueue_indirect_dma source(%dma_start3A_211 : memref<64x128xf32, #tpu.memory_space<vmem>>) target(%dma_start3A_217 : memref<10240x128xf32, #tpu.memory_space<vmem_shared>>) offsets(%dma_start3A_214 : memref<64xi32, #tpu.memory_space<vmem>>) semaphore(%run_scoped3A : memref<!tpu.dma_semaphore, #tpu.memory_space<semaphore_mem>>) {add = true}
        %dma_wait3A_218 = arith.constant 0 : i32
        %dma_wait3A_219 = arith.constant 0 : i32
        %dma_wait3A_220 = tpu.memref_slice %arg8[%dma_wait3A_218, %dma_wait3A_219] : memref<128x128xf32, #tpu.memory_space<vmem>> -> memref<64x128xf32, #tpu.memory_space<vmem>>
        %dma_wait3A_221 = arith.constant 0 : i32
        %dma_wait3A_222 = tpu.memref_slice %arg7[%mul3A_170, %dma_wait3A_221] : memref<32x64xi32, #tpu.memory_space<vmem>> -> memref<1x64xi32, #tpu.memory_space<vmem>>
        %dma_wait3A_223 = tpu.memref_squeeze %dma_wait3A_222 : memref<1x64xi32, #tpu.memory_space<vmem>> -> memref<64xi32, #tpu.memory_space<vmem>>
        %dma_wait3A_224 = arith.constant 0 : i32
        %dma_wait3A_225 = arith.constant 0 : i32
        %dma_wait3A_226 = tpu.memref_slice %arg10[%dma_wait3A_224, %dma_wait3A_225] : memref<10240x128xf32, #tpu.memory_space<vmem_shared>> -> memref<10240x128xf32, #tpu.memory_space<vmem_shared>>
        tpu.wait_indirect_dma semaphore(%run_scoped3A : memref<!tpu.dma_semaphore, #tpu.memory_space<semaphore_mem>>) src(%dma_wait3A_220 : memref<64x128xf32, #tpu.memory_space<vmem>>) dst(%dma_wait3A_226 : memref<10240x128xf32, #tpu.memory_space<vmem_shared>>)
        tpu.yield
      }) : () -> ()
      %add3A_182 = arith.constant 2 : i32
      %add3A_183 = arith.addi %mul3A_170, %add3A_182 : i32
      %lt3A = arith.constant 32 : i32
      %lt3A_184 = arith.cmpi slt, %add3A_183, %lt3A : i32
      %convert_element_type3A = arith.extui %lt3A_184 : i1 to i32
      %cond3A = arith.constant 0 : i32
      %cond3A_185 = arith.cmpi ne, %convert_element_type3A, %cond3A : i32
      scf.if %cond3A_185 {
        %add3A_209 = arith.constant 2 : i32
        %add3A_210 = arith.addi %mul3A_170, %add3A_209 : i32
        %dma_start3A_211 = arith.constant 0 : i32
        %dma_start3A_212 = tpu.memref_slice %arg6[%add3A_210, %dma_start3A_211] : memref<32x128xi32, #tpu.memory_space<vmem>> -> memref<1x128xi32, #tpu.memory_space<vmem>>
        %dma_start3A_213 = tpu.memref_squeeze %dma_start3A_212 : memref<1x128xi32, #tpu.memory_space<vmem>> -> memref<128xi32, #tpu.memory_space<vmem>>
        %dma_start3A_214 = arith.constant 0 : i32
        %dma_start3A_215 = arith.constant 0 : i32
        %dma_start3A_216 = tpu.memref_slice %arg4[%dma_start3A_214, %dma_start3A_215] : memref<20000x128xf32, #tpu.memory_space<hbm>> -> memref<20000x128xf32, #tpu.memory_space<hbm>>
        tpu.enqueue_indirect_dma source(%dma_start3A_216 : memref<20000x128xf32, #tpu.memory_space<hbm>>) target(%arg8 : memref<128x128xf32, #tpu.memory_space<vmem>>) offsets(%dma_start3A_213 : memref<128xi32, #tpu.memory_space<vmem>>) semaphore(%arg11 : memref<!tpu.dma_semaphore, #tpu.memory_space<semaphore_mem>>)
      } else {
      }
      %mul3A_186 = arith.constant 2 : i32
      %mul3A_187 = arith.muli %mul3A_186, %scan3A_168 : i32
      %add3A_188 = arith.constant 1 : i32
      %add3A_189 = arith.addi %mul3A_187, %add3A_188 : i32
      %dma_wait3A_190 = arith.constant 0 : i32
      %dma_wait3A_191 = tpu.memref_slice %arg6[%add3A_189, %dma_wait3A_190] : memref<32x128xi32, #tpu.memory_space<vmem>> -> memref<1x128xi32, #tpu.memory_space<vmem>>
      %dma_wait3A_192 = tpu.memref_squeeze %dma_wait3A_191 : memref<1x128xi32, #tpu.memory_space<vmem>> -> memref<128xi32, #tpu.memory_space<vmem>>
      %dma_wait3A_193 = arith.constant 0 : i32
      %dma_wait3A_194 = arith.constant 0 : i32
      %dma_wait3A_195 = tpu.memref_slice %arg4[%dma_wait3A_193, %dma_wait3A_194] : memref<20000x128xf32, #tpu.memory_space<hbm>> -> memref<20000x128xf32, #tpu.memory_space<hbm>>
      tpu.wait_indirect_dma semaphore(%arg12 : memref<!tpu.dma_semaphore, #tpu.memory_space<semaphore_mem>>) src(%dma_wait3A_195 : memref<20000x128xf32, #tpu.memory_space<hbm>>) dst(%arg9 : memref<128x128xf32, #tpu.memory_space<vmem>>)
      %scan3A_196 = arith.constant 0 : i32
      %scan3A_197 = arith.constant 0 : i32
      %scan3A_198 = arith.constant 64 : i32
      %scan3A_199 = arith.addi %scan3A_197, %scan3A_198 : i32
      %scan3A_200 = arith.constant 1 : i32
      scf.for %scan3A_209 = %scan3A_197 to %scan3A_199 step %scan3A_200  : i32 {
        %get3A = arith.index_cast %scan3A_209 : i32 to index
        %get3A_210 = arith.constant 0 : index
        %get3A_211 = tpu.vector_load %arg9[%get3A, %get3A_210] {strides = array<i32>} : memref<128x128xf32, #tpu.memory_space<vmem>>, vector<1x16xf32>,
        %get3A_212 = vector.shape_cast %get3A_211 : vector<1x16xf32> to vector<16xf32>
        %add3A_213 = arith.constant 64 : i32
        %add3A_214 = arith.addi %add3A_213, %scan3A_209 : i32
        %get3A_215 = arith.index_cast %add3A_214 : i32 to index
        %get3A_216 = arith.constant 0 : index
        %get3A_217 = tpu.vector_load %arg9[%get3A_215, %get3A_216] {strides = array<i32>} : memref<128x128xf32, #tpu.memory_space<vmem>>, vector<1x16xf32>,
        %get3A_218 = vector.shape_cast %get3A_217 : vector<1x16xf32> to vector<16xf32>
        %add3A_219 = arith.addf %get3A_212, %get3A_218 : vector<16xf32>
        %swap3A = arith.index_cast %scan3A_209 : i32 to index
        %swap3A_220 = arith.constant 0 : index
        %swap3A_221 = tpu.vector_load %arg9[%swap3A, %swap3A_220] {strides = array<i32>} : memref<128x128xf32, #tpu.memory_space<vmem>>, vector<1x16xf32>,
        %swap3A_222 = vector.shape_cast %swap3A_221 : vector<1x16xf32> to vector<16xf32>
        %swap3A_223 = vector.shape_cast %add3A_219 : vector<16xf32> to vector<1x16xf32>
        tpu.vector_store %arg9[%swap3A, %swap3A_220], %swap3A_223 {strides = array<i32>} : memref<128x128xf32, #tpu.memory_space<vmem>>, vector<1x16xf32>,
        %get3A_224 = arith.index_cast %scan3A_209 : i32 to index
        %get3A_225 = arith.constant 16 : index
        %get3A_226 = tpu.vector_load %arg9[%get3A_224, %get3A_225] {strides = array<i32>} : memref<128x128xf32, #tpu.memory_space<vmem>>, vector<1x16xf32>,
        %get3A_227 = vector.shape_cast %get3A_226 : vector<1x16xf32> to vector<16xf32>
        %add3A_228 = arith.constant 64 : i32
        %add3A_229 = arith.addi %add3A_228, %scan3A_209 : i32
        %get3A_230 = arith.index_cast %add3A_229 : i32 to index
        %get3A_231 = arith.constant 16 : index
        %get3A_232 = tpu.vector_load %arg9[%get3A_230, %get3A_231] {strides = array<i32>} : memref<128x128xf32, #tpu.memory_space<vmem>>, vector<1x16xf32>,
        %get3A_233 = vector.shape_cast %get3A_232 : vector<1x16xf32> to vector<16xf32>
        %add3A_234 = arith.addf %get3A_227, %get3A_233 : vector<16xf32>
        %swap3A_235 = arith.index_cast %scan3A_209 : i32 to index
        %swap3A_236 = arith.constant 16 : index
        %swap3A_237 = tpu.vector_load %arg9[%swap3A_235, %swap3A_236] {strides = array<i32>} : memref<128x128xf32, #tpu.memory_space<vmem>>, vector<1x16xf32>,
        %swap3A_238 = vector.shape_cast %swap3A_237 : vector<1x16xf32> to vector<16xf32>
        %swap3A_239 = vector.shape_cast %add3A_234 : vector<16xf32> to vector<1x16xf32>
        tpu.vector_store %arg9[%swap3A_235, %swap3A_236], %swap3A_239 {strides = array<i32>} : memref<128x128xf32, #tpu.memory_space<vmem>>, vector<1x16xf32>,
        %get3A_240 = arith.index_cast %scan3A_209 : i32 to index
        %get3A_241 = arith.constant 32 : index
        %get3A_242 = tpu.vector_load %arg9[%get3A_240, %get3A_241] {strides = array<i32>} : memref<128x128xf32, #tpu.memory_space<vmem>>, vector<1x16xf32>,
        %get3A_243 = vector.shape_cast %get3A_242 : vector<1x16xf32> to vector<16xf32>
        %add3A_244 = arith.constant 64 : i32
        %add3A_245 = arith.addi %add3A_244, %scan3A_209 : i32
        %get3A_246 = arith.index_cast %add3A_245 : i32 to index
        %get3A_247 = arith.constant 32 : index
        %get3A_248 = tpu.vector_load %arg9[%get3A_246, %get3A_247] {strides = array<i32>} : memref<128x128xf32, #tpu.memory_space<vmem>>, vector<1x16xf32>,
        %get3A_249 = vector.shape_cast %get3A_248 : vector<1x16xf32> to vector<16xf32>
        %add3A_250 = arith.addf %get3A_243, %get3A_249 : vector<16xf32>
        %swap3A_251 = arith.index_cast %scan3A_209 : i32 to index
        %swap3A_252 = arith.constant 32 : index
        %swap3A_253 = tpu.vector_load %arg9[%swap3A_251, %swap3A_252] {strides = array<i32>} : memref<128x128xf32, #tpu.memory_space<vmem>>, vector<1x16xf32>,
        %swap3A_254 = vector.shape_cast %swap3A_253 : vector<1x16xf32> to vector<16xf32>
        %swap3A_255 = vector.shape_cast %add3A_250 : vector<16xf32> to vector<1x16xf32>
        tpu.vector_store %arg9[%swap3A_251, %swap3A_252], %swap3A_255 {strides = array<i32>} : memref<128x128xf32, #tpu.memory_space<vmem>>, vector<1x16xf32>,
        %get3A_256 = arith.index_cast %scan3A_209 : i32 to index
        %get3A_257 = arith.constant 48 : index
        %get3A_258 = tpu.vector_load %arg9[%get3A_256, %get3A_257] {strides = array<i32>} : memref<128x128xf32, #tpu.memory_space<vmem>>, vector<1x16xf32>,
        %get3A_259 = vector.shape_cast %get3A_258 : vector<1x16xf32> to vector<16xf32>
        %add3A_260 = arith.constant 64 : i32
        %add3A_261 = arith.addi %add3A_260, %scan3A_209 : i32
        %get3A_262 = arith.index_cast %add3A_261 : i32 to index
        %get3A_263 = arith.constant 48 : index
        %get3A_264 = tpu.vector_load %arg9[%get3A_262, %get3A_263] {strides = array<i32>} : memref<128x128xf32, #tpu.memory_space<vmem>>, vector<1x16xf32>,
        %get3A_265 = vector.shape_cast %get3A_264 : vector<1x16xf32> to vector<16xf32>
        %add3A_266 = arith.addf %get3A_259, %get3A_265 : vector<16xf32>
        %swap3A_267 = arith.index_cast %scan3A_209 : i32 to index
        %swap3A_268 = arith.constant 48 : index
        %swap3A_269 = tpu.vector_load %arg9[%swap3A_267, %swap3A_268] {strides = array<i32>} : memref<128x128xf32, #tpu.memory_space<vmem>>, vector<1x16xf32>,
        %swap3A_270 = vector.shape_cast %swap3A_269 : vector<1x16xf32> to vector<16xf32>
        %swap3A_271 = vector.shape_cast %add3A_266 : vector<16xf32> to vector<1x16xf32>
        tpu.vector_store %arg9[%swap3A_267, %swap3A_268], %swap3A_271 {strides = array<i32>} : memref<128x128xf32, #tpu.memory_space<vmem>>, vector<1x16xf32>,
        %get3A_272 = arith.index_cast %scan3A_209 : i32 to index
        %get3A_273 = arith.constant 64 : index
        %get3A_274 = tpu.vector_load %arg9[%get3A_272, %get3A_273] {strides = array<i32>} : memref<128x128xf32, #tpu.memory_space<vmem>>, vector<1x16xf32>,
        %get3A_275 = vector.shape_cast %get3A_274 : vector<1x16xf32> to vector<16xf32>
        %add3A_276 = arith.constant 64 : i32
        %add3A_277 = arith.addi %add3A_276, %scan3A_209 : i32
        %get3A_278 = arith.index_cast %add3A_277 : i32 to index
        %get3A_279 = arith.constant 64 : index
        %get3A_280 = tpu.vector_load %arg9[%get3A_278, %get3A_279] {strides = array<i32>} : memref<128x128xf32, #tpu.memory_space<vmem>>, vector<1x16xf32>,
        %get3A_281 = vector.shape_cast %get3A_280 : vector<1x16xf32> to vector<16xf32>
        %add3A_282 = arith.addf %get3A_275, %get3A_281 : vector<16xf32>
        %swap3A_283 = arith.index_cast %scan3A_209 : i32 to index
        %swap3A_284 = arith.constant 64 : index
        %swap3A_285 = tpu.vector_load %arg9[%swap3A_283, %swap3A_284] {strides = array<i32>} : memref<128x128xf32, #tpu.memory_space<vmem>>, vector<1x16xf32>,
        %swap3A_286 = vector.shape_cast %swap3A_285 : vector<1x16xf32> to vector<16xf32>
        %swap3A_287 = vector.shape_cast %add3A_282 : vector<16xf32> to vector<1x16xf32>
        tpu.vector_store %arg9[%swap3A_283, %swap3A_284], %swap3A_287 {strides = array<i32>} : memref<128x128xf32, #tpu.memory_space<vmem>>, vector<1x16xf32>,
        %get3A_288 = arith.index_cast %scan3A_209 : i32 to index
        %get3A_289 = arith.constant 80 : index
        %get3A_290 = tpu.vector_load %arg9[%get3A_288, %get3A_289] {strides = array<i32>} : memref<128x128xf32, #tpu.memory_space<vmem>>, vector<1x16xf32>,
        %get3A_291 = vector.shape_cast %get3A_290 : vector<1x16xf32> to vector<16xf32>
        %add3A_292 = arith.constant 64 : i32
        %add3A_293 = arith.addi %add3A_292, %scan3A_209 : i32
        %get3A_294 = arith.index_cast %add3A_293 : i32 to index
        %get3A_295 = arith.constant 80 : index
        %get3A_296 = tpu.vector_load %arg9[%get3A_294, %get3A_295] {strides = array<i32>} : memref<128x128xf32, #tpu.memory_space<vmem>>, vector<1x16xf32>,
        %get3A_297 = vector.shape_cast %get3A_296 : vector<1x16xf32> to vector<16xf32>
        %add3A_298 = arith.addf %get3A_291, %get3A_297 : vector<16xf32>
        %swap3A_299 = arith.index_cast %scan3A_209 : i32 to index
        %swap3A_300 = arith.constant 80 : index
        %swap3A_301 = tpu.vector_load %arg9[%swap3A_299, %swap3A_300] {strides = array<i32>} : memref<128x128xf32, #tpu.memory_space<vmem>>, vector<1x16xf32>,
        %swap3A_302 = vector.shape_cast %swap3A_301 : vector<1x16xf32> to vector<16xf32>
        %swap3A_303 = vector.shape_cast %add3A_298 : vector<16xf32> to vector<1x16xf32>
        tpu.vector_store %arg9[%swap3A_299, %swap3A_300], %swap3A_303 {strides = array<i32>} : memref<128x128xf32, #tpu.memory_space<vmem>>, vector<1x16xf32>,
        %get3A_304 = arith.index_cast %scan3A_209 : i32 to index
        %get3A_305 = arith.constant 96 : index
        %get3A_306 = tpu.vector_load %arg9[%get3A_304, %get3A_305] {strides = array<i32>} : memref<128x128xf32, #tpu.memory_space<vmem>>, vector<1x16xf32>,
        %get3A_307 = vector.shape_cast %get3A_306 : vector<1x16xf32> to vector<16xf32>
        %add3A_308 = arith.constant 64 : i32
        %add3A_309 = arith.addi %add3A_308, %scan3A_209 : i32
        %get3A_310 = arith.index_cast %add3A_309 : i32 to index
        %get3A_311 = arith.constant 96 : index
        %get3A_312 = tpu.vector_load %arg9[%get3A_310, %get3A_311] {strides = array<i32>} : memref<128x128xf32, #tpu.memory_space<vmem>>, vector<1x16xf32>,
        %get3A_313 = vector.shape_cast %get3A_312 : vector<1x16xf32> to vector<16xf32>
        %add3A_314 = arith.addf %get3A_307, %get3A_313 : vector<16xf32>
        %swap3A_315 = arith.index_cast %scan3A_209 : i32 to index
        %swap3A_316 = arith.constant 96 : index
        %swap3A_317 = tpu.vector_load %arg9[%swap3A_315, %swap3A_316] {strides = array<i32>} : memref<128x128xf32, #tpu.memory_space<vmem>>, vector<1x16xf32>,
        %swap3A_318 = vector.shape_cast %swap3A_317 : vector<1x16xf32> to vector<16xf32>
        %swap3A_319 = vector.shape_cast %add3A_314 : vector<16xf32> to vector<1x16xf32>
        tpu.vector_store %arg9[%swap3A_315, %swap3A_316], %swap3A_319 {strides = array<i32>} : memref<128x128xf32, #tpu.memory_space<vmem>>, vector<1x16xf32>,
        %get3A_320 = arith.index_cast %scan3A_209 : i32 to index
        %get3A_321 = arith.constant 112 : index
        %get3A_322 = tpu.vector_load %arg9[%get3A_320, %get3A_321] {strides = array<i32>} : memref<128x128xf32, #tpu.memory_space<vmem>>, vector<1x16xf32>,
        %get3A_323 = vector.shape_cast %get3A_322 : vector<1x16xf32> to vector<16xf32>
        %add3A_324 = arith.constant 64 : i32
        %add3A_325 = arith.addi %add3A_324, %scan3A_209 : i32
        %get3A_326 = arith.index_cast %add3A_325 : i32 to index
        %get3A_327 = arith.constant 112 : index
        %get3A_328 = tpu.vector_load %arg9[%get3A_326, %get3A_327] {strides = array<i32>} : memref<128x128xf32, #tpu.memory_space<vmem>>, vector<1x16xf32>,
        %get3A_329 = vector.shape_cast %get3A_328 : vector<1x16xf32> to vector<16xf32>
        %add3A_330 = arith.addf %get3A_323, %get3A_329 : vector<16xf32>
        %swap3A_331 = arith.index_cast %scan3A_209 : i32 to index
        %swap3A_332 = arith.constant 112 : index
        %swap3A_333 = tpu.vector_load %arg9[%swap3A_331, %swap3A_332] {strides = array<i32>} : memref<128x128xf32, #tpu.memory_space<vmem>>, vector<1x16xf32>,
        %swap3A_334 = vector.shape_cast %swap3A_333 : vector<1x16xf32> to vector<16xf32>
        %swap3A_335 = vector.shape_cast %add3A_330 : vector<16xf32> to vector<1x16xf32>
        tpu.vector_store %arg9[%swap3A_331, %swap3A_332], %swap3A_335 {strides = array<i32>} : memref<128x128xf32, #tpu.memory_space<vmem>>, vector<1x16xf32>,
      }
      %scan3A_201 = arith.constant 64 : i32
      "tpu.region"() ({
        %run_scoped3A = tpu.sem_alloc : memref<!tpu.dma_semaphore, #tpu.memory_space<semaphore_mem>>
        %dma_start3A_209 = arith.constant 0 : i32
        %dma_start3A_210 = arith.constant 0 : i32
        %dma_start3A_211 = tpu.memref_slice %arg9[%dma_start3A_209, %dma_start3A_210] : memref<128x128xf32, #tpu.memory_space<vmem>> -> memref<64x128xf32, #tpu.memory_space<vmem>>
        %dma_start3A_212 = arith.constant 0 : i32
        %dma_start3A_213 = tpu.memref_slice %arg7[%add3A_189, %dma_start3A_212] : memref<32x64xi32, #tpu.memory_space<vmem>> -> memref<1x64xi32, #tpu.memory_space<vmem>>
        %dma_start3A_214 = tpu.memref_squeeze %dma_start3A_213 : memref<1x64xi32, #tpu.memory_space<vmem>> -> memref<64xi32, #tpu.memory_space<vmem>>
        %dma_start3A_215 = arith.constant 0 : i32
        %dma_start3A_216 = arith.constant 0 : i32
        %dma_start3A_217 = tpu.memref_slice %arg10[%dma_start3A_215, %dma_start3A_216] : memref<10240x128xf32, #tpu.memory_space<vmem_shared>> -> memref<10240x128xf32, #tpu.memory_space<vmem_shared>>
        tpu.enqueue_indirect_dma source(%dma_start3A_211 : memref<64x128xf32, #tpu.memory_space<vmem>>) target(%dma_start3A_217 : memref<10240x128xf32, #tpu.memory_space<vmem_shared>>) offsets(%dma_start3A_214 : memref<64xi32, #tpu.memory_space<vmem>>) semaphore(%run_scoped3A : memref<!tpu.dma_semaphore, #tpu.memory_space<semaphore_mem>>) {add = true}
        %dma_wait3A_218 = arith.constant 0 : i32
        %dma_wait3A_219 = arith.constant 0 : i32
        %dma_wait3A_220 = tpu.memref_slice %arg9[%dma_wait3A_218, %dma_wait3A_219] : memref<128x128xf32, #tpu.memory_space<vmem>> -> memref<64x128xf32, #tpu.memory_space<vmem>>
        %dma_wait3A_221 = arith.constant 0 : i32
        %dma_wait3A_222 = tpu.memref_slice %arg7[%add3A_189, %dma_wait3A_221] : memref<32x64xi32, #tpu.memory_space<vmem>> -> memref<1x64xi32, #tpu.memory_space<vmem>>
        %dma_wait3A_223 = tpu.memref_squeeze %dma_wait3A_222 : memref<1x64xi32, #tpu.memory_space<vmem>> -> memref<64xi32, #tpu.memory_space<vmem>>
        %dma_wait3A_224 = arith.constant 0 : i32
        %dma_wait3A_225 = arith.constant 0 : i32
        %dma_wait3A_226 = tpu.memref_slice %arg10[%dma_wait3A_224, %dma_wait3A_225] : memref<10240x128xf32, #tpu.memory_space<vmem_shared>> -> memref<10240x128xf32, #tpu.memory_space<vmem_shared>>
        tpu.wait_indirect_dma semaphore(%run_scoped3A : memref<!tpu.dma_semaphore, #tpu.memory_space<semaphore_mem>>) src(%dma_wait3A_220 : memref<64x128xf32, #tpu.memory_space<vmem>>) dst(%dma_wait3A_226 : memref<10240x128xf32, #tpu.memory_space<vmem_shared>>)
        tpu.yield
      }) : () -> ()
      %add3A_202 = arith.constant 2 : i32
      %add3A_203 = arith.addi %add3A_189, %add3A_202 : i32
      %lt3A_204 = arith.constant 32 : i32
      %lt3A_205 = arith.cmpi slt, %add3A_203, %lt3A_204 : i32
      %convert_element_type3A_206 = arith.extui %lt3A_205 : i1 to i32
      %cond3A_207 = arith.constant 0 : i32
      %cond3A_208 = arith.cmpi ne, %convert_element_type3A_206, %cond3A_207 : i32
      scf.if %cond3A_208 {
        %add3A_209 = arith.constant 2 : i32
        %add3A_210 = arith.addi %add3A_189, %add3A_209 : i32
        %dma_start3A_211 = arith.constant 0 : i32
        %dma_start3A_212 = tpu.memref_slice %arg6[%add3A_210, %dma_start3A_211] : memref<32x128xi32, #tpu.memory_space<vmem>> -> memref<1x128xi32, #tpu.memory_space<vmem>>
        %dma_start3A_213 = tpu.memref_squeeze %dma_start3A_212 : memref<1x128xi32, #tpu.memory_space<vmem>> -> memref<128xi32, #tpu.memory_space<vmem>>
        %dma_start3A_214 = arith.constant 0 : i32
        %dma_start3A_215 = arith.constant 0 : i32
        %dma_start3A_216 = tpu.memref_slice %arg4[%dma_start3A_214, %dma_start3A_215] : memref<20000x128xf32, #tpu.memory_space<hbm>> -> memref<20000x128xf32, #tpu.memory_space<hbm>>
        tpu.enqueue_indirect_dma source(%dma_start3A_216 : memref<20000x128xf32, #tpu.memory_space<hbm>>) target(%arg9 : memref<128x128xf32, #tpu.memory_space<vmem>>) offsets(%dma_start3A_213 : memref<128xi32, #tpu.memory_space<vmem>>) semaphore(%arg12 : memref<!tpu.dma_semaphore, #tpu.memory_space<semaphore_mem>>)
      } else {
      }
    }
    %scan3A_74 = arith.constant 16 : i32
    %add3A_75 = arith.constant 64 : i32
    %add3A_76 = arith.addi %mul3A_27, %add3A_75 : i32
    "tpu.region"() ({
      %run_scoped3A = tpu.sem_alloc : memref<!tpu.dma_semaphore, #tpu.memory_space<semaphore_mem>>
      %dma_start3A_168 = arith.constant 0 : i32
      %dma_start3A_169 = tpu.memref_slice %arg2[%add3A_76, %dma_start3A_168] : memref<5120x128xi32, #tpu.memory_space<hbm>> -> memref<32x128xi32, #tpu.memory_space<hbm>>
      %dma_start3A_170 = arith.constant 0 : i32
      %dma_start3A_171 = tpu.memref_slice %arg2[%add3A_76, %dma_start3A_170] : memref<5120x128xi32, #tpu.memory_space<hbm>> -> memref<32x128xi32, #tpu.memory_space<hbm>>
      tpu.enqueue_dma source(%dma_start3A_171 : memref<32x128xi32, #tpu.memory_space<hbm>>) target(%arg6 : memref<32x128xi32, #tpu.memory_space<vmem>>) target_semaphore(%run_scoped3A : memref<!tpu.dma_semaphore, #tpu.memory_space<semaphore_mem>>)
      %dma_wait3A = arith.constant 0 : i32
      %dma_wait3A_172 = tpu.memref_slice %arg2[%add3A_76, %dma_wait3A] : memref<5120x128xi32, #tpu.memory_space<hbm>> -> memref<32x128xi32, #tpu.memory_space<hbm>>
      %dma_wait3A_173 = arith.constant 0 : i32
      %dma_wait3A_174 = tpu.memref_slice %arg2[%add3A_76, %dma_wait3A_173] : memref<5120x128xi32, #tpu.memory_space<hbm>> -> memref<32x128xi32, #tpu.memory_space<hbm>>
      tpu.wait_dma2 semaphore(%run_scoped3A : memref<!tpu.dma_semaphore, #tpu.memory_space<semaphore_mem>>) src(%dma_wait3A_174 : memref<32x128xi32, #tpu.memory_space<hbm>>) dst(%arg6 : memref<32x128xi32, #tpu.memory_space<vmem>>)
      tpu.yield
    }) : () -> ()
    %add3A_77 = arith.constant 64 : i32
    %add3A_78 = arith.addi %mul3A_27, %add3A_77 : i32
    "tpu.region"() ({
      %run_scoped3A = tpu.sem_alloc : memref<!tpu.dma_semaphore, #tpu.memory_space<semaphore_mem>>
      %dma_start3A_168 = arith.constant 0 : i32
      %dma_start3A_169 = tpu.memref_slice %arg3[%add3A_78, %dma_start3A_168] : memref<5120x64xi32, #tpu.memory_space<hbm>> -> memref<32x64xi32, #tpu.memory_space<hbm>>
      %dma_start3A_170 = arith.constant 0 : i32
      %dma_start3A_171 = tpu.memref_slice %arg3[%add3A_78, %dma_start3A_170] : memref<5120x64xi32, #tpu.memory_space<hbm>> -> memref<32x64xi32, #tpu.memory_space<hbm>>
      tpu.enqueue_dma source(%dma_start3A_171 : memref<32x64xi32, #tpu.memory_space<hbm>>) target(%arg7 : memref<32x64xi32, #tpu.memory_space<vmem>>) target_semaphore(%run_scoped3A : memref<!tpu.dma_semaphore, #tpu.memory_space<semaphore_mem>>)
      %dma_wait3A = arith.constant 0 : i32
      %dma_wait3A_172 = tpu.memref_slice %arg3[%add3A_78, %dma_wait3A] : memref<5120x64xi32, #tpu.memory_space<hbm>> -> memref<32x64xi32, #tpu.memory_space<hbm>>
      %dma_wait3A_173 = arith.constant 0 : i32
      %dma_wait3A_174 = tpu.memref_slice %arg3[%add3A_78, %dma_wait3A_173] : memref<5120x64xi32, #tpu.memory_space<hbm>> -> memref<32x64xi32, #tpu.memory_space<hbm>>
      tpu.wait_dma2 semaphore(%run_scoped3A : memref<!tpu.dma_semaphore, #tpu.memory_space<semaphore_mem>>) src(%dma_wait3A_174 : memref<32x64xi32, #tpu.memory_space<hbm>>) dst(%arg7 : memref<32x64xi32, #tpu.memory_space<vmem>>)
      tpu.yield
    }) : () -> ()
    %dma_start3A_79 = arith.constant 0 : i32
    %dma_start3A_80 = arith.constant 0 : i32
    %dma_start3A_81 = tpu.memref_slice %arg6[%dma_start3A_79, %dma_start3A_80] : memref<32x128xi32, #tpu.memory_space<vmem>> -> memref<1x128xi32, #tpu.memory_space<vmem>>
    %dma_start3A_82 = tpu.memref_squeeze %dma_start3A_81 : memref<1x128xi32, #tpu.memory_space<vmem>> -> memref<128xi32, #tpu.memory_space<vmem>>
    %dma_start3A_83 = arith.constant 0 : i32
    %dma_start3A_84 = arith.constant 0 : i32
    %dma_start3A_85 = tpu.memref_slice %arg4[%dma_start3A_83, %dma_start3A_84] : memref<20000x128xf32, #tpu.memory_space<hbm>> -> memref<20000x128xf32, #tpu.memory_space<hbm>>
    tpu.enqueue_indirect_dma source(%dma_start3A_85 : memref<20000x128xf32, #tpu.memory_space<hbm>>) target(%arg8 : memref<128x128xf32, #tpu.memory_space<vmem>>) offsets(%dma_start3A_82 : memref<128xi32, #tpu.memory_space<vmem>>) semaphore(%arg11 : memref<!tpu.dma_semaphore, #tpu.memory_space<semaphore_mem>>)
    %dma_start3A_86 = arith.constant 1 : i32
    %dma_start3A_87 = arith.constant 0 : i32
    %dma_start3A_88 = tpu.memref_slice %arg6[%dma_start3A_86, %dma_start3A_87] : memref<32x128xi32, #tpu.memory_space<vmem>> -> memref<1x128xi32, #tpu.memory_space<vmem>>
    %dma_start3A_89 = tpu.memref_squeeze %dma_start3A_88 : memref<1x128xi32, #tpu.memory_space<vmem>> -> memref<128xi32, #tpu.memory_space<vmem>>
    %dma_start3A_90 = arith.constant 0 : i32
    %dma_start3A_91 = arith.constant 0 : i32
    %dma_start3A_92 = tpu.memref_slice %arg4[%dma_start3A_90, %dma_start3A_91] : memref<20000x128xf32, #tpu.memory_space<hbm>> -> memref<20000x128xf32, #tpu.memory_space<hbm>>
    tpu.enqueue_indirect_dma source(%dma_start3A_92 : memref<20000x128xf32, #tpu.memory_space<hbm>>) target(%arg9 : memref<128x128xf32, #tpu.memory_space<vmem>>) offsets(%dma_start3A_89 : memref<128xi32, #tpu.memory_space<vmem>>) semaphore(%arg12 : memref<!tpu.dma_semaphore, #tpu.memory_space<semaphore_mem>>)
    %scan3A_93 = arith.constant 0 : i32
    %scan3A_94 = arith.constant 0 : i32
    %scan3A_95 = arith.constant 16 : i32
    %scan3A_96 = arith.addi %scan3A_94, %scan3A_95 : i32
    %scan3A_97 = arith.constant 1 : i32
    scf.for %scan3A_168 = %scan3A_94 to %scan3A_96 step %scan3A_97  : i32 {
      %mul3A_169 = arith.constant 2 : i32
      %mul3A_170 = arith.muli %mul3A_169, %scan3A_168 : i32
      %dma_wait3A = arith.constant 0 : i32
      %dma_wait3A_171 = tpu.memref_slice %arg6[%mul3A_170, %dma_wait3A] : memref<32x128xi32, #tpu.memory_space<vmem>> -> memref<1x128xi32, #tpu.memory_space<vmem>>
      %dma_wait3A_172 = tpu.memref_squeeze %dma_wait3A_171 : memref<1x128xi32, #tpu.memory_space<vmem>> -> memref<128xi32, #tpu.memory_space<vmem>>
      %dma_wait3A_173 = arith.constant 0 : i32
      %dma_wait3A_174 = arith.constant 0 : i32
      %dma_wait3A_175 = tpu.memref_slice %arg4[%dma_wait3A_173, %dma_wait3A_174] : memref<20000x128xf32, #tpu.memory_space<hbm>> -> memref<20000x128xf32, #tpu.memory_space<hbm>>
      tpu.wait_indirect_dma semaphore(%arg11 : memref<!tpu.dma_semaphore, #tpu.memory_space<semaphore_mem>>) src(%dma_wait3A_175 : memref<20000x128xf32, #tpu.memory_space<hbm>>) dst(%arg8 : memref<128x128xf32, #tpu.memory_space<vmem>>)
      %scan3A_176 = arith.constant 0 : i32
      %scan3A_177 = arith.constant 0 : i32
      %scan3A_178 = arith.constant 64 : i32
      %scan3A_179 = arith.addi %scan3A_177, %scan3A_178 : i32
      %scan3A_180 = arith.constant 1 : i32
      scf.for %scan3A_209 = %scan3A_177 to %scan3A_179 step %scan3A_180  : i32 {
        %get3A = arith.index_cast %scan3A_209 : i32 to index
        %get3A_210 = arith.constant 0 : index
        %get3A_211 = tpu.vector_load %arg8[%get3A, %get3A_210] {strides = array<i32>} : memref<128x128xf32, #tpu.memory_space<vmem>>, vector<1x16xf32>,
        %get3A_212 = vector.shape_cast %get3A_211 : vector<1x16xf32> to vector<16xf32>
        %add3A_213 = arith.constant 64 : i32
        %add3A_214 = arith.addi %add3A_213, %scan3A_209 : i32
        %get3A_215 = arith.index_cast %add3A_214 : i32 to index
        %get3A_216 = arith.constant 0 : index
        %get3A_217 = tpu.vector_load %arg8[%get3A_215, %get3A_216] {strides = array<i32>} : memref<128x128xf32, #tpu.memory_space<vmem>>, vector<1x16xf32>,
        %get3A_218 = vector.shape_cast %get3A_217 : vector<1x16xf32> to vector<16xf32>
        %add3A_219 = arith.addf %get3A_212, %get3A_218 : vector<16xf32>
        %swap3A = arith.index_cast %scan3A_209 : i32 to index
        %swap3A_220 = arith.constant 0 : index
        %swap3A_221 = tpu.vector_load %arg8[%swap3A, %swap3A_220] {strides = array<i32>} : memref<128x128xf32, #tpu.memory_space<vmem>>, vector<1x16xf32>,
        %swap3A_222 = vector.shape_cast %swap3A_221 : vector<1x16xf32> to vector<16xf32>
        %swap3A_223 = vector.shape_cast %add3A_219 : vector<16xf32> to vector<1x16xf32>
        tpu.vector_store %arg8[%swap3A, %swap3A_220], %swap3A_223 {strides = array<i32>} : memref<128x128xf32, #tpu.memory_space<vmem>>, vector<1x16xf32>,
        %get3A_224 = arith.index_cast %scan3A_209 : i32 to index
        %get3A_225 = arith.constant 16 : index
        %get3A_226 = tpu.vector_load %arg8[%get3A_224, %get3A_225] {strides = array<i32>} : memref<128x128xf32, #tpu.memory_space<vmem>>, vector<1x16xf32>,
        %get3A_227 = vector.shape_cast %get3A_226 : vector<1x16xf32> to vector<16xf32>
        %add3A_228 = arith.constant 64 : i32
        %add3A_229 = arith.addi %add3A_228, %scan3A_209 : i32
        %get3A_230 = arith.index_cast %add3A_229 : i32 to index
        %get3A_231 = arith.constant 16 : index
        %get3A_232 = tpu.vector_load %arg8[%get3A_230, %get3A_231] {strides = array<i32>} : memref<128x128xf32, #tpu.memory_space<vmem>>, vector<1x16xf32>,
        %get3A_233 = vector.shape_cast %get3A_232 : vector<1x16xf32> to vector<16xf32>
        %add3A_234 = arith.addf %get3A_227, %get3A_233 : vector<16xf32>
        %swap3A_235 = arith.index_cast %scan3A_209 : i32 to index
        %swap3A_236 = arith.constant 16 : index
        %swap3A_237 = tpu.vector_load %arg8[%swap3A_235, %swap3A_236] {strides = array<i32>} : memref<128x128xf32, #tpu.memory_space<vmem>>, vector<1x16xf32>,
        %swap3A_238 = vector.shape_cast %swap3A_237 : vector<1x16xf32> to vector<16xf32>
        %swap3A_239 = vector.shape_cast %add3A_234 : vector<16xf32> to vector<1x16xf32>
        tpu.vector_store %arg8[%swap3A_235, %swap3A_236], %swap3A_239 {strides = array<i32>} : memref<128x128xf32, #tpu.memory_space<vmem>>, vector<1x16xf32>,
        %get3A_240 = arith.index_cast %scan3A_209 : i32 to index
        %get3A_241 = arith.constant 32 : index
        %get3A_242 = tpu.vector_load %arg8[%get3A_240, %get3A_241] {strides = array<i32>} : memref<128x128xf32, #tpu.memory_space<vmem>>, vector<1x16xf32>,
        %get3A_243 = vector.shape_cast %get3A_242 : vector<1x16xf32> to vector<16xf32>
        %add3A_244 = arith.constant 64 : i32
        %add3A_245 = arith.addi %add3A_244, %scan3A_209 : i32
        %get3A_246 = arith.index_cast %add3A_245 : i32 to index
        %get3A_247 = arith.constant 32 : index
        %get3A_248 = tpu.vector_load %arg8[%get3A_246, %get3A_247] {strides = array<i32>} : memref<128x128xf32, #tpu.memory_space<vmem>>, vector<1x16xf32>,
        %get3A_249 = vector.shape_cast %get3A_248 : vector<1x16xf32> to vector<16xf32>
        %add3A_250 = arith.addf %get3A_243, %get3A_249 : vector<16xf32>
        %swap3A_251 = arith.index_cast %scan3A_209 : i32 to index
        %swap3A_252 = arith.constant 32 : index
        %swap3A_253 = tpu.vector_load %arg8[%swap3A_251, %swap3A_252] {strides = array<i32>} : memref<128x128xf32, #tpu.memory_space<vmem>>, vector<1x16xf32>,
        %swap3A_254 = vector.shape_cast %swap3A_253 : vector<1x16xf32> to vector<16xf32>
        %swap3A_255 = vector.shape_cast %add3A_250 : vector<16xf32> to vector<1x16xf32>
        tpu.vector_store %arg8[%swap3A_251, %swap3A_252], %swap3A_255 {strides = array<i32>} : memref<128x128xf32, #tpu.memory_space<vmem>>, vector<1x16xf32>,
        %get3A_256 = arith.index_cast %scan3A_209 : i32 to index
        %get3A_257 = arith.constant 48 : index
        %get3A_258 = tpu.vector_load %arg8[%get3A_256, %get3A_257] {strides = array<i32>} : memref<128x128xf32, #tpu.memory_space<vmem>>, vector<1x16xf32>,
        %get3A_259 = vector.shape_cast %get3A_258 : vector<1x16xf32> to vector<16xf32>
        %add3A_260 = arith.constant 64 : i32
        %add3A_261 = arith.addi %add3A_260, %scan3A_209 : i32
        %get3A_262 = arith.index_cast %add3A_261 : i32 to index
        %get3A_263 = arith.constant 48 : index
        %get3A_264 = tpu.vector_load %arg8[%get3A_262, %get3A_263] {strides = array<i32>} : memref<128x128xf32, #tpu.memory_space<vmem>>, vector<1x16xf32>,
        %get3A_265 = vector.shape_cast %get3A_264 : vector<1x16xf32> to vector<16xf32>
        %add3A_266 = arith.addf %get3A_259, %get3A_265 : vector<16xf32>
        %swap3A_267 = arith.index_cast %scan3A_209 : i32 to index
        %swap3A_268 = arith.constant 48 : index
        %swap3A_269 = tpu.vector_load %arg8[%swap3A_267, %swap3A_268] {strides = array<i32>} : memref<128x128xf32, #tpu.memory_space<vmem>>, vector<1x16xf32>,
        %swap3A_270 = vector.shape_cast %swap3A_269 : vector<1x16xf32> to vector<16xf32>
        %swap3A_271 = vector.shape_cast %add3A_266 : vector<16xf32> to vector<1x16xf32>
        tpu.vector_store %arg8[%swap3A_267, %swap3A_268], %swap3A_271 {strides = array<i32>} : memref<128x128xf32, #tpu.memory_space<vmem>>, vector<1x16xf32>,
        %get3A_272 = arith.index_cast %scan3A_209 : i32 to index
        %get3A_273 = arith.constant 64 : index
        %get3A_274 = tpu.vector_load %arg8[%get3A_272, %get3A_273] {strides = array<i32>} : memref<128x128xf32, #tpu.memory_space<vmem>>, vector<1x16xf32>,
        %get3A_275 = vector.shape_cast %get3A_274 : vector<1x16xf32> to vector<16xf32>
        %add3A_276 = arith.constant 64 : i32
        %add3A_277 = arith.addi %add3A_276, %scan3A_209 : i32
        %get3A_278 = arith.index_cast %add3A_277 : i32 to index
        %get3A_279 = arith.constant 64 : index
        %get3A_280 = tpu.vector_load %arg8[%get3A_278, %get3A_279] {strides = array<i32>} : memref<128x128xf32, #tpu.memory_space<vmem>>, vector<1x16xf32>,
        %get3A_281 = vector.shape_cast %get3A_280 : vector<1x16xf32> to vector<16xf32>
        %add3A_282 = arith.addf %get3A_275, %get3A_281 : vector<16xf32>
        %swap3A_283 = arith.index_cast %scan3A_209 : i32 to index
        %swap3A_284 = arith.constant 64 : index
        %swap3A_285 = tpu.vector_load %arg8[%swap3A_283, %swap3A_284] {strides = array<i32>} : memref<128x128xf32, #tpu.memory_space<vmem>>, vector<1x16xf32>,
        %swap3A_286 = vector.shape_cast %swap3A_285 : vector<1x16xf32> to vector<16xf32>
        %swap3A_287 = vector.shape_cast %add3A_282 : vector<16xf32> to vector<1x16xf32>
        tpu.vector_store %arg8[%swap3A_283, %swap3A_284], %swap3A_287 {strides = array<i32>} : memref<128x128xf32, #tpu.memory_space<vmem>>, vector<1x16xf32>,
        %get3A_288 = arith.index_cast %scan3A_209 : i32 to index
        %get3A_289 = arith.constant 80 : index
        %get3A_290 = tpu.vector_load %arg8[%get3A_288, %get3A_289] {strides = array<i32>} : memref<128x128xf32, #tpu.memory_space<vmem>>, vector<1x16xf32>,
        %get3A_291 = vector.shape_cast %get3A_290 : vector<1x16xf32> to vector<16xf32>
        %add3A_292 = arith.constant 64 : i32
        %add3A_293 = arith.addi %add3A_292, %scan3A_209 : i32
        %get3A_294 = arith.index_cast %add3A_293 : i32 to index
        %get3A_295 = arith.constant 80 : index
        %get3A_296 = tpu.vector_load %arg8[%get3A_294, %get3A_295] {strides = array<i32>} : memref<128x128xf32, #tpu.memory_space<vmem>>, vector<1x16xf32>,
        %get3A_297 = vector.shape_cast %get3A_296 : vector<1x16xf32> to vector<16xf32>
        %add3A_298 = arith.addf %get3A_291, %get3A_297 : vector<16xf32>
        %swap3A_299 = arith.index_cast %scan3A_209 : i32 to index
        %swap3A_300 = arith.constant 80 : index
        %swap3A_301 = tpu.vector_load %arg8[%swap3A_299, %swap3A_300] {strides = array<i32>} : memref<128x128xf32, #tpu.memory_space<vmem>>, vector<1x16xf32>,
        %swap3A_302 = vector.shape_cast %swap3A_301 : vector<1x16xf32> to vector<16xf32>
        %swap3A_303 = vector.shape_cast %add3A_298 : vector<16xf32> to vector<1x16xf32>
        tpu.vector_store %arg8[%swap3A_299, %swap3A_300], %swap3A_303 {strides = array<i32>} : memref<128x128xf32, #tpu.memory_space<vmem>>, vector<1x16xf32>,
        %get3A_304 = arith.index_cast %scan3A_209 : i32 to index
        %get3A_305 = arith.constant 96 : index
        %get3A_306 = tpu.vector_load %arg8[%get3A_304, %get3A_305] {strides = array<i32>} : memref<128x128xf32, #tpu.memory_space<vmem>>, vector<1x16xf32>,
        %get3A_307 = vector.shape_cast %get3A_306 : vector<1x16xf32> to vector<16xf32>
        %add3A_308 = arith.constant 64 : i32
        %add3A_309 = arith.addi %add3A_308, %scan3A_209 : i32
        %get3A_310 = arith.index_cast %add3A_309 : i32 to index
        %get3A_311 = arith.constant 96 : index
        %get3A_312 = tpu.vector_load %arg8[%get3A_310, %get3A_311] {strides = array<i32>} : memref<128x128xf32, #tpu.memory_space<vmem>>, vector<1x16xf32>,
        %get3A_313 = vector.shape_cast %get3A_312 : vector<1x16xf32> to vector<16xf32>
        %add3A_314 = arith.addf %get3A_307, %get3A_313 : vector<16xf32>
        %swap3A_315 = arith.index_cast %scan3A_209 : i32 to index
        %swap3A_316 = arith.constant 96 : index
        %swap3A_317 = tpu.vector_load %arg8[%swap3A_315, %swap3A_316] {strides = array<i32>} : memref<128x128xf32, #tpu.memory_space<vmem>>, vector<1x16xf32>,
        %swap3A_318 = vector.shape_cast %swap3A_317 : vector<1x16xf32> to vector<16xf32>
        %swap3A_319 = vector.shape_cast %add3A_314 : vector<16xf32> to vector<1x16xf32>
        tpu.vector_store %arg8[%swap3A_315, %swap3A_316], %swap3A_319 {strides = array<i32>} : memref<128x128xf32, #tpu.memory_space<vmem>>, vector<1x16xf32>,
        %get3A_320 = arith.index_cast %scan3A_209 : i32 to index
        %get3A_321 = arith.constant 112 : index
        %get3A_322 = tpu.vector_load %arg8[%get3A_320, %get3A_321] {strides = array<i32>} : memref<128x128xf32, #tpu.memory_space<vmem>>, vector<1x16xf32>,
        %get3A_323 = vector.shape_cast %get3A_322 : vector<1x16xf32> to vector<16xf32>
        %add3A_324 = arith.constant 64 : i32
        %add3A_325 = arith.addi %add3A_324, %scan3A_209 : i32
        %get3A_326 = arith.index_cast %add3A_325 : i32 to index
        %get3A_327 = arith.constant 112 : index
        %get3A_328 = tpu.vector_load %arg8[%get3A_326, %get3A_327] {strides = array<i32>} : memref<128x128xf32, #tpu.memory_space<vmem>>, vector<1x16xf32>,
        %get3A_329 = vector.shape_cast %get3A_328 : vector<1x16xf32> to vector<16xf32>
        %add3A_330 = arith.addf %get3A_323, %get3A_329 : vector<16xf32>
        %swap3A_331 = arith.index_cast %scan3A_209 : i32 to index
        %swap3A_332 = arith.constant 112 : index
        %swap3A_333 = tpu.vector_load %arg8[%swap3A_331, %swap3A_332] {strides = array<i32>} : memref<128x128xf32, #tpu.memory_space<vmem>>, vector<1x16xf32>,
        %swap3A_334 = vector.shape_cast %swap3A_333 : vector<1x16xf32> to vector<16xf32>
        %swap3A_335 = vector.shape_cast %add3A_330 : vector<16xf32> to vector<1x16xf32>
        tpu.vector_store %arg8[%swap3A_331, %swap3A_332], %swap3A_335 {strides = array<i32>} : memref<128x128xf32, #tpu.memory_space<vmem>>, vector<1x16xf32>,
      }
      %scan3A_181 = arith.constant 64 : i32
      "tpu.region"() ({
        %run_scoped3A = tpu.sem_alloc : memref<!tpu.dma_semaphore, #tpu.memory_space<semaphore_mem>>
        %dma_start3A_209 = arith.constant 0 : i32
        %dma_start3A_210 = arith.constant 0 : i32
        %dma_start3A_211 = tpu.memref_slice %arg8[%dma_start3A_209, %dma_start3A_210] : memref<128x128xf32, #tpu.memory_space<vmem>> -> memref<64x128xf32, #tpu.memory_space<vmem>>
        %dma_start3A_212 = arith.constant 0 : i32
        %dma_start3A_213 = tpu.memref_slice %arg7[%mul3A_170, %dma_start3A_212] : memref<32x64xi32, #tpu.memory_space<vmem>> -> memref<1x64xi32, #tpu.memory_space<vmem>>
        %dma_start3A_214 = tpu.memref_squeeze %dma_start3A_213 : memref<1x64xi32, #tpu.memory_space<vmem>> -> memref<64xi32, #tpu.memory_space<vmem>>
        %dma_start3A_215 = arith.constant 0 : i32
        %dma_start3A_216 = arith.constant 0 : i32
        %dma_start3A_217 = tpu.memref_slice %arg10[%dma_start3A_215, %dma_start3A_216] : memref<10240x128xf32, #tpu.memory_space<vmem_shared>> -> memref<10240x128xf32, #tpu.memory_space<vmem_shared>>
        tpu.enqueue_indirect_dma source(%dma_start3A_211 : memref<64x128xf32, #tpu.memory_space<vmem>>) target(%dma_start3A_217 : memref<10240x128xf32, #tpu.memory_space<vmem_shared>>) offsets(%dma_start3A_214 : memref<64xi32, #tpu.memory_space<vmem>>) semaphore(%run_scoped3A : memref<!tpu.dma_semaphore, #tpu.memory_space<semaphore_mem>>) {add = true}
        %dma_wait3A_218 = arith.constant 0 : i32
        %dma_wait3A_219 = arith.constant 0 : i32
        %dma_wait3A_220 = tpu.memref_slice %arg8[%dma_wait3A_218, %dma_wait3A_219] : memref<128x128xf32, #tpu.memory_space<vmem>> -> memref<64x128xf32, #tpu.memory_space<vmem>>
        %dma_wait3A_221 = arith.constant 0 : i32
        %dma_wait3A_222 = tpu.memref_slice %arg7[%mul3A_170, %dma_wait3A_221] : memref<32x64xi32, #tpu.memory_space<vmem>> -> memref<1x64xi32, #tpu.memory_space<vmem>>
        %dma_wait3A_223 = tpu.memref_squeeze %dma_wait3A_222 : memref<1x64xi32, #tpu.memory_space<vmem>> -> memref<64xi32, #tpu.memory_space<vmem>>
        %dma_wait3A_224 = arith.constant 0 : i32
        %dma_wait3A_225 = arith.constant 0 : i32
        %dma_wait3A_226 = tpu.memref_slice %arg10[%dma_wait3A_224, %dma_wait3A_225] : memref<10240x128xf32, #tpu.memory_space<vmem_shared>> -> memref<10240x128xf32, #tpu.memory_space<vmem_shared>>
        tpu.wait_indirect_dma semaphore(%run_scoped3A : memref<!tpu.dma_semaphore, #tpu.memory_space<semaphore_mem>>) src(%dma_wait3A_220 : memref<64x128xf32, #tpu.memory_space<vmem>>) dst(%dma_wait3A_226 : memref<10240x128xf32, #tpu.memory_space<vmem_shared>>)
        tpu.yield
      }) : () -> ()
      %add3A_182 = arith.constant 2 : i32
      %add3A_183 = arith.addi %mul3A_170, %add3A_182 : i32
      %lt3A = arith.constant 32 : i32
      %lt3A_184 = arith.cmpi slt, %add3A_183, %lt3A : i32
      %convert_element_type3A = arith.extui %lt3A_184 : i1 to i32
      %cond3A = arith.constant 0 : i32
      %cond3A_185 = arith.cmpi ne, %convert_element_type3A, %cond3A : i32
      scf.if %cond3A_185 {
        %add3A_209 = arith.constant 2 : i32
        %add3A_210 = arith.addi %mul3A_170, %add3A_209 : i32
        %dma_start3A_211 = arith.constant 0 : i32
        %dma_start3A_212 = tpu.memref_slice %arg6[%add3A_210, %dma_start3A_211] : memref<32x128xi32, #tpu.memory_space<vmem>> -> memref<1x128xi32, #tpu.memory_space<vmem>>
        %dma_start3A_213 = tpu.memref_squeeze %dma_start3A_212 : memref<1x128xi32, #tpu.memory_space<vmem>> -> memref<128xi32, #tpu.memory_space<vmem>>
        %dma_start3A_214 = arith.constant 0 : i32
        %dma_start3A_215 = arith.constant 0 : i32
        %dma_start3A_216 = tpu.memref_slice %arg4[%dma_start3A_214, %dma_start3A_215] : memref<20000x128xf32, #tpu.memory_space<hbm>> -> memref<20000x128xf32, #tpu.memory_space<hbm>>
        tpu.enqueue_indirect_dma source(%dma_start3A_216 : memref<20000x128xf32, #tpu.memory_space<hbm>>) target(%arg8 : memref<128x128xf32, #tpu.memory_space<vmem>>) offsets(%dma_start3A_213 : memref<128xi32, #tpu.memory_space<vmem>>) semaphore(%arg11 : memref<!tpu.dma_semaphore, #tpu.memory_space<semaphore_mem>>)
      } else {
      }
      %mul3A_186 = arith.constant 2 : i32
      %mul3A_187 = arith.muli %mul3A_186, %scan3A_168 : i32
      %add3A_188 = arith.constant 1 : i32
      %add3A_189 = arith.addi %mul3A_187, %add3A_188 : i32
      %dma_wait3A_190 = arith.constant 0 : i32
      %dma_wait3A_191 = tpu.memref_slice %arg6[%add3A_189, %dma_wait3A_190] : memref<32x128xi32, #tpu.memory_space<vmem>> -> memref<1x128xi32, #tpu.memory_space<vmem>>
      %dma_wait3A_192 = tpu.memref_squeeze %dma_wait3A_191 : memref<1x128xi32, #tpu.memory_space<vmem>> -> memref<128xi32, #tpu.memory_space<vmem>>
      %dma_wait3A_193 = arith.constant 0 : i32
      %dma_wait3A_194 = arith.constant 0 : i32
      %dma_wait3A_195 = tpu.memref_slice %arg4[%dma_wait3A_193, %dma_wait3A_194] : memref<20000x128xf32, #tpu.memory_space<hbm>> -> memref<20000x128xf32, #tpu.memory_space<hbm>>
      tpu.wait_indirect_dma semaphore(%arg12 : memref<!tpu.dma_semaphore, #tpu.memory_space<semaphore_mem>>) src(%dma_wait3A_195 : memref<20000x128xf32, #tpu.memory_space<hbm>>) dst(%arg9 : memref<128x128xf32, #tpu.memory_space<vmem>>)
      %scan3A_196 = arith.constant 0 : i32
      %scan3A_197 = arith.constant 0 : i32
      %scan3A_198 = arith.constant 64 : i32
      %scan3A_199 = arith.addi %scan3A_197, %scan3A_198 : i32
      %scan3A_200 = arith.constant 1 : i32
      scf.for %scan3A_209 = %scan3A_197 to %scan3A_199 step %scan3A_200  : i32 {
        %get3A = arith.index_cast %scan3A_209 : i32 to index
        %get3A_210 = arith.constant 0 : index
        %get3A_211 = tpu.vector_load %arg9[%get3A, %get3A_210] {strides = array<i32>} : memref<128x128xf32, #tpu.memory_space<vmem>>, vector<1x16xf32>,
        %get3A_212 = vector.shape_cast %get3A_211 : vector<1x16xf32> to vector<16xf32>
        %add3A_213 = arith.constant 64 : i32
        %add3A_214 = arith.addi %add3A_213, %scan3A_209 : i32
        %get3A_215 = arith.index_cast %add3A_214 : i32 to index
        %get3A_216 = arith.constant 0 : index
        %get3A_217 = tpu.vector_load %arg9[%get3A_215, %get3A_216] {strides = array<i32>} : memref<128x128xf32, #tpu.memory_space<vmem>>, vector<1x16xf32>,
        %get3A_218 = vector.shape_cast %get3A_217 : vector<1x16xf32> to vector<16xf32>
        %add3A_219 = arith.addf %get3A_212, %get3A_218 : vector<16xf32>
        %swap3A = arith.index_cast %scan3A_209 : i32 to index
        %swap3A_220 = arith.constant 0 : index
        %swap3A_221 = tpu.vector_load %arg9[%swap3A, %swap3A_220] {strides = array<i32>} : memref<128x128xf32, #tpu.memory_space<vmem>>, vector<1x16xf32>,
        %swap3A_222 = vector.shape_cast %swap3A_221 : vector<1x16xf32> to vector<16xf32>
        %swap3A_223 = vector.shape_cast %add3A_219 : vector<16xf32> to vector<1x16xf32>
        tpu.vector_store %arg9[%swap3A, %swap3A_220], %swap3A_223 {strides = array<i32>} : memref<128x128xf32, #tpu.memory_space<vmem>>, vector<1x16xf32>,
        %get3A_224 = arith.index_cast %scan3A_209 : i32 to index
        %get3A_225 = arith.constant 16 : index
        %get3A_226 = tpu.vector_load %arg9[%get3A_224, %get3A_225] {strides = array<i32>} : memref<128x128xf32, #tpu.memory_space<vmem>>, vector<1x16xf32>,
        %get3A_227 = vector.shape_cast %get3A_226 : vector<1x16xf32> to vector<16xf32>
        %add3A_228 = arith.constant 64 : i32
        %add3A_229 = arith.addi %add3A_228, %scan3A_209 : i32
        %get3A_230 = arith.index_cast %add3A_229 : i32 to index
        %get3A_231 = arith.constant 16 : index
        %get3A_232 = tpu.vector_load %arg9[%get3A_230, %get3A_231] {strides = array<i32>} : memref<128x128xf32, #tpu.memory_space<vmem>>, vector<1x16xf32>,
        %get3A_233 = vector.shape_cast %get3A_232 : vector<1x16xf32> to vector<16xf32>
        %add3A_234 = arith.addf %get3A_227, %get3A_233 : vector<16xf32>
        %swap3A_235 = arith.index_cast %scan3A_209 : i32 to index
        %swap3A_236 = arith.constant 16 : index
        %swap3A_237 = tpu.vector_load %arg9[%swap3A_235, %swap3A_236] {strides = array<i32>} : memref<128x128xf32, #tpu.memory_space<vmem>>, vector<1x16xf32>,
        %swap3A_238 = vector.shape_cast %swap3A_237 : vector<1x16xf32> to vector<16xf32>
        %swap3A_239 = vector.shape_cast %add3A_234 : vector<16xf32> to vector<1x16xf32>
        tpu.vector_store %arg9[%swap3A_235, %swap3A_236], %swap3A_239 {strides = array<i32>} : memref<128x128xf32, #tpu.memory_space<vmem>>, vector<1x16xf32>,
        %get3A_240 = arith.index_cast %scan3A_209 : i32 to index
        %get3A_241 = arith.constant 32 : index
        %get3A_242 = tpu.vector_load %arg9[%get3A_240, %get3A_241] {strides = array<i32>} : memref<128x128xf32, #tpu.memory_space<vmem>>, vector<1x16xf32>,
        %get3A_243 = vector.shape_cast %get3A_242 : vector<1x16xf32> to vector<16xf32>
        %add3A_244 = arith.constant 64 : i32
        %add3A_245 = arith.addi %add3A_244, %scan3A_209 : i32
        %get3A_246 = arith.index_cast %add3A_245 : i32 to index
        %get3A_247 = arith.constant 32 : index
        %get3A_248 = tpu.vector_load %arg9[%get3A_246, %get3A_247] {strides = array<i32>} : memref<128x128xf32, #tpu.memory_space<vmem>>, vector<1x16xf32>,
        %get3A_249 = vector.shape_cast %get3A_248 : vector<1x16xf32> to vector<16xf32>
        %add3A_250 = arith.addf %get3A_243, %get3A_249 : vector<16xf32>
        %swap3A_251 = arith.index_cast %scan3A_209 : i32 to index
        %swap3A_252 = arith.constant 32 : index
        %swap3A_253 = tpu.vector_load %arg9[%swap3A_251, %swap3A_252] {strides = array<i32>} : memref<128x128xf32, #tpu.memory_space<vmem>>, vector<1x16xf32>,
        %swap3A_254 = vector.shape_cast %swap3A_253 : vector<1x16xf32> to vector<16xf32>
        %swap3A_255 = vector.shape_cast %add3A_250 : vector<16xf32> to vector<1x16xf32>
        tpu.vector_store %arg9[%swap3A_251, %swap3A_252], %swap3A_255 {strides = array<i32>} : memref<128x128xf32, #tpu.memory_space<vmem>>, vector<1x16xf32>,
        %get3A_256 = arith.index_cast %scan3A_209 : i32 to index
        %get3A_257 = arith.constant 48 : index
        %get3A_258 = tpu.vector_load %arg9[%get3A_256, %get3A_257] {strides = array<i32>} : memref<128x128xf32, #tpu.memory_space<vmem>>, vector<1x16xf32>,
        %get3A_259 = vector.shape_cast %get3A_258 : vector<1x16xf32> to vector<16xf32>
        %add3A_260 = arith.constant 64 : i32
        %add3A_261 = arith.addi %add3A_260, %scan3A_209 : i32
        %get3A_262 = arith.index_cast %add3A_261 : i32 to index
        %get3A_263 = arith.constant 48 : index
        %get3A_264 = tpu.vector_load %arg9[%get3A_262, %get3A_263] {strides = array<i32>} : memref<128x128xf32, #tpu.memory_space<vmem>>, vector<1x16xf32>,
        %get3A_265 = vector.shape_cast %get3A_264 : vector<1x16xf32> to vector<16xf32>
        %add3A_266 = arith.addf %get3A_259, %get3A_265 : vector<16xf32>
        %swap3A_267 = arith.index_cast %scan3A_209 : i32 to index
        %swap3A_268 = arith.constant 48 : index
        %swap3A_269 = tpu.vector_load %arg9[%swap3A_267, %swap3A_268] {strides = array<i32>} : memref<128x128xf32, #tpu.memory_space<vmem>>, vector<1x16xf32>,
        %swap3A_270 = vector.shape_cast %swap3A_269 : vector<1x16xf32> to vector<16xf32>
        %swap3A_271 = vector.shape_cast %add3A_266 : vector<16xf32> to vector<1x16xf32>
        tpu.vector_store %arg9[%swap3A_267, %swap3A_268], %swap3A_271 {strides = array<i32>} : memref<128x128xf32, #tpu.memory_space<vmem>>, vector<1x16xf32>,
        %get3A_272 = arith.index_cast %scan3A_209 : i32 to index
        %get3A_273 = arith.constant 64 : index
        %get3A_274 = tpu.vector_load %arg9[%get3A_272, %get3A_273] {strides = array<i32>} : memref<128x128xf32, #tpu.memory_space<vmem>>, vector<1x16xf32>,
        %get3A_275 = vector.shape_cast %get3A_274 : vector<1x16xf32> to vector<16xf32>
        %add3A_276 = arith.constant 64 : i32
        %add3A_277 = arith.addi %add3A_276, %scan3A_209 : i32
        %get3A_278 = arith.index_cast %add3A_277 : i32 to index
        %get3A_279 = arith.constant 64 : index
        %get3A_280 = tpu.vector_load %arg9[%get3A_278, %get3A_279] {strides = array<i32>} : memref<128x128xf32, #tpu.memory_space<vmem>>, vector<1x16xf32>,
        %get3A_281 = vector.shape_cast %get3A_280 : vector<1x16xf32> to vector<16xf32>
        %add3A_282 = arith.addf %get3A_275, %get3A_281 : vector<16xf32>
        %swap3A_283 = arith.index_cast %scan3A_209 : i32 to index
        %swap3A_284 = arith.constant 64 : index
        %swap3A_285 = tpu.vector_load %arg9[%swap3A_283, %swap3A_284] {strides = array<i32>} : memref<128x128xf32, #tpu.memory_space<vmem>>, vector<1x16xf32>,
        %swap3A_286 = vector.shape_cast %swap3A_285 : vector<1x16xf32> to vector<16xf32>
        %swap3A_287 = vector.shape_cast %add3A_282 : vector<16xf32> to vector<1x16xf32>
        tpu.vector_store %arg9[%swap3A_283, %swap3A_284], %swap3A_287 {strides = array<i32>} : memref<128x128xf32, #tpu.memory_space<vmem>>, vector<1x16xf32>,
        %get3A_288 = arith.index_cast %scan3A_209 : i32 to index
        %get3A_289 = arith.constant 80 : index
        %get3A_290 = tpu.vector_load %arg9[%get3A_288, %get3A_289] {strides = array<i32>} : memref<128x128xf32, #tpu.memory_space<vmem>>, vector<1x16xf32>,
        %get3A_291 = vector.shape_cast %get3A_290 : vector<1x16xf32> to vector<16xf32>
        %add3A_292 = arith.constant 64 : i32
        %add3A_293 = arith.addi %add3A_292, %scan3A_209 : i32
        %get3A_294 = arith.index_cast %add3A_293 : i32 to index
        %get3A_295 = arith.constant 80 : index
        %get3A_296 = tpu.vector_load %arg9[%get3A_294, %get3A_295] {strides = array<i32>} : memref<128x128xf32, #tpu.memory_space<vmem>>, vector<1x16xf32>,
        %get3A_297 = vector.shape_cast %get3A_296 : vector<1x16xf32> to vector<16xf32>
        %add3A_298 = arith.addf %get3A_291, %get3A_297 : vector<16xf32>
        %swap3A_299 = arith.index_cast %scan3A_209 : i32 to index
        %swap3A_300 = arith.constant 80 : index
        %swap3A_301 = tpu.vector_load %arg9[%swap3A_299, %swap3A_300] {strides = array<i32>} : memref<128x128xf32, #tpu.memory_space<vmem>>, vector<1x16xf32>,
        %swap3A_302 = vector.shape_cast %swap3A_301 : vector<1x16xf32> to vector<16xf32>
        %swap3A_303 = vector.shape_cast %add3A_298 : vector<16xf32> to vector<1x16xf32>
        tpu.vector_store %arg9[%swap3A_299, %swap3A_300], %swap3A_303 {strides = array<i32>} : memref<128x128xf32, #tpu.memory_space<vmem>>, vector<1x16xf32>,
        %get3A_304 = arith.index_cast %scan3A_209 : i32 to index
        %get3A_305 = arith.constant 96 : index
        %get3A_306 = tpu.vector_load %arg9[%get3A_304, %get3A_305] {strides = array<i32>} : memref<128x128xf32, #tpu.memory_space<vmem>>, vector<1x16xf32>,
        %get3A_307 = vector.shape_cast %get3A_306 : vector<1x16xf32> to vector<16xf32>
        %add3A_308 = arith.constant 64 : i32
        %add3A_309 = arith.addi %add3A_308, %scan3A_209 : i32
        %get3A_310 = arith.index_cast %add3A_309 : i32 to index
        %get3A_311 = arith.constant 96 : index
        %get3A_312 = tpu.vector_load %arg9[%get3A_310, %get3A_311] {strides = array<i32>} : memref<128x128xf32, #tpu.memory_space<vmem>>, vector<1x16xf32>,
        %get3A_313 = vector.shape_cast %get3A_312 : vector<1x16xf32> to vector<16xf32>
        %add3A_314 = arith.addf %get3A_307, %get3A_313 : vector<16xf32>
        %swap3A_315 = arith.index_cast %scan3A_209 : i32 to index
        %swap3A_316 = arith.constant 96 : index
        %swap3A_317 = tpu.vector_load %arg9[%swap3A_315, %swap3A_316] {strides = array<i32>} : memref<128x128xf32, #tpu.memory_space<vmem>>, vector<1x16xf32>,
        %swap3A_318 = vector.shape_cast %swap3A_317 : vector<1x16xf32> to vector<16xf32>
        %swap3A_319 = vector.shape_cast %add3A_314 : vector<16xf32> to vector<1x16xf32>
        tpu.vector_store %arg9[%swap3A_315, %swap3A_316], %swap3A_319 {strides = array<i32>} : memref<128x128xf32, #tpu.memory_space<vmem>>, vector<1x16xf32>,
        %get3A_320 = arith.index_cast %scan3A_209 : i32 to index
        %get3A_321 = arith.constant 112 : index
        %get3A_322 = tpu.vector_load %arg9[%get3A_320, %get3A_321] {strides = array<i32>} : memref<128x128xf32, #tpu.memory_space<vmem>>, vector<1x16xf32>,
        %get3A_323 = vector.shape_cast %get3A_322 : vector<1x16xf32> to vector<16xf32>
        %add3A_324 = arith.constant 64 : i32
        %add3A_325 = arith.addi %add3A_324, %scan3A_209 : i32
        %get3A_326 = arith.index_cast %add3A_325 : i32 to index
        %get3A_327 = arith.constant 112 : index
        %get3A_328 = tpu.vector_load %arg9[%get3A_326, %get3A_327] {strides = array<i32>} : memref<128x128xf32, #tpu.memory_space<vmem>>, vector<1x16xf32>,
        %get3A_329 = vector.shape_cast %get3A_328 : vector<1x16xf32> to vector<16xf32>
        %add3A_330 = arith.addf %get3A_323, %get3A_329 : vector<16xf32>
        %swap3A_331 = arith.index_cast %scan3A_209 : i32 to index
        %swap3A_332 = arith.constant 112 : index
        %swap3A_333 = tpu.vector_load %arg9[%swap3A_331, %swap3A_332] {strides = array<i32>} : memref<128x128xf32, #tpu.memory_space<vmem>>, vector<1x16xf32>,
        %swap3A_334 = vector.shape_cast %swap3A_333 : vector<1x16xf32> to vector<16xf32>
        %swap3A_335 = vector.shape_cast %add3A_330 : vector<16xf32> to vector<1x16xf32>
        tpu.vector_store %arg9[%swap3A_331, %swap3A_332], %swap3A_335 {strides = array<i32>} : memref<128x128xf32, #tpu.memory_space<vmem>>, vector<1x16xf32>,
      }
      %scan3A_201 = arith.constant 64 : i32
      "tpu.region"() ({
        %run_scoped3A = tpu.sem_alloc : memref<!tpu.dma_semaphore, #tpu.memory_space<semaphore_mem>>
        %dma_start3A_209 = arith.constant 0 : i32
        %dma_start3A_210 = arith.constant 0 : i32
        %dma_start3A_211 = tpu.memref_slice %arg9[%dma_start3A_209, %dma_start3A_210] : memref<128x128xf32, #tpu.memory_space<vmem>> -> memref<64x128xf32, #tpu.memory_space<vmem>>
        %dma_start3A_212 = arith.constant 0 : i32
        %dma_start3A_213 = tpu.memref_slice %arg7[%add3A_189, %dma_start3A_212] : memref<32x64xi32, #tpu.memory_space<vmem>> -> memref<1x64xi32, #tpu.memory_space<vmem>>
        %dma_start3A_214 = tpu.memref_squeeze %dma_start3A_213 : memref<1x64xi32, #tpu.memory_space<vmem>> -> memref<64xi32, #tpu.memory_space<vmem>>
        %dma_start3A_215 = arith.constant 0 : i32
        %dma_start3A_216 = arith.constant 0 : i32
        %dma_start3A_217 = tpu.memref_slice %arg10[%dma_start3A_215, %dma_start3A_216] : memref<10240x128xf32, #tpu.memory_space<vmem_shared>> -> memref<10240x128xf32, #tpu.memory_space<vmem_shared>>
        tpu.enqueue_indirect_dma source(%dma_start3A_211 : memref<64x128xf32, #tpu.memory_space<vmem>>) target(%dma_start3A_217 : memref<10240x128xf32, #tpu.memory_space<vmem_shared>>) offsets(%dma_start3A_214 : memref<64xi32, #tpu.memory_space<vmem>>) semaphore(%run_scoped3A : memref<!tpu.dma_semaphore, #tpu.memory_space<semaphore_mem>>) {add = true}
        %dma_wait3A_218 = arith.constant 0 : i32
        %dma_wait3A_219 = arith.constant 0 : i32
        %dma_wait3A_220 = tpu.memref_slice %arg9[%dma_wait3A_218, %dma_wait3A_219] : memref<128x128xf32, #tpu.memory_space<vmem>> -> memref<64x128xf32, #tpu.memory_space<vmem>>
        %dma_wait3A_221 = arith.constant 0 : i32
        %dma_wait3A_222 = tpu.memref_slice %arg7[%add3A_189, %dma_wait3A_221] : memref<32x64xi32, #tpu.memory_space<vmem>> -> memref<1x64xi32, #tpu.memory_space<vmem>>
        %dma_wait3A_223 = tpu.memref_squeeze %dma_wait3A_222 : memref<1x64xi32, #tpu.memory_space<vmem>> -> memref<64xi32, #tpu.memory_space<vmem>>
        %dma_wait3A_224 = arith.constant 0 : i32
        %dma_wait3A_225 = arith.constant 0 : i32
        %dma_wait3A_226 = tpu.memref_slice %arg10[%dma_wait3A_224, %dma_wait3A_225] : memref<10240x128xf32, #tpu.memory_space<vmem_shared>> -> memref<10240x128xf32, #tpu.memory_space<vmem_shared>>
        tpu.wait_indirect_dma semaphore(%run_scoped3A : memref<!tpu.dma_semaphore, #tpu.memory_space<semaphore_mem>>) src(%dma_wait3A_220 : memref<64x128xf32, #tpu.memory_space<vmem>>) dst(%dma_wait3A_226 : memref<10240x128xf32, #tpu.memory_space<vmem_shared>>)
        tpu.yield
      }) : () -> ()
      %add3A_202 = arith.constant 2 : i32
      %add3A_203 = arith.addi %add3A_189, %add3A_202 : i32
      %lt3A_204 = arith.constant 32 : i32
      %lt3A_205 = arith.cmpi slt, %add3A_203, %lt3A_204 : i32
      %convert_element_type3A_206 = arith.extui %lt3A_205 : i1 to i32
      %cond3A_207 = arith.constant 0 : i32
      %cond3A_208 = arith.cmpi ne, %convert_element_type3A_206, %cond3A_207 : i32
      scf.if %cond3A_208 {
        %add3A_209 = arith.constant 2 : i32
        %add3A_210 = arith.addi %add3A_189, %add3A_209 : i32
        %dma_start3A_211 = arith.constant 0 : i32
        %dma_start3A_212 = tpu.memref_slice %arg6[%add3A_210, %dma_start3A_211] : memref<32x128xi32, #tpu.memory_space<vmem>> -> memref<1x128xi32, #tpu.memory_space<vmem>>
        %dma_start3A_213 = tpu.memref_squeeze %dma_start3A_212 : memref<1x128xi32, #tpu.memory_space<vmem>> -> memref<128xi32, #tpu.memory_space<vmem>>
        %dma_start3A_214 = arith.constant 0 : i32
        %dma_start3A_215 = arith.constant 0 : i32
        %dma_start3A_216 = tpu.memref_slice %arg4[%dma_start3A_214, %dma_start3A_215] : memref<20000x128xf32, #tpu.memory_space<hbm>> -> memref<20000x128xf32, #tpu.memory_space<hbm>>
        tpu.enqueue_indirect_dma source(%dma_start3A_216 : memref<20000x128xf32, #tpu.memory_space<hbm>>) target(%arg9 : memref<128x128xf32, #tpu.memory_space<vmem>>) offsets(%dma_start3A_213 : memref<128xi32, #tpu.memory_space<vmem>>) semaphore(%arg12 : memref<!tpu.dma_semaphore, #tpu.memory_space<semaphore_mem>>)
      } else {
      }
    }
    %scan3A_98 = arith.constant 16 : i32
    %add3A_99 = arith.constant 96 : i32
    %add3A_100 = arith.addi %mul3A_27, %add3A_99 : i32
    "tpu.region"() ({
      %run_scoped3A = tpu.sem_alloc : memref<!tpu.dma_semaphore, #tpu.memory_space<semaphore_mem>>
      %dma_start3A_168 = arith.constant 0 : i32
      %dma_start3A_169 = tpu.memref_slice %arg2[%add3A_100, %dma_start3A_168] : memref<5120x128xi32, #tpu.memory_space<hbm>> -> memref<32x128xi32, #tpu.memory_space<hbm>>
      %dma_start3A_170 = arith.constant 0 : i32
      %dma_start3A_171 = tpu.memref_slice %arg2[%add3A_100, %dma_start3A_170] : memref<5120x128xi32, #tpu.memory_space<hbm>> -> memref<32x128xi32, #tpu.memory_space<hbm>>
      tpu.enqueue_dma source(%dma_start3A_171 : memref<32x128xi32, #tpu.memory_space<hbm>>) target(%arg6 : memref<32x128xi32, #tpu.memory_space<vmem>>) target_semaphore(%run_scoped3A : memref<!tpu.dma_semaphore, #tpu.memory_space<semaphore_mem>>)
      %dma_wait3A = arith.constant 0 : i32
      %dma_wait3A_172 = tpu.memref_slice %arg2[%add3A_100, %dma_wait3A] : memref<5120x128xi32, #tpu.memory_space<hbm>> -> memref<32x128xi32, #tpu.memory_space<hbm>>
      %dma_wait3A_173 = arith.constant 0 : i32
      %dma_wait3A_174 = tpu.memref_slice %arg2[%add3A_100, %dma_wait3A_173] : memref<5120x128xi32, #tpu.memory_space<hbm>> -> memref<32x128xi32, #tpu.memory_space<hbm>>
      tpu.wait_dma2 semaphore(%run_scoped3A : memref<!tpu.dma_semaphore, #tpu.memory_space<semaphore_mem>>) src(%dma_wait3A_174 : memref<32x128xi32, #tpu.memory_space<hbm>>) dst(%arg6 : memref<32x128xi32, #tpu.memory_space<vmem>>)
      tpu.yield
    }) : () -> ()
    %add3A_101 = arith.constant 96 : i32
    %add3A_102 = arith.addi %mul3A_27, %add3A_101 : i32
    "tpu.region"() ({
      %run_scoped3A = tpu.sem_alloc : memref<!tpu.dma_semaphore, #tpu.memory_space<semaphore_mem>>
      %dma_start3A_168 = arith.constant 0 : i32
      %dma_start3A_169 = tpu.memref_slice %arg3[%add3A_102, %dma_start3A_168] : memref<5120x64xi32, #tpu.memory_space<hbm>> -> memref<32x64xi32, #tpu.memory_space<hbm>>
      %dma_start3A_170 = arith.constant 0 : i32
      %dma_start3A_171 = tpu.memref_slice %arg3[%add3A_102, %dma_start3A_170] : memref<5120x64xi32, #tpu.memory_space<hbm>> -> memref<32x64xi32, #tpu.memory_space<hbm>>
      tpu.enqueue_dma source(%dma_start3A_171 : memref<32x64xi32, #tpu.memory_space<hbm>>) target(%arg7 : memref<32x64xi32, #tpu.memory_space<vmem>>) target_semaphore(%run_scoped3A : memref<!tpu.dma_semaphore, #tpu.memory_space<semaphore_mem>>)
      %dma_wait3A = arith.constant 0 : i32
      %dma_wait3A_172 = tpu.memref_slice %arg3[%add3A_102, %dma_wait3A] : memref<5120x64xi32, #tpu.memory_space<hbm>> -> memref<32x64xi32, #tpu.memory_space<hbm>>
      %dma_wait3A_173 = arith.constant 0 : i32
      %dma_wait3A_174 = tpu.memref_slice %arg3[%add3A_102, %dma_wait3A_173] : memref<5120x64xi32, #tpu.memory_space<hbm>> -> memref<32x64xi32, #tpu.memory_space<hbm>>
      tpu.wait_dma2 semaphore(%run_scoped3A : memref<!tpu.dma_semaphore, #tpu.memory_space<semaphore_mem>>) src(%dma_wait3A_174 : memref<32x64xi32, #tpu.memory_space<hbm>>) dst(%arg7 : memref<32x64xi32, #tpu.memory_space<vmem>>)
      tpu.yield
    }) : () -> ()
    %dma_start3A_103 = arith.constant 0 : i32
    %dma_start3A_104 = arith.constant 0 : i32
    %dma_start3A_105 = tpu.memref_slice %arg6[%dma_start3A_103, %dma_start3A_104] : memref<32x128xi32, #tpu.memory_space<vmem>> -> memref<1x128xi32, #tpu.memory_space<vmem>>
    %dma_start3A_106 = tpu.memref_squeeze %dma_start3A_105 : memref<1x128xi32, #tpu.memory_space<vmem>> -> memref<128xi32, #tpu.memory_space<vmem>>
    %dma_start3A_107 = arith.constant 0 : i32
    %dma_start3A_108 = arith.constant 0 : i32
    %dma_start3A_109 = tpu.memref_slice %arg4[%dma_start3A_107, %dma_start3A_108] : memref<20000x128xf32, #tpu.memory_space<hbm>> -> memref<20000x128xf32, #tpu.memory_space<hbm>>
    tpu.enqueue_indirect_dma source(%dma_start3A_109 : memref<20000x128xf32, #tpu.memory_space<hbm>>) target(%arg8 : memref<128x128xf32, #tpu.memory_space<vmem>>) offsets(%dma_start3A_106 : memref<128xi32, #tpu.memory_space<vmem>>) semaphore(%arg11 : memref<!tpu.dma_semaphore, #tpu.memory_space<semaphore_mem>>)
    %dma_start3A_110 = arith.constant 1 : i32
    %dma_start3A_111 = arith.constant 0 : i32
    %dma_start3A_112 = tpu.memref_slice %arg6[%dma_start3A_110, %dma_start3A_111] : memref<32x128xi32, #tpu.memory_space<vmem>> -> memref<1x128xi32, #tpu.memory_space<vmem>>
    %dma_start3A_113 = tpu.memref_squeeze %dma_start3A_112 : memref<1x128xi32, #tpu.memory_space<vmem>> -> memref<128xi32, #tpu.memory_space<vmem>>
    %dma_start3A_114 = arith.constant 0 : i32
    %dma_start3A_115 = arith.constant 0 : i32
    %dma_start3A_116 = tpu.memref_slice %arg4[%dma_start3A_114, %dma_start3A_115] : memref<20000x128xf32, #tpu.memory_space<hbm>> -> memref<20000x128xf32, #tpu.memory_space<hbm>>
    tpu.enqueue_indirect_dma source(%dma_start3A_116 : memref<20000x128xf32, #tpu.memory_space<hbm>>) target(%arg9 : memref<128x128xf32, #tpu.memory_space<vmem>>) offsets(%dma_start3A_113 : memref<128xi32, #tpu.memory_space<vmem>>) semaphore(%arg12 : memref<!tpu.dma_semaphore, #tpu.memory_space<semaphore_mem>>)
    %scan3A_117 = arith.constant 0 : i32
    %scan3A_118 = arith.constant 0 : i32
    %scan3A_119 = arith.constant 16 : i32
    %scan3A_120 = arith.addi %scan3A_118, %scan3A_119 : i32
    %scan3A_121 = arith.constant 1 : i32
    scf.for %scan3A_168 = %scan3A_118 to %scan3A_120 step %scan3A_121  : i32 {
      %mul3A_169 = arith.constant 2 : i32
      %mul3A_170 = arith.muli %mul3A_169, %scan3A_168 : i32
      %dma_wait3A = arith.constant 0 : i32
      %dma_wait3A_171 = tpu.memref_slice %arg6[%mul3A_170, %dma_wait3A] : memref<32x128xi32, #tpu.memory_space<vmem>> -> memref<1x128xi32, #tpu.memory_space<vmem>>
      %dma_wait3A_172 = tpu.memref_squeeze %dma_wait3A_171 : memref<1x128xi32, #tpu.memory_space<vmem>> -> memref<128xi32, #tpu.memory_space<vmem>>
      %dma_wait3A_173 = arith.constant 0 : i32
      %dma_wait3A_174 = arith.constant 0 : i32
      %dma_wait3A_175 = tpu.memref_slice %arg4[%dma_wait3A_173, %dma_wait3A_174] : memref<20000x128xf32, #tpu.memory_space<hbm>> -> memref<20000x128xf32, #tpu.memory_space<hbm>>
      tpu.wait_indirect_dma semaphore(%arg11 : memref<!tpu.dma_semaphore, #tpu.memory_space<semaphore_mem>>) src(%dma_wait3A_175 : memref<20000x128xf32, #tpu.memory_space<hbm>>) dst(%arg8 : memref<128x128xf32, #tpu.memory_space<vmem>>)
      %scan3A_176 = arith.constant 0 : i32
      %scan3A_177 = arith.constant 0 : i32
      %scan3A_178 = arith.constant 64 : i32
      %scan3A_179 = arith.addi %scan3A_177, %scan3A_178 : i32
      %scan3A_180 = arith.constant 1 : i32
      scf.for %scan3A_209 = %scan3A_177 to %scan3A_179 step %scan3A_180  : i32 {
        %get3A = arith.index_cast %scan3A_209 : i32 to index
        %get3A_210 = arith.constant 0 : index
        %get3A_211 = tpu.vector_load %arg8[%get3A, %get3A_210] {strides = array<i32>} : memref<128x128xf32, #tpu.memory_space<vmem>>, vector<1x16xf32>,
        %get3A_212 = vector.shape_cast %get3A_211 : vector<1x16xf32> to vector<16xf32>
        %add3A_213 = arith.constant 64 : i32
        %add3A_214 = arith.addi %add3A_213, %scan3A_209 : i32
        %get3A_215 = arith.index_cast %add3A_214 : i32 to index
        %get3A_216 = arith.constant 0 : index
        %get3A_217 = tpu.vector_load %arg8[%get3A_215, %get3A_216] {strides = array<i32>} : memref<128x128xf32, #tpu.memory_space<vmem>>, vector<1x16xf32>,
        %get3A_218 = vector.shape_cast %get3A_217 : vector<1x16xf32> to vector<16xf32>
        %add3A_219 = arith.addf %get3A_212, %get3A_218 : vector<16xf32>
        %swap3A = arith.index_cast %scan3A_209 : i32 to index
        %swap3A_220 = arith.constant 0 : index
        %swap3A_221 = tpu.vector_load %arg8[%swap3A, %swap3A_220] {strides = array<i32>} : memref<128x128xf32, #tpu.memory_space<vmem>>, vector<1x16xf32>,
        %swap3A_222 = vector.shape_cast %swap3A_221 : vector<1x16xf32> to vector<16xf32>
        %swap3A_223 = vector.shape_cast %add3A_219 : vector<16xf32> to vector<1x16xf32>
        tpu.vector_store %arg8[%swap3A, %swap3A_220], %swap3A_223 {strides = array<i32>} : memref<128x128xf32, #tpu.memory_space<vmem>>, vector<1x16xf32>,
        %get3A_224 = arith.index_cast %scan3A_209 : i32 to index
        %get3A_225 = arith.constant 16 : index
        %get3A_226 = tpu.vector_load %arg8[%get3A_224, %get3A_225] {strides = array<i32>} : memref<128x128xf32, #tpu.memory_space<vmem>>, vector<1x16xf32>,
        %get3A_227 = vector.shape_cast %get3A_226 : vector<1x16xf32> to vector<16xf32>
        %add3A_228 = arith.constant 64 : i32
        %add3A_229 = arith.addi %add3A_228, %scan3A_209 : i32
        %get3A_230 = arith.index_cast %add3A_229 : i32 to index
        %get3A_231 = arith.constant 16 : index
        %get3A_232 = tpu.vector_load %arg8[%get3A_230, %get3A_231] {strides = array<i32>} : memref<128x128xf32, #tpu.memory_space<vmem>>, vector<1x16xf32>,
        %get3A_233 = vector.shape_cast %get3A_232 : vector<1x16xf32> to vector<16xf32>
        %add3A_234 = arith.addf %get3A_227, %get3A_233 : vector<16xf32>
        %swap3A_235 = arith.index_cast %scan3A_209 : i32 to index
        %swap3A_236 = arith.constant 16 : index
        %swap3A_237 = tpu.vector_load %arg8[%swap3A_235, %swap3A_236] {strides = array<i32>} : memref<128x128xf32, #tpu.memory_space<vmem>>, vector<1x16xf32>,
        %swap3A_238 = vector.shape_cast %swap3A_237 : vector<1x16xf32> to vector<16xf32>
        %swap3A_239 = vector.shape_cast %add3A_234 : vector<16xf32> to vector<1x16xf32>
        tpu.vector_store %arg8[%swap3A_235, %swap3A_236], %swap3A_239 {strides = array<i32>} : memref<128x128xf32, #tpu.memory_space<vmem>>, vector<1x16xf32>,
        %get3A_240 = arith.index_cast %scan3A_209 : i32 to index
        %get3A_241 = arith.constant 32 : index
        %get3A_242 = tpu.vector_load %arg8[%get3A_240, %get3A_241] {strides = array<i32>} : memref<128x128xf32, #tpu.memory_space<vmem>>, vector<1x16xf32>,
        %get3A_243 = vector.shape_cast %get3A_242 : vector<1x16xf32> to vector<16xf32>
        %add3A_244 = arith.constant 64 : i32
        %add3A_245 = arith.addi %add3A_244, %scan3A_209 : i32
        %get3A_246 = arith.index_cast %add3A_245 : i32 to index
        %get3A_247 = arith.constant 32 : index
        %get3A_248 = tpu.vector_load %arg8[%get3A_246, %get3A_247] {strides = array<i32>} : memref<128x128xf32, #tpu.memory_space<vmem>>, vector<1x16xf32>,
        %get3A_249 = vector.shape_cast %get3A_248 : vector<1x16xf32> to vector<16xf32>
        %add3A_250 = arith.addf %get3A_243, %get3A_249 : vector<16xf32>
        %swap3A_251 = arith.index_cast %scan3A_209 : i32 to index
        %swap3A_252 = arith.constant 32 : index
        %swap3A_253 = tpu.vector_load %arg8[%swap3A_251, %swap3A_252] {strides = array<i32>} : memref<128x128xf32, #tpu.memory_space<vmem>>, vector<1x16xf32>,
        %swap3A_254 = vector.shape_cast %swap3A_253 : vector<1x16xf32> to vector<16xf32>
        %swap3A_255 = vector.shape_cast %add3A_250 : vector<16xf32> to vector<1x16xf32>
        tpu.vector_store %arg8[%swap3A_251, %swap3A_252], %swap3A_255 {strides = array<i32>} : memref<128x128xf32, #tpu.memory_space<vmem>>, vector<1x16xf32>,
        %get3A_256 = arith.index_cast %scan3A_209 : i32 to index
        %get3A_257 = arith.constant 48 : index
        %get3A_258 = tpu.vector_load %arg8[%get3A_256, %get3A_257] {strides = array<i32>} : memref<128x128xf32, #tpu.memory_space<vmem>>, vector<1x16xf32>,
        %get3A_259 = vector.shape_cast %get3A_258 : vector<1x16xf32> to vector<16xf32>
        %add3A_260 = arith.constant 64 : i32
        %add3A_261 = arith.addi %add3A_260, %scan3A_209 : i32
        %get3A_262 = arith.index_cast %add3A_261 : i32 to index
        %get3A_263 = arith.constant 48 : index
        %get3A_264 = tpu.vector_load %arg8[%get3A_262, %get3A_263] {strides = array<i32>} : memref<128x128xf32, #tpu.memory_space<vmem>>, vector<1x16xf32>,
        %get3A_265 = vector.shape_cast %get3A_264 : vector<1x16xf32> to vector<16xf32>
        %add3A_266 = arith.addf %get3A_259, %get3A_265 : vector<16xf32>
        %swap3A_267 = arith.index_cast %scan3A_209 : i32 to index
        %swap3A_268 = arith.constant 48 : index
        %swap3A_269 = tpu.vector_load %arg8[%swap3A_267, %swap3A_268] {strides = array<i32>} : memref<128x128xf32, #tpu.memory_space<vmem>>, vector<1x16xf32>,
        %swap3A_270 = vector.shape_cast %swap3A_269 : vector<1x16xf32> to vector<16xf32>
        %swap3A_271 = vector.shape_cast %add3A_266 : vector<16xf32> to vector<1x16xf32>
        tpu.vector_store %arg8[%swap3A_267, %swap3A_268], %swap3A_271 {strides = array<i32>} : memref<128x128xf32, #tpu.memory_space<vmem>>, vector<1x16xf32>,
        %get3A_272 = arith.index_cast %scan3A_209 : i32 to index
        %get3A_273 = arith.constant 64 : index
        %get3A_274 = tpu.vector_load %arg8[%get3A_272, %get3A_273] {strides = array<i32>} : memref<128x128xf32, #tpu.memory_space<vmem>>, vector<1x16xf32>,
        %get3A_275 = vector.shape_cast %get3A_274 : vector<1x16xf32> to vector<16xf32>
        %add3A_276 = arith.constant 64 : i32
        %add3A_277 = arith.addi %add3A_276, %scan3A_209 : i32
        %get3A_278 = arith.index_cast %add3A_277 : i32 to index
        %get3A_279 = arith.constant 64 : index
        %get3A_280 = tpu.vector_load %arg8[%get3A_278, %get3A_279] {strides = array<i32>} : memref<128x128xf32, #tpu.memory_space<vmem>>, vector<1x16xf32>,
        %get3A_281 = vector.shape_cast %get3A_280 : vector<1x16xf32> to vector<16xf32>
        %add3A_282 = arith.addf %get3A_275, %get3A_281 : vector<16xf32>
        %swap3A_283 = arith.index_cast %scan3A_209 : i32 to index
        %swap3A_284 = arith.constant 64 : index
        %swap3A_285 = tpu.vector_load %arg8[%swap3A_283, %swap3A_284] {strides = array<i32>} : memref<128x128xf32, #tpu.memory_space<vmem>>, vector<1x16xf32>,
        %swap3A_286 = vector.shape_cast %swap3A_285 : vector<1x16xf32> to vector<16xf32>
        %swap3A_287 = vector.shape_cast %add3A_282 : vector<16xf32> to vector<1x16xf32>
        tpu.vector_store %arg8[%swap3A_283, %swap3A_284], %swap3A_287 {strides = array<i32>} : memref<128x128xf32, #tpu.memory_space<vmem>>, vector<1x16xf32>,
        %get3A_288 = arith.index_cast %scan3A_209 : i32 to index
        %get3A_289 = arith.constant 80 : index
        %get3A_290 = tpu.vector_load %arg8[%get3A_288, %get3A_289] {strides = array<i32>} : memref<128x128xf32, #tpu.memory_space<vmem>>, vector<1x16xf32>,
        %get3A_291 = vector.shape_cast %get3A_290 : vector<1x16xf32> to vector<16xf32>
        %add3A_292 = arith.constant 64 : i32
        %add3A_293 = arith.addi %add3A_292, %scan3A_209 : i32
        %get3A_294 = arith.index_cast %add3A_293 : i32 to index
        %get3A_295 = arith.constant 80 : index
        %get3A_296 = tpu.vector_load %arg8[%get3A_294, %get3A_295] {strides = array<i32>} : memref<128x128xf32, #tpu.memory_space<vmem>>, vector<1x16xf32>,
        %get3A_297 = vector.shape_cast %get3A_296 : vector<1x16xf32> to vector<16xf32>
        %add3A_298 = arith.addf %get3A_291, %get3A_297 : vector<16xf32>
        %swap3A_299 = arith.index_cast %scan3A_209 : i32 to index
        %swap3A_300 = arith.constant 80 : index
        %swap3A_301 = tpu.vector_load %arg8[%swap3A_299, %swap3A_300] {strides = array<i32>} : memref<128x128xf32, #tpu.memory_space<vmem>>, vector<1x16xf32>,
        %swap3A_302 = vector.shape_cast %swap3A_301 : vector<1x16xf32> to vector<16xf32>
        %swap3A_303 = vector.shape_cast %add3A_298 : vector<16xf32> to vector<1x16xf32>
        tpu.vector_store %arg8[%swap3A_299, %swap3A_300], %swap3A_303 {strides = array<i32>} : memref<128x128xf32, #tpu.memory_space<vmem>>, vector<1x16xf32>,
        %get3A_304 = arith.index_cast %scan3A_209 : i32 to index
        %get3A_305 = arith.constant 96 : index
        %get3A_306 = tpu.vector_load %arg8[%get3A_304, %get3A_305] {strides = array<i32>} : memref<128x128xf32, #tpu.memory_space<vmem>>, vector<1x16xf32>,
        %get3A_307 = vector.shape_cast %get3A_306 : vector<1x16xf32> to vector<16xf32>
        %add3A_308 = arith.constant 64 : i32
        %add3A_309 = arith.addi %add3A_308, %scan3A_209 : i32
        %get3A_310 = arith.index_cast %add3A_309 : i32 to index
        %get3A_311 = arith.constant 96 : index
        %get3A_312 = tpu.vector_load %arg8[%get3A_310, %get3A_311] {strides = array<i32>} : memref<128x128xf32, #tpu.memory_space<vmem>>, vector<1x16xf32>,
        %get3A_313 = vector.shape_cast %get3A_312 : vector<1x16xf32> to vector<16xf32>
        %add3A_314 = arith.addf %get3A_307, %get3A_313 : vector<16xf32>
        %swap3A_315 = arith.index_cast %scan3A_209 : i32 to index
        %swap3A_316 = arith.constant 96 : index
        %swap3A_317 = tpu.vector_load %arg8[%swap3A_315, %swap3A_316] {strides = array<i32>} : memref<128x128xf32, #tpu.memory_space<vmem>>, vector<1x16xf32>,
        %swap3A_318 = vector.shape_cast %swap3A_317 : vector<1x16xf32> to vector<16xf32>
        %swap3A_319 = vector.shape_cast %add3A_314 : vector<16xf32> to vector<1x16xf32>
        tpu.vector_store %arg8[%swap3A_315, %swap3A_316], %swap3A_319 {strides = array<i32>} : memref<128x128xf32, #tpu.memory_space<vmem>>, vector<1x16xf32>,
        %get3A_320 = arith.index_cast %scan3A_209 : i32 to index
        %get3A_321 = arith.constant 112 : index
        %get3A_322 = tpu.vector_load %arg8[%get3A_320, %get3A_321] {strides = array<i32>} : memref<128x128xf32, #tpu.memory_space<vmem>>, vector<1x16xf32>,
        %get3A_323 = vector.shape_cast %get3A_322 : vector<1x16xf32> to vector<16xf32>
        %add3A_324 = arith.constant 64 : i32
        %add3A_325 = arith.addi %add3A_324, %scan3A_209 : i32
        %get3A_326 = arith.index_cast %add3A_325 : i32 to index
        %get3A_327 = arith.constant 112 : index
        %get3A_328 = tpu.vector_load %arg8[%get3A_326, %get3A_327] {strides = array<i32>} : memref<128x128xf32, #tpu.memory_space<vmem>>, vector<1x16xf32>,
        %get3A_329 = vector.shape_cast %get3A_328 : vector<1x16xf32> to vector<16xf32>
        %add3A_330 = arith.addf %get3A_323, %get3A_329 : vector<16xf32>
        %swap3A_331 = arith.index_cast %scan3A_209 : i32 to index
        %swap3A_332 = arith.constant 112 : index
        %swap3A_333 = tpu.vector_load %arg8[%swap3A_331, %swap3A_332] {strides = array<i32>} : memref<128x128xf32, #tpu.memory_space<vmem>>, vector<1x16xf32>,
        %swap3A_334 = vector.shape_cast %swap3A_333 : vector<1x16xf32> to vector<16xf32>
        %swap3A_335 = vector.shape_cast %add3A_330 : vector<16xf32> to vector<1x16xf32>
        tpu.vector_store %arg8[%swap3A_331, %swap3A_332], %swap3A_335 {strides = array<i32>} : memref<128x128xf32, #tpu.memory_space<vmem>>, vector<1x16xf32>,
      }
      %scan3A_181 = arith.constant 64 : i32
      "tpu.region"() ({
        %run_scoped3A = tpu.sem_alloc : memref<!tpu.dma_semaphore, #tpu.memory_space<semaphore_mem>>
        %dma_start3A_209 = arith.constant 0 : i32
        %dma_start3A_210 = arith.constant 0 : i32
        %dma_start3A_211 = tpu.memref_slice %arg8[%dma_start3A_209, %dma_start3A_210] : memref<128x128xf32, #tpu.memory_space<vmem>> -> memref<64x128xf32, #tpu.memory_space<vmem>>
        %dma_start3A_212 = arith.constant 0 : i32
        %dma_start3A_213 = tpu.memref_slice %arg7[%mul3A_170, %dma_start3A_212] : memref<32x64xi32, #tpu.memory_space<vmem>> -> memref<1x64xi32, #tpu.memory_space<vmem>>
        %dma_start3A_214 = tpu.memref_squeeze %dma_start3A_213 : memref<1x64xi32, #tpu.memory_space<vmem>> -> memref<64xi32, #tpu.memory_space<vmem>>
        %dma_start3A_215 = arith.constant 0 : i32
        %dma_start3A_216 = arith.constant 0 : i32
        %dma_start3A_217 = tpu.memref_slice %arg10[%dma_start3A_215, %dma_start3A_216] : memref<10240x128xf32, #tpu.memory_space<vmem_shared>> -> memref<10240x128xf32, #tpu.memory_space<vmem_shared>>
        tpu.enqueue_indirect_dma source(%dma_start3A_211 : memref<64x128xf32, #tpu.memory_space<vmem>>) target(%dma_start3A_217 : memref<10240x128xf32, #tpu.memory_space<vmem_shared>>) offsets(%dma_start3A_214 : memref<64xi32, #tpu.memory_space<vmem>>) semaphore(%run_scoped3A : memref<!tpu.dma_semaphore, #tpu.memory_space<semaphore_mem>>) {add = true}
        %dma_wait3A_218 = arith.constant 0 : i32
        %dma_wait3A_219 = arith.constant 0 : i32
        %dma_wait3A_220 = tpu.memref_slice %arg8[%dma_wait3A_218, %dma_wait3A_219] : memref<128x128xf32, #tpu.memory_space<vmem>> -> memref<64x128xf32, #tpu.memory_space<vmem>>
        %dma_wait3A_221 = arith.constant 0 : i32
        %dma_wait3A_222 = tpu.memref_slice %arg7[%mul3A_170, %dma_wait3A_221] : memref<32x64xi32, #tpu.memory_space<vmem>> -> memref<1x64xi32, #tpu.memory_space<vmem>>
        %dma_wait3A_223 = tpu.memref_squeeze %dma_wait3A_222 : memref<1x64xi32, #tpu.memory_space<vmem>> -> memref<64xi32, #tpu.memory_space<vmem>>
        %dma_wait3A_224 = arith.constant 0 : i32
        %dma_wait3A_225 = arith.constant 0 : i32
        %dma_wait3A_226 = tpu.memref_slice %arg10[%dma_wait3A_224, %dma_wait3A_225] : memref<10240x128xf32, #tpu.memory_space<vmem_shared>> -> memref<10240x128xf32, #tpu.memory_space<vmem_shared>>
        tpu.wait_indirect_dma semaphore(%run_scoped3A : memref<!tpu.dma_semaphore, #tpu.memory_space<semaphore_mem>>) src(%dma_wait3A_220 : memref<64x128xf32, #tpu.memory_space<vmem>>) dst(%dma_wait3A_226 : memref<10240x128xf32, #tpu.memory_space<vmem_shared>>)
        tpu.yield
      }) : () -> ()
      %add3A_182 = arith.constant 2 : i32
      %add3A_183 = arith.addi %mul3A_170, %add3A_182 : i32
      %lt3A = arith.constant 32 : i32
      %lt3A_184 = arith.cmpi slt, %add3A_183, %lt3A : i32
      %convert_element_type3A = arith.extui %lt3A_184 : i1 to i32
      %cond3A = arith.constant 0 : i32
      %cond3A_185 = arith.cmpi ne, %convert_element_type3A, %cond3A : i32
      scf.if %cond3A_185 {
        %add3A_209 = arith.constant 2 : i32
        %add3A_210 = arith.addi %mul3A_170, %add3A_209 : i32
        %dma_start3A_211 = arith.constant 0 : i32
        %dma_start3A_212 = tpu.memref_slice %arg6[%add3A_210, %dma_start3A_211] : memref<32x128xi32, #tpu.memory_space<vmem>> -> memref<1x128xi32, #tpu.memory_space<vmem>>
        %dma_start3A_213 = tpu.memref_squeeze %dma_start3A_212 : memref<1x128xi32, #tpu.memory_space<vmem>> -> memref<128xi32, #tpu.memory_space<vmem>>
        %dma_start3A_214 = arith.constant 0 : i32
        %dma_start3A_215 = arith.constant 0 : i32
        %dma_start3A_216 = tpu.memref_slice %arg4[%dma_start3A_214, %dma_start3A_215] : memref<20000x128xf32, #tpu.memory_space<hbm>> -> memref<20000x128xf32, #tpu.memory_space<hbm>>
        tpu.enqueue_indirect_dma source(%dma_start3A_216 : memref<20000x128xf32, #tpu.memory_space<hbm>>) target(%arg8 : memref<128x128xf32, #tpu.memory_space<vmem>>) offsets(%dma_start3A_213 : memref<128xi32, #tpu.memory_space<vmem>>) semaphore(%arg11 : memref<!tpu.dma_semaphore, #tpu.memory_space<semaphore_mem>>)
      } else {
      }
      %mul3A_186 = arith.constant 2 : i32
      %mul3A_187 = arith.muli %mul3A_186, %scan3A_168 : i32
      %add3A_188 = arith.constant 1 : i32
      %add3A_189 = arith.addi %mul3A_187, %add3A_188 : i32
      %dma_wait3A_190 = arith.constant 0 : i32
      %dma_wait3A_191 = tpu.memref_slice %arg6[%add3A_189, %dma_wait3A_190] : memref<32x128xi32, #tpu.memory_space<vmem>> -> memref<1x128xi32, #tpu.memory_space<vmem>>
      %dma_wait3A_192 = tpu.memref_squeeze %dma_wait3A_191 : memref<1x128xi32, #tpu.memory_space<vmem>> -> memref<128xi32, #tpu.memory_space<vmem>>
      %dma_wait3A_193 = arith.constant 0 : i32
      %dma_wait3A_194 = arith.constant 0 : i32
      %dma_wait3A_195 = tpu.memref_slice %arg4[%dma_wait3A_193, %dma_wait3A_194] : memref<20000x128xf32, #tpu.memory_space<hbm>> -> memref<20000x128xf32, #tpu.memory_space<hbm>>
      tpu.wait_indirect_dma semaphore(%arg12 : memref<!tpu.dma_semaphore, #tpu.memory_space<semaphore_mem>>) src(%dma_wait3A_195 : memref<20000x128xf32, #tpu.memory_space<hbm>>) dst(%arg9 : memref<128x128xf32, #tpu.memory_space<vmem>>)
      %scan3A_196 = arith.constant 0 : i32
      %scan3A_197 = arith.constant 0 : i32
      %scan3A_198 = arith.constant 64 : i32
      %scan3A_199 = arith.addi %scan3A_197, %scan3A_198 : i32
      %scan3A_200 = arith.constant 1 : i32
      scf.for %scan3A_209 = %scan3A_197 to %scan3A_199 step %scan3A_200  : i32 {
        %get3A = arith.index_cast %scan3A_209 : i32 to index
        %get3A_210 = arith.constant 0 : index
        %get3A_211 = tpu.vector_load %arg9[%get3A, %get3A_210] {strides = array<i32>} : memref<128x128xf32, #tpu.memory_space<vmem>>, vector<1x16xf32>,
        %get3A_212 = vector.shape_cast %get3A_211 : vector<1x16xf32> to vector<16xf32>
        %add3A_213 = arith.constant 64 : i32
        %add3A_214 = arith.addi %add3A_213, %scan3A_209 : i32
        %get3A_215 = arith.index_cast %add3A_214 : i32 to index
        %get3A_216 = arith.constant 0 : index
        %get3A_217 = tpu.vector_load %arg9[%get3A_215, %get3A_216] {strides = array<i32>} : memref<128x128xf32, #tpu.memory_space<vmem>>, vector<1x16xf32>,
        %get3A_218 = vector.shape_cast %get3A_217 : vector<1x16xf32> to vector<16xf32>
        %add3A_219 = arith.addf %get3A_212, %get3A_218 : vector<16xf32>
        %swap3A = arith.index_cast %scan3A_209 : i32 to index
        %swap3A_220 = arith.constant 0 : index
        %swap3A_221 = tpu.vector_load %arg9[%swap3A, %swap3A_220] {strides = array<i32>} : memref<128x128xf32, #tpu.memory_space<vmem>>, vector<1x16xf32>,
        %swap3A_222 = vector.shape_cast %swap3A_221 : vector<1x16xf32> to vector<16xf32>
        %swap3A_223 = vector.shape_cast %add3A_219 : vector<16xf32> to vector<1x16xf32>
        tpu.vector_store %arg9[%swap3A, %swap3A_220], %swap3A_223 {strides = array<i32>} : memref<128x128xf32, #tpu.memory_space<vmem>>, vector<1x16xf32>,
        %get3A_224 = arith.index_cast %scan3A_209 : i32 to index
        %get3A_225 = arith.constant 16 : index
        %get3A_226 = tpu.vector_load %arg9[%get3A_224, %get3A_225] {strides = array<i32>} : memref<128x128xf32, #tpu.memory_space<vmem>>, vector<1x16xf32>,
        %get3A_227 = vector.shape_cast %get3A_226 : vector<1x16xf32> to vector<16xf32>
        %add3A_228 = arith.constant 64 : i32
        %add3A_229 = arith.addi %add3A_228, %scan3A_209 : i32
        %get3A_230 = arith.index_cast %add3A_229 : i32 to index
        %get3A_231 = arith.constant 16 : index
        %get3A_232 = tpu.vector_load %arg9[%get3A_230, %get3A_231] {strides = array<i32>} : memref<128x128xf32, #tpu.memory_space<vmem>>, vector<1x16xf32>,
        %get3A_233 = vector.shape_cast %get3A_232 : vector<1x16xf32> to vector<16xf32>
        %add3A_234 = arith.addf %get3A_227, %get3A_233 : vector<16xf32>
        %swap3A_235 = arith.index_cast %scan3A_209 : i32 to index
        %swap3A_236 = arith.constant 16 : index
        %swap3A_237 = tpu.vector_load %arg9[%swap3A_235, %swap3A_236] {strides = array<i32>} : memref<128x128xf32, #tpu.memory_space<vmem>>, vector<1x16xf32>,
        %swap3A_238 = vector.shape_cast %swap3A_237 : vector<1x16xf32> to vector<16xf32>
        %swap3A_239 = vector.shape_cast %add3A_234 : vector<16xf32> to vector<1x16xf32>
        tpu.vector_store %arg9[%swap3A_235, %swap3A_236], %swap3A_239 {strides = array<i32>} : memref<128x128xf32, #tpu.memory_space<vmem>>, vector<1x16xf32>,
        %get3A_240 = arith.index_cast %scan3A_209 : i32 to index
        %get3A_241 = arith.constant 32 : index
        %get3A_242 = tpu.vector_load %arg9[%get3A_240, %get3A_241] {strides = array<i32>} : memref<128x128xf32, #tpu.memory_space<vmem>>, vector<1x16xf32>,
        %get3A_243 = vector.shape_cast %get3A_242 : vector<1x16xf32> to vector<16xf32>
        %add3A_244 = arith.constant 64 : i32
        %add3A_245 = arith.addi %add3A_244, %scan3A_209 : i32
        %get3A_246 = arith.index_cast %add3A_245 : i32 to index
        %get3A_247 = arith.constant 32 : index
        %get3A_248 = tpu.vector_load %arg9[%get3A_246, %get3A_247] {strides = array<i32>} : memref<128x128xf32, #tpu.memory_space<vmem>>, vector<1x16xf32>,
        %get3A_249 = vector.shape_cast %get3A_248 : vector<1x16xf32> to vector<16xf32>
        %add3A_250 = arith.addf %get3A_243, %get3A_249 : vector<16xf32>
        %swap3A_251 = arith.index_cast %scan3A_209 : i32 to index
        %swap3A_252 = arith.constant 32 : index
        %swap3A_253 = tpu.vector_load %arg9[%swap3A_251, %swap3A_252] {strides = array<i32>} : memref<128x128xf32, #tpu.memory_space<vmem>>, vector<1x16xf32>,
        %swap3A_254 = vector.shape_cast %swap3A_253 : vector<1x16xf32> to vector<16xf32>
        %swap3A_255 = vector.shape_cast %add3A_250 : vector<16xf32> to vector<1x16xf32>
        tpu.vector_store %arg9[%swap3A_251, %swap3A_252], %swap3A_255 {strides = array<i32>} : memref<128x128xf32, #tpu.memory_space<vmem>>, vector<1x16xf32>,
        %get3A_256 = arith.index_cast %scan3A_209 : i32 to index
        %get3A_257 = arith.constant 48 : index
        %get3A_258 = tpu.vector_load %arg9[%get3A_256, %get3A_257] {strides = array<i32>} : memref<128x128xf32, #tpu.memory_space<vmem>>, vector<1x16xf32>,
        %get3A_259 = vector.shape_cast %get3A_258 : vector<1x16xf32> to vector<16xf32>
        %add3A_260 = arith.constant 64 : i32
        %add3A_261 = arith.addi %add3A_260, %scan3A_209 : i32
        %get3A_262 = arith.index_cast %add3A_261 : i32 to index
        %get3A_263 = arith.constant 48 : index
        %get3A_264 = tpu.vector_load %arg9[%get3A_262, %get3A_263] {strides = array<i32>} : memref<128x128xf32, #tpu.memory_space<vmem>>, vector<1x16xf32>,
        %get3A_265 = vector.shape_cast %get3A_264 : vector<1x16xf32> to vector<16xf32>
        %add3A_266 = arith.addf %get3A_259, %get3A_265 : vector<16xf32>
        %swap3A_267 = arith.index_cast %scan3A_209 : i32 to index
        %swap3A_268 = arith.constant 48 : index
        %swap3A_269 = tpu.vector_load %arg9[%swap3A_267, %swap3A_268] {strides = array<i32>} : memref<128x128xf32, #tpu.memory_space<vmem>>, vector<1x16xf32>,
        %swap3A_270 = vector.shape_cast %swap3A_269 : vector<1x16xf32> to vector<16xf32>
        %swap3A_271 = vector.shape_cast %add3A_266 : vector<16xf32> to vector<1x16xf32>
        tpu.vector_store %arg9[%swap3A_267, %swap3A_268], %swap3A_271 {strides = array<i32>} : memref<128x128xf32, #tpu.memory_space<vmem>>, vector<1x16xf32>,
        %get3A_272 = arith.index_cast %scan3A_209 : i32 to index
        %get3A_273 = arith.constant 64 : index
        %get3A_274 = tpu.vector_load %arg9[%get3A_272, %get3A_273] {strides = array<i32>} : memref<128x128xf32, #tpu.memory_space<vmem>>, vector<1x16xf32>,
        %get3A_275 = vector.shape_cast %get3A_274 : vector<1x16xf32> to vector<16xf32>
        %add3A_276 = arith.constant 64 : i32
        %add3A_277 = arith.addi %add3A_276, %scan3A_209 : i32
        %get3A_278 = arith.index_cast %add3A_277 : i32 to index
        %get3A_279 = arith.constant 64 : index
        %get3A_280 = tpu.vector_load %arg9[%get3A_278, %get3A_279] {strides = array<i32>} : memref<128x128xf32, #tpu.memory_space<vmem>>, vector<1x16xf32>,
        %get3A_281 = vector.shape_cast %get3A_280 : vector<1x16xf32> to vector<16xf32>
        %add3A_282 = arith.addf %get3A_275, %get3A_281 : vector<16xf32>
        %swap3A_283 = arith.index_cast %scan3A_209 : i32 to index
        %swap3A_284 = arith.constant 64 : index
        %swap3A_285 = tpu.vector_load %arg9[%swap3A_283, %swap3A_284] {strides = array<i32>} : memref<128x128xf32, #tpu.memory_space<vmem>>, vector<1x16xf32>,
        %swap3A_286 = vector.shape_cast %swap3A_285 : vector<1x16xf32> to vector<16xf32>
        %swap3A_287 = vector.shape_cast %add3A_282 : vector<16xf32> to vector<1x16xf32>
        tpu.vector_store %arg9[%swap3A_283, %swap3A_284], %swap3A_287 {strides = array<i32>} : memref<128x128xf32, #tpu.memory_space<vmem>>, vector<1x16xf32>,
        %get3A_288 = arith.index_cast %scan3A_209 : i32 to index
        %get3A_289 = arith.constant 80 : index
        %get3A_290 = tpu.vector_load %arg9[%get3A_288, %get3A_289] {strides = array<i32>} : memref<128x128xf32, #tpu.memory_space<vmem>>, vector<1x16xf32>,
        %get3A_291 = vector.shape_cast %get3A_290 : vector<1x16xf32> to vector<16xf32>
        %add3A_292 = arith.constant 64 : i32
        %add3A_293 = arith.addi %add3A_292, %scan3A_209 : i32
        %get3A_294 = arith.index_cast %add3A_293 : i32 to index
        %get3A_295 = arith.constant 80 : index
        %get3A_296 = tpu.vector_load %arg9[%get3A_294, %get3A_295] {strides = array<i32>} : memref<128x128xf32, #tpu.memory_space<vmem>>, vector<1x16xf32>,
        %get3A_297 = vector.shape_cast %get3A_296 : vector<1x16xf32> to vector<16xf32>
        %add3A_298 = arith.addf %get3A_291, %get3A_297 : vector<16xf32>
        %swap3A_299 = arith.index_cast %scan3A_209 : i32 to index
        %swap3A_300 = arith.constant 80 : index
        %swap3A_301 = tpu.vector_load %arg9[%swap3A_299, %swap3A_300] {strides = array<i32>} : memref<128x128xf32, #tpu.memory_space<vmem>>, vector<1x16xf32>,
        %swap3A_302 = vector.shape_cast %swap3A_301 : vector<1x16xf32> to vector<16xf32>
        %swap3A_303 = vector.shape_cast %add3A_298 : vector<16xf32> to vector<1x16xf32>
        tpu.vector_store %arg9[%swap3A_299, %swap3A_300], %swap3A_303 {strides = array<i32>} : memref<128x128xf32, #tpu.memory_space<vmem>>, vector<1x16xf32>,
        %get3A_304 = arith.index_cast %scan3A_209 : i32 to index
        %get3A_305 = arith.constant 96 : index
        %get3A_306 = tpu.vector_load %arg9[%get3A_304, %get3A_305] {strides = array<i32>} : memref<128x128xf32, #tpu.memory_space<vmem>>, vector<1x16xf32>,
        %get3A_307 = vector.shape_cast %get3A_306 : vector<1x16xf32> to vector<16xf32>
        %add3A_308 = arith.constant 64 : i32
        %add3A_309 = arith.addi %add3A_308, %scan3A_209 : i32
        %get3A_310 = arith.index_cast %add3A_309 : i32 to index
        %get3A_311 = arith.constant 96 : index
        %get3A_312 = tpu.vector_load %arg9[%get3A_310, %get3A_311] {strides = array<i32>} : memref<128x128xf32, #tpu.memory_space<vmem>>, vector<1x16xf32>,
        %get3A_313 = vector.shape_cast %get3A_312 : vector<1x16xf32> to vector<16xf32>
        %add3A_314 = arith.addf %get3A_307, %get3A_313 : vector<16xf32>
        %swap3A_315 = arith.index_cast %scan3A_209 : i32 to index
        %swap3A_316 = arith.constant 96 : index
        %swap3A_317 = tpu.vector_load %arg9[%swap3A_315, %swap3A_316] {strides = array<i32>} : memref<128x128xf32, #tpu.memory_space<vmem>>, vector<1x16xf32>,
        %swap3A_318 = vector.shape_cast %swap3A_317 : vector<1x16xf32> to vector<16xf32>
        %swap3A_319 = vector.shape_cast %add3A_314 : vector<16xf32> to vector<1x16xf32>
        tpu.vector_store %arg9[%swap3A_315, %swap3A_316], %swap3A_319 {strides = array<i32>} : memref<128x128xf32, #tpu.memory_space<vmem>>, vector<1x16xf32>,
        %get3A_320 = arith.index_cast %scan3A_209 : i32 to index
        %get3A_321 = arith.constant 112 : index
        %get3A_322 = tpu.vector_load %arg9[%get3A_320, %get3A_321] {strides = array<i32>} : memref<128x128xf32, #tpu.memory_space<vmem>>, vector<1x16xf32>,
        %get3A_323 = vector.shape_cast %get3A_322 : vector<1x16xf32> to vector<16xf32>
        %add3A_324 = arith.constant 64 : i32
        %add3A_325 = arith.addi %add3A_324, %scan3A_209 : i32
        %get3A_326 = arith.index_cast %add3A_325 : i32 to index
        %get3A_327 = arith.constant 112 : index
        %get3A_328 = tpu.vector_load %arg9[%get3A_326, %get3A_327] {strides = array<i32>} : memref<128x128xf32, #tpu.memory_space<vmem>>, vector<1x16xf32>,
        %get3A_329 = vector.shape_cast %get3A_328 : vector<1x16xf32> to vector<16xf32>
        %add3A_330 = arith.addf %get3A_323, %get3A_329 : vector<16xf32>
        %swap3A_331 = arith.index_cast %scan3A_209 : i32 to index
        %swap3A_332 = arith.constant 112 : index
        %swap3A_333 = tpu.vector_load %arg9[%swap3A_331, %swap3A_332] {strides = array<i32>} : memref<128x128xf32, #tpu.memory_space<vmem>>, vector<1x16xf32>,
        %swap3A_334 = vector.shape_cast %swap3A_333 : vector<1x16xf32> to vector<16xf32>
        %swap3A_335 = vector.shape_cast %add3A_330 : vector<16xf32> to vector<1x16xf32>
        tpu.vector_store %arg9[%swap3A_331, %swap3A_332], %swap3A_335 {strides = array<i32>} : memref<128x128xf32, #tpu.memory_space<vmem>>, vector<1x16xf32>,
      }
      %scan3A_201 = arith.constant 64 : i32
      "tpu.region"() ({
        %run_scoped3A = tpu.sem_alloc : memref<!tpu.dma_semaphore, #tpu.memory_space<semaphore_mem>>
        %dma_start3A_209 = arith.constant 0 : i32
        %dma_start3A_210 = arith.constant 0 : i32
        %dma_start3A_211 = tpu.memref_slice %arg9[%dma_start3A_209, %dma_start3A_210] : memref<128x128xf32, #tpu.memory_space<vmem>> -> memref<64x128xf32, #tpu.memory_space<vmem>>
        %dma_start3A_212 = arith.constant 0 : i32
        %dma_start3A_213 = tpu.memref_slice %arg7[%add3A_189, %dma_start3A_212] : memref<32x64xi32, #tpu.memory_space<vmem>> -> memref<1x64xi32, #tpu.memory_space<vmem>>
        %dma_start3A_214 = tpu.memref_squeeze %dma_start3A_213 : memref<1x64xi32, #tpu.memory_space<vmem>> -> memref<64xi32, #tpu.memory_space<vmem>>
        %dma_start3A_215 = arith.constant 0 : i32
        %dma_start3A_216 = arith.constant 0 : i32
        %dma_start3A_217 = tpu.memref_slice %arg10[%dma_start3A_215, %dma_start3A_216] : memref<10240x128xf32, #tpu.memory_space<vmem_shared>> -> memref<10240x128xf32, #tpu.memory_space<vmem_shared>>
        tpu.enqueue_indirect_dma source(%dma_start3A_211 : memref<64x128xf32, #tpu.memory_space<vmem>>) target(%dma_start3A_217 : memref<10240x128xf32, #tpu.memory_space<vmem_shared>>) offsets(%dma_start3A_214 : memref<64xi32, #tpu.memory_space<vmem>>) semaphore(%run_scoped3A : memref<!tpu.dma_semaphore, #tpu.memory_space<semaphore_mem>>) {add = true}
        %dma_wait3A_218 = arith.constant 0 : i32
        %dma_wait3A_219 = arith.constant 0 : i32
        %dma_wait3A_220 = tpu.memref_slice %arg9[%dma_wait3A_218, %dma_wait3A_219] : memref<128x128xf32, #tpu.memory_space<vmem>> -> memref<64x128xf32, #tpu.memory_space<vmem>>
        %dma_wait3A_221 = arith.constant 0 : i32
        %dma_wait3A_222 = tpu.memref_slice %arg7[%add3A_189, %dma_wait3A_221] : memref<32x64xi32, #tpu.memory_space<vmem>> -> memref<1x64xi32, #tpu.memory_space<vmem>>
        %dma_wait3A_223 = tpu.memref_squeeze %dma_wait3A_222 : memref<1x64xi32, #tpu.memory_space<vmem>> -> memref<64xi32, #tpu.memory_space<vmem>>
        %dma_wait3A_224 = arith.constant 0 : i32
        %dma_wait3A_225 = arith.constant 0 : i32
        %dma_wait3A_226 = tpu.memref_slice %arg10[%dma_wait3A_224, %dma_wait3A_225] : memref<10240x128xf32, #tpu.memory_space<vmem_shared>> -> memref<10240x128xf32, #tpu.memory_space<vmem_shared>>
        tpu.wait_indirect_dma semaphore(%run_scoped3A : memref<!tpu.dma_semaphore, #tpu.memory_space<semaphore_mem>>) src(%dma_wait3A_220 : memref<64x128xf32, #tpu.memory_space<vmem>>) dst(%dma_wait3A_226 : memref<10240x128xf32, #tpu.memory_space<vmem_shared>>)
        tpu.yield
      }) : () -> ()
      %add3A_202 = arith.constant 2 : i32
      %add3A_203 = arith.addi %add3A_189, %add3A_202 : i32
      %lt3A_204 = arith.constant 32 : i32
      %lt3A_205 = arith.cmpi slt, %add3A_203, %lt3A_204 : i32
      %convert_element_type3A_206 = arith.extui %lt3A_205 : i1 to i32
      %cond3A_207 = arith.constant 0 : i32
      %cond3A_208 = arith.cmpi ne, %convert_element_type3A_206, %cond3A_207 : i32
      scf.if %cond3A_208 {
        %add3A_209 = arith.constant 2 : i32
        %add3A_210 = arith.addi %add3A_189, %add3A_209 : i32
        %dma_start3A_211 = arith.constant 0 : i32
        %dma_start3A_212 = tpu.memref_slice %arg6[%add3A_210, %dma_start3A_211] : memref<32x128xi32, #tpu.memory_space<vmem>> -> memref<1x128xi32, #tpu.memory_space<vmem>>
        %dma_start3A_213 = tpu.memref_squeeze %dma_start3A_212 : memref<1x128xi32, #tpu.memory_space<vmem>> -> memref<128xi32, #tpu.memory_space<vmem>>
        %dma_start3A_214 = arith.constant 0 : i32
        %dma_start3A_215 = arith.constant 0 : i32
        %dma_start3A_216 = tpu.memref_slice %arg4[%dma_start3A_214, %dma_start3A_215] : memref<20000x128xf32, #tpu.memory_space<hbm>> -> memref<20000x128xf32, #tpu.memory_space<hbm>>
        tpu.enqueue_indirect_dma source(%dma_start3A_216 : memref<20000x128xf32, #tpu.memory_space<hbm>>) target(%arg9 : memref<128x128xf32, #tpu.memory_space<vmem>>) offsets(%dma_start3A_213 : memref<128xi32, #tpu.memory_space<vmem>>) semaphore(%arg12 : memref<!tpu.dma_semaphore, #tpu.memory_space<semaphore_mem>>)
      } else {
      }
    }
    %scan3A_122 = arith.constant 16 : i32
    %add3A_123 = arith.constant 128 : i32
    %add3A_124 = arith.addi %mul3A_27, %add3A_123 : i32
    "tpu.region"() ({
      %run_scoped3A = tpu.sem_alloc : memref<!tpu.dma_semaphore, #tpu.memory_space<semaphore_mem>>
      %dma_start3A_168 = arith.constant 0 : i32
      %dma_start3A_169 = tpu.memref_slice %arg2[%add3A_124, %dma_start3A_168] : memref<5120x128xi32, #tpu.memory_space<hbm>> -> memref<32x128xi32, #tpu.memory_space<hbm>>
      %dma_start3A_170 = arith.constant 0 : i32
      %dma_start3A_171 = tpu.memref_slice %arg2[%add3A_124, %dma_start3A_170] : memref<5120x128xi32, #tpu.memory_space<hbm>> -> memref<32x128xi32, #tpu.memory_space<hbm>>
      tpu.enqueue_dma source(%dma_start3A_171 : memref<32x128xi32, #tpu.memory_space<hbm>>) target(%arg6 : memref<32x128xi32, #tpu.memory_space<vmem>>) target_semaphore(%run_scoped3A : memref<!tpu.dma_semaphore, #tpu.memory_space<semaphore_mem>>)
      %dma_wait3A = arith.constant 0 : i32
      %dma_wait3A_172 = tpu.memref_slice %arg2[%add3A_124, %dma_wait3A] : memref<5120x128xi32, #tpu.memory_space<hbm>> -> memref<32x128xi32, #tpu.memory_space<hbm>>
      %dma_wait3A_173 = arith.constant 0 : i32
      %dma_wait3A_174 = tpu.memref_slice %arg2[%add3A_124, %dma_wait3A_173] : memref<5120x128xi32, #tpu.memory_space<hbm>> -> memref<32x128xi32, #tpu.memory_space<hbm>>
      tpu.wait_dma2 semaphore(%run_scoped3A : memref<!tpu.dma_semaphore, #tpu.memory_space<semaphore_mem>>) src(%dma_wait3A_174 : memref<32x128xi32, #tpu.memory_space<hbm>>) dst(%arg6 : memref<32x128xi32, #tpu.memory_space<vmem>>)
      tpu.yield
    }) : () -> ()
    %add3A_125 = arith.constant 128 : i32
    %add3A_126 = arith.addi %mul3A_27, %add3A_125 : i32
    "tpu.region"() ({
      %run_scoped3A = tpu.sem_alloc : memref<!tpu.dma_semaphore, #tpu.memory_space<semaphore_mem>>
      %dma_start3A_168 = arith.constant 0 : i32
      %dma_start3A_169 = tpu.memref_slice %arg3[%add3A_126, %dma_start3A_168] : memref<5120x64xi32, #tpu.memory_space<hbm>> -> memref<32x64xi32, #tpu.memory_space<hbm>>
      %dma_start3A_170 = arith.constant 0 : i32
      %dma_start3A_171 = tpu.memref_slice %arg3[%add3A_126, %dma_start3A_170] : memref<5120x64xi32, #tpu.memory_space<hbm>> -> memref<32x64xi32, #tpu.memory_space<hbm>>
      tpu.enqueue_dma source(%dma_start3A_171 : memref<32x64xi32, #tpu.memory_space<hbm>>) target(%arg7 : memref<32x64xi32, #tpu.memory_space<vmem>>) target_semaphore(%run_scoped3A : memref<!tpu.dma_semaphore, #tpu.memory_space<semaphore_mem>>)
      %dma_wait3A = arith.constant 0 : i32
      %dma_wait3A_172 = tpu.memref_slice %arg3[%add3A_126, %dma_wait3A] : memref<5120x64xi32, #tpu.memory_space<hbm>> -> memref<32x64xi32, #tpu.memory_space<hbm>>
      %dma_wait3A_173 = arith.constant 0 : i32
      %dma_wait3A_174 = tpu.memref_slice %arg3[%add3A_126, %dma_wait3A_173] : memref<5120x64xi32, #tpu.memory_space<hbm>> -> memref<32x64xi32, #tpu.memory_space<hbm>>
      tpu.wait_dma2 semaphore(%run_scoped3A : memref<!tpu.dma_semaphore, #tpu.memory_space<semaphore_mem>>) src(%dma_wait3A_174 : memref<32x64xi32, #tpu.memory_space<hbm>>) dst(%arg7 : memref<32x64xi32, #tpu.memory_space<vmem>>)
      tpu.yield
    }) : () -> ()
    %dma_start3A_127 = arith.constant 0 : i32
    %dma_start3A_128 = arith.constant 0 : i32
    %dma_start3A_129 = tpu.memref_slice %arg6[%dma_start3A_127, %dma_start3A_128] : memref<32x128xi32, #tpu.memory_space<vmem>> -> memref<1x128xi32, #tpu.memory_space<vmem>>
    %dma_start3A_130 = tpu.memref_squeeze %dma_start3A_129 : memref<1x128xi32, #tpu.memory_space<vmem>> -> memref<128xi32, #tpu.memory_space<vmem>>
    %dma_start3A_131 = arith.constant 0 : i32
    %dma_start3A_132 = arith.constant 0 : i32
    %dma_start3A_133 = tpu.memref_slice %arg4[%dma_start3A_131, %dma_start3A_132] : memref<20000x128xf32, #tpu.memory_space<hbm>> -> memref<20000x128xf32, #tpu.memory_space<hbm>>
    tpu.enqueue_indirect_dma source(%dma_start3A_133 : memref<20000x128xf32, #tpu.memory_space<hbm>>) target(%arg8 : memref<128x128xf32, #tpu.memory_space<vmem>>) offsets(%dma_start3A_130 : memref<128xi32, #tpu.memory_space<vmem>>) semaphore(%arg11 : memref<!tpu.dma_semaphore, #tpu.memory_space<semaphore_mem>>)
    %dma_start3A_134 = arith.constant 1 : i32
    %dma_start3A_135 = arith.constant 0 : i32
    %dma_start3A_136 = tpu.memref_slice %arg6[%dma_start3A_134, %dma_start3A_135] : memref<32x128xi32, #tpu.memory_space<vmem>> -> memref<1x128xi32, #tpu.memory_space<vmem>>
    %dma_start3A_137 = tpu.memref_squeeze %dma_start3A_136 : memref<1x128xi32, #tpu.memory_space<vmem>> -> memref<128xi32, #tpu.memory_space<vmem>>
    %dma_start3A_138 = arith.constant 0 : i32
    %dma_start3A_139 = arith.constant 0 : i32
    %dma_start3A_140 = tpu.memref_slice %arg4[%dma_start3A_138, %dma_start3A_139] : memref<20000x128xf32, #tpu.memory_space<hbm>> -> memref<20000x128xf32, #tpu.memory_space<hbm>>
    tpu.enqueue_indirect_dma source(%dma_start3A_140 : memref<20000x128xf32, #tpu.memory_space<hbm>>) target(%arg9 : memref<128x128xf32, #tpu.memory_space<vmem>>) offsets(%dma_start3A_137 : memref<128xi32, #tpu.memory_space<vmem>>) semaphore(%arg12 : memref<!tpu.dma_semaphore, #tpu.memory_space<semaphore_mem>>)
    %scan3A_141 = arith.constant 0 : i32
    %scan3A_142 = arith.constant 0 : i32
    %scan3A_143 = arith.constant 16 : i32
    %scan3A_144 = arith.addi %scan3A_142, %scan3A_143 : i32
    %scan3A_145 = arith.constant 1 : i32
    scf.for %scan3A_168 = %scan3A_142 to %scan3A_144 step %scan3A_145  : i32 {
      %mul3A_169 = arith.constant 2 : i32
      %mul3A_170 = arith.muli %mul3A_169, %scan3A_168 : i32
      %dma_wait3A = arith.constant 0 : i32
      %dma_wait3A_171 = tpu.memref_slice %arg6[%mul3A_170, %dma_wait3A] : memref<32x128xi32, #tpu.memory_space<vmem>> -> memref<1x128xi32, #tpu.memory_space<vmem>>
      %dma_wait3A_172 = tpu.memref_squeeze %dma_wait3A_171 : memref<1x128xi32, #tpu.memory_space<vmem>> -> memref<128xi32, #tpu.memory_space<vmem>>
      %dma_wait3A_173 = arith.constant 0 : i32
      %dma_wait3A_174 = arith.constant 0 : i32
      %dma_wait3A_175 = tpu.memref_slice %arg4[%dma_wait3A_173, %dma_wait3A_174] : memref<20000x128xf32, #tpu.memory_space<hbm>> -> memref<20000x128xf32, #tpu.memory_space<hbm>>
      tpu.wait_indirect_dma semaphore(%arg11 : memref<!tpu.dma_semaphore, #tpu.memory_space<semaphore_mem>>) src(%dma_wait3A_175 : memref<20000x128xf32, #tpu.memory_space<hbm>>) dst(%arg8 : memref<128x128xf32, #tpu.memory_space<vmem>>)
      %scan3A_176 = arith.constant 0 : i32
      %scan3A_177 = arith.constant 0 : i32
      %scan3A_178 = arith.constant 64 : i32
      %scan3A_179 = arith.addi %scan3A_177, %scan3A_178 : i32
      %scan3A_180 = arith.constant 1 : i32
      scf.for %scan3A_209 = %scan3A_177 to %scan3A_179 step %scan3A_180  : i32 {
        %get3A = arith.index_cast %scan3A_209 : i32 to index
        %get3A_210 = arith.constant 0 : index
        %get3A_211 = tpu.vector_load %arg8[%get3A, %get3A_210] {strides = array<i32>} : memref<128x128xf32, #tpu.memory_space<vmem>>, vector<1x16xf32>,
        %get3A_212 = vector.shape_cast %get3A_211 : vector<1x16xf32> to vector<16xf32>
        %add3A_213 = arith.constant 64 : i32
        %add3A_214 = arith.addi %add3A_213, %scan3A_209 : i32
        %get3A_215 = arith.index_cast %add3A_214 : i32 to index
        %get3A_216 = arith.constant 0 : index
        %get3A_217 = tpu.vector_load %arg8[%get3A_215, %get3A_216] {strides = array<i32>} : memref<128x128xf32, #tpu.memory_space<vmem>>, vector<1x16xf32>,
        %get3A_218 = vector.shape_cast %get3A_217 : vector<1x16xf32> to vector<16xf32>
        %add3A_219 = arith.addf %get3A_212, %get3A_218 : vector<16xf32>
        %swap3A = arith.index_cast %scan3A_209 : i32 to index
        %swap3A_220 = arith.constant 0 : index
        %swap3A_221 = tpu.vector_load %arg8[%swap3A, %swap3A_220] {strides = array<i32>} : memref<128x128xf32, #tpu.memory_space<vmem>>, vector<1x16xf32>,
        %swap3A_222 = vector.shape_cast %swap3A_221 : vector<1x16xf32> to vector<16xf32>
        %swap3A_223 = vector.shape_cast %add3A_219 : vector<16xf32> to vector<1x16xf32>
        tpu.vector_store %arg8[%swap3A, %swap3A_220], %swap3A_223 {strides = array<i32>} : memref<128x128xf32, #tpu.memory_space<vmem>>, vector<1x16xf32>,
        %get3A_224 = arith.index_cast %scan3A_209 : i32 to index
        %get3A_225 = arith.constant 16 : index
        %get3A_226 = tpu.vector_load %arg8[%get3A_224, %get3A_225] {strides = array<i32>} : memref<128x128xf32, #tpu.memory_space<vmem>>, vector<1x16xf32>,
        %get3A_227 = vector.shape_cast %get3A_226 : vector<1x16xf32> to vector<16xf32>
        %add3A_228 = arith.constant 64 : i32
        %add3A_229 = arith.addi %add3A_228, %scan3A_209 : i32
        %get3A_230 = arith.index_cast %add3A_229 : i32 to index
        %get3A_231 = arith.constant 16 : index
        %get3A_232 = tpu.vector_load %arg8[%get3A_230, %get3A_231] {strides = array<i32>} : memref<128x128xf32, #tpu.memory_space<vmem>>, vector<1x16xf32>,
        %get3A_233 = vector.shape_cast %get3A_232 : vector<1x16xf32> to vector<16xf32>
        %add3A_234 = arith.addf %get3A_227, %get3A_233 : vector<16xf32>
        %swap3A_235 = arith.index_cast %scan3A_209 : i32 to index
        %swap3A_236 = arith.constant 16 : index
        %swap3A_237 = tpu.vector_load %arg8[%swap3A_235, %swap3A_236] {strides = array<i32>} : memref<128x128xf32, #tpu.memory_space<vmem>>, vector<1x16xf32>,
        %swap3A_238 = vector.shape_cast %swap3A_237 : vector<1x16xf32> to vector<16xf32>
        %swap3A_239 = vector.shape_cast %add3A_234 : vector<16xf32> to vector<1x16xf32>
        tpu.vector_store %arg8[%swap3A_235, %swap3A_236], %swap3A_239 {strides = array<i32>} : memref<128x128xf32, #tpu.memory_space<vmem>>, vector<1x16xf32>,
        %get3A_240 = arith.index_cast %scan3A_209 : i32 to index
        %get3A_241 = arith.constant 32 : index
        %get3A_242 = tpu.vector_load %arg8[%get3A_240, %get3A_241] {strides = array<i32>} : memref<128x128xf32, #tpu.memory_space<vmem>>, vector<1x16xf32>,
        %get3A_243 = vector.shape_cast %get3A_242 : vector<1x16xf32> to vector<16xf32>
        %add3A_244 = arith.constant 64 : i32
        %add3A_245 = arith.addi %add3A_244, %scan3A_209 : i32
        %get3A_246 = arith.index_cast %add3A_245 : i32 to index
        %get3A_247 = arith.constant 32 : index
        %get3A_248 = tpu.vector_load %arg8[%get3A_246, %get3A_247] {strides = array<i32>} : memref<128x128xf32, #tpu.memory_space<vmem>>, vector<1x16xf32>,
        %get3A_249 = vector.shape_cast %get3A_248 : vector<1x16xf32> to vector<16xf32>
        %add3A_250 = arith.addf %get3A_243, %get3A_249 : vector<16xf32>
        %swap3A_251 = arith.index_cast %scan3A_209 : i32 to index
        %swap3A_252 = arith.constant 32 : index
        %swap3A_253 = tpu.vector_load %arg8[%swap3A_251, %swap3A_252] {strides = array<i32>} : memref<128x128xf32, #tpu.memory_space<vmem>>, vector<1x16xf32>,
        %swap3A_254 = vector.shape_cast %swap3A_253 : vector<1x16xf32> to vector<16xf32>
        %swap3A_255 = vector.shape_cast %add3A_250 : vector<16xf32> to vector<1x16xf32>
        tpu.vector_store %arg8[%swap3A_251, %swap3A_252], %swap3A_255 {strides = array<i32>} : memref<128x128xf32, #tpu.memory_space<vmem>>, vector<1x16xf32>,
        %get3A_256 = arith.index_cast %scan3A_209 : i32 to index
        %get3A_257 = arith.constant 48 : index
        %get3A_258 = tpu.vector_load %arg8[%get3A_256, %get3A_257] {strides = array<i32>} : memref<128x128xf32, #tpu.memory_space<vmem>>, vector<1x16xf32>,
        %get3A_259 = vector.shape_cast %get3A_258 : vector<1x16xf32> to vector<16xf32>
        %add3A_260 = arith.constant 64 : i32
        %add3A_261 = arith.addi %add3A_260, %scan3A_209 : i32
        %get3A_262 = arith.index_cast %add3A_261 : i32 to index
        %get3A_263 = arith.constant 48 : index
        %get3A_264 = tpu.vector_load %arg8[%get3A_262, %get3A_263] {strides = array<i32>} : memref<128x128xf32, #tpu.memory_space<vmem>>, vector<1x16xf32>,
        %get3A_265 = vector.shape_cast %get3A_264 : vector<1x16xf32> to vector<16xf32>
        %add3A_266 = arith.addf %get3A_259, %get3A_265 : vector<16xf32>
        %swap3A_267 = arith.index_cast %scan3A_209 : i32 to index
        %swap3A_268 = arith.constant 48 : index
        %swap3A_269 = tpu.vector_load %arg8[%swap3A_267, %swap3A_268] {strides = array<i32>} : memref<128x128xf32, #tpu.memory_space<vmem>>, vector<1x16xf32>,
        %swap3A_270 = vector.shape_cast %swap3A_269 : vector<1x16xf32> to vector<16xf32>
        %swap3A_271 = vector.shape_cast %add3A_266 : vector<16xf32> to vector<1x16xf32>
        tpu.vector_store %arg8[%swap3A_267, %swap3A_268], %swap3A_271 {strides = array<i32>} : memref<128x128xf32, #tpu.memory_space<vmem>>, vector<1x16xf32>,
        %get3A_272 = arith.index_cast %scan3A_209 : i32 to index
        %get3A_273 = arith.constant 64 : index
        %get3A_274 = tpu.vector_load %arg8[%get3A_272, %get3A_273] {strides = array<i32>} : memref<128x128xf32, #tpu.memory_space<vmem>>, vector<1x16xf32>,
        %get3A_275 = vector.shape_cast %get3A_274 : vector<1x16xf32> to vector<16xf32>
        %add3A_276 = arith.constant 64 : i32
        %add3A_277 = arith.addi %add3A_276, %scan3A_209 : i32
        %get3A_278 = arith.index_cast %add3A_277 : i32 to index
        %get3A_279 = arith.constant 64 : index
        %get3A_280 = tpu.vector_load %arg8[%get3A_278, %get3A_279] {strides = array<i32>} : memref<128x128xf32, #tpu.memory_space<vmem>>, vector<1x16xf32>,
        %get3A_281 = vector.shape_cast %get3A_280 : vector<1x16xf32> to vector<16xf32>
        %add3A_282 = arith.addf %get3A_275, %get3A_281 : vector<16xf32>
        %swap3A_283 = arith.index_cast %scan3A_209 : i32 to index
        %swap3A_284 = arith.constant 64 : index
        %swap3A_285 = tpu.vector_load %arg8[%swap3A_283, %swap3A_284] {strides = array<i32>} : memref<128x128xf32, #tpu.memory_space<vmem>>, vector<1x16xf32>,
        %swap3A_286 = vector.shape_cast %swap3A_285 : vector<1x16xf32> to vector<16xf32>
        %swap3A_287 = vector.shape_cast %add3A_282 : vector<16xf32> to vector<1x16xf32>
        tpu.vector_store %arg8[%swap3A_283, %swap3A_284], %swap3A_287 {strides = array<i32>} : memref<128x128xf32, #tpu.memory_space<vmem>>, vector<1x16xf32>,
        %get3A_288 = arith.index_cast %scan3A_209 : i32 to index
        %get3A_289 = arith.constant 80 : index
        %get3A_290 = tpu.vector_load %arg8[%get3A_288, %get3A_289] {strides = array<i32>} : memref<128x128xf32, #tpu.memory_space<vmem>>, vector<1x16xf32>,
        %get3A_291 = vector.shape_cast %get3A_290 : vector<1x16xf32> to vector<16xf32>
        %add3A_292 = arith.constant 64 : i32
        %add3A_293 = arith.addi %add3A_292, %scan3A_209 : i32
        %get3A_294 = arith.index_cast %add3A_293 : i32 to index
        %get3A_295 = arith.constant 80 : index
        %get3A_296 = tpu.vector_load %arg8[%get3A_294, %get3A_295] {strides = array<i32>} : memref<128x128xf32, #tpu.memory_space<vmem>>, vector<1x16xf32>,
        %get3A_297 = vector.shape_cast %get3A_296 : vector<1x16xf32> to vector<16xf32>
        %add3A_298 = arith.addf %get3A_291, %get3A_297 : vector<16xf32>
        %swap3A_299 = arith.index_cast %scan3A_209 : i32 to index
        %swap3A_300 = arith.constant 80 : index
        %swap3A_301 = tpu.vector_load %arg8[%swap3A_299, %swap3A_300] {strides = array<i32>} : memref<128x128xf32, #tpu.memory_space<vmem>>, vector<1x16xf32>,
        %swap3A_302 = vector.shape_cast %swap3A_301 : vector<1x16xf32> to vector<16xf32>
        %swap3A_303 = vector.shape_cast %add3A_298 : vector<16xf32> to vector<1x16xf32>
        tpu.vector_store %arg8[%swap3A_299, %swap3A_300], %swap3A_303 {strides = array<i32>} : memref<128x128xf32, #tpu.memory_space<vmem>>, vector<1x16xf32>,
        %get3A_304 = arith.index_cast %scan3A_209 : i32 to index
        %get3A_305 = arith.constant 96 : index
        %get3A_306 = tpu.vector_load %arg8[%get3A_304, %get3A_305] {strides = array<i32>} : memref<128x128xf32, #tpu.memory_space<vmem>>, vector<1x16xf32>,
        %get3A_307 = vector.shape_cast %get3A_306 : vector<1x16xf32> to vector<16xf32>
        %add3A_308 = arith.constant 64 : i32
        %add3A_309 = arith.addi %add3A_308, %scan3A_209 : i32
        %get3A_310 = arith.index_cast %add3A_309 : i32 to index
        %get3A_311 = arith.constant 96 : index
        %get3A_312 = tpu.vector_load %arg8[%get3A_310, %get3A_311] {strides = array<i32>} : memref<128x128xf32, #tpu.memory_space<vmem>>, vector<1x16xf32>,
        %get3A_313 = vector.shape_cast %get3A_312 : vector<1x16xf32> to vector<16xf32>
        %add3A_314 = arith.addf %get3A_307, %get3A_313 : vector<16xf32>
        %swap3A_315 = arith.index_cast %scan3A_209 : i32 to index
        %swap3A_316 = arith.constant 96 : index
        %swap3A_317 = tpu.vector_load %arg8[%swap3A_315, %swap3A_316] {strides = array<i32>} : memref<128x128xf32, #tpu.memory_space<vmem>>, vector<1x16xf32>,
        %swap3A_318 = vector.shape_cast %swap3A_317 : vector<1x16xf32> to vector<16xf32>
        %swap3A_319 = vector.shape_cast %add3A_314 : vector<16xf32> to vector<1x16xf32>
        tpu.vector_store %arg8[%swap3A_315, %swap3A_316], %swap3A_319 {strides = array<i32>} : memref<128x128xf32, #tpu.memory_space<vmem>>, vector<1x16xf32>,
        %get3A_320 = arith.index_cast %scan3A_209 : i32 to index
        %get3A_321 = arith.constant 112 : index
        %get3A_322 = tpu.vector_load %arg8[%get3A_320, %get3A_321] {strides = array<i32>} : memref<128x128xf32, #tpu.memory_space<vmem>>, vector<1x16xf32>,
        %get3A_323 = vector.shape_cast %get3A_322 : vector<1x16xf32> to vector<16xf32>
        %add3A_324 = arith.constant 64 : i32
        %add3A_325 = arith.addi %add3A_324, %scan3A_209 : i32
        %get3A_326 = arith.index_cast %add3A_325 : i32 to index
        %get3A_327 = arith.constant 112 : index
        %get3A_328 = tpu.vector_load %arg8[%get3A_326, %get3A_327] {strides = array<i32>} : memref<128x128xf32, #tpu.memory_space<vmem>>, vector<1x16xf32>,
        %get3A_329 = vector.shape_cast %get3A_328 : vector<1x16xf32> to vector<16xf32>
        %add3A_330 = arith.addf %get3A_323, %get3A_329 : vector<16xf32>
        %swap3A_331 = arith.index_cast %scan3A_209 : i32 to index
        %swap3A_332 = arith.constant 112 : index
        %swap3A_333 = tpu.vector_load %arg8[%swap3A_331, %swap3A_332] {strides = array<i32>} : memref<128x128xf32, #tpu.memory_space<vmem>>, vector<1x16xf32>,
        %swap3A_334 = vector.shape_cast %swap3A_333 : vector<1x16xf32> to vector<16xf32>
        %swap3A_335 = vector.shape_cast %add3A_330 : vector<16xf32> to vector<1x16xf32>
        tpu.vector_store %arg8[%swap3A_331, %swap3A_332], %swap3A_335 {strides = array<i32>} : memref<128x128xf32, #tpu.memory_space<vmem>>, vector<1x16xf32>,
      }
      %scan3A_181 = arith.constant 64 : i32
      "tpu.region"() ({
        %run_scoped3A = tpu.sem_alloc : memref<!tpu.dma_semaphore, #tpu.memory_space<semaphore_mem>>
        %dma_start3A_209 = arith.constant 0 : i32
        %dma_start3A_210 = arith.constant 0 : i32
        %dma_start3A_211 = tpu.memref_slice %arg8[%dma_start3A_209, %dma_start3A_210] : memref<128x128xf32, #tpu.memory_space<vmem>> -> memref<64x128xf32, #tpu.memory_space<vmem>>
        %dma_start3A_212 = arith.constant 0 : i32
        %dma_start3A_213 = tpu.memref_slice %arg7[%mul3A_170, %dma_start3A_212] : memref<32x64xi32, #tpu.memory_space<vmem>> -> memref<1x64xi32, #tpu.memory_space<vmem>>
        %dma_start3A_214 = tpu.memref_squeeze %dma_start3A_213 : memref<1x64xi32, #tpu.memory_space<vmem>> -> memref<64xi32, #tpu.memory_space<vmem>>
        %dma_start3A_215 = arith.constant 0 : i32
        %dma_start3A_216 = arith.constant 0 : i32
        %dma_start3A_217 = tpu.memref_slice %arg10[%dma_start3A_215, %dma_start3A_216] : memref<10240x128xf32, #tpu.memory_space<vmem_shared>> -> memref<10240x128xf32, #tpu.memory_space<vmem_shared>>
        tpu.enqueue_indirect_dma source(%dma_start3A_211 : memref<64x128xf32, #tpu.memory_space<vmem>>) target(%dma_start3A_217 : memref<10240x128xf32, #tpu.memory_space<vmem_shared>>) offsets(%dma_start3A_214 : memref<64xi32, #tpu.memory_space<vmem>>) semaphore(%run_scoped3A : memref<!tpu.dma_semaphore, #tpu.memory_space<semaphore_mem>>) {add = true}
        %dma_wait3A_218 = arith.constant 0 : i32
        %dma_wait3A_219 = arith.constant 0 : i32
        %dma_wait3A_220 = tpu.memref_slice %arg8[%dma_wait3A_218, %dma_wait3A_219] : memref<128x128xf32, #tpu.memory_space<vmem>> -> memref<64x128xf32, #tpu.memory_space<vmem>>
        %dma_wait3A_221 = arith.constant 0 : i32
        %dma_wait3A_222 = tpu.memref_slice %arg7[%mul3A_170, %dma_wait3A_221] : memref<32x64xi32, #tpu.memory_space<vmem>> -> memref<1x64xi32, #tpu.memory_space<vmem>>
        %dma_wait3A_223 = tpu.memref_squeeze %dma_wait3A_222 : memref<1x64xi32, #tpu.memory_space<vmem>> -> memref<64xi32, #tpu.memory_space<vmem>>
        %dma_wait3A_224 = arith.constant 0 : i32
        %dma_wait3A_225 = arith.constant 0 : i32
        %dma_wait3A_226 = tpu.memref_slice %arg10[%dma_wait3A_224, %dma_wait3A_225] : memref<10240x128xf32, #tpu.memory_space<vmem_shared>> -> memref<10240x128xf32, #tpu.memory_space<vmem_shared>>
        tpu.wait_indirect_dma semaphore(%run_scoped3A : memref<!tpu.dma_semaphore, #tpu.memory_space<semaphore_mem>>) src(%dma_wait3A_220 : memref<64x128xf32, #tpu.memory_space<vmem>>) dst(%dma_wait3A_226 : memref<10240x128xf32, #tpu.memory_space<vmem_shared>>)
        tpu.yield
      }) : () -> ()
      %add3A_182 = arith.constant 2 : i32
      %add3A_183 = arith.addi %mul3A_170, %add3A_182 : i32
      %lt3A = arith.constant 32 : i32
      %lt3A_184 = arith.cmpi slt, %add3A_183, %lt3A : i32
      %convert_element_type3A = arith.extui %lt3A_184 : i1 to i32
      %cond3A = arith.constant 0 : i32
      %cond3A_185 = arith.cmpi ne, %convert_element_type3A, %cond3A : i32
      scf.if %cond3A_185 {
        %add3A_209 = arith.constant 2 : i32
        %add3A_210 = arith.addi %mul3A_170, %add3A_209 : i32
        %dma_start3A_211 = arith.constant 0 : i32
        %dma_start3A_212 = tpu.memref_slice %arg6[%add3A_210, %dma_start3A_211] : memref<32x128xi32, #tpu.memory_space<vmem>> -> memref<1x128xi32, #tpu.memory_space<vmem>>
        %dma_start3A_213 = tpu.memref_squeeze %dma_start3A_212 : memref<1x128xi32, #tpu.memory_space<vmem>> -> memref<128xi32, #tpu.memory_space<vmem>>
        %dma_start3A_214 = arith.constant 0 : i32
        %dma_start3A_215 = arith.constant 0 : i32
        %dma_start3A_216 = tpu.memref_slice %arg4[%dma_start3A_214, %dma_start3A_215] : memref<20000x128xf32, #tpu.memory_space<hbm>> -> memref<20000x128xf32, #tpu.memory_space<hbm>>
        tpu.enqueue_indirect_dma source(%dma_start3A_216 : memref<20000x128xf32, #tpu.memory_space<hbm>>) target(%arg8 : memref<128x128xf32, #tpu.memory_space<vmem>>) offsets(%dma_start3A_213 : memref<128xi32, #tpu.memory_space<vmem>>) semaphore(%arg11 : memref<!tpu.dma_semaphore, #tpu.memory_space<semaphore_mem>>)
      } else {
      }
      %mul3A_186 = arith.constant 2 : i32
      %mul3A_187 = arith.muli %mul3A_186, %scan3A_168 : i32
      %add3A_188 = arith.constant 1 : i32
      %add3A_189 = arith.addi %mul3A_187, %add3A_188 : i32
      %dma_wait3A_190 = arith.constant 0 : i32
      %dma_wait3A_191 = tpu.memref_slice %arg6[%add3A_189, %dma_wait3A_190] : memref<32x128xi32, #tpu.memory_space<vmem>> -> memref<1x128xi32, #tpu.memory_space<vmem>>
      %dma_wait3A_192 = tpu.memref_squeeze %dma_wait3A_191 : memref<1x128xi32, #tpu.memory_space<vmem>> -> memref<128xi32, #tpu.memory_space<vmem>>
      %dma_wait3A_193 = arith.constant 0 : i32
      %dma_wait3A_194 = arith.constant 0 : i32
      %dma_wait3A_195 = tpu.memref_slice %arg4[%dma_wait3A_193, %dma_wait3A_194] : memref<20000x128xf32, #tpu.memory_space<hbm>> -> memref<20000x128xf32, #tpu.memory_space<hbm>>
      tpu.wait_indirect_dma semaphore(%arg12 : memref<!tpu.dma_semaphore, #tpu.memory_space<semaphore_mem>>) src(%dma_wait3A_195 : memref<20000x128xf32, #tpu.memory_space<hbm>>) dst(%arg9 : memref<128x128xf32, #tpu.memory_space<vmem>>)
      %scan3A_196 = arith.constant 0 : i32
      %scan3A_197 = arith.constant 0 : i32
      %scan3A_198 = arith.constant 64 : i32
      %scan3A_199 = arith.addi %scan3A_197, %scan3A_198 : i32
      %scan3A_200 = arith.constant 1 : i32
      scf.for %scan3A_209 = %scan3A_197 to %scan3A_199 step %scan3A_200  : i32 {
        %get3A = arith.index_cast %scan3A_209 : i32 to index
        %get3A_210 = arith.constant 0 : index
        %get3A_211 = tpu.vector_load %arg9[%get3A, %get3A_210] {strides = array<i32>} : memref<128x128xf32, #tpu.memory_space<vmem>>, vector<1x16xf32>,
        %get3A_212 = vector.shape_cast %get3A_211 : vector<1x16xf32> to vector<16xf32>
        %add3A_213 = arith.constant 64 : i32
        %add3A_214 = arith.addi %add3A_213, %scan3A_209 : i32
        %get3A_215 = arith.index_cast %add3A_214 : i32 to index
        %get3A_216 = arith.constant 0 : index
        %get3A_217 = tpu.vector_load %arg9[%get3A_215, %get3A_216] {strides = array<i32>} : memref<128x128xf32, #tpu.memory_space<vmem>>, vector<1x16xf32>,
        %get3A_218 = vector.shape_cast %get3A_217 : vector<1x16xf32> to vector<16xf32>
        %add3A_219 = arith.addf %get3A_212, %get3A_218 : vector<16xf32>
        %swap3A = arith.index_cast %scan3A_209 : i32 to index
        %swap3A_220 = arith.constant 0 : index
        %swap3A_221 = tpu.vector_load %arg9[%swap3A, %swap3A_220] {strides = array<i32>} : memref<128x128xf32, #tpu.memory_space<vmem>>, vector<1x16xf32>,
        %swap3A_222 = vector.shape_cast %swap3A_221 : vector<1x16xf32> to vector<16xf32>
        %swap3A_223 = vector.shape_cast %add3A_219 : vector<16xf32> to vector<1x16xf32>
        tpu.vector_store %arg9[%swap3A, %swap3A_220], %swap3A_223 {strides = array<i32>} : memref<128x128xf32, #tpu.memory_space<vmem>>, vector<1x16xf32>,
        %get3A_224 = arith.index_cast %scan3A_209 : i32 to index
        %get3A_225 = arith.constant 16 : index
        %get3A_226 = tpu.vector_load %arg9[%get3A_224, %get3A_225] {strides = array<i32>} : memref<128x128xf32, #tpu.memory_space<vmem>>, vector<1x16xf32>,
        %get3A_227 = vector.shape_cast %get3A_226 : vector<1x16xf32> to vector<16xf32>
        %add3A_228 = arith.constant 64 : i32
        %add3A_229 = arith.addi %add3A_228, %scan3A_209 : i32
        %get3A_230 = arith.index_cast %add3A_229 : i32 to index
        %get3A_231 = arith.constant 16 : index
        %get3A_232 = tpu.vector_load %arg9[%get3A_230, %get3A_231] {strides = array<i32>} : memref<128x128xf32, #tpu.memory_space<vmem>>, vector<1x16xf32>,
        %get3A_233 = vector.shape_cast %get3A_232 : vector<1x16xf32> to vector<16xf32>
        %add3A_234 = arith.addf %get3A_227, %get3A_233 : vector<16xf32>
        %swap3A_235 = arith.index_cast %scan3A_209 : i32 to index
        %swap3A_236 = arith.constant 16 : index
        %swap3A_237 = tpu.vector_load %arg9[%swap3A_235, %swap3A_236] {strides = array<i32>} : memref<128x128xf32, #tpu.memory_space<vmem>>, vector<1x16xf32>,
        %swap3A_238 = vector.shape_cast %swap3A_237 : vector<1x16xf32> to vector<16xf32>
        %swap3A_239 = vector.shape_cast %add3A_234 : vector<16xf32> to vector<1x16xf32>
        tpu.vector_store %arg9[%swap3A_235, %swap3A_236], %swap3A_239 {strides = array<i32>} : memref<128x128xf32, #tpu.memory_space<vmem>>, vector<1x16xf32>,
        %get3A_240 = arith.index_cast %scan3A_209 : i32 to index
        %get3A_241 = arith.constant 32 : index
        %get3A_242 = tpu.vector_load %arg9[%get3A_240, %get3A_241] {strides = array<i32>} : memref<128x128xf32, #tpu.memory_space<vmem>>, vector<1x16xf32>,
        %get3A_243 = vector.shape_cast %get3A_242 : vector<1x16xf32> to vector<16xf32>
        %add3A_244 = arith.constant 64 : i32
        %add3A_245 = arith.addi %add3A_244, %scan3A_209 : i32
        %get3A_246 = arith.index_cast %add3A_245 : i32 to index
        %get3A_247 = arith.constant 32 : index
        %get3A_248 = tpu.vector_load %arg9[%get3A_246, %get3A_247] {strides = array<i32>} : memref<128x128xf32, #tpu.memory_space<vmem>>, vector<1x16xf32>,
        %get3A_249 = vector.shape_cast %get3A_248 : vector<1x16xf32> to vector<16xf32>
        %add3A_250 = arith.addf %get3A_243, %get3A_249 : vector<16xf32>
        %swap3A_251 = arith.index_cast %scan3A_209 : i32 to index
        %swap3A_252 = arith.constant 32 : index
        %swap3A_253 = tpu.vector_load %arg9[%swap3A_251, %swap3A_252] {strides = array<i32>} : memref<128x128xf32, #tpu.memory_space<vmem>>, vector<1x16xf32>,
        %swap3A_254 = vector.shape_cast %swap3A_253 : vector<1x16xf32> to vector<16xf32>
        %swap3A_255 = vector.shape_cast %add3A_250 : vector<16xf32> to vector<1x16xf32>
        tpu.vector_store %arg9[%swap3A_251, %swap3A_252], %swap3A_255 {strides = array<i32>} : memref<128x128xf32, #tpu.memory_space<vmem>>, vector<1x16xf32>,
        %get3A_256 = arith.index_cast %scan3A_209 : i32 to index
        %get3A_257 = arith.constant 48 : index
        %get3A_258 = tpu.vector_load %arg9[%get3A_256, %get3A_257] {strides = array<i32>} : memref<128x128xf32, #tpu.memory_space<vmem>>, vector<1x16xf32>,
        %get3A_259 = vector.shape_cast %get3A_258 : vector<1x16xf32> to vector<16xf32>
        %add3A_260 = arith.constant 64 : i32
        %add3A_261 = arith.addi %add3A_260, %scan3A_209 : i32
        %get3A_262 = arith.index_cast %add3A_261 : i32 to index
        %get3A_263 = arith.constant 48 : index
        %get3A_264 = tpu.vector_load %arg9[%get3A_262, %get3A_263] {strides = array<i32>} : memref<128x128xf32, #tpu.memory_space<vmem>>, vector<1x16xf32>,
        %get3A_265 = vector.shape_cast %get3A_264 : vector<1x16xf32> to vector<16xf32>
        %add3A_266 = arith.addf %get3A_259, %get3A_265 : vector<16xf32>
        %swap3A_267 = arith.index_cast %scan3A_209 : i32 to index
        %swap3A_268 = arith.constant 48 : index
        %swap3A_269 = tpu.vector_load %arg9[%swap3A_267, %swap3A_268] {strides = array<i32>} : memref<128x128xf32, #tpu.memory_space<vmem>>, vector<1x16xf32>,
        %swap3A_270 = vector.shape_cast %swap3A_269 : vector<1x16xf32> to vector<16xf32>
        %swap3A_271 = vector.shape_cast %add3A_266 : vector<16xf32> to vector<1x16xf32>
        tpu.vector_store %arg9[%swap3A_267, %swap3A_268], %swap3A_271 {strides = array<i32>} : memref<128x128xf32, #tpu.memory_space<vmem>>, vector<1x16xf32>,
        %get3A_272 = arith.index_cast %scan3A_209 : i32 to index
        %get3A_273 = arith.constant 64 : index
        %get3A_274 = tpu.vector_load %arg9[%get3A_272, %get3A_273] {strides = array<i32>} : memref<128x128xf32, #tpu.memory_space<vmem>>, vector<1x16xf32>,
        %get3A_275 = vector.shape_cast %get3A_274 : vector<1x16xf32> to vector<16xf32>
        %add3A_276 = arith.constant 64 : i32
        %add3A_277 = arith.addi %add3A_276, %scan3A_209 : i32
        %get3A_278 = arith.index_cast %add3A_277 : i32 to index
        %get3A_279 = arith.constant 64 : index
        %get3A_280 = tpu.vector_load %arg9[%get3A_278, %get3A_279] {strides = array<i32>} : memref<128x128xf32, #tpu.memory_space<vmem>>, vector<1x16xf32>,
        %get3A_281 = vector.shape_cast %get3A_280 : vector<1x16xf32> to vector<16xf32>
        %add3A_282 = arith.addf %get3A_275, %get3A_281 : vector<16xf32>
        %swap3A_283 = arith.index_cast %scan3A_209 : i32 to index
        %swap3A_284 = arith.constant 64 : index
        %swap3A_285 = tpu.vector_load %arg9[%swap3A_283, %swap3A_284] {strides = array<i32>} : memref<128x128xf32, #tpu.memory_space<vmem>>, vector<1x16xf32>,
        %swap3A_286 = vector.shape_cast %swap3A_285 : vector<1x16xf32> to vector<16xf32>
        %swap3A_287 = vector.shape_cast %add3A_282 : vector<16xf32> to vector<1x16xf32>
        tpu.vector_store %arg9[%swap3A_283, %swap3A_284], %swap3A_287 {strides = array<i32>} : memref<128x128xf32, #tpu.memory_space<vmem>>, vector<1x16xf32>,
        %get3A_288 = arith.index_cast %scan3A_209 : i32 to index
        %get3A_289 = arith.constant 80 : index
        %get3A_290 = tpu.vector_load %arg9[%get3A_288, %get3A_289] {strides = array<i32>} : memref<128x128xf32, #tpu.memory_space<vmem>>, vector<1x16xf32>,
        %get3A_291 = vector.shape_cast %get3A_290 : vector<1x16xf32> to vector<16xf32>
        %add3A_292 = arith.constant 64 : i32
        %add3A_293 = arith.addi %add3A_292, %scan3A_209 : i32
        %get3A_294 = arith.index_cast %add3A_293 : i32 to index
        %get3A_295 = arith.constant 80 : index
        %get3A_296 = tpu.vector_load %arg9[%get3A_294, %get3A_295] {strides = array<i32>} : memref<128x128xf32, #tpu.memory_space<vmem>>, vector<1x16xf32>,
        %get3A_297 = vector.shape_cast %get3A_296 : vector<1x16xf32> to vector<16xf32>
        %add3A_298 = arith.addf %get3A_291, %get3A_297 : vector<16xf32>
        %swap3A_299 = arith.index_cast %scan3A_209 : i32 to index
        %swap3A_300 = arith.constant 80 : index
        %swap3A_301 = tpu.vector_load %arg9[%swap3A_299, %swap3A_300] {strides = array<i32>} : memref<128x128xf32, #tpu.memory_space<vmem>>, vector<1x16xf32>,
        %swap3A_302 = vector.shape_cast %swap3A_301 : vector<1x16xf32> to vector<16xf32>
        %swap3A_303 = vector.shape_cast %add3A_298 : vector<16xf32> to vector<1x16xf32>
        tpu.vector_store %arg9[%swap3A_299, %swap3A_300], %swap3A_303 {strides = array<i32>} : memref<128x128xf32, #tpu.memory_space<vmem>>, vector<1x16xf32>,
        %get3A_304 = arith.index_cast %scan3A_209 : i32 to index
        %get3A_305 = arith.constant 96 : index
        %get3A_306 = tpu.vector_load %arg9[%get3A_304, %get3A_305] {strides = array<i32>} : memref<128x128xf32, #tpu.memory_space<vmem>>, vector<1x16xf32>,
        %get3A_307 = vector.shape_cast %get3A_306 : vector<1x16xf32> to vector<16xf32>
        %add3A_308 = arith.constant 64 : i32
        %add3A_309 = arith.addi %add3A_308, %scan3A_209 : i32
        %get3A_310 = arith.index_cast %add3A_309 : i32 to index
        %get3A_311 = arith.constant 96 : index
        %get3A_312 = tpu.vector_load %arg9[%get3A_310, %get3A_311] {strides = array<i32>} : memref<128x128xf32, #tpu.memory_space<vmem>>, vector<1x16xf32>,
        %get3A_313 = vector.shape_cast %get3A_312 : vector<1x16xf32> to vector<16xf32>
        %add3A_314 = arith.addf %get3A_307, %get3A_313 : vector<16xf32>
        %swap3A_315 = arith.index_cast %scan3A_209 : i32 to index
        %swap3A_316 = arith.constant 96 : index
        %swap3A_317 = tpu.vector_load %arg9[%swap3A_315, %swap3A_316] {strides = array<i32>} : memref<128x128xf32, #tpu.memory_space<vmem>>, vector<1x16xf32>,
        %swap3A_318 = vector.shape_cast %swap3A_317 : vector<1x16xf32> to vector<16xf32>
        %swap3A_319 = vector.shape_cast %add3A_314 : vector<16xf32> to vector<1x16xf32>
        tpu.vector_store %arg9[%swap3A_315, %swap3A_316], %swap3A_319 {strides = array<i32>} : memref<128x128xf32, #tpu.memory_space<vmem>>, vector<1x16xf32>,
        %get3A_320 = arith.index_cast %scan3A_209 : i32 to index
        %get3A_321 = arith.constant 112 : index
        %get3A_322 = tpu.vector_load %arg9[%get3A_320, %get3A_321] {strides = array<i32>} : memref<128x128xf32, #tpu.memory_space<vmem>>, vector<1x16xf32>,
        %get3A_323 = vector.shape_cast %get3A_322 : vector<1x16xf32> to vector<16xf32>
        %add3A_324 = arith.constant 64 : i32
        %add3A_325 = arith.addi %add3A_324, %scan3A_209 : i32
        %get3A_326 = arith.index_cast %add3A_325 : i32 to index
        %get3A_327 = arith.constant 112 : index
        %get3A_328 = tpu.vector_load %arg9[%get3A_326, %get3A_327] {strides = array<i32>} : memref<128x128xf32, #tpu.memory_space<vmem>>, vector<1x16xf32>,
        %get3A_329 = vector.shape_cast %get3A_328 : vector<1x16xf32> to vector<16xf32>
        %add3A_330 = arith.addf %get3A_323, %get3A_329 : vector<16xf32>
        %swap3A_331 = arith.index_cast %scan3A_209 : i32 to index
        %swap3A_332 = arith.constant 112 : index
        %swap3A_333 = tpu.vector_load %arg9[%swap3A_331, %swap3A_332] {strides = array<i32>} : memref<128x128xf32, #tpu.memory_space<vmem>>, vector<1x16xf32>,
        %swap3A_334 = vector.shape_cast %swap3A_333 : vector<1x16xf32> to vector<16xf32>
        %swap3A_335 = vector.shape_cast %add3A_330 : vector<16xf32> to vector<1x16xf32>
        tpu.vector_store %arg9[%swap3A_331, %swap3A_332], %swap3A_335 {strides = array<i32>} : memref<128x128xf32, #tpu.memory_space<vmem>>, vector<1x16xf32>,
      }
      %scan3A_201 = arith.constant 64 : i32
      "tpu.region"() ({
        %run_scoped3A = tpu.sem_alloc : memref<!tpu.dma_semaphore, #tpu.memory_space<semaphore_mem>>
        %dma_start3A_209 = arith.constant 0 : i32
        %dma_start3A_210 = arith.constant 0 : i32
        %dma_start3A_211 = tpu.memref_slice %arg9[%dma_start3A_209, %dma_start3A_210] : memref<128x128xf32, #tpu.memory_space<vmem>> -> memref<64x128xf32, #tpu.memory_space<vmem>>
        %dma_start3A_212 = arith.constant 0 : i32
        %dma_start3A_213 = tpu.memref_slice %arg7[%add3A_189, %dma_start3A_212] : memref<32x64xi32, #tpu.memory_space<vmem>> -> memref<1x64xi32, #tpu.memory_space<vmem>>
        %dma_start3A_214 = tpu.memref_squeeze %dma_start3A_213 : memref<1x64xi32, #tpu.memory_space<vmem>> -> memref<64xi32, #tpu.memory_space<vmem>>
        %dma_start3A_215 = arith.constant 0 : i32
        %dma_start3A_216 = arith.constant 0 : i32
        %dma_start3A_217 = tpu.memref_slice %arg10[%dma_start3A_215, %dma_start3A_216] : memref<10240x128xf32, #tpu.memory_space<vmem_shared>> -> memref<10240x128xf32, #tpu.memory_space<vmem_shared>>
        tpu.enqueue_indirect_dma source(%dma_start3A_211 : memref<64x128xf32, #tpu.memory_space<vmem>>) target(%dma_start3A_217 : memref<10240x128xf32, #tpu.memory_space<vmem_shared>>) offsets(%dma_start3A_214 : memref<64xi32, #tpu.memory_space<vmem>>) semaphore(%run_scoped3A : memref<!tpu.dma_semaphore, #tpu.memory_space<semaphore_mem>>) {add = true}
        %dma_wait3A_218 = arith.constant 0 : i32
        %dma_wait3A_219 = arith.constant 0 : i32
        %dma_wait3A_220 = tpu.memref_slice %arg9[%dma_wait3A_218, %dma_wait3A_219] : memref<128x128xf32, #tpu.memory_space<vmem>> -> memref<64x128xf32, #tpu.memory_space<vmem>>
        %dma_wait3A_221 = arith.constant 0 : i32
        %dma_wait3A_222 = tpu.memref_slice %arg7[%add3A_189, %dma_wait3A_221] : memref<32x64xi32, #tpu.memory_space<vmem>> -> memref<1x64xi32, #tpu.memory_space<vmem>>
        %dma_wait3A_223 = tpu.memref_squeeze %dma_wait3A_222 : memref<1x64xi32, #tpu.memory_space<vmem>> -> memref<64xi32, #tpu.memory_space<vmem>>
        %dma_wait3A_224 = arith.constant 0 : i32
        %dma_wait3A_225 = arith.constant 0 : i32
        %dma_wait3A_226 = tpu.memref_slice %arg10[%dma_wait3A_224, %dma_wait3A_225] : memref<10240x128xf32, #tpu.memory_space<vmem_shared>> -> memref<10240x128xf32, #tpu.memory_space<vmem_shared>>
        tpu.wait_indirect_dma semaphore(%run_scoped3A : memref<!tpu.dma_semaphore, #tpu.memory_space<semaphore_mem>>) src(%dma_wait3A_220 : memref<64x128xf32, #tpu.memory_space<vmem>>) dst(%dma_wait3A_226 : memref<10240x128xf32, #tpu.memory_space<vmem_shared>>)
        tpu.yield
      }) : () -> ()
      %add3A_202 = arith.constant 2 : i32
      %add3A_203 = arith.addi %add3A_189, %add3A_202 : i32
      %lt3A_204 = arith.constant 32 : i32
      %lt3A_205 = arith.cmpi slt, %add3A_203, %lt3A_204 : i32
      %convert_element_type3A_206 = arith.extui %lt3A_205 : i1 to i32
      %cond3A_207 = arith.constant 0 : i32
      %cond3A_208 = arith.cmpi ne, %convert_element_type3A_206, %cond3A_207 : i32
      scf.if %cond3A_208 {
        %add3A_209 = arith.constant 2 : i32
        %add3A_210 = arith.addi %add3A_189, %add3A_209 : i32
        %dma_start3A_211 = arith.constant 0 : i32
        %dma_start3A_212 = tpu.memref_slice %arg6[%add3A_210, %dma_start3A_211] : memref<32x128xi32, #tpu.memory_space<vmem>> -> memref<1x128xi32, #tpu.memory_space<vmem>>
        %dma_start3A_213 = tpu.memref_squeeze %dma_start3A_212 : memref<1x128xi32, #tpu.memory_space<vmem>> -> memref<128xi32, #tpu.memory_space<vmem>>
        %dma_start3A_214 = arith.constant 0 : i32
        %dma_start3A_215 = arith.constant 0 : i32
        %dma_start3A_216 = tpu.memref_slice %arg4[%dma_start3A_214, %dma_start3A_215] : memref<20000x128xf32, #tpu.memory_space<hbm>> -> memref<20000x128xf32, #tpu.memory_space<hbm>>
        tpu.enqueue_indirect_dma source(%dma_start3A_216 : memref<20000x128xf32, #tpu.memory_space<hbm>>) target(%arg9 : memref<128x128xf32, #tpu.memory_space<vmem>>) offsets(%dma_start3A_213 : memref<128xi32, #tpu.memory_space<vmem>>) semaphore(%arg12 : memref<!tpu.dma_semaphore, #tpu.memory_space<semaphore_mem>>)
      } else {
      }
    }
    %scan3A_146 = arith.constant 16 : i32
    %barrier3A_147 = arith.constant 0 : index
    tpu.barrier barrier_id(%barrier3A_147)
    %mul3A_148 = arith.constant 640 : i32
    %mul3A_149 = arith.muli %arg1, %mul3A_148 : i32
    %add3A_150 = arith.constant 0 : i32
    %add3A_151 = arith.addi %mul3A_149, %add3A_150 : i32
    "tpu.region"() ({
      %run_scoped3A = tpu.sem_alloc : memref<!tpu.dma_semaphore, #tpu.memory_space<semaphore_mem>>
      %dma_start3A_168 = arith.constant 0 : i32
      %dma_start3A_169 = tpu.memref_slice %arg5[%arg0, %add3A_151, %dma_start3A_168] : memref<2x10240x128xf32, #tpu.memory_space<hbm>> -> memref<1x128x128xf32, #tpu.memory_space<hbm>>
      %dma_start3A_170 = tpu.memref_squeeze %dma_start3A_169 : memref<1x128x128xf32, #tpu.memory_space<hbm>> -> memref<128x128xf32, #tpu.memory_space<hbm>>
      %dma_start3A_171 = arith.constant 0 : i32
      %dma_start3A_172 = tpu.memref_slice %arg10[%add3A_151, %dma_start3A_171] : memref<10240x128xf32, #tpu.memory_space<vmem_shared>> -> memref<128x128xf32, #tpu.memory_space<vmem_shared>>
      tpu.enqueue_dma source(%dma_start3A_172 : memref<128x128xf32, #tpu.memory_space<vmem_shared>>) target(%dma_start3A_170 : memref<128x128xf32, #tpu.memory_space<hbm>>) target_semaphore(%run_scoped3A : memref<!tpu.dma_semaphore, #tpu.memory_space<semaphore_mem>>)
      %dma_wait3A = arith.constant 0 : i32
      %dma_wait3A_173 = tpu.memref_slice %arg5[%arg0, %add3A_151, %dma_wait3A] : memref<2x10240x128xf32, #tpu.memory_space<hbm>> -> memref<1x128x128xf32, #tpu.memory_space<hbm>>
      %dma_wait3A_174 = tpu.memref_squeeze %dma_wait3A_173 : memref<1x128x128xf32, #tpu.memory_space<hbm>> -> memref<128x128xf32, #tpu.memory_space<hbm>>
      %dma_wait3A_175 = arith.constant 0 : i32
      %dma_wait3A_176 = tpu.memref_slice %arg10[%add3A_151, %dma_wait3A_175] : memref<10240x128xf32, #tpu.memory_space<vmem_shared>> -> memref<128x128xf32, #tpu.memory_space<vmem_shared>>
      tpu.wait_dma2 semaphore(%run_scoped3A : memref<!tpu.dma_semaphore, #tpu.memory_space<semaphore_mem>>) src(%dma_wait3A_176 : memref<128x128xf32, #tpu.memory_space<vmem_shared>>) dst(%dma_wait3A_174 : memref<128x128xf32, #tpu.memory_space<hbm>>)
      tpu.yield
    }) : () -> ()
    %mul3A_152 = arith.constant 640 : i32
    %mul3A_153 = arith.muli %arg1, %mul3A_152 : i32
    %add3A_154 = arith.constant 128 : i32
    %add3A_155 = arith.addi %mul3A_153, %add3A_154 : i32
    "tpu.region"() ({
      %run_scoped3A = tpu.sem_alloc : memref<!tpu.dma_semaphore, #tpu.memory_space<semaphore_mem>>
      %dma_start3A_168 = arith.constant 0 : i32
      %dma_start3A_169 = tpu.memref_slice %arg5[%arg0, %add3A_155, %dma_start3A_168] : memref<2x10240x128xf32, #tpu.memory_space<hbm>> -> memref<1x128x128xf32, #tpu.memory_space<hbm>>
      %dma_start3A_170 = tpu.memref_squeeze %dma_start3A_169 : memref<1x128x128xf32, #tpu.memory_space<hbm>> -> memref<128x128xf32, #tpu.memory_space<hbm>>
      %dma_start3A_171 = arith.constant 0 : i32
      %dma_start3A_172 = tpu.memref_slice %arg10[%add3A_155, %dma_start3A_171] : memref<10240x128xf32, #tpu.memory_space<vmem_shared>> -> memref<128x128xf32, #tpu.memory_space<vmem_shared>>
      tpu.enqueue_dma source(%dma_start3A_172 : memref<128x128xf32, #tpu.memory_space<vmem_shared>>) target(%dma_start3A_170 : memref<128x128xf32, #tpu.memory_space<hbm>>) target_semaphore(%run_scoped3A : memref<!tpu.dma_semaphore, #tpu.memory_space<semaphore_mem>>)
      %dma_wait3A = arith.constant 0 : i32
      %dma_wait3A_173 = tpu.memref_slice %arg5[%arg0, %add3A_155, %dma_wait3A] : memref<2x10240x128xf32, #tpu.memory_space<hbm>> -> memref<1x128x128xf32, #tpu.memory_space<hbm>>
      %dma_wait3A_174 = tpu.memref_squeeze %dma_wait3A_173 : memref<1x128x128xf32, #tpu.memory_space<hbm>> -> memref<128x128xf32, #tpu.memory_space<hbm>>
      %dma_wait3A_175 = arith.constant 0 : i32
      %dma_wait3A_176 = tpu.memref_slice %arg10[%add3A_155, %dma_wait3A_175] : memref<10240x128xf32, #tpu.memory_space<vmem_shared>> -> memref<128x128xf32, #tpu.memory_space<vmem_shared>>
      tpu.wait_dma2 semaphore(%run_scoped3A : memref<!tpu.dma_semaphore, #tpu.memory_space<semaphore_mem>>) src(%dma_wait3A_176 : memref<128x128xf32, #tpu.memory_space<vmem_shared>>) dst(%dma_wait3A_174 : memref<128x128xf32, #tpu.memory_space<hbm>>)
      tpu.yield
    }) : () -> ()
    %mul3A_156 = arith.constant 640 : i32
    %mul3A_157 = arith.muli %arg1, %mul3A_156 : i32
    %add3A_158 = arith.constant 256 : i32
    %add3A_159 = arith.addi %mul3A_157, %add3A_158 : i32
    "tpu.region"() ({
      %run_scoped3A = tpu.sem_alloc : memref<!tpu.dma_semaphore, #tpu.memory_space<semaphore_mem>>
      %dma_start3A_168 = arith.constant 0 : i32
      %dma_start3A_169 = tpu.memref_slice %arg5[%arg0, %add3A_159, %dma_start3A_168] : memref<2x10240x128xf32, #tpu.memory_space<hbm>> -> memref<1x128x128xf32, #tpu.memory_space<hbm>>
      %dma_start3A_170 = tpu.memref_squeeze %dma_start3A_169 : memref<1x128x128xf32, #tpu.memory_space<hbm>> -> memref<128x128xf32, #tpu.memory_space<hbm>>
      %dma_start3A_171 = arith.constant 0 : i32
      %dma_start3A_172 = tpu.memref_slice %arg10[%add3A_159, %dma_start3A_171] : memref<10240x128xf32, #tpu.memory_space<vmem_shared>> -> memref<128x128xf32, #tpu.memory_space<vmem_shared>>
      tpu.enqueue_dma source(%dma_start3A_172 : memref<128x128xf32, #tpu.memory_space<vmem_shared>>) target(%dma_start3A_170 : memref<128x128xf32, #tpu.memory_space<hbm>>) target_semaphore(%run_scoped3A : memref<!tpu.dma_semaphore, #tpu.memory_space<semaphore_mem>>)
      %dma_wait3A = arith.constant 0 : i32
      %dma_wait3A_173 = tpu.memref_slice %arg5[%arg0, %add3A_159, %dma_wait3A] : memref<2x10240x128xf32, #tpu.memory_space<hbm>> -> memref<1x128x128xf32, #tpu.memory_space<hbm>>
      %dma_wait3A_174 = tpu.memref_squeeze %dma_wait3A_173 : memref<1x128x128xf32, #tpu.memory_space<hbm>> -> memref<128x128xf32, #tpu.memory_space<hbm>>
      %dma_wait3A_175 = arith.constant 0 : i32
      %dma_wait3A_176 = tpu.memref_slice %arg10[%add3A_159, %dma_wait3A_175] : memref<10240x128xf32, #tpu.memory_space<vmem_shared>> -> memref<128x128xf32, #tpu.memory_space<vmem_shared>>
      tpu.wait_dma2 semaphore(%run_scoped3A : memref<!tpu.dma_semaphore, #tpu.memory_space<semaphore_mem>>) src(%dma_wait3A_176 : memref<128x128xf32, #tpu.memory_space<vmem_shared>>) dst(%dma_wait3A_174 : memref<128x128xf32, #tpu.memory_space<hbm>>)
      tpu.yield
    }) : () -> ()
    %mul3A_160 = arith.constant 640 : i32
    %mul3A_161 = arith.muli %arg1, %mul3A_160 : i32
    %add3A_162 = arith.constant 384 : i32
    %add3A_163 = arith.addi %mul3A_161, %add3A_162 : i32
    "tpu.region"() ({
      %run_scoped3A = tpu.sem_alloc : memref<!tpu.dma_semaphore, #tpu.memory_space<semaphore_mem>>
      %dma_start3A_168 = arith.constant 0 : i32
      %dma_start3A_169 = tpu.memref_slice %arg5[%arg0, %add3A_163, %dma_start3A_168] : memref<2x10240x128xf32, #tpu.memory_space<hbm>> -> memref<1x128x128xf32, #tpu.memory_space<hbm>>
      %dma_start3A_170 = tpu.memref_squeeze %dma_start3A_169 : memref<1x128x128xf32, #tpu.memory_space<hbm>> -> memref<128x128xf32, #tpu.memory_space<hbm>>
      %dma_start3A_171 = arith.constant 0 : i32
      %dma_start3A_172 = tpu.memref_slice %arg10[%add3A_163, %dma_start3A_171] : memref<10240x128xf32, #tpu.memory_space<vmem_shared>> -> memref<128x128xf32, #tpu.memory_space<vmem_shared>>
      tpu.enqueue_dma source(%dma_start3A_172 : memref<128x128xf32, #tpu.memory_space<vmem_shared>>) target(%dma_start3A_170 : memref<128x128xf32, #tpu.memory_space<hbm>>) target_semaphore(%run_scoped3A : memref<!tpu.dma_semaphore, #tpu.memory_space<semaphore_mem>>)
      %dma_wait3A = arith.constant 0 : i32
      %dma_wait3A_173 = tpu.memref_slice %arg5[%arg0, %add3A_163, %dma_wait3A] : memref<2x10240x128xf32, #tpu.memory_space<hbm>> -> memref<1x128x128xf32, #tpu.memory_space<hbm>>
      %dma_wait3A_174 = tpu.memref_squeeze %dma_wait3A_173 : memref<1x128x128xf32, #tpu.memory_space<hbm>> -> memref<128x128xf32, #tpu.memory_space<hbm>>
      %dma_wait3A_175 = arith.constant 0 : i32
      %dma_wait3A_176 = tpu.memref_slice %arg10[%add3A_163, %dma_wait3A_175] : memref<10240x128xf32, #tpu.memory_space<vmem_shared>> -> memref<128x128xf32, #tpu.memory_space<vmem_shared>>
      tpu.wait_dma2 semaphore(%run_scoped3A : memref<!tpu.dma_semaphore, #tpu.memory_space<semaphore_mem>>) src(%dma_wait3A_176 : memref<128x128xf32, #tpu.memory_space<vmem_shared>>) dst(%dma_wait3A_174 : memref<128x128xf32, #tpu.memory_space<hbm>>)
      tpu.yield
    }) : () -> ()
    %mul3A_164 = arith.constant 640 : i32
    %mul3A_165 = arith.muli %arg1, %mul3A_164 : i32
    %add3A_166 = arith.constant 512 : i32
    %add3A_167 = arith.addi %mul3A_165, %add3A_166 : i32
    "tpu.region"() ({
      %run_scoped3A = tpu.sem_alloc : memref<!tpu.dma_semaphore, #tpu.memory_space<semaphore_mem>>
      %dma_start3A_168 = arith.constant 0 : i32
      %dma_start3A_169 = tpu.memref_slice %arg5[%arg0, %add3A_167, %dma_start3A_168] : memref<2x10240x128xf32, #tpu.memory_space<hbm>> -> memref<1x128x128xf32, #tpu.memory_space<hbm>>
      %dma_start3A_170 = tpu.memref_squeeze %dma_start3A_169 : memref<1x128x128xf32, #tpu.memory_space<hbm>> -> memref<128x128xf32, #tpu.memory_space<hbm>>
      %dma_start3A_171 = arith.constant 0 : i32
      %dma_start3A_172 = tpu.memref_slice %arg10[%add3A_167, %dma_start3A_171] : memref<10240x128xf32, #tpu.memory_space<vmem_shared>> -> memref<128x128xf32, #tpu.memory_space<vmem_shared>>
      tpu.enqueue_dma source(%dma_start3A_172 : memref<128x128xf32, #tpu.memory_space<vmem_shared>>) target(%dma_start3A_170 : memref<128x128xf32, #tpu.memory_space<hbm>>) target_semaphore(%run_scoped3A : memref<!tpu.dma_semaphore, #tpu.memory_space<semaphore_mem>>)
      %dma_wait3A = arith.constant 0 : i32
      %dma_wait3A_173 = tpu.memref_slice %arg5[%arg0, %add3A_167, %dma_wait3A] : memref<2x10240x128xf32, #tpu.memory_space<hbm>> -> memref<1x128x128xf32, #tpu.memory_space<hbm>>
      %dma_wait3A_174 = tpu.memref_squeeze %dma_wait3A_173 : memref<1x128x128xf32, #tpu.memory_space<hbm>> -> memref<128x128xf32, #tpu.memory_space<hbm>>
      %dma_wait3A_175 = arith.constant 0 : i32
      %dma_wait3A_176 = tpu.memref_slice %arg10[%add3A_167, %dma_wait3A_175] : memref<10240x128xf32, #tpu.memory_space<vmem_shared>> -> memref<128x128xf32, #tpu.memory_space<vmem_shared>>
      tpu.wait_dma2 semaphore(%run_scoped3A : memref<!tpu.dma_semaphore, #tpu.memory_space<semaphore_mem>>) src(%dma_wait3A_176 : memref<128x128xf32, #tpu.memory_space<vmem_shared>>) dst(%dma_wait3A_174 : memref<128x128xf32, #tpu.memory_space<hbm>>)
      tpu.yield
    }) : () -> ()
    return
  }
}

#map = affine_map<(d0, d1) -> (0, 0)>
module attributes {stable_mosaic.version = 14 : i64} {
  func.func @_sc2_body(%arg0: i32, %arg1: i32, %arg2: memref<2560x128xi32, #tpu.memory_space<hbm>>, %arg3: memref<2560x128xi32, #tpu.memory_space<hbm>>, %arg4: memref<10000x128xf32, #tpu.memory_space<hbm>>, %arg5: memref<10000x128xf32, #tpu.memory_space<hbm>>, %arg6: memref<320000x128xf32, #tpu.memory_space<hbm>>, %arg7: memref<80x128xi32, #tpu.memory_space<vmem>>, %arg8: memref<80x128xi32, #tpu.memory_space<vmem>>, %arg9: memref<128x128xf32, #tpu.memory_space<vmem>>, %arg10: memref<128x128xf32, #tpu.memory_space<vmem>>, %arg11: memref<128x128xf32, #tpu.memory_space<vmem>>, %arg12: memref<128x128xf32, #tpu.memory_space<vmem>>, %arg13: memref<128x128xf32, #tpu.memory_space<vmem>>, %arg14: memref<128x128xf32, #tpu.memory_space<vmem>>, %arg15: memref<!tpu.dma_semaphore, #tpu.memory_space<semaphore_mem>>, %arg16: memref<!tpu.dma_semaphore, #tpu.memory_space<semaphore_mem>>, %arg17: memref<!tpu.dma_semaphore, #tpu.memory_space<semaphore_mem>>, %arg18: memref<!tpu.dma_semaphore, #tpu.memory_space<semaphore_mem>>) attributes {dimension_semantics = [#tpu.dimension_semantics<core_parallel>, #tpu.dimension_semantics<subcore_parallel>], iteration_bounds = array<i64: 2, 16>, scalar_prefetch = 0 : i64, scratch_operands = 12 : i64, tpu.core_type = #tpu.core_type<sc_vector_subcore>, window_params = [{transform_indices = #map}, {transform_indices = #map}, {transform_indices = #map}, {transform_indices = #map}, {transform_indices = #map}]} {
    %mul3A = arith.constant 16 : i32
    %mul3A_0 = arith.muli %arg0, %mul3A : i32
    %add3A = arith.addi %mul3A_0, %arg1 : i32
    %mul3A_1 = arith.constant 80 : i32
    %mul3A_2 = arith.muli %add3A, %mul3A_1 : i32
    "tpu.region"() ({
      %run_scoped3A = tpu.sem_alloc : memref<!tpu.dma_semaphore, #tpu.memory_space<semaphore_mem>>
      %dma_start3A_84 = arith.constant 0 : i32
      %dma_start3A_85 = tpu.memref_slice %arg2[%mul3A_2, %dma_start3A_84] : memref<2560x128xi32, #tpu.memory_space<hbm>> -> memref<80x128xi32, #tpu.memory_space<hbm>>
      %dma_start3A_86 = arith.constant 0 : i32
      %dma_start3A_87 = tpu.memref_slice %arg2[%mul3A_2, %dma_start3A_86] : memref<2560x128xi32, #tpu.memory_space<hbm>> -> memref<80x128xi32, #tpu.memory_space<hbm>>
      tpu.enqueue_dma source(%dma_start3A_87 : memref<80x128xi32, #tpu.memory_space<hbm>>) target(%arg7 : memref<80x128xi32, #tpu.memory_space<vmem>>) target_semaphore(%run_scoped3A : memref<!tpu.dma_semaphore, #tpu.memory_space<semaphore_mem>>)
      %dma_wait3A_88 = arith.constant 0 : i32
      %dma_wait3A_89 = tpu.memref_slice %arg2[%mul3A_2, %dma_wait3A_88] : memref<2560x128xi32, #tpu.memory_space<hbm>> -> memref<80x128xi32, #tpu.memory_space<hbm>>
      %dma_wait3A_90 = arith.constant 0 : i32
      %dma_wait3A_91 = tpu.memref_slice %arg2[%mul3A_2, %dma_wait3A_90] : memref<2560x128xi32, #tpu.memory_space<hbm>> -> memref<80x128xi32, #tpu.memory_space<hbm>>
      tpu.wait_dma2 semaphore(%run_scoped3A : memref<!tpu.dma_semaphore, #tpu.memory_space<semaphore_mem>>) src(%dma_wait3A_91 : memref<80x128xi32, #tpu.memory_space<hbm>>) dst(%arg7 : memref<80x128xi32, #tpu.memory_space<vmem>>)
      tpu.yield
    }) : () -> ()
    "tpu.region"() ({
      %run_scoped3A = tpu.sem_alloc : memref<!tpu.dma_semaphore, #tpu.memory_space<semaphore_mem>>
      %dma_start3A_84 = arith.constant 0 : i32
      %dma_start3A_85 = tpu.memref_slice %arg3[%mul3A_2, %dma_start3A_84] : memref<2560x128xi32, #tpu.memory_space<hbm>> -> memref<80x128xi32, #tpu.memory_space<hbm>>
      %dma_start3A_86 = arith.constant 0 : i32
      %dma_start3A_87 = tpu.memref_slice %arg3[%mul3A_2, %dma_start3A_86] : memref<2560x128xi32, #tpu.memory_space<hbm>> -> memref<80x128xi32, #tpu.memory_space<hbm>>
      tpu.enqueue_dma source(%dma_start3A_87 : memref<80x128xi32, #tpu.memory_space<hbm>>) target(%arg8 : memref<80x128xi32, #tpu.memory_space<vmem>>) target_semaphore(%run_scoped3A : memref<!tpu.dma_semaphore, #tpu.memory_space<semaphore_mem>>)
      %dma_wait3A_88 = arith.constant 0 : i32
      %dma_wait3A_89 = tpu.memref_slice %arg3[%mul3A_2, %dma_wait3A_88] : memref<2560x128xi32, #tpu.memory_space<hbm>> -> memref<80x128xi32, #tpu.memory_space<hbm>>
      %dma_wait3A_90 = arith.constant 0 : i32
      %dma_wait3A_91 = tpu.memref_slice %arg3[%mul3A_2, %dma_wait3A_90] : memref<2560x128xi32, #tpu.memory_space<hbm>> -> memref<80x128xi32, #tpu.memory_space<hbm>>
      tpu.wait_dma2 semaphore(%run_scoped3A : memref<!tpu.dma_semaphore, #tpu.memory_space<semaphore_mem>>) src(%dma_wait3A_91 : memref<80x128xi32, #tpu.memory_space<hbm>>) dst(%arg8 : memref<80x128xi32, #tpu.memory_space<vmem>>)
      tpu.yield
    }) : () -> ()
    %eq3A = arith.constant 31 : i32
    %eq3A_3 = arith.cmpi eq, %add3A, %eq3A : i32
    %jit3A = arith.constant 20 : i32
    %jit3A_4 = arith.constant 80 : i32
    %select_n3A = arith.select %eq3A_3, %jit3A, %jit3A_4 : i32
    %dma_start3A = arith.constant 0 : i32
    %dma_start3A_5 = arith.constant 0 : i32
    %dma_start3A_6 = tpu.memref_slice %arg7[%dma_start3A, %dma_start3A_5] : memref<80x128xi32, #tpu.memory_space<vmem>> -> memref<1x128xi32, #tpu.memory_space<vmem>>
    %dma_start3A_7 = tpu.memref_squeeze %dma_start3A_6 : memref<1x128xi32, #tpu.memory_space<vmem>> -> memref<128xi32, #tpu.memory_space<vmem>>
    %dma_start3A_8 = arith.constant 0 : i32
    %dma_start3A_9 = arith.constant 0 : i32
    %dma_start3A_10 = tpu.memref_slice %arg4[%dma_start3A_8, %dma_start3A_9] : memref<10000x128xf32, #tpu.memory_space<hbm>> -> memref<10000x128xf32, #tpu.memory_space<hbm>>
    tpu.enqueue_indirect_dma source(%dma_start3A_10 : memref<10000x128xf32, #tpu.memory_space<hbm>>) target(%arg9 : memref<128x128xf32, #tpu.memory_space<vmem>>) offsets(%dma_start3A_7 : memref<128xi32, #tpu.memory_space<vmem>>) semaphore(%arg15 : memref<!tpu.dma_semaphore, #tpu.memory_space<semaphore_mem>>)
    %dma_start3A_11 = arith.constant 0 : i32
    %dma_start3A_12 = arith.constant 0 : i32
    %dma_start3A_13 = tpu.memref_slice %arg8[%dma_start3A_11, %dma_start3A_12] : memref<80x128xi32, #tpu.memory_space<vmem>> -> memref<1x128xi32, #tpu.memory_space<vmem>>
    %dma_start3A_14 = tpu.memref_squeeze %dma_start3A_13 : memref<1x128xi32, #tpu.memory_space<vmem>> -> memref<128xi32, #tpu.memory_space<vmem>>
    %dma_start3A_15 = arith.constant 0 : i32
    %dma_start3A_16 = arith.constant 0 : i32
    %dma_start3A_17 = tpu.memref_slice %arg5[%dma_start3A_15, %dma_start3A_16] : memref<10000x128xf32, #tpu.memory_space<hbm>> -> memref<10000x128xf32, #tpu.memory_space<hbm>>
    tpu.enqueue_indirect_dma source(%dma_start3A_17 : memref<10000x128xf32, #tpu.memory_space<hbm>>) target(%arg10 : memref<128x128xf32, #tpu.memory_space<vmem>>) offsets(%dma_start3A_14 : memref<128xi32, #tpu.memory_space<vmem>>) semaphore(%arg15 : memref<!tpu.dma_semaphore, #tpu.memory_space<semaphore_mem>>)
    %dma_start3A_18 = arith.constant 1 : i32
    %dma_start3A_19 = arith.constant 0 : i32
    %dma_start3A_20 = tpu.memref_slice %arg7[%dma_start3A_18, %dma_start3A_19] : memref<80x128xi32, #tpu.memory_space<vmem>> -> memref<1x128xi32, #tpu.memory_space<vmem>>
    %dma_start3A_21 = tpu.memref_squeeze %dma_start3A_20 : memref<1x128xi32, #tpu.memory_space<vmem>> -> memref<128xi32, #tpu.memory_space<vmem>>
    %dma_start3A_22 = arith.constant 0 : i32
    %dma_start3A_23 = arith.constant 0 : i32
    %dma_start3A_24 = tpu.memref_slice %arg4[%dma_start3A_22, %dma_start3A_23] : memref<10000x128xf32, #tpu.memory_space<hbm>> -> memref<10000x128xf32, #tpu.memory_space<hbm>>
    tpu.enqueue_indirect_dma source(%dma_start3A_24 : memref<10000x128xf32, #tpu.memory_space<hbm>>) target(%arg12 : memref<128x128xf32, #tpu.memory_space<vmem>>) offsets(%dma_start3A_21 : memref<128xi32, #tpu.memory_space<vmem>>) semaphore(%arg16 : memref<!tpu.dma_semaphore, #tpu.memory_space<semaphore_mem>>)
    %dma_start3A_25 = arith.constant 1 : i32
    %dma_start3A_26 = arith.constant 0 : i32
    %dma_start3A_27 = tpu.memref_slice %arg8[%dma_start3A_25, %dma_start3A_26] : memref<80x128xi32, #tpu.memory_space<vmem>> -> memref<1x128xi32, #tpu.memory_space<vmem>>
    %dma_start3A_28 = tpu.memref_squeeze %dma_start3A_27 : memref<1x128xi32, #tpu.memory_space<vmem>> -> memref<128xi32, #tpu.memory_space<vmem>>
    %dma_start3A_29 = arith.constant 0 : i32
    %dma_start3A_30 = arith.constant 0 : i32
    %dma_start3A_31 = tpu.memref_slice %arg5[%dma_start3A_29, %dma_start3A_30] : memref<10000x128xf32, #tpu.memory_space<hbm>> -> memref<10000x128xf32, #tpu.memory_space<hbm>>
    tpu.enqueue_indirect_dma source(%dma_start3A_31 : memref<10000x128xf32, #tpu.memory_space<hbm>>) target(%arg13 : memref<128x128xf32, #tpu.memory_space<vmem>>) offsets(%dma_start3A_28 : memref<128xi32, #tpu.memory_space<vmem>>) semaphore(%arg16 : memref<!tpu.dma_semaphore, #tpu.memory_space<semaphore_mem>>)
    %jit3A_32 = arith.constant 2 : i32
    %div3A = arith.divsi %select_n3A, %jit3A_32 : i32
    %sign3A = arith.constant 0 : i32
    %sign3A_33 = arith.cmpi sgt, %select_n3A, %sign3A : i32
    %sign3A_34 = arith.extui %sign3A_33 : i1 to i32
    %sign3A_35 = arith.constant 0 : i32
    %sign3A_36 = arith.cmpi slt, %select_n3A, %sign3A_35 : i32
    %sign3A_37 = arith.extui %sign3A_36 : i1 to i32
    %sign3A_38 = arith.subi %sign3A_34, %sign3A_37 : i32
    %sign3A_39 = arith.constant 0 : i32
    %sign3A_40 = arith.cmpi sgt, %jit3A_32, %sign3A_39 : i32
    %sign3A_41 = arith.extui %sign3A_40 : i1 to i32
    %sign3A_42 = arith.constant 0 : i32
    %sign3A_43 = arith.cmpi slt, %jit3A_32, %sign3A_42 : i32
    %sign3A_44 = arith.extui %sign3A_43 : i1 to i32
    %sign3A_45 = arith.subi %sign3A_41, %sign3A_44 : i32
    %ne3A = arith.cmpi ne, %sign3A_38, %sign3A_45 : i32
    %rem3A = arith.remsi %select_n3A, %jit3A_32 : i32
    %ne3A_46 = arith.constant 0 : i32
    %ne3A_47 = arith.cmpi ne, %rem3A, %ne3A_46 : i32
    %and3A = arith.andi %ne3A, %ne3A_47 : i1
    %sub3A = arith.constant 1 : i32
    %sub3A_48 = arith.subi %div3A, %sub3A : i32
    %select_n3A_49 = arith.select %and3A, %sub3A_48, %div3A : i32
    %while3A = arith.constant 0 : i32
    %while3A_50 = arith.constant 0 : i32
    %while3A_51 = arith.subi %select_n3A_49, %while3A_50 : i32
    %while3A_52 = arith.addi %while3A_50, %while3A_51 : i32
    %while3A_53 = arith.constant 1 : i32
    %while3A_54 = arith.divsi %while3A_51, %while3A_53 : i32
    %while3A_55 = arith.muli %while3A_54, %while3A_53 : i32
    %while3A_56 = arith.addi %while3A_50, %while3A_55 : i32
    %while3A_57 = arith.constant 1 : i32
    scf.for %while3A_84 = %while3A_50 to %while3A_56 step %while3A_57  : i32 {
      %mul3A_85 = arith.constant 2 : i32
      %mul3A_86 = arith.muli %mul3A_85, %while3A_84 : i32
      %dma_wait3A_87 = arith.constant 0 : i32
      %dma_wait3A_88 = tpu.memref_slice %arg7[%mul3A_86, %dma_wait3A_87] : memref<80x128xi32, #tpu.memory_space<vmem>> -> memref<1x128xi32, #tpu.memory_space<vmem>>
      %dma_wait3A_89 = tpu.memref_squeeze %dma_wait3A_88 : memref<1x128xi32, #tpu.memory_space<vmem>> -> memref<128xi32, #tpu.memory_space<vmem>>
      %dma_wait3A_90 = arith.constant 0 : i32
      %dma_wait3A_91 = arith.constant 0 : i32
      %dma_wait3A_92 = tpu.memref_slice %arg4[%dma_wait3A_90, %dma_wait3A_91] : memref<10000x128xf32, #tpu.memory_space<hbm>> -> memref<10000x128xf32, #tpu.memory_space<hbm>>
      tpu.wait_indirect_dma semaphore(%arg15 : memref<!tpu.dma_semaphore, #tpu.memory_space<semaphore_mem>>) src(%dma_wait3A_92 : memref<10000x128xf32, #tpu.memory_space<hbm>>) dst(%arg9 : memref<128x128xf32, #tpu.memory_space<vmem>>)
      %dma_wait3A_93 = arith.constant 0 : i32
      %dma_wait3A_94 = tpu.memref_slice %arg8[%mul3A_86, %dma_wait3A_93] : memref<80x128xi32, #tpu.memory_space<vmem>> -> memref<1x128xi32, #tpu.memory_space<vmem>>
      %dma_wait3A_95 = tpu.memref_squeeze %dma_wait3A_94 : memref<1x128xi32, #tpu.memory_space<vmem>> -> memref<128xi32, #tpu.memory_space<vmem>>
      %dma_wait3A_96 = arith.constant 0 : i32
      %dma_wait3A_97 = arith.constant 0 : i32
      %dma_wait3A_98 = tpu.memref_slice %arg5[%dma_wait3A_96, %dma_wait3A_97] : memref<10000x128xf32, #tpu.memory_space<hbm>> -> memref<10000x128xf32, #tpu.memory_space<hbm>>
      tpu.wait_indirect_dma semaphore(%arg15 : memref<!tpu.dma_semaphore, #tpu.memory_space<semaphore_mem>>) src(%dma_wait3A_98 : memref<10000x128xf32, #tpu.memory_space<hbm>>) dst(%arg10 : memref<128x128xf32, #tpu.memory_space<vmem>>)
      %ge3A = arith.constant 2 : i32
      %ge3A_99 = arith.cmpi sge, %mul3A_86, %ge3A : i32
      %convert_element_type3A = arith.extui %ge3A_99 : i1 to i32
      %cond3A = arith.constant 0 : i32
      %cond3A_100 = arith.cmpi ne, %convert_element_type3A, %cond3A : i32
      scf.if %cond3A_100 {
        %sub3A_166 = arith.constant 2 : i32
        %sub3A_167 = arith.subi %mul3A_86, %sub3A_166 : i32
        %mul3A_168 = arith.constant 80 : i32
        %mul3A_169 = arith.muli %add3A, %mul3A_168 : i32
        %mul3A_170 = arith.constant 128 : i32
        %mul3A_171 = arith.muli %mul3A_169, %mul3A_170 : i32
        %mul3A_172 = arith.constant 128 : i32
        %mul3A_173 = arith.muli %sub3A_167, %mul3A_172 : i32
        %add3A_174 = arith.addi %mul3A_171, %mul3A_173 : i32
        %dma_wait3A_175 = arith.constant 0 : i32
        %dma_wait3A_176 = tpu.memref_slice %arg6[%add3A_174, %dma_wait3A_175] : memref<320000x128xf32, #tpu.memory_space<hbm>> -> memref<128x128xf32, #tpu.memory_space<hbm>>
        %dma_wait3A_177 = arith.constant 0 : i32
        %dma_wait3A_178 = tpu.memref_slice %arg6[%add3A_174, %dma_wait3A_177] : memref<320000x128xf32, #tpu.memory_space<hbm>> -> memref<128x128xf32, #tpu.memory_space<hbm>>
        tpu.wait_dma2 semaphore(%arg17 : memref<!tpu.dma_semaphore, #tpu.memory_space<semaphore_mem>>) src(%arg11 : memref<128x128xf32, #tpu.memory_space<vmem>>) dst(%dma_wait3A_178 : memref<128x128xf32, #tpu.memory_space<hbm>>)
      } else {
      }
      %scan3A = arith.constant 0 : i32
      %scan3A_101 = arith.constant 0 : i32
      %scan3A_102 = arith.constant 128 : i32
      %scan3A_103 = arith.addi %scan3A_101, %scan3A_102 : i32
      %scan3A_104 = arith.constant 1 : i32
      scf.for %scan3A_166 = %scan3A_101 to %scan3A_103 step %scan3A_104  : i32 {
        %get3A = arith.index_cast %scan3A_166 : i32 to index
        %get3A_167 = arith.constant 0 : index
        %get3A_168 = tpu.vector_load %arg9[%get3A, %get3A_167] {strides = array<i32>} : memref<128x128xf32, #tpu.memory_space<vmem>>, vector<1x16xf32>,
        %get3A_169 = vector.shape_cast %get3A_168 : vector<1x16xf32> to vector<16xf32>
        %get3A_170 = arith.index_cast %scan3A_166 : i32 to index
        %get3A_171 = arith.constant 0 : index
        %get3A_172 = tpu.vector_load %arg10[%get3A_170, %get3A_171] {strides = array<i32>} : memref<128x128xf32, #tpu.memory_space<vmem>>, vector<1x16xf32>,
        %get3A_173 = vector.shape_cast %get3A_172 : vector<1x16xf32> to vector<16xf32>
        %add3A_174 = arith.addf %get3A_169, %get3A_173 : vector<16xf32>
        %swap3A = arith.index_cast %scan3A_166 : i32 to index
        %swap3A_175 = arith.constant 0 : index
        %swap3A_176 = tpu.vector_load %arg11[%swap3A, %swap3A_175] {strides = array<i32>} : memref<128x128xf32, #tpu.memory_space<vmem>>, vector<1x16xf32>,
        %swap3A_177 = vector.shape_cast %swap3A_176 : vector<1x16xf32> to vector<16xf32>
        %swap3A_178 = vector.shape_cast %add3A_174 : vector<16xf32> to vector<1x16xf32>
        tpu.vector_store %arg11[%swap3A, %swap3A_175], %swap3A_178 {strides = array<i32>} : memref<128x128xf32, #tpu.memory_space<vmem>>, vector<1x16xf32>,
        %get3A_179 = arith.index_cast %scan3A_166 : i32 to index
        %get3A_180 = arith.constant 16 : index
        %get3A_181 = tpu.vector_load %arg9[%get3A_179, %get3A_180] {strides = array<i32>} : memref<128x128xf32, #tpu.memory_space<vmem>>, vector<1x16xf32>,
        %get3A_182 = vector.shape_cast %get3A_181 : vector<1x16xf32> to vector<16xf32>
        %get3A_183 = arith.index_cast %scan3A_166 : i32 to index
        %get3A_184 = arith.constant 16 : index
        %get3A_185 = tpu.vector_load %arg10[%get3A_183, %get3A_184] {strides = array<i32>} : memref<128x128xf32, #tpu.memory_space<vmem>>, vector<1x16xf32>,
        %get3A_186 = vector.shape_cast %get3A_185 : vector<1x16xf32> to vector<16xf32>
        %add3A_187 = arith.addf %get3A_182, %get3A_186 : vector<16xf32>
        %swap3A_188 = arith.index_cast %scan3A_166 : i32 to index
        %swap3A_189 = arith.constant 16 : index
        %swap3A_190 = tpu.vector_load %arg11[%swap3A_188, %swap3A_189] {strides = array<i32>} : memref<128x128xf32, #tpu.memory_space<vmem>>, vector<1x16xf32>,
        %swap3A_191 = vector.shape_cast %swap3A_190 : vector<1x16xf32> to vector<16xf32>
        %swap3A_192 = vector.shape_cast %add3A_187 : vector<16xf32> to vector<1x16xf32>
        tpu.vector_store %arg11[%swap3A_188, %swap3A_189], %swap3A_192 {strides = array<i32>} : memref<128x128xf32, #tpu.memory_space<vmem>>, vector<1x16xf32>,
        %get3A_193 = arith.index_cast %scan3A_166 : i32 to index
        %get3A_194 = arith.constant 32 : index
        %get3A_195 = tpu.vector_load %arg9[%get3A_193, %get3A_194] {strides = array<i32>} : memref<128x128xf32, #tpu.memory_space<vmem>>, vector<1x16xf32>,
        %get3A_196 = vector.shape_cast %get3A_195 : vector<1x16xf32> to vector<16xf32>
        %get3A_197 = arith.index_cast %scan3A_166 : i32 to index
        %get3A_198 = arith.constant 32 : index
        %get3A_199 = tpu.vector_load %arg10[%get3A_197, %get3A_198] {strides = array<i32>} : memref<128x128xf32, #tpu.memory_space<vmem>>, vector<1x16xf32>,
        %get3A_200 = vector.shape_cast %get3A_199 : vector<1x16xf32> to vector<16xf32>
        %add3A_201 = arith.addf %get3A_196, %get3A_200 : vector<16xf32>
        %swap3A_202 = arith.index_cast %scan3A_166 : i32 to index
        %swap3A_203 = arith.constant 32 : index
        %swap3A_204 = tpu.vector_load %arg11[%swap3A_202, %swap3A_203] {strides = array<i32>} : memref<128x128xf32, #tpu.memory_space<vmem>>, vector<1x16xf32>,
        %swap3A_205 = vector.shape_cast %swap3A_204 : vector<1x16xf32> to vector<16xf32>
        %swap3A_206 = vector.shape_cast %add3A_201 : vector<16xf32> to vector<1x16xf32>
        tpu.vector_store %arg11[%swap3A_202, %swap3A_203], %swap3A_206 {strides = array<i32>} : memref<128x128xf32, #tpu.memory_space<vmem>>, vector<1x16xf32>,
        %get3A_207 = arith.index_cast %scan3A_166 : i32 to index
        %get3A_208 = arith.constant 48 : index
        %get3A_209 = tpu.vector_load %arg9[%get3A_207, %get3A_208] {strides = array<i32>} : memref<128x128xf32, #tpu.memory_space<vmem>>, vector<1x16xf32>,
        %get3A_210 = vector.shape_cast %get3A_209 : vector<1x16xf32> to vector<16xf32>
        %get3A_211 = arith.index_cast %scan3A_166 : i32 to index
        %get3A_212 = arith.constant 48 : index
        %get3A_213 = tpu.vector_load %arg10[%get3A_211, %get3A_212] {strides = array<i32>} : memref<128x128xf32, #tpu.memory_space<vmem>>, vector<1x16xf32>,
        %get3A_214 = vector.shape_cast %get3A_213 : vector<1x16xf32> to vector<16xf32>
        %add3A_215 = arith.addf %get3A_210, %get3A_214 : vector<16xf32>
        %swap3A_216 = arith.index_cast %scan3A_166 : i32 to index
        %swap3A_217 = arith.constant 48 : index
        %swap3A_218 = tpu.vector_load %arg11[%swap3A_216, %swap3A_217] {strides = array<i32>} : memref<128x128xf32, #tpu.memory_space<vmem>>, vector<1x16xf32>,
        %swap3A_219 = vector.shape_cast %swap3A_218 : vector<1x16xf32> to vector<16xf32>
        %swap3A_220 = vector.shape_cast %add3A_215 : vector<16xf32> to vector<1x16xf32>
        tpu.vector_store %arg11[%swap3A_216, %swap3A_217], %swap3A_220 {strides = array<i32>} : memref<128x128xf32, #tpu.memory_space<vmem>>, vector<1x16xf32>,
        %get3A_221 = arith.index_cast %scan3A_166 : i32 to index
        %get3A_222 = arith.constant 64 : index
        %get3A_223 = tpu.vector_load %arg9[%get3A_221, %get3A_222] {strides = array<i32>} : memref<128x128xf32, #tpu.memory_space<vmem>>, vector<1x16xf32>,
        %get3A_224 = vector.shape_cast %get3A_223 : vector<1x16xf32> to vector<16xf32>
        %get3A_225 = arith.index_cast %scan3A_166 : i32 to index
        %get3A_226 = arith.constant 64 : index
        %get3A_227 = tpu.vector_load %arg10[%get3A_225, %get3A_226] {strides = array<i32>} : memref<128x128xf32, #tpu.memory_space<vmem>>, vector<1x16xf32>,
        %get3A_228 = vector.shape_cast %get3A_227 : vector<1x16xf32> to vector<16xf32>
        %add3A_229 = arith.addf %get3A_224, %get3A_228 : vector<16xf32>
        %swap3A_230 = arith.index_cast %scan3A_166 : i32 to index
        %swap3A_231 = arith.constant 64 : index
        %swap3A_232 = tpu.vector_load %arg11[%swap3A_230, %swap3A_231] {strides = array<i32>} : memref<128x128xf32, #tpu.memory_space<vmem>>, vector<1x16xf32>,
        %swap3A_233 = vector.shape_cast %swap3A_232 : vector<1x16xf32> to vector<16xf32>
        %swap3A_234 = vector.shape_cast %add3A_229 : vector<16xf32> to vector<1x16xf32>
        tpu.vector_store %arg11[%swap3A_230, %swap3A_231], %swap3A_234 {strides = array<i32>} : memref<128x128xf32, #tpu.memory_space<vmem>>, vector<1x16xf32>,
        %get3A_235 = arith.index_cast %scan3A_166 : i32 to index
        %get3A_236 = arith.constant 80 : index
        %get3A_237 = tpu.vector_load %arg9[%get3A_235, %get3A_236] {strides = array<i32>} : memref<128x128xf32, #tpu.memory_space<vmem>>, vector<1x16xf32>,
        %get3A_238 = vector.shape_cast %get3A_237 : vector<1x16xf32> to vector<16xf32>
        %get3A_239 = arith.index_cast %scan3A_166 : i32 to index
        %get3A_240 = arith.constant 80 : index
        %get3A_241 = tpu.vector_load %arg10[%get3A_239, %get3A_240] {strides = array<i32>} : memref<128x128xf32, #tpu.memory_space<vmem>>, vector<1x16xf32>,
        %get3A_242 = vector.shape_cast %get3A_241 : vector<1x16xf32> to vector<16xf32>
        %add3A_243 = arith.addf %get3A_238, %get3A_242 : vector<16xf32>
        %swap3A_244 = arith.index_cast %scan3A_166 : i32 to index
        %swap3A_245 = arith.constant 80 : index
        %swap3A_246 = tpu.vector_load %arg11[%swap3A_244, %swap3A_245] {strides = array<i32>} : memref<128x128xf32, #tpu.memory_space<vmem>>, vector<1x16xf32>,
        %swap3A_247 = vector.shape_cast %swap3A_246 : vector<1x16xf32> to vector<16xf32>
        %swap3A_248 = vector.shape_cast %add3A_243 : vector<16xf32> to vector<1x16xf32>
        tpu.vector_store %arg11[%swap3A_244, %swap3A_245], %swap3A_248 {strides = array<i32>} : memref<128x128xf32, #tpu.memory_space<vmem>>, vector<1x16xf32>,
        %get3A_249 = arith.index_cast %scan3A_166 : i32 to index
        %get3A_250 = arith.constant 96 : index
        %get3A_251 = tpu.vector_load %arg9[%get3A_249, %get3A_250] {strides = array<i32>} : memref<128x128xf32, #tpu.memory_space<vmem>>, vector<1x16xf32>,
        %get3A_252 = vector.shape_cast %get3A_251 : vector<1x16xf32> to vector<16xf32>
        %get3A_253 = arith.index_cast %scan3A_166 : i32 to index
        %get3A_254 = arith.constant 96 : index
        %get3A_255 = tpu.vector_load %arg10[%get3A_253, %get3A_254] {strides = array<i32>} : memref<128x128xf32, #tpu.memory_space<vmem>>, vector<1x16xf32>,
        %get3A_256 = vector.shape_cast %get3A_255 : vector<1x16xf32> to vector<16xf32>
        %add3A_257 = arith.addf %get3A_252, %get3A_256 : vector<16xf32>
        %swap3A_258 = arith.index_cast %scan3A_166 : i32 to index
        %swap3A_259 = arith.constant 96 : index
        %swap3A_260 = tpu.vector_load %arg11[%swap3A_258, %swap3A_259] {strides = array<i32>} : memref<128x128xf32, #tpu.memory_space<vmem>>, vector<1x16xf32>,
        %swap3A_261 = vector.shape_cast %swap3A_260 : vector<1x16xf32> to vector<16xf32>
        %swap3A_262 = vector.shape_cast %add3A_257 : vector<16xf32> to vector<1x16xf32>
        tpu.vector_store %arg11[%swap3A_258, %swap3A_259], %swap3A_262 {strides = array<i32>} : memref<128x128xf32, #tpu.memory_space<vmem>>, vector<1x16xf32>,
        %get3A_263 = arith.index_cast %scan3A_166 : i32 to index
        %get3A_264 = arith.constant 112 : index
        %get3A_265 = tpu.vector_load %arg9[%get3A_263, %get3A_264] {strides = array<i32>} : memref<128x128xf32, #tpu.memory_space<vmem>>, vector<1x16xf32>,
        %get3A_266 = vector.shape_cast %get3A_265 : vector<1x16xf32> to vector<16xf32>
        %get3A_267 = arith.index_cast %scan3A_166 : i32 to index
        %get3A_268 = arith.constant 112 : index
        %get3A_269 = tpu.vector_load %arg10[%get3A_267, %get3A_268] {strides = array<i32>} : memref<128x128xf32, #tpu.memory_space<vmem>>, vector<1x16xf32>,
        %get3A_270 = vector.shape_cast %get3A_269 : vector<1x16xf32> to vector<16xf32>
        %add3A_271 = arith.addf %get3A_266, %get3A_270 : vector<16xf32>
        %swap3A_272 = arith.index_cast %scan3A_166 : i32 to index
        %swap3A_273 = arith.constant 112 : index
        %swap3A_274 = tpu.vector_load %arg11[%swap3A_272, %swap3A_273] {strides = array<i32>} : memref<128x128xf32, #tpu.memory_space<vmem>>, vector<1x16xf32>,
        %swap3A_275 = vector.shape_cast %swap3A_274 : vector<1x16xf32> to vector<16xf32>
        %swap3A_276 = vector.shape_cast %add3A_271 : vector<16xf32> to vector<1x16xf32>
        tpu.vector_store %arg11[%swap3A_272, %swap3A_273], %swap3A_276 {strides = array<i32>} : memref<128x128xf32, #tpu.memory_space<vmem>>, vector<1x16xf32>,
      }
      %scan3A_105 = arith.constant 128 : i32
      %mul3A_106 = arith.constant 80 : i32
      %mul3A_107 = arith.muli %add3A, %mul3A_106 : i32
      %mul3A_108 = arith.constant 128 : i32
      %mul3A_109 = arith.muli %mul3A_107, %mul3A_108 : i32
      %mul3A_110 = arith.constant 128 : i32
      %mul3A_111 = arith.muli %mul3A_86, %mul3A_110 : i32
      %add3A_112 = arith.addi %mul3A_109, %mul3A_111 : i32
      %dma_start3A_113 = arith.constant 0 : i32
      %dma_start3A_114 = tpu.memref_slice %arg6[%add3A_112, %dma_start3A_113] : memref<320000x128xf32, #tpu.memory_space<hbm>> -> memref<128x128xf32, #tpu.memory_space<hbm>>
      %dma_start3A_115 = arith.constant 0 : i32
      %dma_start3A_116 = tpu.memref_slice %arg6[%add3A_112, %dma_start3A_115] : memref<320000x128xf32, #tpu.memory_space<hbm>> -> memref<128x128xf32, #tpu.memory_space<hbm>>
      tpu.enqueue_dma source(%arg11 : memref<128x128xf32, #tpu.memory_space<vmem>>) target(%dma_start3A_116 : memref<128x128xf32, #tpu.memory_space<hbm>>) target_semaphore(%arg17 : memref<!tpu.dma_semaphore, #tpu.memory_space<semaphore_mem>>)
      %add3A_117 = arith.constant 2 : i32
      %add3A_118 = arith.addi %mul3A_86, %add3A_117 : i32
      %lt3A = arith.cmpi slt, %add3A_118, %select_n3A : i32
      %convert_element_type3A_119 = arith.extui %lt3A : i1 to i32
      %cond3A_120 = arith.constant 0 : i32
      %cond3A_121 = arith.cmpi ne, %convert_element_type3A_119, %cond3A_120 : i32
      scf.if %cond3A_121 {
        %add3A_166 = arith.constant 2 : i32
        %add3A_167 = arith.addi %mul3A_86, %add3A_166 : i32
        %dma_start3A_168 = arith.constant 0 : i32
        %dma_start3A_169 = tpu.memref_slice %arg7[%add3A_167, %dma_start3A_168] : memref<80x128xi32, #tpu.memory_space<vmem>> -> memref<1x128xi32, #tpu.memory_space<vmem>>
        %dma_start3A_170 = tpu.memref_squeeze %dma_start3A_169 : memref<1x128xi32, #tpu.memory_space<vmem>> -> memref<128xi32, #tpu.memory_space<vmem>>
        %dma_start3A_171 = arith.constant 0 : i32
        %dma_start3A_172 = arith.constant 0 : i32
        %dma_start3A_173 = tpu.memref_slice %arg4[%dma_start3A_171, %dma_start3A_172] : memref<10000x128xf32, #tpu.memory_space<hbm>> -> memref<10000x128xf32, #tpu.memory_space<hbm>>
        tpu.enqueue_indirect_dma source(%dma_start3A_173 : memref<10000x128xf32, #tpu.memory_space<hbm>>) target(%arg9 : memref<128x128xf32, #tpu.memory_space<vmem>>) offsets(%dma_start3A_170 : memref<128xi32, #tpu.memory_space<vmem>>) semaphore(%arg15 : memref<!tpu.dma_semaphore, #tpu.memory_space<semaphore_mem>>)
        %dma_start3A_174 = arith.constant 0 : i32
        %dma_start3A_175 = tpu.memref_slice %arg8[%add3A_167, %dma_start3A_174] : memref<80x128xi32, #tpu.memory_space<vmem>> -> memref<1x128xi32, #tpu.memory_space<vmem>>
        %dma_start3A_176 = tpu.memref_squeeze %dma_start3A_175 : memref<1x128xi32, #tpu.memory_space<vmem>> -> memref<128xi32, #tpu.memory_space<vmem>>
        %dma_start3A_177 = arith.constant 0 : i32
        %dma_start3A_178 = arith.constant 0 : i32
        %dma_start3A_179 = tpu.memref_slice %arg5[%dma_start3A_177, %dma_start3A_178] : memref<10000x128xf32, #tpu.memory_space<hbm>> -> memref<10000x128xf32, #tpu.memory_space<hbm>>
        tpu.enqueue_indirect_dma source(%dma_start3A_179 : memref<10000x128xf32, #tpu.memory_space<hbm>>) target(%arg10 : memref<128x128xf32, #tpu.memory_space<vmem>>) offsets(%dma_start3A_176 : memref<128xi32, #tpu.memory_space<vmem>>) semaphore(%arg15 : memref<!tpu.dma_semaphore, #tpu.memory_space<semaphore_mem>>)
      } else {
      }
      %mul3A_122 = arith.constant 2 : i32
      %mul3A_123 = arith.muli %mul3A_122, %while3A_84 : i32
      %add3A_124 = arith.constant 1 : i32
      %add3A_125 = arith.addi %mul3A_123, %add3A_124 : i32
      %dma_wait3A_126 = arith.constant 0 : i32
      %dma_wait3A_127 = tpu.memref_slice %arg7[%add3A_125, %dma_wait3A_126] : memref<80x128xi32, #tpu.memory_space<vmem>> -> memref<1x128xi32, #tpu.memory_space<vmem>>
      %dma_wait3A_128 = tpu.memref_squeeze %dma_wait3A_127 : memref<1x128xi32, #tpu.memory_space<vmem>> -> memref<128xi32, #tpu.memory_space<vmem>>
      %dma_wait3A_129 = arith.constant 0 : i32
      %dma_wait3A_130 = arith.constant 0 : i32
      %dma_wait3A_131 = tpu.memref_slice %arg4[%dma_wait3A_129, %dma_wait3A_130] : memref<10000x128xf32, #tpu.memory_space<hbm>> -> memref<10000x128xf32, #tpu.memory_space<hbm>>
      tpu.wait_indirect_dma semaphore(%arg16 : memref<!tpu.dma_semaphore, #tpu.memory_space<semaphore_mem>>) src(%dma_wait3A_131 : memref<10000x128xf32, #tpu.memory_space<hbm>>) dst(%arg12 : memref<128x128xf32, #tpu.memory_space<vmem>>)
      %dma_wait3A_132 = arith.constant 0 : i32
      %dma_wait3A_133 = tpu.memref_slice %arg8[%add3A_125, %dma_wait3A_132] : memref<80x128xi32, #tpu.memory_space<vmem>> -> memref<1x128xi32, #tpu.memory_space<vmem>>
      %dma_wait3A_134 = tpu.memref_squeeze %dma_wait3A_133 : memref<1x128xi32, #tpu.memory_space<vmem>> -> memref<128xi32, #tpu.memory_space<vmem>>
      %dma_wait3A_135 = arith.constant 0 : i32
      %dma_wait3A_136 = arith.constant 0 : i32
      %dma_wait3A_137 = tpu.memref_slice %arg5[%dma_wait3A_135, %dma_wait3A_136] : memref<10000x128xf32, #tpu.memory_space<hbm>> -> memref<10000x128xf32, #tpu.memory_space<hbm>>
      tpu.wait_indirect_dma semaphore(%arg16 : memref<!tpu.dma_semaphore, #tpu.memory_space<semaphore_mem>>) src(%dma_wait3A_137 : memref<10000x128xf32, #tpu.memory_space<hbm>>) dst(%arg13 : memref<128x128xf32, #tpu.memory_space<vmem>>)
      %ge3A_138 = arith.constant 2 : i32
      %ge3A_139 = arith.cmpi sge, %add3A_125, %ge3A_138 : i32
      %convert_element_type3A_140 = arith.extui %ge3A_139 : i1 to i32
      %cond3A_141 = arith.constant 0 : i32
      %cond3A_142 = arith.cmpi ne, %convert_element_type3A_140, %cond3A_141 : i32
      scf.if %cond3A_142 {
        %sub3A_166 = arith.constant 2 : i32
        %sub3A_167 = arith.subi %add3A_125, %sub3A_166 : i32
        %mul3A_168 = arith.constant 80 : i32
        %mul3A_169 = arith.muli %add3A, %mul3A_168 : i32
        %mul3A_170 = arith.constant 128 : i32
        %mul3A_171 = arith.muli %mul3A_169, %mul3A_170 : i32
        %mul3A_172 = arith.constant 128 : i32
        %mul3A_173 = arith.muli %sub3A_167, %mul3A_172 : i32
        %add3A_174 = arith.addi %mul3A_171, %mul3A_173 : i32
        %dma_wait3A_175 = arith.constant 0 : i32
        %dma_wait3A_176 = tpu.memref_slice %arg6[%add3A_174, %dma_wait3A_175] : memref<320000x128xf32, #tpu.memory_space<hbm>> -> memref<128x128xf32, #tpu.memory_space<hbm>>
        %dma_wait3A_177 = arith.constant 0 : i32
        %dma_wait3A_178 = tpu.memref_slice %arg6[%add3A_174, %dma_wait3A_177] : memref<320000x128xf32, #tpu.memory_space<hbm>> -> memref<128x128xf32, #tpu.memory_space<hbm>>
        tpu.wait_dma2 semaphore(%arg18 : memref<!tpu.dma_semaphore, #tpu.memory_space<semaphore_mem>>) src(%arg14 : memref<128x128xf32, #tpu.memory_space<vmem>>) dst(%dma_wait3A_178 : memref<128x128xf32, #tpu.memory_space<hbm>>)
      } else {
      }
      %scan3A_143 = arith.constant 0 : i32
      %scan3A_144 = arith.constant 0 : i32
      %scan3A_145 = arith.constant 128 : i32
      %scan3A_146 = arith.addi %scan3A_144, %scan3A_145 : i32
      %scan3A_147 = arith.constant 1 : i32
      scf.for %scan3A_166 = %scan3A_144 to %scan3A_146 step %scan3A_147  : i32 {
        %get3A = arith.index_cast %scan3A_166 : i32 to index
        %get3A_167 = arith.constant 0 : index
        %get3A_168 = tpu.vector_load %arg12[%get3A, %get3A_167] {strides = array<i32>} : memref<128x128xf32, #tpu.memory_space<vmem>>, vector<1x16xf32>,
        %get3A_169 = vector.shape_cast %get3A_168 : vector<1x16xf32> to vector<16xf32>
        %get3A_170 = arith.index_cast %scan3A_166 : i32 to index
        %get3A_171 = arith.constant 0 : index
        %get3A_172 = tpu.vector_load %arg13[%get3A_170, %get3A_171] {strides = array<i32>} : memref<128x128xf32, #tpu.memory_space<vmem>>, vector<1x16xf32>,
        %get3A_173 = vector.shape_cast %get3A_172 : vector<1x16xf32> to vector<16xf32>
        %add3A_174 = arith.addf %get3A_169, %get3A_173 : vector<16xf32>
        %swap3A = arith.index_cast %scan3A_166 : i32 to index
        %swap3A_175 = arith.constant 0 : index
        %swap3A_176 = tpu.vector_load %arg14[%swap3A, %swap3A_175] {strides = array<i32>} : memref<128x128xf32, #tpu.memory_space<vmem>>, vector<1x16xf32>,
        %swap3A_177 = vector.shape_cast %swap3A_176 : vector<1x16xf32> to vector<16xf32>
        %swap3A_178 = vector.shape_cast %add3A_174 : vector<16xf32> to vector<1x16xf32>
        tpu.vector_store %arg14[%swap3A, %swap3A_175], %swap3A_178 {strides = array<i32>} : memref<128x128xf32, #tpu.memory_space<vmem>>, vector<1x16xf32>,
        %get3A_179 = arith.index_cast %scan3A_166 : i32 to index
        %get3A_180 = arith.constant 16 : index
        %get3A_181 = tpu.vector_load %arg12[%get3A_179, %get3A_180] {strides = array<i32>} : memref<128x128xf32, #tpu.memory_space<vmem>>, vector<1x16xf32>,
        %get3A_182 = vector.shape_cast %get3A_181 : vector<1x16xf32> to vector<16xf32>
        %get3A_183 = arith.index_cast %scan3A_166 : i32 to index
        %get3A_184 = arith.constant 16 : index
        %get3A_185 = tpu.vector_load %arg13[%get3A_183, %get3A_184] {strides = array<i32>} : memref<128x128xf32, #tpu.memory_space<vmem>>, vector<1x16xf32>,
        %get3A_186 = vector.shape_cast %get3A_185 : vector<1x16xf32> to vector<16xf32>
        %add3A_187 = arith.addf %get3A_182, %get3A_186 : vector<16xf32>
        %swap3A_188 = arith.index_cast %scan3A_166 : i32 to index
        %swap3A_189 = arith.constant 16 : index
        %swap3A_190 = tpu.vector_load %arg14[%swap3A_188, %swap3A_189] {strides = array<i32>} : memref<128x128xf32, #tpu.memory_space<vmem>>, vector<1x16xf32>,
        %swap3A_191 = vector.shape_cast %swap3A_190 : vector<1x16xf32> to vector<16xf32>
        %swap3A_192 = vector.shape_cast %add3A_187 : vector<16xf32> to vector<1x16xf32>
        tpu.vector_store %arg14[%swap3A_188, %swap3A_189], %swap3A_192 {strides = array<i32>} : memref<128x128xf32, #tpu.memory_space<vmem>>, vector<1x16xf32>,
        %get3A_193 = arith.index_cast %scan3A_166 : i32 to index
        %get3A_194 = arith.constant 32 : index
        %get3A_195 = tpu.vector_load %arg12[%get3A_193, %get3A_194] {strides = array<i32>} : memref<128x128xf32, #tpu.memory_space<vmem>>, vector<1x16xf32>,
        %get3A_196 = vector.shape_cast %get3A_195 : vector<1x16xf32> to vector<16xf32>
        %get3A_197 = arith.index_cast %scan3A_166 : i32 to index
        %get3A_198 = arith.constant 32 : index
        %get3A_199 = tpu.vector_load %arg13[%get3A_197, %get3A_198] {strides = array<i32>} : memref<128x128xf32, #tpu.memory_space<vmem>>, vector<1x16xf32>,
        %get3A_200 = vector.shape_cast %get3A_199 : vector<1x16xf32> to vector<16xf32>
        %add3A_201 = arith.addf %get3A_196, %get3A_200 : vector<16xf32>
        %swap3A_202 = arith.index_cast %scan3A_166 : i32 to index
        %swap3A_203 = arith.constant 32 : index
        %swap3A_204 = tpu.vector_load %arg14[%swap3A_202, %swap3A_203] {strides = array<i32>} : memref<128x128xf32, #tpu.memory_space<vmem>>, vector<1x16xf32>,
        %swap3A_205 = vector.shape_cast %swap3A_204 : vector<1x16xf32> to vector<16xf32>
        %swap3A_206 = vector.shape_cast %add3A_201 : vector<16xf32> to vector<1x16xf32>
        tpu.vector_store %arg14[%swap3A_202, %swap3A_203], %swap3A_206 {strides = array<i32>} : memref<128x128xf32, #tpu.memory_space<vmem>>, vector<1x16xf32>,
        %get3A_207 = arith.index_cast %scan3A_166 : i32 to index
        %get3A_208 = arith.constant 48 : index
        %get3A_209 = tpu.vector_load %arg12[%get3A_207, %get3A_208] {strides = array<i32>} : memref<128x128xf32, #tpu.memory_space<vmem>>, vector<1x16xf32>,
        %get3A_210 = vector.shape_cast %get3A_209 : vector<1x16xf32> to vector<16xf32>
        %get3A_211 = arith.index_cast %scan3A_166 : i32 to index
        %get3A_212 = arith.constant 48 : index
        %get3A_213 = tpu.vector_load %arg13[%get3A_211, %get3A_212] {strides = array<i32>} : memref<128x128xf32, #tpu.memory_space<vmem>>, vector<1x16xf32>,
        %get3A_214 = vector.shape_cast %get3A_213 : vector<1x16xf32> to vector<16xf32>
        %add3A_215 = arith.addf %get3A_210, %get3A_214 : vector<16xf32>
        %swap3A_216 = arith.index_cast %scan3A_166 : i32 to index
        %swap3A_217 = arith.constant 48 : index
        %swap3A_218 = tpu.vector_load %arg14[%swap3A_216, %swap3A_217] {strides = array<i32>} : memref<128x128xf32, #tpu.memory_space<vmem>>, vector<1x16xf32>,
        %swap3A_219 = vector.shape_cast %swap3A_218 : vector<1x16xf32> to vector<16xf32>
        %swap3A_220 = vector.shape_cast %add3A_215 : vector<16xf32> to vector<1x16xf32>
        tpu.vector_store %arg14[%swap3A_216, %swap3A_217], %swap3A_220 {strides = array<i32>} : memref<128x128xf32, #tpu.memory_space<vmem>>, vector<1x16xf32>,
        %get3A_221 = arith.index_cast %scan3A_166 : i32 to index
        %get3A_222 = arith.constant 64 : index
        %get3A_223 = tpu.vector_load %arg12[%get3A_221, %get3A_222] {strides = array<i32>} : memref<128x128xf32, #tpu.memory_space<vmem>>, vector<1x16xf32>,
        %get3A_224 = vector.shape_cast %get3A_223 : vector<1x16xf32> to vector<16xf32>
        %get3A_225 = arith.index_cast %scan3A_166 : i32 to index
        %get3A_226 = arith.constant 64 : index
        %get3A_227 = tpu.vector_load %arg13[%get3A_225, %get3A_226] {strides = array<i32>} : memref<128x128xf32, #tpu.memory_space<vmem>>, vector<1x16xf32>,
        %get3A_228 = vector.shape_cast %get3A_227 : vector<1x16xf32> to vector<16xf32>
        %add3A_229 = arith.addf %get3A_224, %get3A_228 : vector<16xf32>
        %swap3A_230 = arith.index_cast %scan3A_166 : i32 to index
        %swap3A_231 = arith.constant 64 : index
        %swap3A_232 = tpu.vector_load %arg14[%swap3A_230, %swap3A_231] {strides = array<i32>} : memref<128x128xf32, #tpu.memory_space<vmem>>, vector<1x16xf32>,
        %swap3A_233 = vector.shape_cast %swap3A_232 : vector<1x16xf32> to vector<16xf32>
        %swap3A_234 = vector.shape_cast %add3A_229 : vector<16xf32> to vector<1x16xf32>
        tpu.vector_store %arg14[%swap3A_230, %swap3A_231], %swap3A_234 {strides = array<i32>} : memref<128x128xf32, #tpu.memory_space<vmem>>, vector<1x16xf32>,
        %get3A_235 = arith.index_cast %scan3A_166 : i32 to index
        %get3A_236 = arith.constant 80 : index
        %get3A_237 = tpu.vector_load %arg12[%get3A_235, %get3A_236] {strides = array<i32>} : memref<128x128xf32, #tpu.memory_space<vmem>>, vector<1x16xf32>,
        %get3A_238 = vector.shape_cast %get3A_237 : vector<1x16xf32> to vector<16xf32>
        %get3A_239 = arith.index_cast %scan3A_166 : i32 to index
        %get3A_240 = arith.constant 80 : index
        %get3A_241 = tpu.vector_load %arg13[%get3A_239, %get3A_240] {strides = array<i32>} : memref<128x128xf32, #tpu.memory_space<vmem>>, vector<1x16xf32>,
        %get3A_242 = vector.shape_cast %get3A_241 : vector<1x16xf32> to vector<16xf32>
        %add3A_243 = arith.addf %get3A_238, %get3A_242 : vector<16xf32>
        %swap3A_244 = arith.index_cast %scan3A_166 : i32 to index
        %swap3A_245 = arith.constant 80 : index
        %swap3A_246 = tpu.vector_load %arg14[%swap3A_244, %swap3A_245] {strides = array<i32>} : memref<128x128xf32, #tpu.memory_space<vmem>>, vector<1x16xf32>,
        %swap3A_247 = vector.shape_cast %swap3A_246 : vector<1x16xf32> to vector<16xf32>
        %swap3A_248 = vector.shape_cast %add3A_243 : vector<16xf32> to vector<1x16xf32>
        tpu.vector_store %arg14[%swap3A_244, %swap3A_245], %swap3A_248 {strides = array<i32>} : memref<128x128xf32, #tpu.memory_space<vmem>>, vector<1x16xf32>,
        %get3A_249 = arith.index_cast %scan3A_166 : i32 to index
        %get3A_250 = arith.constant 96 : index
        %get3A_251 = tpu.vector_load %arg12[%get3A_249, %get3A_250] {strides = array<i32>} : memref<128x128xf32, #tpu.memory_space<vmem>>, vector<1x16xf32>,
        %get3A_252 = vector.shape_cast %get3A_251 : vector<1x16xf32> to vector<16xf32>
        %get3A_253 = arith.index_cast %scan3A_166 : i32 to index
        %get3A_254 = arith.constant 96 : index
        %get3A_255 = tpu.vector_load %arg13[%get3A_253, %get3A_254] {strides = array<i32>} : memref<128x128xf32, #tpu.memory_space<vmem>>, vector<1x16xf32>,
        %get3A_256 = vector.shape_cast %get3A_255 : vector<1x16xf32> to vector<16xf32>
        %add3A_257 = arith.addf %get3A_252, %get3A_256 : vector<16xf32>
        %swap3A_258 = arith.index_cast %scan3A_166 : i32 to index
        %swap3A_259 = arith.constant 96 : index
        %swap3A_260 = tpu.vector_load %arg14[%swap3A_258, %swap3A_259] {strides = array<i32>} : memref<128x128xf32, #tpu.memory_space<vmem>>, vector<1x16xf32>,
        %swap3A_261 = vector.shape_cast %swap3A_260 : vector<1x16xf32> to vector<16xf32>
        %swap3A_262 = vector.shape_cast %add3A_257 : vector<16xf32> to vector<1x16xf32>
        tpu.vector_store %arg14[%swap3A_258, %swap3A_259], %swap3A_262 {strides = array<i32>} : memref<128x128xf32, #tpu.memory_space<vmem>>, vector<1x16xf32>,
        %get3A_263 = arith.index_cast %scan3A_166 : i32 to index
        %get3A_264 = arith.constant 112 : index
        %get3A_265 = tpu.vector_load %arg12[%get3A_263, %get3A_264] {strides = array<i32>} : memref<128x128xf32, #tpu.memory_space<vmem>>, vector<1x16xf32>,
        %get3A_266 = vector.shape_cast %get3A_265 : vector<1x16xf32> to vector<16xf32>
        %get3A_267 = arith.index_cast %scan3A_166 : i32 to index
        %get3A_268 = arith.constant 112 : index
        %get3A_269 = tpu.vector_load %arg13[%get3A_267, %get3A_268] {strides = array<i32>} : memref<128x128xf32, #tpu.memory_space<vmem>>, vector<1x16xf32>,
        %get3A_270 = vector.shape_cast %get3A_269 : vector<1x16xf32> to vector<16xf32>
        %add3A_271 = arith.addf %get3A_266, %get3A_270 : vector<16xf32>
        %swap3A_272 = arith.index_cast %scan3A_166 : i32 to index
        %swap3A_273 = arith.constant 112 : index
        %swap3A_274 = tpu.vector_load %arg14[%swap3A_272, %swap3A_273] {strides = array<i32>} : memref<128x128xf32, #tpu.memory_space<vmem>>, vector<1x16xf32>,
        %swap3A_275 = vector.shape_cast %swap3A_274 : vector<1x16xf32> to vector<16xf32>
        %swap3A_276 = vector.shape_cast %add3A_271 : vector<16xf32> to vector<1x16xf32>
        tpu.vector_store %arg14[%swap3A_272, %swap3A_273], %swap3A_276 {strides = array<i32>} : memref<128x128xf32, #tpu.memory_space<vmem>>, vector<1x16xf32>,
      }
      %scan3A_148 = arith.constant 128 : i32
      %mul3A_149 = arith.constant 80 : i32
      %mul3A_150 = arith.muli %add3A, %mul3A_149 : i32
      %mul3A_151 = arith.constant 128 : i32
      %mul3A_152 = arith.muli %mul3A_150, %mul3A_151 : i32
      %mul3A_153 = arith.constant 128 : i32
      %mul3A_154 = arith.muli %add3A_125, %mul3A_153 : i32
      %add3A_155 = arith.addi %mul3A_152, %mul3A_154 : i32
      %dma_start3A_156 = arith.constant 0 : i32
      %dma_start3A_157 = tpu.memref_slice %arg6[%add3A_155, %dma_start3A_156] : memref<320000x128xf32, #tpu.memory_space<hbm>> -> memref<128x128xf32, #tpu.memory_space<hbm>>
      %dma_start3A_158 = arith.constant 0 : i32
      %dma_start3A_159 = tpu.memref_slice %arg6[%add3A_155, %dma_start3A_158] : memref<320000x128xf32, #tpu.memory_space<hbm>> -> memref<128x128xf32, #tpu.memory_space<hbm>>
      tpu.enqueue_dma source(%arg14 : memref<128x128xf32, #tpu.memory_space<vmem>>) target(%dma_start3A_159 : memref<128x128xf32, #tpu.memory_space<hbm>>) target_semaphore(%arg18 : memref<!tpu.dma_semaphore, #tpu.memory_space<semaphore_mem>>)
      %add3A_160 = arith.constant 2 : i32
      %add3A_161 = arith.addi %add3A_125, %add3A_160 : i32
      %lt3A_162 = arith.cmpi slt, %add3A_161, %select_n3A : i32
      %convert_element_type3A_163 = arith.extui %lt3A_162 : i1 to i32
      %cond3A_164 = arith.constant 0 : i32
      %cond3A_165 = arith.cmpi ne, %convert_element_type3A_163, %cond3A_164 : i32
      scf.if %cond3A_165 {
        %add3A_166 = arith.constant 2 : i32
        %add3A_167 = arith.addi %add3A_125, %add3A_166 : i32
        %dma_start3A_168 = arith.constant 0 : i32
        %dma_start3A_169 = tpu.memref_slice %arg7[%add3A_167, %dma_start3A_168] : memref<80x128xi32, #tpu.memory_space<vmem>> -> memref<1x128xi32, #tpu.memory_space<vmem>>
        %dma_start3A_170 = tpu.memref_squeeze %dma_start3A_169 : memref<1x128xi32, #tpu.memory_space<vmem>> -> memref<128xi32, #tpu.memory_space<vmem>>
        %dma_start3A_171 = arith.constant 0 : i32
        %dma_start3A_172 = arith.constant 0 : i32
        %dma_start3A_173 = tpu.memref_slice %arg4[%dma_start3A_171, %dma_start3A_172] : memref<10000x128xf32, #tpu.memory_space<hbm>> -> memref<10000x128xf32, #tpu.memory_space<hbm>>
        tpu.enqueue_indirect_dma source(%dma_start3A_173 : memref<10000x128xf32, #tpu.memory_space<hbm>>) target(%arg12 : memref<128x128xf32, #tpu.memory_space<vmem>>) offsets(%dma_start3A_170 : memref<128xi32, #tpu.memory_space<vmem>>) semaphore(%arg16 : memref<!tpu.dma_semaphore, #tpu.memory_space<semaphore_mem>>)
        %dma_start3A_174 = arith.constant 0 : i32
        %dma_start3A_175 = tpu.memref_slice %arg8[%add3A_167, %dma_start3A_174] : memref<80x128xi32, #tpu.memory_space<vmem>> -> memref<1x128xi32, #tpu.memory_space<vmem>>
        %dma_start3A_176 = tpu.memref_squeeze %dma_start3A_175 : memref<1x128xi32, #tpu.memory_space<vmem>> -> memref<128xi32, #tpu.memory_space<vmem>>
        %dma_start3A_177 = arith.constant 0 : i32
        %dma_start3A_178 = arith.constant 0 : i32
        %dma_start3A_179 = tpu.memref_slice %arg5[%dma_start3A_177, %dma_start3A_178] : memref<10000x128xf32, #tpu.memory_space<hbm>> -> memref<10000x128xf32, #tpu.memory_space<hbm>>
        tpu.enqueue_indirect_dma source(%dma_start3A_179 : memref<10000x128xf32, #tpu.memory_space<hbm>>) target(%arg13 : memref<128x128xf32, #tpu.memory_space<vmem>>) offsets(%dma_start3A_176 : memref<128xi32, #tpu.memory_space<vmem>>) semaphore(%arg16 : memref<!tpu.dma_semaphore, #tpu.memory_space<semaphore_mem>>)
      } else {
      }
    }
    %while3A_58 = arith.constant 1 : i32
    scf.for %while3A_84 = %while3A_56 to %while3A_52 step %while3A_58  : i32 {
      %mul3A_85 = arith.constant 2 : i32
      %mul3A_86 = arith.muli %mul3A_85, %while3A_84 : i32
      %dma_wait3A_87 = arith.constant 0 : i32
      %dma_wait3A_88 = tpu.memref_slice %arg7[%mul3A_86, %dma_wait3A_87] : memref<80x128xi32, #tpu.memory_space<vmem>> -> memref<1x128xi32, #tpu.memory_space<vmem>>
      %dma_wait3A_89 = tpu.memref_squeeze %dma_wait3A_88 : memref<1x128xi32, #tpu.memory_space<vmem>> -> memref<128xi32, #tpu.memory_space<vmem>>
      %dma_wait3A_90 = arith.constant 0 : i32
      %dma_wait3A_91 = arith.constant 0 : i32
      %dma_wait3A_92 = tpu.memref_slice %arg4[%dma_wait3A_90, %dma_wait3A_91] : memref<10000x128xf32, #tpu.memory_space<hbm>> -> memref<10000x128xf32, #tpu.memory_space<hbm>>
      tpu.wait_indirect_dma semaphore(%arg15 : memref<!tpu.dma_semaphore, #tpu.memory_space<semaphore_mem>>) src(%dma_wait3A_92 : memref<10000x128xf32, #tpu.memory_space<hbm>>) dst(%arg9 : memref<128x128xf32, #tpu.memory_space<vmem>>)
      %dma_wait3A_93 = arith.constant 0 : i32
      %dma_wait3A_94 = tpu.memref_slice %arg8[%mul3A_86, %dma_wait3A_93] : memref<80x128xi32, #tpu.memory_space<vmem>> -> memref<1x128xi32, #tpu.memory_space<vmem>>
      %dma_wait3A_95 = tpu.memref_squeeze %dma_wait3A_94 : memref<1x128xi32, #tpu.memory_space<vmem>> -> memref<128xi32, #tpu.memory_space<vmem>>
      %dma_wait3A_96 = arith.constant 0 : i32
      %dma_wait3A_97 = arith.constant 0 : i32
      %dma_wait3A_98 = tpu.memref_slice %arg5[%dma_wait3A_96, %dma_wait3A_97] : memref<10000x128xf32, #tpu.memory_space<hbm>> -> memref<10000x128xf32, #tpu.memory_space<hbm>>
      tpu.wait_indirect_dma semaphore(%arg15 : memref<!tpu.dma_semaphore, #tpu.memory_space<semaphore_mem>>) src(%dma_wait3A_98 : memref<10000x128xf32, #tpu.memory_space<hbm>>) dst(%arg10 : memref<128x128xf32, #tpu.memory_space<vmem>>)
      %ge3A = arith.constant 2 : i32
      %ge3A_99 = arith.cmpi sge, %mul3A_86, %ge3A : i32
      %convert_element_type3A = arith.extui %ge3A_99 : i1 to i32
      %cond3A = arith.constant 0 : i32
      %cond3A_100 = arith.cmpi ne, %convert_element_type3A, %cond3A : i32
      scf.if %cond3A_100 {
        %sub3A_166 = arith.constant 2 : i32
        %sub3A_167 = arith.subi %mul3A_86, %sub3A_166 : i32
        %mul3A_168 = arith.constant 80 : i32
        %mul3A_169 = arith.muli %add3A, %mul3A_168 : i32
        %mul3A_170 = arith.constant 128 : i32
        %mul3A_171 = arith.muli %mul3A_169, %mul3A_170 : i32
        %mul3A_172 = arith.constant 128 : i32
        %mul3A_173 = arith.muli %sub3A_167, %mul3A_172 : i32
        %add3A_174 = arith.addi %mul3A_171, %mul3A_173 : i32
        %dma_wait3A_175 = arith.constant 0 : i32
        %dma_wait3A_176 = tpu.memref_slice %arg6[%add3A_174, %dma_wait3A_175] : memref<320000x128xf32, #tpu.memory_space<hbm>> -> memref<128x128xf32, #tpu.memory_space<hbm>>
        %dma_wait3A_177 = arith.constant 0 : i32
        %dma_wait3A_178 = tpu.memref_slice %arg6[%add3A_174, %dma_wait3A_177] : memref<320000x128xf32, #tpu.memory_space<hbm>> -> memref<128x128xf32, #tpu.memory_space<hbm>>
        tpu.wait_dma2 semaphore(%arg17 : memref<!tpu.dma_semaphore, #tpu.memory_space<semaphore_mem>>) src(%arg11 : memref<128x128xf32, #tpu.memory_space<vmem>>) dst(%dma_wait3A_178 : memref<128x128xf32, #tpu.memory_space<hbm>>)
      } else {
      }
      %scan3A = arith.constant 0 : i32
      %scan3A_101 = arith.constant 0 : i32
      %scan3A_102 = arith.constant 128 : i32
      %scan3A_103 = arith.addi %scan3A_101, %scan3A_102 : i32
      %scan3A_104 = arith.constant 1 : i32
      scf.for %scan3A_166 = %scan3A_101 to %scan3A_103 step %scan3A_104  : i32 {
        %get3A = arith.index_cast %scan3A_166 : i32 to index
        %get3A_167 = arith.constant 0 : index
        %get3A_168 = tpu.vector_load %arg9[%get3A, %get3A_167] {strides = array<i32>} : memref<128x128xf32, #tpu.memory_space<vmem>>, vector<1x16xf32>,
        %get3A_169 = vector.shape_cast %get3A_168 : vector<1x16xf32> to vector<16xf32>
        %get3A_170 = arith.index_cast %scan3A_166 : i32 to index
        %get3A_171 = arith.constant 0 : index
        %get3A_172 = tpu.vector_load %arg10[%get3A_170, %get3A_171] {strides = array<i32>} : memref<128x128xf32, #tpu.memory_space<vmem>>, vector<1x16xf32>,
        %get3A_173 = vector.shape_cast %get3A_172 : vector<1x16xf32> to vector<16xf32>
        %add3A_174 = arith.addf %get3A_169, %get3A_173 : vector<16xf32>
        %swap3A = arith.index_cast %scan3A_166 : i32 to index
        %swap3A_175 = arith.constant 0 : index
        %swap3A_176 = tpu.vector_load %arg11[%swap3A, %swap3A_175] {strides = array<i32>} : memref<128x128xf32, #tpu.memory_space<vmem>>, vector<1x16xf32>,
        %swap3A_177 = vector.shape_cast %swap3A_176 : vector<1x16xf32> to vector<16xf32>
        %swap3A_178 = vector.shape_cast %add3A_174 : vector<16xf32> to vector<1x16xf32>
        tpu.vector_store %arg11[%swap3A, %swap3A_175], %swap3A_178 {strides = array<i32>} : memref<128x128xf32, #tpu.memory_space<vmem>>, vector<1x16xf32>,
        %get3A_179 = arith.index_cast %scan3A_166 : i32 to index
        %get3A_180 = arith.constant 16 : index
        %get3A_181 = tpu.vector_load %arg9[%get3A_179, %get3A_180] {strides = array<i32>} : memref<128x128xf32, #tpu.memory_space<vmem>>, vector<1x16xf32>,
        %get3A_182 = vector.shape_cast %get3A_181 : vector<1x16xf32> to vector<16xf32>
        %get3A_183 = arith.index_cast %scan3A_166 : i32 to index
        %get3A_184 = arith.constant 16 : index
        %get3A_185 = tpu.vector_load %arg10[%get3A_183, %get3A_184] {strides = array<i32>} : memref<128x128xf32, #tpu.memory_space<vmem>>, vector<1x16xf32>,
        %get3A_186 = vector.shape_cast %get3A_185 : vector<1x16xf32> to vector<16xf32>
        %add3A_187 = arith.addf %get3A_182, %get3A_186 : vector<16xf32>
        %swap3A_188 = arith.index_cast %scan3A_166 : i32 to index
        %swap3A_189 = arith.constant 16 : index
        %swap3A_190 = tpu.vector_load %arg11[%swap3A_188, %swap3A_189] {strides = array<i32>} : memref<128x128xf32, #tpu.memory_space<vmem>>, vector<1x16xf32>,
        %swap3A_191 = vector.shape_cast %swap3A_190 : vector<1x16xf32> to vector<16xf32>
        %swap3A_192 = vector.shape_cast %add3A_187 : vector<16xf32> to vector<1x16xf32>
        tpu.vector_store %arg11[%swap3A_188, %swap3A_189], %swap3A_192 {strides = array<i32>} : memref<128x128xf32, #tpu.memory_space<vmem>>, vector<1x16xf32>,
        %get3A_193 = arith.index_cast %scan3A_166 : i32 to index
        %get3A_194 = arith.constant 32 : index
        %get3A_195 = tpu.vector_load %arg9[%get3A_193, %get3A_194] {strides = array<i32>} : memref<128x128xf32, #tpu.memory_space<vmem>>, vector<1x16xf32>,
        %get3A_196 = vector.shape_cast %get3A_195 : vector<1x16xf32> to vector<16xf32>
        %get3A_197 = arith.index_cast %scan3A_166 : i32 to index
        %get3A_198 = arith.constant 32 : index
        %get3A_199 = tpu.vector_load %arg10[%get3A_197, %get3A_198] {strides = array<i32>} : memref<128x128xf32, #tpu.memory_space<vmem>>, vector<1x16xf32>,
        %get3A_200 = vector.shape_cast %get3A_199 : vector<1x16xf32> to vector<16xf32>
        %add3A_201 = arith.addf %get3A_196, %get3A_200 : vector<16xf32>
        %swap3A_202 = arith.index_cast %scan3A_166 : i32 to index
        %swap3A_203 = arith.constant 32 : index
        %swap3A_204 = tpu.vector_load %arg11[%swap3A_202, %swap3A_203] {strides = array<i32>} : memref<128x128xf32, #tpu.memory_space<vmem>>, vector<1x16xf32>,
        %swap3A_205 = vector.shape_cast %swap3A_204 : vector<1x16xf32> to vector<16xf32>
        %swap3A_206 = vector.shape_cast %add3A_201 : vector<16xf32> to vector<1x16xf32>
        tpu.vector_store %arg11[%swap3A_202, %swap3A_203], %swap3A_206 {strides = array<i32>} : memref<128x128xf32, #tpu.memory_space<vmem>>, vector<1x16xf32>,
        %get3A_207 = arith.index_cast %scan3A_166 : i32 to index
        %get3A_208 = arith.constant 48 : index
        %get3A_209 = tpu.vector_load %arg9[%get3A_207, %get3A_208] {strides = array<i32>} : memref<128x128xf32, #tpu.memory_space<vmem>>, vector<1x16xf32>,
        %get3A_210 = vector.shape_cast %get3A_209 : vector<1x16xf32> to vector<16xf32>
        %get3A_211 = arith.index_cast %scan3A_166 : i32 to index
        %get3A_212 = arith.constant 48 : index
        %get3A_213 = tpu.vector_load %arg10[%get3A_211, %get3A_212] {strides = array<i32>} : memref<128x128xf32, #tpu.memory_space<vmem>>, vector<1x16xf32>,
        %get3A_214 = vector.shape_cast %get3A_213 : vector<1x16xf32> to vector<16xf32>
        %add3A_215 = arith.addf %get3A_210, %get3A_214 : vector<16xf32>
        %swap3A_216 = arith.index_cast %scan3A_166 : i32 to index
        %swap3A_217 = arith.constant 48 : index
        %swap3A_218 = tpu.vector_load %arg11[%swap3A_216, %swap3A_217] {strides = array<i32>} : memref<128x128xf32, #tpu.memory_space<vmem>>, vector<1x16xf32>,
        %swap3A_219 = vector.shape_cast %swap3A_218 : vector<1x16xf32> to vector<16xf32>
        %swap3A_220 = vector.shape_cast %add3A_215 : vector<16xf32> to vector<1x16xf32>
        tpu.vector_store %arg11[%swap3A_216, %swap3A_217], %swap3A_220 {strides = array<i32>} : memref<128x128xf32, #tpu.memory_space<vmem>>, vector<1x16xf32>,
        %get3A_221 = arith.index_cast %scan3A_166 : i32 to index
        %get3A_222 = arith.constant 64 : index
        %get3A_223 = tpu.vector_load %arg9[%get3A_221, %get3A_222] {strides = array<i32>} : memref<128x128xf32, #tpu.memory_space<vmem>>, vector<1x16xf32>,
        %get3A_224 = vector.shape_cast %get3A_223 : vector<1x16xf32> to vector<16xf32>
        %get3A_225 = arith.index_cast %scan3A_166 : i32 to index
        %get3A_226 = arith.constant 64 : index
        %get3A_227 = tpu.vector_load %arg10[%get3A_225, %get3A_226] {strides = array<i32>} : memref<128x128xf32, #tpu.memory_space<vmem>>, vector<1x16xf32>,
        %get3A_228 = vector.shape_cast %get3A_227 : vector<1x16xf32> to vector<16xf32>
        %add3A_229 = arith.addf %get3A_224, %get3A_228 : vector<16xf32>
        %swap3A_230 = arith.index_cast %scan3A_166 : i32 to index
        %swap3A_231 = arith.constant 64 : index
        %swap3A_232 = tpu.vector_load %arg11[%swap3A_230, %swap3A_231] {strides = array<i32>} : memref<128x128xf32, #tpu.memory_space<vmem>>, vector<1x16xf32>,
        %swap3A_233 = vector.shape_cast %swap3A_232 : vector<1x16xf32> to vector<16xf32>
        %swap3A_234 = vector.shape_cast %add3A_229 : vector<16xf32> to vector<1x16xf32>
        tpu.vector_store %arg11[%swap3A_230, %swap3A_231], %swap3A_234 {strides = array<i32>} : memref<128x128xf32, #tpu.memory_space<vmem>>, vector<1x16xf32>,
        %get3A_235 = arith.index_cast %scan3A_166 : i32 to index
        %get3A_236 = arith.constant 80 : index
        %get3A_237 = tpu.vector_load %arg9[%get3A_235, %get3A_236] {strides = array<i32>} : memref<128x128xf32, #tpu.memory_space<vmem>>, vector<1x16xf32>,
        %get3A_238 = vector.shape_cast %get3A_237 : vector<1x16xf32> to vector<16xf32>
        %get3A_239 = arith.index_cast %scan3A_166 : i32 to index
        %get3A_240 = arith.constant 80 : index
        %get3A_241 = tpu.vector_load %arg10[%get3A_239, %get3A_240] {strides = array<i32>} : memref<128x128xf32, #tpu.memory_space<vmem>>, vector<1x16xf32>,
        %get3A_242 = vector.shape_cast %get3A_241 : vector<1x16xf32> to vector<16xf32>
        %add3A_243 = arith.addf %get3A_238, %get3A_242 : vector<16xf32>
        %swap3A_244 = arith.index_cast %scan3A_166 : i32 to index
        %swap3A_245 = arith.constant 80 : index
        %swap3A_246 = tpu.vector_load %arg11[%swap3A_244, %swap3A_245] {strides = array<i32>} : memref<128x128xf32, #tpu.memory_space<vmem>>, vector<1x16xf32>,
        %swap3A_247 = vector.shape_cast %swap3A_246 : vector<1x16xf32> to vector<16xf32>
        %swap3A_248 = vector.shape_cast %add3A_243 : vector<16xf32> to vector<1x16xf32>
        tpu.vector_store %arg11[%swap3A_244, %swap3A_245], %swap3A_248 {strides = array<i32>} : memref<128x128xf32, #tpu.memory_space<vmem>>, vector<1x16xf32>,
        %get3A_249 = arith.index_cast %scan3A_166 : i32 to index
        %get3A_250 = arith.constant 96 : index
        %get3A_251 = tpu.vector_load %arg9[%get3A_249, %get3A_250] {strides = array<i32>} : memref<128x128xf32, #tpu.memory_space<vmem>>, vector<1x16xf32>,
        %get3A_252 = vector.shape_cast %get3A_251 : vector<1x16xf32> to vector<16xf32>
        %get3A_253 = arith.index_cast %scan3A_166 : i32 to index
        %get3A_254 = arith.constant 96 : index
        %get3A_255 = tpu.vector_load %arg10[%get3A_253, %get3A_254] {strides = array<i32>} : memref<128x128xf32, #tpu.memory_space<vmem>>, vector<1x16xf32>,
        %get3A_256 = vector.shape_cast %get3A_255 : vector<1x16xf32> to vector<16xf32>
        %add3A_257 = arith.addf %get3A_252, %get3A_256 : vector<16xf32>
        %swap3A_258 = arith.index_cast %scan3A_166 : i32 to index
        %swap3A_259 = arith.constant 96 : index
        %swap3A_260 = tpu.vector_load %arg11[%swap3A_258, %swap3A_259] {strides = array<i32>} : memref<128x128xf32, #tpu.memory_space<vmem>>, vector<1x16xf32>,
        %swap3A_261 = vector.shape_cast %swap3A_260 : vector<1x16xf32> to vector<16xf32>
        %swap3A_262 = vector.shape_cast %add3A_257 : vector<16xf32> to vector<1x16xf32>
        tpu.vector_store %arg11[%swap3A_258, %swap3A_259], %swap3A_262 {strides = array<i32>} : memref<128x128xf32, #tpu.memory_space<vmem>>, vector<1x16xf32>,
        %get3A_263 = arith.index_cast %scan3A_166 : i32 to index
        %get3A_264 = arith.constant 112 : index
        %get3A_265 = tpu.vector_load %arg9[%get3A_263, %get3A_264] {strides = array<i32>} : memref<128x128xf32, #tpu.memory_space<vmem>>, vector<1x16xf32>,
        %get3A_266 = vector.shape_cast %get3A_265 : vector<1x16xf32> to vector<16xf32>
        %get3A_267 = arith.index_cast %scan3A_166 : i32 to index
        %get3A_268 = arith.constant 112 : index
        %get3A_269 = tpu.vector_load %arg10[%get3A_267, %get3A_268] {strides = array<i32>} : memref<128x128xf32, #tpu.memory_space<vmem>>, vector<1x16xf32>,
        %get3A_270 = vector.shape_cast %get3A_269 : vector<1x16xf32> to vector<16xf32>
        %add3A_271 = arith.addf %get3A_266, %get3A_270 : vector<16xf32>
        %swap3A_272 = arith.index_cast %scan3A_166 : i32 to index
        %swap3A_273 = arith.constant 112 : index
        %swap3A_274 = tpu.vector_load %arg11[%swap3A_272, %swap3A_273] {strides = array<i32>} : memref<128x128xf32, #tpu.memory_space<vmem>>, vector<1x16xf32>,
        %swap3A_275 = vector.shape_cast %swap3A_274 : vector<1x16xf32> to vector<16xf32>
        %swap3A_276 = vector.shape_cast %add3A_271 : vector<16xf32> to vector<1x16xf32>
        tpu.vector_store %arg11[%swap3A_272, %swap3A_273], %swap3A_276 {strides = array<i32>} : memref<128x128xf32, #tpu.memory_space<vmem>>, vector<1x16xf32>,
      }
      %scan3A_105 = arith.constant 128 : i32
      %mul3A_106 = arith.constant 80 : i32
      %mul3A_107 = arith.muli %add3A, %mul3A_106 : i32
      %mul3A_108 = arith.constant 128 : i32
      %mul3A_109 = arith.muli %mul3A_107, %mul3A_108 : i32
      %mul3A_110 = arith.constant 128 : i32
      %mul3A_111 = arith.muli %mul3A_86, %mul3A_110 : i32
      %add3A_112 = arith.addi %mul3A_109, %mul3A_111 : i32
      %dma_start3A_113 = arith.constant 0 : i32
      %dma_start3A_114 = tpu.memref_slice %arg6[%add3A_112, %dma_start3A_113] : memref<320000x128xf32, #tpu.memory_space<hbm>> -> memref<128x128xf32, #tpu.memory_space<hbm>>
      %dma_start3A_115 = arith.constant 0 : i32
      %dma_start3A_116 = tpu.memref_slice %arg6[%add3A_112, %dma_start3A_115] : memref<320000x128xf32, #tpu.memory_space<hbm>> -> memref<128x128xf32, #tpu.memory_space<hbm>>
      tpu.enqueue_dma source(%arg11 : memref<128x128xf32, #tpu.memory_space<vmem>>) target(%dma_start3A_116 : memref<128x128xf32, #tpu.memory_space<hbm>>) target_semaphore(%arg17 : memref<!tpu.dma_semaphore, #tpu.memory_space<semaphore_mem>>)
      %add3A_117 = arith.constant 2 : i32
      %add3A_118 = arith.addi %mul3A_86, %add3A_117 : i32
      %lt3A = arith.cmpi slt, %add3A_118, %select_n3A : i32
      %convert_element_type3A_119 = arith.extui %lt3A : i1 to i32
      %cond3A_120 = arith.constant 0 : i32
      %cond3A_121 = arith.cmpi ne, %convert_element_type3A_119, %cond3A_120 : i32
      scf.if %cond3A_121 {
        %add3A_166 = arith.constant 2 : i32
        %add3A_167 = arith.addi %mul3A_86, %add3A_166 : i32
        %dma_start3A_168 = arith.constant 0 : i32
        %dma_start3A_169 = tpu.memref_slice %arg7[%add3A_167, %dma_start3A_168] : memref<80x128xi32, #tpu.memory_space<vmem>> -> memref<1x128xi32, #tpu.memory_space<vmem>>
        %dma_start3A_170 = tpu.memref_squeeze %dma_start3A_169 : memref<1x128xi32, #tpu.memory_space<vmem>> -> memref<128xi32, #tpu.memory_space<vmem>>
        %dma_start3A_171 = arith.constant 0 : i32
        %dma_start3A_172 = arith.constant 0 : i32
        %dma_start3A_173 = tpu.memref_slice %arg4[%dma_start3A_171, %dma_start3A_172] : memref<10000x128xf32, #tpu.memory_space<hbm>> -> memref<10000x128xf32, #tpu.memory_space<hbm>>
        tpu.enqueue_indirect_dma source(%dma_start3A_173 : memref<10000x128xf32, #tpu.memory_space<hbm>>) target(%arg9 : memref<128x128xf32, #tpu.memory_space<vmem>>) offsets(%dma_start3A_170 : memref<128xi32, #tpu.memory_space<vmem>>) semaphore(%arg15 : memref<!tpu.dma_semaphore, #tpu.memory_space<semaphore_mem>>)
        %dma_start3A_174 = arith.constant 0 : i32
        %dma_start3A_175 = tpu.memref_slice %arg8[%add3A_167, %dma_start3A_174] : memref<80x128xi32, #tpu.memory_space<vmem>> -> memref<1x128xi32, #tpu.memory_space<vmem>>
        %dma_start3A_176 = tpu.memref_squeeze %dma_start3A_175 : memref<1x128xi32, #tpu.memory_space<vmem>> -> memref<128xi32, #tpu.memory_space<vmem>>
        %dma_start3A_177 = arith.constant 0 : i32
        %dma_start3A_178 = arith.constant 0 : i32
        %dma_start3A_179 = tpu.memref_slice %arg5[%dma_start3A_177, %dma_start3A_178] : memref<10000x128xf32, #tpu.memory_space<hbm>> -> memref<10000x128xf32, #tpu.memory_space<hbm>>
        tpu.enqueue_indirect_dma source(%dma_start3A_179 : memref<10000x128xf32, #tpu.memory_space<hbm>>) target(%arg10 : memref<128x128xf32, #tpu.memory_space<vmem>>) offsets(%dma_start3A_176 : memref<128xi32, #tpu.memory_space<vmem>>) semaphore(%arg15 : memref<!tpu.dma_semaphore, #tpu.memory_space<semaphore_mem>>)
      } else {
      }
      %mul3A_122 = arith.constant 2 : i32
      %mul3A_123 = arith.muli %mul3A_122, %while3A_84 : i32
      %add3A_124 = arith.constant 1 : i32
      %add3A_125 = arith.addi %mul3A_123, %add3A_124 : i32
      %dma_wait3A_126 = arith.constant 0 : i32
      %dma_wait3A_127 = tpu.memref_slice %arg7[%add3A_125, %dma_wait3A_126] : memref<80x128xi32, #tpu.memory_space<vmem>> -> memref<1x128xi32, #tpu.memory_space<vmem>>
      %dma_wait3A_128 = tpu.memref_squeeze %dma_wait3A_127 : memref<1x128xi32, #tpu.memory_space<vmem>> -> memref<128xi32, #tpu.memory_space<vmem>>
      %dma_wait3A_129 = arith.constant 0 : i32
      %dma_wait3A_130 = arith.constant 0 : i32
      %dma_wait3A_131 = tpu.memref_slice %arg4[%dma_wait3A_129, %dma_wait3A_130] : memref<10000x128xf32, #tpu.memory_space<hbm>> -> memref<10000x128xf32, #tpu.memory_space<hbm>>
      tpu.wait_indirect_dma semaphore(%arg16 : memref<!tpu.dma_semaphore, #tpu.memory_space<semaphore_mem>>) src(%dma_wait3A_131 : memref<10000x128xf32, #tpu.memory_space<hbm>>) dst(%arg12 : memref<128x128xf32, #tpu.memory_space<vmem>>)
      %dma_wait3A_132 = arith.constant 0 : i32
      %dma_wait3A_133 = tpu.memref_slice %arg8[%add3A_125, %dma_wait3A_132] : memref<80x128xi32, #tpu.memory_space<vmem>> -> memref<1x128xi32, #tpu.memory_space<vmem>>
      %dma_wait3A_134 = tpu.memref_squeeze %dma_wait3A_133 : memref<1x128xi32, #tpu.memory_space<vmem>> -> memref<128xi32, #tpu.memory_space<vmem>>
      %dma_wait3A_135 = arith.constant 0 : i32
      %dma_wait3A_136 = arith.constant 0 : i32
      %dma_wait3A_137 = tpu.memref_slice %arg5[%dma_wait3A_135, %dma_wait3A_136] : memref<10000x128xf32, #tpu.memory_space<hbm>> -> memref<10000x128xf32, #tpu.memory_space<hbm>>
      tpu.wait_indirect_dma semaphore(%arg16 : memref<!tpu.dma_semaphore, #tpu.memory_space<semaphore_mem>>) src(%dma_wait3A_137 : memref<10000x128xf32, #tpu.memory_space<hbm>>) dst(%arg13 : memref<128x128xf32, #tpu.memory_space<vmem>>)
      %ge3A_138 = arith.constant 2 : i32
      %ge3A_139 = arith.cmpi sge, %add3A_125, %ge3A_138 : i32
      %convert_element_type3A_140 = arith.extui %ge3A_139 : i1 to i32
      %cond3A_141 = arith.constant 0 : i32
      %cond3A_142 = arith.cmpi ne, %convert_element_type3A_140, %cond3A_141 : i32
      scf.if %cond3A_142 {
        %sub3A_166 = arith.constant 2 : i32
        %sub3A_167 = arith.subi %add3A_125, %sub3A_166 : i32
        %mul3A_168 = arith.constant 80 : i32
        %mul3A_169 = arith.muli %add3A, %mul3A_168 : i32
        %mul3A_170 = arith.constant 128 : i32
        %mul3A_171 = arith.muli %mul3A_169, %mul3A_170 : i32
        %mul3A_172 = arith.constant 128 : i32
        %mul3A_173 = arith.muli %sub3A_167, %mul3A_172 : i32
        %add3A_174 = arith.addi %mul3A_171, %mul3A_173 : i32
        %dma_wait3A_175 = arith.constant 0 : i32
        %dma_wait3A_176 = tpu.memref_slice %arg6[%add3A_174, %dma_wait3A_175] : memref<320000x128xf32, #tpu.memory_space<hbm>> -> memref<128x128xf32, #tpu.memory_space<hbm>>
        %dma_wait3A_177 = arith.constant 0 : i32
        %dma_wait3A_178 = tpu.memref_slice %arg6[%add3A_174, %dma_wait3A_177] : memref<320000x128xf32, #tpu.memory_space<hbm>> -> memref<128x128xf32, #tpu.memory_space<hbm>>
        tpu.wait_dma2 semaphore(%arg18 : memref<!tpu.dma_semaphore, #tpu.memory_space<semaphore_mem>>) src(%arg14 : memref<128x128xf32, #tpu.memory_space<vmem>>) dst(%dma_wait3A_178 : memref<128x128xf32, #tpu.memory_space<hbm>>)
      } else {
      }
      %scan3A_143 = arith.constant 0 : i32
      %scan3A_144 = arith.constant 0 : i32
      %scan3A_145 = arith.constant 128 : i32
      %scan3A_146 = arith.addi %scan3A_144, %scan3A_145 : i32
      %scan3A_147 = arith.constant 1 : i32
      scf.for %scan3A_166 = %scan3A_144 to %scan3A_146 step %scan3A_147  : i32 {
        %get3A = arith.index_cast %scan3A_166 : i32 to index
        %get3A_167 = arith.constant 0 : index
        %get3A_168 = tpu.vector_load %arg12[%get3A, %get3A_167] {strides = array<i32>} : memref<128x128xf32, #tpu.memory_space<vmem>>, vector<1x16xf32>,
        %get3A_169 = vector.shape_cast %get3A_168 : vector<1x16xf32> to vector<16xf32>
        %get3A_170 = arith.index_cast %scan3A_166 : i32 to index
        %get3A_171 = arith.constant 0 : index
        %get3A_172 = tpu.vector_load %arg13[%get3A_170, %get3A_171] {strides = array<i32>} : memref<128x128xf32, #tpu.memory_space<vmem>>, vector<1x16xf32>,
        %get3A_173 = vector.shape_cast %get3A_172 : vector<1x16xf32> to vector<16xf32>
        %add3A_174 = arith.addf %get3A_169, %get3A_173 : vector<16xf32>
        %swap3A = arith.index_cast %scan3A_166 : i32 to index
        %swap3A_175 = arith.constant 0 : index
        %swap3A_176 = tpu.vector_load %arg14[%swap3A, %swap3A_175] {strides = array<i32>} : memref<128x128xf32, #tpu.memory_space<vmem>>, vector<1x16xf32>,
        %swap3A_177 = vector.shape_cast %swap3A_176 : vector<1x16xf32> to vector<16xf32>
        %swap3A_178 = vector.shape_cast %add3A_174 : vector<16xf32> to vector<1x16xf32>
        tpu.vector_store %arg14[%swap3A, %swap3A_175], %swap3A_178 {strides = array<i32>} : memref<128x128xf32, #tpu.memory_space<vmem>>, vector<1x16xf32>,
        %get3A_179 = arith.index_cast %scan3A_166 : i32 to index
        %get3A_180 = arith.constant 16 : index
        %get3A_181 = tpu.vector_load %arg12[%get3A_179, %get3A_180] {strides = array<i32>} : memref<128x128xf32, #tpu.memory_space<vmem>>, vector<1x16xf32>,
        %get3A_182 = vector.shape_cast %get3A_181 : vector<1x16xf32> to vector<16xf32>
        %get3A_183 = arith.index_cast %scan3A_166 : i32 to index
        %get3A_184 = arith.constant 16 : index
        %get3A_185 = tpu.vector_load %arg13[%get3A_183, %get3A_184] {strides = array<i32>} : memref<128x128xf32, #tpu.memory_space<vmem>>, vector<1x16xf32>,
        %get3A_186 = vector.shape_cast %get3A_185 : vector<1x16xf32> to vector<16xf32>
        %add3A_187 = arith.addf %get3A_182, %get3A_186 : vector<16xf32>
        %swap3A_188 = arith.index_cast %scan3A_166 : i32 to index
        %swap3A_189 = arith.constant 16 : index
        %swap3A_190 = tpu.vector_load %arg14[%swap3A_188, %swap3A_189] {strides = array<i32>} : memref<128x128xf32, #tpu.memory_space<vmem>>, vector<1x16xf32>,
        %swap3A_191 = vector.shape_cast %swap3A_190 : vector<1x16xf32> to vector<16xf32>
        %swap3A_192 = vector.shape_cast %add3A_187 : vector<16xf32> to vector<1x16xf32>
        tpu.vector_store %arg14[%swap3A_188, %swap3A_189], %swap3A_192 {strides = array<i32>} : memref<128x128xf32, #tpu.memory_space<vmem>>, vector<1x16xf32>,
        %get3A_193 = arith.index_cast %scan3A_166 : i32 to index
        %get3A_194 = arith.constant 32 : index
        %get3A_195 = tpu.vector_load %arg12[%get3A_193, %get3A_194] {strides = array<i32>} : memref<128x128xf32, #tpu.memory_space<vmem>>, vector<1x16xf32>,
        %get3A_196 = vector.shape_cast %get3A_195 : vector<1x16xf32> to vector<16xf32>
        %get3A_197 = arith.index_cast %scan3A_166 : i32 to index
        %get3A_198 = arith.constant 32 : index
        %get3A_199 = tpu.vector_load %arg13[%get3A_197, %get3A_198] {strides = array<i32>} : memref<128x128xf32, #tpu.memory_space<vmem>>, vector<1x16xf32>,
        %get3A_200 = vector.shape_cast %get3A_199 : vector<1x16xf32> to vector<16xf32>
        %add3A_201 = arith.addf %get3A_196, %get3A_200 : vector<16xf32>
        %swap3A_202 = arith.index_cast %scan3A_166 : i32 to index
        %swap3A_203 = arith.constant 32 : index
        %swap3A_204 = tpu.vector_load %arg14[%swap3A_202, %swap3A_203] {strides = array<i32>} : memref<128x128xf32, #tpu.memory_space<vmem>>, vector<1x16xf32>,
        %swap3A_205 = vector.shape_cast %swap3A_204 : vector<1x16xf32> to vector<16xf32>
        %swap3A_206 = vector.shape_cast %add3A_201 : vector<16xf32> to vector<1x16xf32>
        tpu.vector_store %arg14[%swap3A_202, %swap3A_203], %swap3A_206 {strides = array<i32>} : memref<128x128xf32, #tpu.memory_space<vmem>>, vector<1x16xf32>,
        %get3A_207 = arith.index_cast %scan3A_166 : i32 to index
        %get3A_208 = arith.constant 48 : index
        %get3A_209 = tpu.vector_load %arg12[%get3A_207, %get3A_208] {strides = array<i32>} : memref<128x128xf32, #tpu.memory_space<vmem>>, vector<1x16xf32>,
        %get3A_210 = vector.shape_cast %get3A_209 : vector<1x16xf32> to vector<16xf32>
        %get3A_211 = arith.index_cast %scan3A_166 : i32 to index
        %get3A_212 = arith.constant 48 : index
        %get3A_213 = tpu.vector_load %arg13[%get3A_211, %get3A_212] {strides = array<i32>} : memref<128x128xf32, #tpu.memory_space<vmem>>, vector<1x16xf32>,
        %get3A_214 = vector.shape_cast %get3A_213 : vector<1x16xf32> to vector<16xf32>
        %add3A_215 = arith.addf %get3A_210, %get3A_214 : vector<16xf32>
        %swap3A_216 = arith.index_cast %scan3A_166 : i32 to index
        %swap3A_217 = arith.constant 48 : index
        %swap3A_218 = tpu.vector_load %arg14[%swap3A_216, %swap3A_217] {strides = array<i32>} : memref<128x128xf32, #tpu.memory_space<vmem>>, vector<1x16xf32>,
        %swap3A_219 = vector.shape_cast %swap3A_218 : vector<1x16xf32> to vector<16xf32>
        %swap3A_220 = vector.shape_cast %add3A_215 : vector<16xf32> to vector<1x16xf32>
        tpu.vector_store %arg14[%swap3A_216, %swap3A_217], %swap3A_220 {strides = array<i32>} : memref<128x128xf32, #tpu.memory_space<vmem>>, vector<1x16xf32>,
        %get3A_221 = arith.index_cast %scan3A_166 : i32 to index
        %get3A_222 = arith.constant 64 : index
        %get3A_223 = tpu.vector_load %arg12[%get3A_221, %get3A_222] {strides = array<i32>} : memref<128x128xf32, #tpu.memory_space<vmem>>, vector<1x16xf32>,
        %get3A_224 = vector.shape_cast %get3A_223 : vector<1x16xf32> to vector<16xf32>
        %get3A_225 = arith.index_cast %scan3A_166 : i32 to index
        %get3A_226 = arith.constant 64 : index
        %get3A_227 = tpu.vector_load %arg13[%get3A_225, %get3A_226] {strides = array<i32>} : memref<128x128xf32, #tpu.memory_space<vmem>>, vector<1x16xf32>,
        %get3A_228 = vector.shape_cast %get3A_227 : vector<1x16xf32> to vector<16xf32>
        %add3A_229 = arith.addf %get3A_224, %get3A_228 : vector<16xf32>
        %swap3A_230 = arith.index_cast %scan3A_166 : i32 to index
        %swap3A_231 = arith.constant 64 : index
        %swap3A_232 = tpu.vector_load %arg14[%swap3A_230, %swap3A_231] {strides = array<i32>} : memref<128x128xf32, #tpu.memory_space<vmem>>, vector<1x16xf32>,
        %swap3A_233 = vector.shape_cast %swap3A_232 : vector<1x16xf32> to vector<16xf32>
        %swap3A_234 = vector.shape_cast %add3A_229 : vector<16xf32> to vector<1x16xf32>
        tpu.vector_store %arg14[%swap3A_230, %swap3A_231], %swap3A_234 {strides = array<i32>} : memref<128x128xf32, #tpu.memory_space<vmem>>, vector<1x16xf32>,
        %get3A_235 = arith.index_cast %scan3A_166 : i32 to index
        %get3A_236 = arith.constant 80 : index
        %get3A_237 = tpu.vector_load %arg12[%get3A_235, %get3A_236] {strides = array<i32>} : memref<128x128xf32, #tpu.memory_space<vmem>>, vector<1x16xf32>,
        %get3A_238 = vector.shape_cast %get3A_237 : vector<1x16xf32> to vector<16xf32>
        %get3A_239 = arith.index_cast %scan3A_166 : i32 to index
        %get3A_240 = arith.constant 80 : index
        %get3A_241 = tpu.vector_load %arg13[%get3A_239, %get3A_240] {strides = array<i32>} : memref<128x128xf32, #tpu.memory_space<vmem>>, vector<1x16xf32>,
        %get3A_242 = vector.shape_cast %get3A_241 : vector<1x16xf32> to vector<16xf32>
        %add3A_243 = arith.addf %get3A_238, %get3A_242 : vector<16xf32>
        %swap3A_244 = arith.index_cast %scan3A_166 : i32 to index
        %swap3A_245 = arith.constant 80 : index
        %swap3A_246 = tpu.vector_load %arg14[%swap3A_244, %swap3A_245] {strides = array<i32>} : memref<128x128xf32, #tpu.memory_space<vmem>>, vector<1x16xf32>,
        %swap3A_247 = vector.shape_cast %swap3A_246 : vector<1x16xf32> to vector<16xf32>
        %swap3A_248 = vector.shape_cast %add3A_243 : vector<16xf32> to vector<1x16xf32>
        tpu.vector_store %arg14[%swap3A_244, %swap3A_245], %swap3A_248 {strides = array<i32>} : memref<128x128xf32, #tpu.memory_space<vmem>>, vector<1x16xf32>,
        %get3A_249 = arith.index_cast %scan3A_166 : i32 to index
        %get3A_250 = arith.constant 96 : index
        %get3A_251 = tpu.vector_load %arg12[%get3A_249, %get3A_250] {strides = array<i32>} : memref<128x128xf32, #tpu.memory_space<vmem>>, vector<1x16xf32>,
        %get3A_252 = vector.shape_cast %get3A_251 : vector<1x16xf32> to vector<16xf32>
        %get3A_253 = arith.index_cast %scan3A_166 : i32 to index
        %get3A_254 = arith.constant 96 : index
        %get3A_255 = tpu.vector_load %arg13[%get3A_253, %get3A_254] {strides = array<i32>} : memref<128x128xf32, #tpu.memory_space<vmem>>, vector<1x16xf32>,
        %get3A_256 = vector.shape_cast %get3A_255 : vector<1x16xf32> to vector<16xf32>
        %add3A_257 = arith.addf %get3A_252, %get3A_256 : vector<16xf32>
        %swap3A_258 = arith.index_cast %scan3A_166 : i32 to index
        %swap3A_259 = arith.constant 96 : index
        %swap3A_260 = tpu.vector_load %arg14[%swap3A_258, %swap3A_259] {strides = array<i32>} : memref<128x128xf32, #tpu.memory_space<vmem>>, vector<1x16xf32>,
        %swap3A_261 = vector.shape_cast %swap3A_260 : vector<1x16xf32> to vector<16xf32>
        %swap3A_262 = vector.shape_cast %add3A_257 : vector<16xf32> to vector<1x16xf32>
        tpu.vector_store %arg14[%swap3A_258, %swap3A_259], %swap3A_262 {strides = array<i32>} : memref<128x128xf32, #tpu.memory_space<vmem>>, vector<1x16xf32>,
        %get3A_263 = arith.index_cast %scan3A_166 : i32 to index
        %get3A_264 = arith.constant 112 : index
        %get3A_265 = tpu.vector_load %arg12[%get3A_263, %get3A_264] {strides = array<i32>} : memref<128x128xf32, #tpu.memory_space<vmem>>, vector<1x16xf32>,
        %get3A_266 = vector.shape_cast %get3A_265 : vector<1x16xf32> to vector<16xf32>
        %get3A_267 = arith.index_cast %scan3A_166 : i32 to index
        %get3A_268 = arith.constant 112 : index
        %get3A_269 = tpu.vector_load %arg13[%get3A_267, %get3A_268] {strides = array<i32>} : memref<128x128xf32, #tpu.memory_space<vmem>>, vector<1x16xf32>,
        %get3A_270 = vector.shape_cast %get3A_269 : vector<1x16xf32> to vector<16xf32>
        %add3A_271 = arith.addf %get3A_266, %get3A_270 : vector<16xf32>
        %swap3A_272 = arith.index_cast %scan3A_166 : i32 to index
        %swap3A_273 = arith.constant 112 : index
        %swap3A_274 = tpu.vector_load %arg14[%swap3A_272, %swap3A_273] {strides = array<i32>} : memref<128x128xf32, #tpu.memory_space<vmem>>, vector<1x16xf32>,
        %swap3A_275 = vector.shape_cast %swap3A_274 : vector<1x16xf32> to vector<16xf32>
        %swap3A_276 = vector.shape_cast %add3A_271 : vector<16xf32> to vector<1x16xf32>
        tpu.vector_store %arg14[%swap3A_272, %swap3A_273], %swap3A_276 {strides = array<i32>} : memref<128x128xf32, #tpu.memory_space<vmem>>, vector<1x16xf32>,
      }
      %scan3A_148 = arith.constant 128 : i32
      %mul3A_149 = arith.constant 80 : i32
      %mul3A_150 = arith.muli %add3A, %mul3A_149 : i32
      %mul3A_151 = arith.constant 128 : i32
      %mul3A_152 = arith.muli %mul3A_150, %mul3A_151 : i32
      %mul3A_153 = arith.constant 128 : i32
      %mul3A_154 = arith.muli %add3A_125, %mul3A_153 : i32
      %add3A_155 = arith.addi %mul3A_152, %mul3A_154 : i32
      %dma_start3A_156 = arith.constant 0 : i32
      %dma_start3A_157 = tpu.memref_slice %arg6[%add3A_155, %dma_start3A_156] : memref<320000x128xf32, #tpu.memory_space<hbm>> -> memref<128x128xf32, #tpu.memory_space<hbm>>
      %dma_start3A_158 = arith.constant 0 : i32
      %dma_start3A_159 = tpu.memref_slice %arg6[%add3A_155, %dma_start3A_158] : memref<320000x128xf32, #tpu.memory_space<hbm>> -> memref<128x128xf32, #tpu.memory_space<hbm>>
      tpu.enqueue_dma source(%arg14 : memref<128x128xf32, #tpu.memory_space<vmem>>) target(%dma_start3A_159 : memref<128x128xf32, #tpu.memory_space<hbm>>) target_semaphore(%arg18 : memref<!tpu.dma_semaphore, #tpu.memory_space<semaphore_mem>>)
      %add3A_160 = arith.constant 2 : i32
      %add3A_161 = arith.addi %add3A_125, %add3A_160 : i32
      %lt3A_162 = arith.cmpi slt, %add3A_161, %select_n3A : i32
      %convert_element_type3A_163 = arith.extui %lt3A_162 : i1 to i32
      %cond3A_164 = arith.constant 0 : i32
      %cond3A_165 = arith.cmpi ne, %convert_element_type3A_163, %cond3A_164 : i32
      scf.if %cond3A_165 {
        %add3A_166 = arith.constant 2 : i32
        %add3A_167 = arith.addi %add3A_125, %add3A_166 : i32
        %dma_start3A_168 = arith.constant 0 : i32
        %dma_start3A_169 = tpu.memref_slice %arg7[%add3A_167, %dma_start3A_168] : memref<80x128xi32, #tpu.memory_space<vmem>> -> memref<1x128xi32, #tpu.memory_space<vmem>>
        %dma_start3A_170 = tpu.memref_squeeze %dma_start3A_169 : memref<1x128xi32, #tpu.memory_space<vmem>> -> memref<128xi32, #tpu.memory_space<vmem>>
        %dma_start3A_171 = arith.constant 0 : i32
        %dma_start3A_172 = arith.constant 0 : i32
        %dma_start3A_173 = tpu.memref_slice %arg4[%dma_start3A_171, %dma_start3A_172] : memref<10000x128xf32, #tpu.memory_space<hbm>> -> memref<10000x128xf32, #tpu.memory_space<hbm>>
        tpu.enqueue_indirect_dma source(%dma_start3A_173 : memref<10000x128xf32, #tpu.memory_space<hbm>>) target(%arg12 : memref<128x128xf32, #tpu.memory_space<vmem>>) offsets(%dma_start3A_170 : memref<128xi32, #tpu.memory_space<vmem>>) semaphore(%arg16 : memref<!tpu.dma_semaphore, #tpu.memory_space<semaphore_mem>>)
        %dma_start3A_174 = arith.constant 0 : i32
        %dma_start3A_175 = tpu.memref_slice %arg8[%add3A_167, %dma_start3A_174] : memref<80x128xi32, #tpu.memory_space<vmem>> -> memref<1x128xi32, #tpu.memory_space<vmem>>
        %dma_start3A_176 = tpu.memref_squeeze %dma_start3A_175 : memref<1x128xi32, #tpu.memory_space<vmem>> -> memref<128xi32, #tpu.memory_space<vmem>>
        %dma_start3A_177 = arith.constant 0 : i32
        %dma_start3A_178 = arith.constant 0 : i32
        %dma_start3A_179 = tpu.memref_slice %arg5[%dma_start3A_177, %dma_start3A_178] : memref<10000x128xf32, #tpu.memory_space<hbm>> -> memref<10000x128xf32, #tpu.memory_space<hbm>>
        tpu.enqueue_indirect_dma source(%dma_start3A_179 : memref<10000x128xf32, #tpu.memory_space<hbm>>) target(%arg13 : memref<128x128xf32, #tpu.memory_space<vmem>>) offsets(%dma_start3A_176 : memref<128xi32, #tpu.memory_space<vmem>>) semaphore(%arg16 : memref<!tpu.dma_semaphore, #tpu.memory_space<semaphore_mem>>)
      } else {
      }
    }
    %sub3A_59 = arith.constant 2 : i32
    %sub3A_60 = arith.subi %select_n3A, %sub3A_59 : i32
    %mul3A_61 = arith.constant 80 : i32
    %mul3A_62 = arith.muli %add3A, %mul3A_61 : i32
    %mul3A_63 = arith.constant 128 : i32
    %mul3A_64 = arith.muli %mul3A_62, %mul3A_63 : i32
    %mul3A_65 = arith.constant 128 : i32
    %mul3A_66 = arith.muli %sub3A_60, %mul3A_65 : i32
    %add3A_67 = arith.addi %mul3A_64, %mul3A_66 : i32
    %dma_wait3A = arith.constant 0 : i32
    %dma_wait3A_68 = tpu.memref_slice %arg6[%add3A_67, %dma_wait3A] : memref<320000x128xf32, #tpu.memory_space<hbm>> -> memref<128x128xf32, #tpu.memory_space<hbm>>
    %dma_wait3A_69 = arith.constant 0 : i32
    %dma_wait3A_70 = tpu.memref_slice %arg6[%add3A_67, %dma_wait3A_69] : memref<320000x128xf32, #tpu.memory_space<hbm>> -> memref<128x128xf32, #tpu.memory_space<hbm>>
    tpu.wait_dma2 semaphore(%arg17 : memref<!tpu.dma_semaphore, #tpu.memory_space<semaphore_mem>>) src(%arg11 : memref<128x128xf32, #tpu.memory_space<vmem>>) dst(%dma_wait3A_70 : memref<128x128xf32, #tpu.memory_space<hbm>>)
    %sub3A_71 = arith.constant 1 : i32
    %sub3A_72 = arith.subi %select_n3A, %sub3A_71 : i32
    %mul3A_73 = arith.constant 80 : i32
    %mul3A_74 = arith.muli %add3A, %mul3A_73 : i32
    %mul3A_75 = arith.constant 128 : i32
    %mul3A_76 = arith.muli %mul3A_74, %mul3A_75 : i32
    %mul3A_77 = arith.constant 128 : i32
    %mul3A_78 = arith.muli %sub3A_72, %mul3A_77 : i32
    %add3A_79 = arith.addi %mul3A_76, %mul3A_78 : i32
    %dma_wait3A_80 = arith.constant 0 : i32
    %dma_wait3A_81 = tpu.memref_slice %arg6[%add3A_79, %dma_wait3A_80] : memref<320000x128xf32, #tpu.memory_space<hbm>> -> memref<128x128xf32, #tpu.memory_space<hbm>>
    %dma_wait3A_82 = arith.constant 0 : i32
    %dma_wait3A_83 = tpu.memref_slice %arg6[%add3A_79, %dma_wait3A_82] : memref<320000x128xf32, #tpu.memory_space<hbm>> -> memref<128x128xf32, #tpu.memory_space<hbm>>
    tpu.wait_dma2 semaphore(%arg18 : memref<!tpu.dma_semaphore, #tpu.memory_space<semaphore_mem>>) src(%arg14 : memref<128x128xf32, #tpu.memory_space<vmem>>) dst(%dma_wait3A_83 : memref<128x128xf32, #tpu.memory_space<hbm>>)
    return
  }
}

module attributes {stable_mosaic.version = 14 : i64} {
  func.func @_tc1_body(%arg0: i32, %arg1: memref<1000x128xf32, #tpu.memory_space<vmem>>, %arg2: memref<128x128xf32, #tpu.memory_space<vmem>>, %arg3: memref<128x128xf32, #tpu.memory_space<vmem>>, %arg4: memref<1x128xf32, #tpu.memory_space<vmem>>, %arg5: memref<1000x128xf32, #tpu.memory_space<vmem>>, %arg6: memref<1000x128xf32, #tpu.memory_space<vmem>>) attributes {dimension_semantics = [#tpu.dimension_semantics<arbitrary>], iteration_bounds = array<i64: 10>, scalar_prefetch = 0 : i64, scratch_operands = 0 : i64, tpu.core_type = #tpu.core_type<tc>, window_params = [{transform_indices = @transform_0, window_bounds = array<i64: 1000, 128>}, {pipeline_mode = #tpu.pipeline_mode<synchronous>, transform_indices = @transform_1, window_bounds = array<i64: 128, 128>}, {pipeline_mode = #tpu.pipeline_mode<synchronous>, transform_indices = @transform_2, window_bounds = array<i64: 128, 128>}, {pipeline_mode = #tpu.pipeline_mode<synchronous>, transform_indices = @transform_3, window_bounds = array<i64: 1, 128>}, {transform_indices = @transform_4, window_bounds = array<i64: 1000, 128>}, {transform_indices = @transform_5, window_bounds = array<i64: 1000, 128>}]} {
    %get3A = arith.constant 0 : index
    %get3A_0 = arith.constant 0 : index
    %get3A_1 = vector.load %arg1[%get3A, %get3A_0] : memref<1000x128xf32, #tpu.memory_space<vmem>>, vector<1000x128xf32>
    %get3A_2 = arith.constant 0 : index
    %get3A_3 = arith.constant 0 : index
    %get3A_4 = vector.load %arg2[%get3A_2, %get3A_3] : memref<128x128xf32, #tpu.memory_space<vmem>>, vector<128x128xf32>
    %dot_general3A = arith.constant dense<0.000000e+00> : vector<1000x128xf32>
    %dot_general3A_5 = tpu.matmul %get3A_1, %get3A_4, %dot_general3A {dimension_numbers = #tpu.dot_dimension_numbers<[1], [0], [0], [1], [0, 0, 1, 1], [], []>, transpose_lhs_hint = false} : vector<1000x128xf32>, vector<128x128xf32>, vector<1000x128xf32> -> vector<1000x128xf32>
    %swap3A = arith.constant 0 : index
    %swap3A_6 = arith.constant 0 : index
    %swap3A_7 = vector.load %arg5[%swap3A, %swap3A_6] : memref<1000x128xf32, #tpu.memory_space<vmem>>, vector<1000x128xf32>
    tpu.vector_store %arg5[%swap3A, %swap3A_6], %dot_general3A_5 {strides = array<i32>} : memref<1000x128xf32, #tpu.memory_space<vmem>>, vector<1000x128xf32>,
    %get3A_8 = arith.constant 0 : index
    %get3A_9 = arith.constant 0 : index
    %get3A_10 = vector.load %arg3[%get3A_8, %get3A_9] : memref<128x128xf32, #tpu.memory_space<vmem>>, vector<128x128xf32>
    %dot_general3A_11 = arith.constant dense<0.000000e+00> : vector<1000x128xf32>
    %dot_general3A_12 = tpu.matmul %get3A_1, %get3A_10, %dot_general3A_11 {dimension_numbers = #tpu.dot_dimension_numbers<[1], [0], [0], [1], [0, 0, 1, 1], [], []>, transpose_lhs_hint = false} : vector<1000x128xf32>, vector<128x128xf32>, vector<1000x128xf32> -> vector<1000x128xf32>
    %get3A_13 = arith.constant 0 : index
    %get3A_14 = arith.constant 0 : index
    %get3A_15 = vector.load %arg4[%get3A_13, %get3A_14] : memref<1x128xf32, #tpu.memory_space<vmem>>, vector<1x128xf32>
    %add3A = vector.broadcast %get3A_15 : vector<1x128xf32> to vector<1000x128xf32>
    %add3A_16 = arith.addf %dot_general3A_12, %add3A : vector<1000x128xf32>
    %swap3A_17 = arith.constant 0 : index
    %swap3A_18 = arith.constant 0 : index
    %swap3A_19 = vector.load %arg6[%swap3A_17, %swap3A_18] : memref<1000x128xf32, #tpu.memory_space<vmem>>, vector<1000x128xf32>
    tpu.vector_store %arg6[%swap3A_17, %swap3A_18], %add3A_16 {strides = array<i32>} : memref<1000x128xf32, #tpu.memory_space<vmem>>, vector<1000x128xf32>,
    return
  }
  func.func @transform_0(%arg0: i32) -> (i32, i32) {
    %c0_i32 = arith.constant 0 : i32
    %c0_i32_0 = arith.constant 0 : i32
    return %arg0, %c0_i32 : i32, i32
  }
  func.func @transform_1(%arg0: i32) -> (i32, i32) {
    %c0_i32 = arith.constant 0 : i32
    %c0_i32_0 = arith.constant 0 : i32
    %c0_i32_1 = arith.constant 0 : i32
    return %c0_i32, %c0_i32_0 : i32, i32
  }
  func.func @transform_2(%arg0: i32) -> (i32, i32) {
    %c0_i32 = arith.constant 0 : i32
    %c0_i32_0 = arith.constant 0 : i32
    %c0_i32_1 = arith.constant 0 : i32
    return %c0_i32, %c0_i32_0 : i32, i32
  }
  func.func @transform_3(%arg0: i32) -> (i32, i32) {
    %c0_i32 = arith.constant 0 : i32
    %c0_i32_0 = arith.constant 0 : i32
    %c0_i32_1 = arith.constant 0 : i32
    return %c0_i32, %c0_i32_0 : i32, i32
  }
  func.func @transform_4(%arg0: i32) -> (i32, i32) {
    %c0_i32 = arith.constant 0 : i32
    %c0_i32_0 = arith.constant 0 : i32
    return %arg0, %c0_i32 : i32, i32
  }
  func.func @transform_5(%arg0: i32) -> (i32, i32) {
    %c0_i32 = arith.constant 0 : i32
    %c0_i32_0 = arith.constant 0 : i32
    return %arg0, %c0_i32 : i32, i32
  }
}

module attributes {stable_mosaic.version = 14 : i64} {
  func.func @_tc2_body(%arg0: i32, %arg1: memref<2x1000x128xf32, #tpu.memory_space<vmem>>, %arg2: memref<128x128xf32, #tpu.memory_space<vmem>>, %arg3: memref<1x128xf32, #tpu.memory_space<vmem>>, %arg4: memref<128x128xf32, #tpu.memory_space<vmem>>, %arg5: memref<128x128xf32, #tpu.memory_space<vmem>>, %arg6: memref<1x128xf32, #tpu.memory_space<vmem>>, %arg7: memref<1000x128xf32, #tpu.memory_space<vmem>>, %arg8: memref<1000x128xf32, #tpu.memory_space<vmem>>) attributes {dimension_semantics = [#tpu.dimension_semantics<arbitrary>], iteration_bounds = array<i64: 10>, scalar_prefetch = 0 : i64, scratch_operands = 0 : i64, tpu.core_type = #tpu.core_type<tc>, window_params = [{transform_indices = @transform_0, window_bounds = array<i64: 2, 1000, 128>}, {pipeline_mode = #tpu.pipeline_mode<synchronous>, transform_indices = @transform_1, window_bounds = array<i64: 128, 128>}, {pipeline_mode = #tpu.pipeline_mode<synchronous>, transform_indices = @transform_2, window_bounds = array<i64: 1, 128>}, {pipeline_mode = #tpu.pipeline_mode<synchronous>, transform_indices = @transform_3, window_bounds = array<i64: 128, 128>}, {pipeline_mode = #tpu.pipeline_mode<synchronous>, transform_indices = @transform_4, window_bounds = array<i64: 128, 128>}, {pipeline_mode = #tpu.pipeline_mode<synchronous>, transform_indices = @transform_5, window_bounds = array<i64: 1, 128>}, {transform_indices = @transform_6, window_bounds = array<i64: 1000, 128>}, {transform_indices = @transform_7, window_bounds = array<i64: 1000, 128>}]} {
    %get3A = arith.constant 0 : index
    %get3A_0 = arith.constant 0 : index
    %get3A_1 = arith.constant 0 : index
    %get3A_2 = vector.load %arg1[%get3A, %get3A_0, %get3A_1] : memref<2x1000x128xf32, #tpu.memory_space<vmem>>, vector<1x1000x128xf32>
    %get3A_3 = vector.shape_cast %get3A_2 : vector<1x1000x128xf32> to vector<1000x128xf32>
    %get3A_4 = arith.constant 1 : index
    %get3A_5 = arith.constant 0 : index
    %get3A_6 = arith.constant 0 : index
    %get3A_7 = vector.load %arg1[%get3A_4, %get3A_5, %get3A_6] : memref<2x1000x128xf32, #tpu.memory_space<vmem>>, vector<1x1000x128xf32>
    %get3A_8 = vector.shape_cast %get3A_7 : vector<1x1000x128xf32> to vector<1000x128xf32>
    %add3A = arith.addf %get3A_3, %get3A_8 : vector<1000x128xf32>
    %get3A_9 = arith.constant 0 : index
    %get3A_10 = arith.constant 0 : index
    %get3A_11 = vector.load %arg2[%get3A_9, %get3A_10] : memref<128x128xf32, #tpu.memory_space<vmem>>, vector<128x128xf32>
    %dot_general3A = arith.constant dense<0.000000e+00> : vector<1000x128xf32>
    %dot_general3A_12 = tpu.matmul %add3A, %get3A_11, %dot_general3A {dimension_numbers = #tpu.dot_dimension_numbers<[1], [0], [0], [1], [0, 0, 1, 1], [], []>, transpose_lhs_hint = false} : vector<1000x128xf32>, vector<128x128xf32>, vector<1000x128xf32> -> vector<1000x128xf32>
    %get3A_13 = arith.constant 0 : index
    %get3A_14 = arith.constant 0 : index
    %get3A_15 = vector.load %arg3[%get3A_13, %get3A_14] : memref<1x128xf32, #tpu.memory_space<vmem>>, vector<1x128xf32>
    %add3A_16 = vector.broadcast %get3A_15 : vector<1x128xf32> to vector<1000x128xf32>
    %add3A_17 = arith.addf %dot_general3A_12, %add3A_16 : vector<1000x128xf32>
    %get3A_18 = arith.constant 0 : index
    %get3A_19 = arith.constant 0 : index
    %get3A_20 = vector.load %arg4[%get3A_18, %get3A_19] : memref<128x128xf32, #tpu.memory_space<vmem>>, vector<128x128xf32>
    %dot_general3A_21 = arith.constant dense<0.000000e+00> : vector<1000x128xf32>
    %dot_general3A_22 = tpu.matmul %add3A_17, %get3A_20, %dot_general3A_21 {dimension_numbers = #tpu.dot_dimension_numbers<[1], [0], [0], [1], [0, 0, 1, 1], [], []>, transpose_lhs_hint = false} : vector<1000x128xf32>, vector<128x128xf32>, vector<1000x128xf32> -> vector<1000x128xf32>
    %swap3A = arith.constant 0 : index
    %swap3A_23 = arith.constant 0 : index
    %swap3A_24 = vector.load %arg7[%swap3A, %swap3A_23] : memref<1000x128xf32, #tpu.memory_space<vmem>>, vector<1000x128xf32>
    tpu.vector_store %arg7[%swap3A, %swap3A_23], %dot_general3A_22 {strides = array<i32>} : memref<1000x128xf32, #tpu.memory_space<vmem>>, vector<1000x128xf32>,
    %get3A_25 = arith.constant 0 : index
    %get3A_26 = arith.constant 0 : index
    %get3A_27 = vector.load %arg5[%get3A_25, %get3A_26] : memref<128x128xf32, #tpu.memory_space<vmem>>, vector<128x128xf32>
    %dot_general3A_28 = arith.constant dense<0.000000e+00> : vector<1000x128xf32>
    %dot_general3A_29 = tpu.matmul %add3A_17, %get3A_27, %dot_general3A_28 {dimension_numbers = #tpu.dot_dimension_numbers<[1], [0], [0], [1], [0, 0, 1, 1], [], []>, transpose_lhs_hint = false} : vector<1000x128xf32>, vector<128x128xf32>, vector<1000x128xf32> -> vector<1000x128xf32>
    %get3A_30 = arith.constant 0 : index
    %get3A_31 = arith.constant 0 : index
    %get3A_32 = vector.load %arg6[%get3A_30, %get3A_31] : memref<1x128xf32, #tpu.memory_space<vmem>>, vector<1x128xf32>
    %add3A_33 = vector.broadcast %get3A_32 : vector<1x128xf32> to vector<1000x128xf32>
    %add3A_34 = arith.addf %dot_general3A_29, %add3A_33 : vector<1000x128xf32>
    %swap3A_35 = arith.constant 0 : index
    %swap3A_36 = arith.constant 0 : index
    %swap3A_37 = vector.load %arg8[%swap3A_35, %swap3A_36] : memref<1000x128xf32, #tpu.memory_space<vmem>>, vector<1000x128xf32>
    tpu.vector_store %arg8[%swap3A_35, %swap3A_36], %add3A_34 {strides = array<i32>} : memref<1000x128xf32, #tpu.memory_space<vmem>>, vector<1000x128xf32>,
    return
  }
  func.func @transform_0(%arg0: i32) -> (i32, i32, i32) {
    %c0_i32 = arith.constant 0 : i32
    %c0_i32_0 = arith.constant 0 : i32
    %c0_i32_1 = arith.constant 0 : i32
    return %c0_i32, %arg0, %c0_i32_0 : i32, i32, i32
  }
  func.func @transform_1(%arg0: i32) -> (i32, i32) {
    %c0_i32 = arith.constant 0 : i32
    %c0_i32_0 = arith.constant 0 : i32
    %c0_i32_1 = arith.constant 0 : i32
    return %c0_i32, %c0_i32_0 : i32, i32
  }
  func.func @transform_2(%arg0: i32) -> (i32, i32) {
    %c0_i32 = arith.constant 0 : i32
    %c0_i32_0 = arith.constant 0 : i32
    %c0_i32_1 = arith.constant 0 : i32
    return %c0_i32, %c0_i32_0 : i32, i32
  }
  func.func @transform_3(%arg0: i32) -> (i32, i32) {
    %c0_i32 = arith.constant 0 : i32
    %c0_i32_0 = arith.constant 0 : i32
    %c0_i32_1 = arith.constant 0 : i32
    return %c0_i32, %c0_i32_0 : i32, i32
  }
  func.func @transform_4(%arg0: i32) -> (i32, i32) {
    %c0_i32 = arith.constant 0 : i32
    %c0_i32_0 = arith.constant 0 : i32
    %c0_i32_1 = arith.constant 0 : i32
    return %c0_i32, %c0_i32_0 : i32, i32
  }
  func.func @transform_5(%arg0: i32) -> (i32, i32) {
    %c0_i32 = arith.constant 0 : i32
    %c0_i32_0 = arith.constant 0 : i32
    %c0_i32_1 = arith.constant 0 : i32
    return %c0_i32, %c0_i32_0 : i32, i32
  }
  func.func @transform_6(%arg0: i32) -> (i32, i32) {
    %c0_i32 = arith.constant 0 : i32
    %c0_i32_0 = arith.constant 0 : i32
    return %arg0, %c0_i32 : i32, i32
  }
  func.func @transform_7(%arg0: i32) -> (i32, i32) {
    %c0_i32 = arith.constant 0 : i32
    %c0_i32_0 = arith.constant 0 : i32
    return %arg0, %c0_i32 : i32, i32
  }
}

</mosaic_0001>

<sc_bundles>
// kernel: kernel.6.cloned.1.call-start
scs
__scs_entry_jumppad:
0x0: {  	(pc) =	sbr.rel $0x88, $3  }
0x1: {  	(tag) =	ssettag $0x0;
	lr =	simm.s32 $0x1  }
0x2: {  	[smem:$0x3F9A] =	sst lr;
	_ =	strace $0xD0000000  }
0x3: {  	_ = 	snop  }
0x4: {  	_ = 	snop  }
0x5: {  	_ = 	snop  }
0x6: {  	_ = 	snop  }
0x7: {  	_ = 	snop  }
__scs_overlays_trampoline_lowered:
0x8: {  	[smem:$0x3FA9] =	sst s0  }
0x9: {  	[smem:$0x3FAA] =	sst s1  }
0xa: {  	[smem:$0x3FAB] =	sst s2  }
0xb: {  	[smem:$0x3FAC] =	sst s3  }
0xc: {  	[smem:$0x3FAD] =	sst s4  }
0xd: {  	[smem:$0x3FAE] =	sst s5  }
0xe: {  	[smem:$0x3FAF] =	sst s6  }
0xf: {  	[smem:$0x3FB0] =	sst s7  }
0x10: {  	[smem:$0x3FB1] =	sst s8  }
0x11: {  	[smem:$0x3FB2] =	sst s9;
	s0 =	simm.s32 @!p0 $0x0  }
0x12: {  	s1 =	sld [smem:$0x3F98];
	s0 =	simm.s32 @p0 $0x1  }
0x13: {  	[smem:$0x3FB3] =	sst s0;
	s0 =	simm.s32 @!p1 $0x0  }
0x14: {  	s2 =	sld [smem:$0x3F97];
	s0 =	simm.s32 @p1 $0x1  }
0x15: {  	[smem:$0x3FB4] =	sst s0;
	s0 =	simm.s32 @!p2 $0x0  }
0x16: {  	s3 =	sld [smem:$0x3FDB];
	s0 =	simm.s32 @p2 $0x1  }
0x17: {  	s4 =	simm.s32 $0x1BF5;
	[smem:$0x3FB6] =	sst s0  }
0x18: {  	s0 =	sld [smem:$0x3F99];
	_ =	swait.ge [sflag:s4], $0x0  }
0x19: {  	s7 =	sld [smem:$0x3F9A]  }
0x1a: {  	s8 =	sadd.s32 $0xFFFFE003, lr  }
0x1b: {  	s9 =	sadd.s32 $0xFFFFFEF7, lr;
	s5 =	simm.s32 $0xFFFFFFFF;
	p2 =	slt.u32 s8, $0xFFFFF086  }
0x1c: {  	p1 =	slt.u32 s9, $0xF7A;
	s5 =	simm.s32 @!p2 $0x0  }
0x1d: {  	s5 =	simm.s32 @p1 $0x1;
	p0 =	seq.s32 s7, s2  }
0x1e: {  	s7 =	smul.u32 @!p0 $0xF7A, s2;
	p2 =	seq.s32 @!p0 s5, $0x0  }
0x1f: {  	s9 =	smul.u32 $0xF7A, s1;
	s8 =	simm.s32 @!p0 $0x1BF5;
	p2 =	por !p2, p0  }
0x20: {  	[sflag:s8] =	ssyncset.s32 @!p0 $0xFFFFF086;
	s6 =	sadd.s32 @!p0 s3, s7;
	s7 =	simm.s32 @!p0 $0x108  }
0x21: {  	s3 =	sadd.s32 s3, s9;
	s6 =	sadd.s32 @!p0 $0x88, s6;
	s7 =	simm.s32 @p2 $0x1082  }
0x22: {  	[simem:s7], [sflag:s8] =	dma.local @!p0 [hbm:s6], $0xF7A  }
0x23: {  	s9 =	sor.u32 $0xD0000000, s2;
	s6 =	simm.s32 $0x108;
	_ =	swait.ge @!p0 [sflag:s8], $0x0  }
0x24: {  	s3 =	sadd.s32 $0x88, s3;
	s6 =	simm.s32 @!p1 $0x1082;
	[sflag:s4] =	ssyncset.s32 $0xFFFFF086  }
0x25: {  	[simem:s6], [sflag:s4] =	dma.local [hbm:s3], $0xF7A  }
0x26: {  	[smem:$0x3F9A] =	sst s1;
	(tag) =	ssettag s2;
	_ =	strace s9  }
0x27: {  	s1 =	sld [smem:$0x3FAA]  }
0x28: {  	s2 =	sld [smem:$0x3FAB]  }
0x29: {  	s4 =	sld [smem:$0x3FAD]  }
0x2a: {  	p0 =	seq.s32 s5, $0x0;
	s5 =	sld [smem:$0x3FAE]  }
0x2b: {  	s6 =	sld [smem:$0x3FAF]  }
0x2c: {  	s7 =	sld [smem:$0x3FB0]  }
0x2d: {  	s3 =	simm.s32 $0x108;
	s8 =	sld [smem:$0x3FB1]  }
0x2e: {  	s3 =	simm.s32 @!p0 $0x1082;
	s9 =	sld [smem:$0x3FB2]  }
0x2f: {  	lr =	sadd.s32 s0, s3;
	s0 =	sld [smem:$0x3FA9]  }
0x30: {  	s3 =	sld [smem:$0x3FAC]  }
0x31: {  	[smem:$0x3FB5] =	sst s10  }
0x32: {  	s10 =	sld [smem:$0x3FB3];
	_ =	sdelay $0x3  }
0x33: {  	p0 =	seq.s32 s10, $0x1;
	s10 =	sld [smem:$0x3FB5];
	_ =	sdelay $0x3  }
0x34: {  	[smem:$0x3FB5] =	sst s10  }
0x35: {  	s10 =	sld [smem:$0x3FB4];
	_ =	sdelay $0x3  }
0x36: {  	p1 =	seq.s32 s10, $0x1;
	s10 =	sld [smem:$0x3FB5];
	_ =	sdelay $0x3  }
0x37: {  	[smem:$0x3FB5] =	sst s10  }
0x38: {  	s10 =	sld [smem:$0x3FB6]  }
0x39: {  	_ = 	snop;
	(pc) =	sbr.ind lr, $3  }
0x3a: {  	_ = 	snop  }
0x3b: {  	_ = 	snop  }
0x3c: {  	p2 =	seq.s32 s10, $0x1;
	s10 =	sld [smem:$0x3FB5]  }
0x3d: {  	_ =	shalt  }
0x3e: {  	_ =	shalt  }
0x3f: {  	_ =	shalt  }
0x40: {  	_ =	shalt  }
0x41: {  	_ =	shalt  }
0x42: {  	_ =	shalt  }
0x43: {  	_ =	shalt  }
0x44: {  	_ =	shalt  }
0x45: {  	_ =	shalt  }
0x46: {  	_ =	shalt  }
0x47: {  	_ =	shalt  }
0x48: {  	_ =	shalt  }
0x49: {  	_ =	shalt  }
0x4a: {  	_ =	shalt  }
0x4b: {  	_ =	shalt  }
0x4c: {  	_ =	shalt  }
0x4d: {  	_ =	shalt  }
0x4e: {  	_ =	shalt  }
0x4f: {  	_ =	shalt  }
0x50: {  	_ =	shalt  }
0x51: {  	_ =	shalt  }
0x52: {  	_ =	shalt  }
0x53: {  	_ =	shalt  }
0x54: {  	_ =	shalt  }
0x55: {  	_ =	shalt  }
0x56: {  	_ =	shalt  }
0x57: {  	_ =	shalt  }
0x58: {  	_ =	shalt  }
0x59: {  	_ =	shalt  }
0x5a: {  	_ =	shalt  }
0x5b: {  	_ =	shalt  }
0x5c: {  	_ =	shalt  }
0x5d: {  	_ =	shalt  }
0x5e: {  	_ =	shalt  }
0x5f: {  	_ =	shalt  }
0x60: {  	_ =	shalt  }
0x61: {  	_ =	shalt  }
0x62: {  	_ =	shalt  }
0x63: {  	_ =	shalt  }
0x64: {  	_ =	shalt  }
0x65: {  	_ =	shalt  }
0x66: {  	_ =	shalt  }
0x67: {  	_ =	shalt  }
0x68: {  	_ =	shalt  }
0x69: {  	_ =	shalt  }
0x6a: {  	_ =	shalt  }
0x6b: {  	_ =	shalt  }
0x6c: {  	_ =	shalt  }
0x6d: {  	_ =	shalt  }
0x6e: {  	_ =	shalt  }
0x6f: {  	_ =	shalt  }
0x70: {  	_ =	shalt  }
0x71: {  	_ =	shalt  }
0x72: {  	_ =	shalt  }
0x73: {  	_ =	shalt  }
0x74: {  	_ =	shalt  }
0x75: {  	_ =	shalt  }
0x76: {  	_ =	shalt  }
0x77: {  	_ =	shalt  }
0x78: {  	_ =	shalt  }
0x79: {  	_ =	shalt  }
0x7a: {  	_ =	shalt  }
0x7b: {  	_ =	shalt  }
0x7c: {  	_ =	shalt  }
0x7d: {  	_ =	shalt  }
0x7e: {  	_ =	shalt  }
0x7f: {  	_ =	shalt  }
0x80: {  	_ =	shalt  }
0x81: {  	_ =	shalt  }
0x82: {  	_ =	shalt  }
0x83: {  	_ =	shalt  }
0x84: {  	_ =	shalt  }
0x85: {  	_ =	shalt  }
0x86: {  	_ =	shalt  }
0x87: {  	_ =	shalt  }
.Lfunc_end0:
.L_simem_size_0:
called_computation_lowered:
.L_overlay_start_0:
0x88: {  	s2 =	sld [smem:$0x3FD9]  }
0x89: {  	s3 =	sld [smem:$0x3FFE];
	_ =	sdelay $0x1  }
0x8a: {  	s1 =	srdreg.scid  }
0x8b: {  	s0 =	sand.u32 $0x1, s1  }
0x8c: {  	s17 =	sshll.u32 s0, $0xA;
	s2 =	sadd.s32 s3, s2  }
0x8d: {  	s2 =	sadd.s32 s2, s17  }
0x8e: {  	[smem:$0x3FC1] =	sst s2  }
0x8f: {  	_ = 	snop  }
0x90: {  	s2 =	sld [smem:$0x3FD0];
	(tm) =	ssettm $0x1  }
0x91: {  	s18 =	sld [smem:$0x3FFB];
	_ =	sdelay $0x3  }
0x92: {  	_ =	strace s18  }
0x93: {  	s3 =	sld [smem:$0x3FFC];
	_ =	sdelay $0x3  }
0x94: {  	_ =	strace s3  }
0x95: {  	s3 =	sld [smem:$0x3FFD];
	_ =	sdelay $0x3  }
0x96: {  	_ =	strace s3  }
0x97: {  	_ =	strace $0x8FFFFFFF  }
0x98: {  	s19 =	sld [smem:$0x3FDB];
	_ =	sdelay $0x1  }
0x99: {  	s4 =	simm.s32 $_scs_section_size  }
0x9a: {  	s5 =	simm.s32 $_size__tile_overlayer_lowered;
	s6 =	simm.s32 $_tile_overlayer_lowered  }
0x9b: {  	s22 =	simm.s32 $0x1BFF;
	s21 =	sshll.u32 s6, $0x1;
	s3 =	sadd.s32 s4, s19  }
0x9c: {  	s7 =	simm.s32 $0x0;
	s20 =	sshll.u32 s5, $0x1;
	s5 =	sadd.s32 s21, s3  }
0x9d: {  	[timem:s7], [sflag:s22] =	dma.local [hbm:s5], s20  }
0x9e: {  	_ =	swait.ge [sflag:s22], s20  }
0x9f: {  	s4 =	ssub.s32 $0x0, s20;
	[sflag:s22] =	ssyncset.done $0x0  }
0xa0: {  	[sflag:s22] =	ssyncadd.s32 s4;
	_ =	sdelay $0x1  }
0xa1: {  	s23 =	simm.s32 $0x1B8B  }
0xa2: {  	_ =	swait.ge [sflag:s23], $0x1  }
0xa3: {  	[sflag:s23] =	ssyncset.done $0x0  }
0xa4: {  	s25 =	simm.s32 $0x1B8E;
	s24 =	sld [smem:$0x3FFE];
	[sflag:s23] =	ssyncadd.s32 $0xFFFFFFFF  }
0xa5: {  	s26 =	simm.s32 $execute0_lowered;
	[smem:$0x3FD2] =	sst s25  }
0xa6: {  	s5 =	sshll.u32 s26, $0x1;
	_ =	strace $0x80000046;
	[dreg:$0x1] =	wrdreg $0xFFFFFFFF  }
0xa7: {  	s28 =	simm.s32 $_size_execute0_lowered;
	s3 =	sadd.s32 s3, s5;
	[dreg:$0x0] =	wrdreg $0x0  }
0xa8: {  	s5 =	sshll.u32 s28, $0x1;
	[dreg:$0x2] =	wrdreg s3  }
0xa9: {  	[dreg:$0x3] =	wrdreg s5  }
0xaa: {  	[dreg:$0x4] =	wrdreg $0xC0  }
0xab: {  	_ =	task [dreg:s7], $0x5FFFF  }
0xac: {  	[dreg:$0x1] =	wrdreg $0xFFFFFFFF  }
0xad: {  	[dreg:$0x0] =	wrdreg $0x60  }
0xae: {  	[dreg:$0x2] =	wrdreg s24  }
0xaf: {  	[dreg:$0x3] =	wrdreg s2  }
0xb0: {  	[dreg:$0x4] =	wrdreg $0xA0000  }
0xb1: {  	[dreg:$0x5] =	wrdreg $0x9  }
0xb2: {  	_ =	task.clear_ibuf [dreg:s7], $0x6FFFF;
	_ =	strace $0x90000046  }
0xb3: {  	s29 =	simm.s32 $0x9;
	_ =	strace $0x80000048  }
0xb4: {  	_ =	swait.ge [sflag:s29], $0x1  }
0xb5: {  	[sflag:s29] =	ssyncadd.s32 $0xFFFFFFFF  }
0xb6: {  	_ =	strace $0x90000048  }
0xb7: {  	_ =	sfence  }
0xb8: {  	s30 =	sld [smem:$0x0];
	_ =	sdelay $0x2  }
0xb9: {  	s31 =	sshll.u32 s1, $0xD;
	s1 =	sshrl.u32 s1, $0x2  }
0xba: {  	s3 =	sand.u32 $0x4000, s31;
	s1 =	sadd.s32 s1, s30  }
0xbb: {  	s0 =	sor.u32 s3, s0;
	s1 =	sshll.u32 s1, $0x11  }
0xbc: {  	s0 =	sor.u32 s1, s0  }
0xbd: {  	s0 =	sadd.s32 $0x8F2B, s0  }
0xbe: {  	[sflag:s0] =	ssyncadd.remote.s32 $0x1  }
0xbf: {  	_ =	sfence.sel $0xFFFF  }
0xc0: {  	[dreg:$0x0] =	wrdreg $0xFFFFFFFF;
	(pc) =	sbr.abs _section_cstart, $3  }
0xc1: {  	[dreg:$0x1] =	wrdreg $0xFFFFFFFF  }
0xc2: {  	_ =	task.clear_ibuf [dreg:s7], $0x2FFFF;
	_ =	strace $0x9FFFFFFF  }
0xc3: {  	(tm) =	ssettm $0x7FFFFFFF  }
tec
execute0_lowered:
.L_overlay_start_1:
0x0: {  	(tag) =	ssettag $0x1  }
0x1: {  	s1 =	rddreg [dreg:$0x0]  }
0x2: {  	s3 =	rddreg [dreg:$0x1]  }
0x3: {  	s0 =	rddreg [dreg:$0x2]  }
0x4: {  	s2 =	simm.s32 $0x0;
	s4 =	srdreg.scid;
	s9 =	stileid.u32  }
0x5: {  	s28 =	simm.s32 $0x3;
	s29 =	simm.s32 $0x1000;
	s30 =	simm.s32 $0x80  }
0x6: {  	s31 =	simm.s32 $0x6000;
	[smem:$0x7FF] =	sst s2;
	s15 =	smul.u32 $0x50000, s9  }
0x7: {  	s5 =	sadd.s32 $0x29E00, s1;
	s4 =	sand.u32 $0x1, s4;
	s12 =	smul.u32 $0x14000, s9  }
0x8: {  	s13 =	sadd.s32 $0x15E00, s1;
	s6 =	ssub.s32 $0x2, s4;
	s7 =	sshll.u32 s4, $0x4  }
0x9: {  	s4 =	smul.u32 $0x140000, s4;
	s8 =	sshrl.u32 s6, $0x1;
	s7 =	sor.u32 s9, s7  }
0xa: {  	s21 =	sadd.s32 $0x4000, s12;
	s22 =	sadd.s32 $0x8000, s12;
	s17 =	smul.u32 $0x5000, s7  }
0xb: {  	s23 =	sadd.s32 $0xC000, s12;
	s24 =	sadd.s32 $0x10000, s12;
	s7 =	smul.u32 $0xA00, s7  }
0xc: {  	s6 =	ssub.s32 s6, s8;
	s14 =	sadd.s32 s12, s4;
	s16 =	sadd.s32 s4, s21  }
0xd: {  	s21 =	sadd.s32 s21, s0;
	s10 =	sshrl.u32 s17, $0x3;
	s18 =	sadd.s32 s5, s7  }
0xe: {  	s7 =	sadd.s32 s13, s7;
	s17 =	sshrl.u32 s16, $0x3;
	[dreg:$0x4] =	wrdreg s18  }
0xf: {  	[dreg:$0x5] =	wrdreg s7;
	s19 =	sadd.s32 $0x200, s10;
	s25 =	sadd.s32 $0x400, s10  }
0x10: {  	s11 =	sadd.s32 $0x600, s10;
	s8 =	sadd.s32 $0x800, s10;
	s18 =	sadd.s32 s4, s22  }
0x11: {  	s22 =	sadd.s32 s22, s0;
	s20 =	sadd.s32 s5, s19;
	s7 =	sadd.s32 s13, s19  }
0x12: {  	s26 =	sadd.s32 s5, s25;
	s9 =	sadd.s32 s5, s11;
	s10 =	sadd.s32 s13, s11  }
0x13: {  	s11 =	sadd.s32 s5, s8;
	s12 =	sadd.s32 s13, s8;
	[dreg:$0x6] =	wrdreg s20  }
0x14: {  	s5 =	sshrl.u32 s14, $0x3;
	s14 =	sadd.s32 s3, s17;
	[dreg:$0x7] =	wrdreg s7  }
0x15: {  	s19 =	sshrl.u32 s18, $0x3;
	[dreg:$0x8] =	wrdreg s26;
	s7 =	sadd.s32 s13, s25  }
0x16: {  	s13 =	sadd.s32 s3, s5;
	s20 =	sadd.s32 s4, s23;
	s16 =	sadd.s32 s3, s19  }
0x17: {  	s4 =	sadd.s32 s4, s24;
	s26 =	sshrl.u32 s15, $0x2;
	s19 =	sadd.s32 $0x3DE00, s1  }
.Ltmp0:
0x18: {  	s23 =	sadd.s32 s23, s0;
	s24 =	sadd.s32 s24, s0;
	(pc) =	sbr.rel .LBB2_1-.Ltmp0, $4  }
0x19: {  	s15 =	simm.s32 $0x1;
	s1 =	simm.s32 $0x40;
	[dreg:$0x9] =	wrdreg s7  }
0x1a: {  	s25 =	sshrl.u32 s20, $0x3;
	s4 =	sshrl.u32 s4, $0x3;
	s20 =	sadd.s32 s26, s0  }
0x1b: {  	s26 =	simm.s32 $0x2000;
	s17 =	sadd.s32 s3, s25;
	s18 =	sadd.s32 s3, s4  }
0x1c: {  	v0 =	vimm.f32 $0.0e+00;
	_ =	strace $0x80000047;
	s25 =	smax.u32 s6, $0x1;
	s3 =	simm.s32 $0x2  }
.LBB2_38:
0x1d: {  	s4 =	stileid.u32  }
0x1e: {  	s4 =	sshll.u32 s4, $0x6  }
0x1f: {  	[bflag:$0x0] =	sbarrier.arrive $0xFFFF;
	s5 =	sshrl.u32 s20, $0x3;
	s4 =	sor.u32 $0x1C03, s4  }
0x20: {  	[hbm:s13], [sflag:s4] =	dma.local [spmem:s5], $0x800  }
0x21: {  	_ =	swait.ge [sflag:s28], $0x800  }
0x22: {  	[sflag:s28] =	ssyncset.done $0x0  }
0x23: {  	s8 =	sshrl.u32 s21, $0x3;
	[sflag:s28] =	ssyncadd.s32 $0xFFFFF800  }
0x24: {  	[hbm:s14], [sflag:s4] =	dma.local [spmem:s8], $0x800  }
0x25: {  	_ =	swait.ge [sflag:s28], $0x800  }
0x26: {  	[sflag:s28] =	ssyncset.done $0x0  }
0x27: {  	s6 =	sshrl.u32 s22, $0x3;
	[sflag:s28] =	ssyncadd.s32 $0xFFFFF800  }
0x28: {  	[hbm:s16], [sflag:s4] =	dma.local [spmem:s6], $0x800  }
0x29: {  	_ =	swait.ge [sflag:s28], $0x800  }
0x2a: {  	[sflag:s28] =	ssyncset.done $0x0  }
0x2b: {  	s7 =	sshrl.u32 s23, $0x3;
	[sflag:s28] =	ssyncadd.s32 $0xFFFFF800  }
0x2c: {  	[hbm:s17], [sflag:s4] =	dma.local [spmem:s7], $0x800  }
0x2d: {  	s2 =	sadd.s32 $0x1, s2;
	_ =	swait.ge [sflag:s28], $0x800  }
0x2e: {  	p0 =	sne.s32 s2, s25;
	[sflag:s28] =	ssyncset.done $0x0  }
.Ltmp1:
0x2f: {  	s8 =	sshrl.u32 s24, $0x3;
	[sflag:s28] =	ssyncadd.s32 $0xFFFFF800;
	(pc) =	sbr.rel @!p0 .LBB2_39-.Ltmp1, $4  }
0x30: {  	[hbm:s18], [sflag:s4] =	dma.local [spmem:s8], $0x800  }
0x31: {  	_ =	swait.ge [sflag:s28], $0x800  }
0x32: {  	[sflag:s28] =	ssyncset.done $0x0  }
0x33: {  	[sflag:s28] =	ssyncadd.s32 $0xFFFFF800  }
.LBB2_1:
0x34: {  	s4 =	simm.s32 $0x0;
	s5 =	simm.s32 $0x200  }
.LBB2_2:
0x35: {  	p0 =	sne.s32 s5, $0xFE00;
	[tilespmem:s4+$0x2070] =	vst v0  }
0x36: {  	[tilespmem:s4+$0x2000] =	vst v0  }
0x37: {  	[tilespmem:s4+$0x2010] =	vst v0  }
.Ltmp2:
0x38: {  	[tilespmem:s4+$0x2020] =	vst v0;
	(pc) =	sbr.rel @p0 .LBB2_2-.Ltmp2, $4  }
0x39: {  	[tilespmem:s4+$0x2030] =	vst v0  }
0x3a: {  	[tilespmem:s4+$0x2040] =	vst v0  }
0x3b: {  	[tilespmem:s4+$0x2050] =	vst v0  }
0x3c: {  	[tilespmem:s4+$0x2060] =	vst v0;
	s4 =	sshra.s32 s5, $0x2;
	s5 =	sadd.s32 $0x200, s5  }
0x3d: {  	[tilespmem:s4+$0x2070] =	vst v0  }
0x3e: {  	[tilespmem:s4+$0x2000] =	vst v0  }
0x3f: {  	[tilespmem:s4+$0x2010] =	vst v0  }
0x40: {  	[tilespmem:s4+$0x2020] =	vst v0  }
0x41: {  	[tilespmem:s4+$0x2030] =	vst v0  }
0x42: {  	[tilespmem:s4+$0x2040] =	vst v0  }
0x43: {  	[tilespmem:s4+$0x2050] =	vst v0  }
0x44: {  	[tilespmem:s4+$0x2060] =	vst v0  }
0x45: {  	[spmem:s20] =	stream.linear.scatter [tilespmem:s26], [sflag:$0x3], $0x4000, $0x38;
	[tilespmem:$0x1E000] =	vst v63  }
0x46: {  	_ =	swait.ge [sflag:s28], $0x4000  }
0x47: {  	[sflag:s28] =	ssyncset.done $0x0  }
0x48: {  	[sflag:s28] =	ssyncadd.s32 $0xFFFFC000  }
0x49: {  	[spmem:s21] =	stream.linear.scatter [tilespmem:s26], [sflag:$0x3], $0x4000, $0x38;
	[tilespmem:$0x1E000] =	vst v63  }
0x4a: {  	_ =	swait.ge [sflag:s28], $0x4000  }
0x4b: {  	[sflag:s28] =	ssyncset.done $0x0  }
0x4c: {  	[sflag:s28] =	ssyncadd.s32 $0xFFFFC000  }
0x4d: {  	[spmem:s22] =	stream.linear.scatter [tilespmem:s26], [sflag:$0x3], $0x4000, $0x38;
	[tilespmem:$0x1E000] =	vst v63  }
0x4e: {  	_ =	swait.ge [sflag:s28], $0x4000  }
0x4f: {  	[sflag:s28] =	ssyncset.done $0x0  }
0x50: {  	[sflag:s28] =	ssyncadd.s32 $0xFFFFC000  }
0x51: {  	[spmem:s23] =	stream.linear.scatter [tilespmem:s26], [sflag:$0x3], $0x4000, $0x38;
	[tilespmem:$0x1E000] =	vst v63  }
0x52: {  	_ =	swait.ge [sflag:s28], $0x4000  }
0x53: {  	[sflag:s28] =	ssyncset.done $0x0  }
0x54: {  	[sflag:s28] =	ssyncadd.s32 $0xFFFFC000  }
0x55: {  	[spmem:s24] =	stream.linear.scatter [tilespmem:s26], [sflag:$0x3], $0x4000, $0x38;
	[tilespmem:$0x1E000] =	vst v63  }
0x56: {  	_ =	swait.ge [sflag:s28], $0x4000  }
0x57: {  	[sflag:s28] =	ssyncset.done $0x0  }
0x58: {  	[sflag:s28] =	ssyncadd.s32 $0xFFFFC000  }
0x59: {  	[bflag:$0x0] =	sbarrier.arrive $0xFFFF  }
0x5a: {  	s4 =	simm.s32 $0x0;
	s5 =	rddreg [dreg:$0x4]  }
0x5b: {  	[tilespmem:s4], [sflag:$0x3] =	stream.linear.gather [hbm4b:s5+s4], $0x1000, $0x38;
	[tilespmem:$0x1E000] =	vst v63  }
0x5c: {  	_ =	swait.ge [sflag:s28], $0x1000  }
0x5d: {  	[sflag:s28] =	ssyncset.done $0x0  }
0x5e: {  	s8 =	rddreg [dreg:$0x5];
	[sflag:s28] =	ssyncadd.s32 $0xFFFFF000  }
0x5f: {  	[tilespmem:s29], [sflag:$0x3] =	stream.linear.gather [hbm4b:s8+s4], $0x1000, $0x38;
	[tilespmem:$0x1E000] =	vst v63  }
0x60: {  	_ =	swait.ge [sflag:s28], $0x1000  }
0x61: {  	[sflag:s28] =	ssyncset.done $0x0  }
0x62: {  	[sflag:s28] =	ssyncadd.s32 $0xFFFFF000  }
0x63: {  	[tilespmem:s26], [sflag:$0x1] =	stream.indirect.gather [hbm4b:s19+s30], $0x80, s4, s30, $0xb8;
	[tilespmem:$0x1E000] =	vst v63  }
0x64: {  	_ = 	snop  }
0x65: {  	[tilespmem:s31], [sflag:$0x2] =	stream.indirect.gather [hbm4b:s19+s30], $0x80, s30, s30, $0xb8;
	[tilespmem:$0x1E000] =	vst v63  }
.LBB2_4:
0x66: {  	_ =	swait.ge [sflag:s15], $0x4000  }
0x67: {  	[sflag:s15] =	ssyncset.done $0x0  }
0x68: {  	s6 =	simm.s32 $0x0;
	[sflag:s15] =	ssyncadd.s32 $0xFFFFC000  }
0x69: {  	v8 =	vld [tilespmem:s6+$0x4000]  }
0x6a: {  	v12 =	vld [tilespmem:s6+$0x4010]  }
0x6b: {  	v6 =	vld [tilespmem:s6+$0x4020]  }
0x6c: {  	v5 =	vld [tilespmem:s6+$0x4030]  }
0x6d: {  	v4 =	vld [tilespmem:s6+$0x4040]  }
0x6e: {  	v3 =	vld [tilespmem:s6+$0x4050]  }
0x6f: {  	v2 =	vld [tilespmem:s6+$0x4060]  }
0x70: {  	v1 =	vld [tilespmem:s6+$0x4070]  }
0x71: {  	v13 =	vld [tilespmem:s6+$0x2000]  }
0x72: {  	v14 =	vld [tilespmem:s6+$0x2010]  }
0x73: {  	v11 =	vld [tilespmem:s6+$0x2020]  }
0x74: {  	v10 =	vld [tilespmem:s6+$0x2030]  }
0x75: {  	v9 =	vld [tilespmem:s6+$0x2040]  }
0x76: {  	v7 =	vld [tilespmem:s6+$0x2050];
	v13 =	vadd.f32 v8, v13  }
0x77: {  	s5 =	simm.s32 $0x200;
	v12 =	vadd.f32 v12, v14;
	v8 =	vld [tilespmem:s6+$0x2060]  }
.LBB2_5:
0x78: {  	s7 =	sshra.s32 s5, $0x2;
	p0 =	sne.s32 s5, $0x7E00;
	[tilespmem:s6+$0x2000] =	vst v13;
	v6 =	vadd.f32 v6, v11;
	v11 =	vld [tilespmem:s6+$0x2070]  }
0x79: {  	v13 =	vld [tilespmem:s7+$0x4000];
	[tilespmem:s6+$0x2010] =	vst v12;
	v5 =	vadd.f32 v5, v10  }
0x7a: {  	v12 =	vld [tilespmem:s7+$0x4010];
	[tilespmem:s6+$0x2020] =	vst v6;
	v4 =	vadd.f32 v4, v9  }
0x7b: {  	v6 =	vld [tilespmem:s7+$0x4020];
	[tilespmem:s6+$0x2030] =	vst v5;
	v3 =	vadd.f32 v3, v7  }
0x7c: {  	v5 =	vld [tilespmem:s7+$0x4030];
	[tilespmem:s6+$0x2040] =	vst v4;
	v2 =	vadd.f32 v2, v8  }
0x7d: {  	v4 =	vld [tilespmem:s7+$0x4040];
	[tilespmem:s6+$0x2050] =	vst v3;
	v1 =	vadd.f32 v1, v11  }
0x7e: {  	v3 =	vld [tilespmem:s7+$0x4050];
	[tilespmem:s6+$0x2060] =	vst v2  }
0x7f: {  	v2 =	vld [tilespmem:s7+$0x4060];
	[tilespmem:s6+$0x2070] =	vst v1;
	s6 =	smov.u32 s7  }
0x80: {  	v1 =	vld [tilespmem:s6+$0x4070]  }
0x81: {  	v7 =	vld [tilespmem:s6+$0x2000]  }
0x82: {  	v8 =	vld [tilespmem:s6+$0x2010]  }
.Ltmp3:
0x83: {  	v11 =	vld [tilespmem:s6+$0x2020];
	(pc) =	sbr.rel @p0 .LBB2_5-.Ltmp3, $4  }
0x84: {  	v10 =	vld [tilespmem:s6+$0x2030]  }
0x85: {  	v9 =	vld [tilespmem:s6+$0x2040]  }
0x86: {  	v13 =	vadd.f32 v13, v7;
	v7 =	vld [tilespmem:s6+$0x2050]  }
0x87: {  	s5 =	sadd.s32 $0x200, s5;
	v12 =	vadd.f32 v12, v8;
	v8 =	vld [tilespmem:s6+$0x2060]  }
0x88: {  	[tilespmem:s6+$0x2000] =	vst v13;
	v6 =	vadd.f32 v6, v11;
	v11 =	vld [tilespmem:s6+$0x2070]  }
0x89: {  	[tilespmem:s6+$0x2010] =	vst v12;
	v5 =	vadd.f32 v5, v10  }
0x8a: {  	[tilespmem:s6+$0x2020] =	vst v6;
	v4 =	vadd.f32 v4, v9  }
0x8b: {  	[tilespmem:s6+$0x2030] =	vst v5;
	v3 =	vadd.f32 v3, v7  }
0x8c: {  	[tilespmem:s6+$0x2040] =	vst v4;
	v2 =	vadd.f32 v2, v8  }
0x8d: {  	s7 =	sshll.u32 s4, $0xA;
	[tilespmem:s6+$0x2050] =	vst v3;
	v1 =	vadd.f32 v1, v11  }
0x8e: {  	s5 =	sshrl.u32 s7, $0x2;
	[tilespmem:s6+$0x2060] =	vst v2  }
0x8f: {  	s8 =	sadd.s32 $0x1000, s5;
	[tilespmem:s6+$0x2070] =	vst v1  }
0x90: {  	[spmem:s0] =	stream.indirect.scatter.add.f32 [tilespmem:s26], [sflag:$0x3], $0x80, s8, s1, $0xb8;
	[tilespmem:$0x1E000] =	vst v63  }
0x91: {  	p0 =	seq.s32 s4, $0xF;
	_ =	swait.ge [sflag:s28], $0x2000  }
0x92: {  	s6 =	sshrl.u32 @!p0 s7, $0x2;
	s7 =	simm.s32 @!p0 $0x80;
	[sflag:s28] =	ssyncset.done $0x0  }
0x93: {  	s6 =	sadd.s32 @!p0 $0x100, s6;
	s8 =	simm.s32 @!p0 $0x2000;
	[sflag:s28] =	ssyncadd.s32 $0xFFFFE000  }
0x94: {  	[tilespmem:s8], [sflag:$0x1] =	stream.indirect.gather @!p0 [hbm4b:s19+s7], $0x80, s6, s7, $0xb8;
	[tilespmem:$0x1E000] =	vst v63  }
0x95: {  	_ =	swait.ge [sflag:s3], $0x4000  }
0x96: {  	[sflag:s3] =	ssyncset.done $0x0  }
0x97: {  	s6 =	simm.s32 $0x0;
	[sflag:s3] =	ssyncadd.s32 $0xFFFFC000  }
0x98: {  	v8 =	vld [tilespmem:s6+$0x8000]  }
0x99: {  	v12 =	vld [tilespmem:s6+$0x8010]  }
0x9a: {  	v6 =	vld [tilespmem:s6+$0x8020]  }
0x9b: {  	v5 =	vld [tilespmem:s6+$0x8030]  }
0x9c: {  	v4 =	vld [tilespmem:s6+$0x8040]  }
0x9d: {  	v3 =	vld [tilespmem:s6+$0x8050]  }
0x9e: {  	v2 =	vld [tilespmem:s6+$0x8060]  }
0x9f: {  	v1 =	vld [tilespmem:s6+$0x8070]  }
0xa0: {  	v13 =	vld [tilespmem:s6+$0x6000]  }
0xa1: {  	v14 =	vld [tilespmem:s6+$0x6010]  }
0xa2: {  	v11 =	vld [tilespmem:s6+$0x6020]  }
0xa3: {  	v10 =	vld [tilespmem:s6+$0x6030]  }
0xa4: {  	v9 =	vld [tilespmem:s6+$0x6040]  }
0xa5: {  	v7 =	vld [tilespmem:s6+$0x6050];
	v13 =	vadd.f32 v8, v13  }
0xa6: {  	s7 =	simm.s32 $0x200;
	v12 =	vadd.f32 v12, v14;
	v8 =	vld [tilespmem:s6+$0x6060]  }
.LBB2_7:
0xa7: {  	s8 =	sshra.s32 s7, $0x2;
	p1 =	sne.s32 s7, $0x7E00;
	[tilespmem:s6+$0x6000] =	vst v13;
	v6 =	vadd.f32 v6, v11;
	v11 =	vld [tilespmem:s6+$0x6070]  }
0xa8: {  	v13 =	vld [tilespmem:s8+$0x8000];
	[tilespmem:s6+$0x6010] =	vst v12;
	v5 =	vadd.f32 v5, v10  }
0xa9: {  	v12 =	vld [tilespmem:s8+$0x8010];
	[tilespmem:s6+$0x6020] =	vst v6;
	v4 =	vadd.f32 v4, v9  }
0xaa: {  	v6 =	vld [tilespmem:s8+$0x8020];
	[tilespmem:s6+$0x6030] =	vst v5;
	v3 =	vadd.f32 v3, v7  }
0xab: {  	v5 =	vld [tilespmem:s8+$0x8030];
	[tilespmem:s6+$0x6040] =	vst v4;
	v2 =	vadd.f32 v2, v8  }
0xac: {  	v4 =	vld [tilespmem:s8+$0x8040];
	[tilespmem:s6+$0x6050] =	vst v3;
	v1 =	vadd.f32 v1, v11  }
0xad: {  	v3 =	vld [tilespmem:s8+$0x8050];
	[tilespmem:s6+$0x6060] =	vst v2  }
0xae: {  	v2 =	vld [tilespmem:s8+$0x8060];
	[tilespmem:s6+$0x6070] =	vst v1;
	s6 =	smov.u32 s8  }
0xaf: {  	v1 =	vld [tilespmem:s6+$0x8070]  }
0xb0: {  	v7 =	vld [tilespmem:s6+$0x6000]  }
0xb1: {  	v8 =	vld [tilespmem:s6+$0x6010]  }
.Ltmp4:
0xb2: {  	v11 =	vld [tilespmem:s6+$0x6020];
	(pc) =	sbr.rel @p1 .LBB2_7-.Ltmp4, $4  }
0xb3: {  	v10 =	vld [tilespmem:s6+$0x6030]  }
0xb4: {  	v9 =	vld [tilespmem:s6+$0x6040]  }
0xb5: {  	v13 =	vadd.f32 v13, v7;
	v7 =	vld [tilespmem:s6+$0x6050]  }
0xb6: {  	s7 =	sadd.s32 $0x200, s7;
	v12 =	vadd.f32 v12, v8;
	v8 =	vld [tilespmem:s6+$0x6060]  }
0xb7: {  	[tilespmem:s6+$0x6000] =	vst v13;
	v6 =	vadd.f32 v6, v11;
	v63 =	vld [tilespmem:s6+$0x6070]  }
0xb8: {  	[tilespmem:s6+$0x6010] =	vst v12;
	v5 =	vadd.f32 v5, v10  }
0xb9: {  	[tilespmem:s6+$0x6020] =	vst v6;
	v4 =	vadd.f32 v4, v9  }
0xba: {  	[tilespmem:s6+$0x6030] =	vst v5;
	v3 =	vadd.f32 v3, v7  }
0xbb: {  	[tilespmem:s6+$0x6040] =	vst v4;
	v2 =	vadd.f32 v2, v8  }
0xbc: {  	[tilespmem:s6+$0x6050] =	vst v3;
	v1 =	vadd.f32 v1, v63  }
0xbd: {  	[tilespmem:s6+$0x6060] =	vst v2  }
.Ltmp5:
0xbe: {  	s8 =	sadd.s32 $0x1080, s5;
	[tilespmem:s6+$0x6070] =	vst v1;
	(pc) =	sbr.rel @p0 .LBB2_10-.Ltmp5, $4  }
0xbf: {  	[spmem:s0] =	stream.indirect.scatter.add.f32 [tilespmem:s31], [sflag:$0x3], $0x80, s8, s1, $0xb8;
	[tilespmem:$0x1E000] =	vst v63  }
0xc0: {  	_ =	swait.ge [sflag:s28], $0x2000  }
0xc1: {  	[sflag:s28] =	ssyncset.done $0x0  }
0xc2: {  	[sflag:s28] =	ssyncadd.s32 $0xFFFFE000  }
.Ltmp6:
0xc3: {  	(pc) =	sbr.rel .LBB2_4-.Ltmp6, $3  }
0xc4: {  	_ =	sdelay $0x1  }
0xc5: {  	s5 =	sadd.s32 $0x180, s5;
	s4 =	sadd.s32 $0x1, s4  }
0xc6: {  	[tilespmem:s31], [sflag:$0x2] =	stream.indirect.gather [hbm4b:s19+s30], $0x80, s5, s30, $0xb8;
	[tilespmem:$0x1E000] =	vst v63  }
.LBB2_10:
0xc7: {  	s4 =	simm.s32 $0x0;
	s5 =	rddreg [dreg:$0x6]  }
0xc8: {  	[tilespmem:s4], [sflag:$0x3] =	stream.linear.gather [hbm4b:s5+s4], $0x1000, $0x38;
	[tilespmem:$0x1E000] =	vst v63  }
0xc9: {  	_ =	swait.ge [sflag:s28], $0x1000  }
0xca: {  	[sflag:s28] =	ssyncset.done $0x0  }
0xcb: {  	s8 =	rddreg [dreg:$0x7];
	[sflag:s28] =	ssyncadd.s32 $0xFFFFF000  }
0xcc: {  	[tilespmem:s29], [sflag:$0x3] =	stream.linear.gather [hbm4b:s8+s4], $0x1000, $0x38;
	[tilespmem:$0x1E000] =	vst v63  }
0xcd: {  	_ =	swait.ge [sflag:s28], $0x1000  }
0xce: {  	[sflag:s28] =	ssyncset.done $0x0  }
0xcf: {  	[sflag:s28] =	ssyncadd.s32 $0xFFFFF000  }
0xd0: {  	[tilespmem:s26], [sflag:$0x1] =	stream.indirect.gather [hbm4b:s19+s30], $0x80, s4, s30, $0xb8;
	[tilespmem:$0x1E000] =	vst v63  }
0xd1: {  	_ = 	snop  }
0xd2: {  	[tilespmem:s31], [sflag:$0x2] =	stream.indirect.gather [hbm4b:s19+s30], $0x80, s30, s30, $0xb8;
	[tilespmem:$0x1E000] =	vst v63  }
.LBB2_11:
0xd3: {  	_ =	swait.ge [sflag:s15], $0x4000  }
0xd4: {  	[sflag:s15] =	ssyncset.done $0x0  }
0xd5: {  	s6 =	simm.s32 $0x0;
	[sflag:s15] =	ssyncadd.s32 $0xFFFFC000  }
0xd6: {  	v8 =	vld [tilespmem:s6+$0x4000]  }
0xd7: {  	v12 =	vld [tilespmem:s6+$0x4010]  }
0xd8: {  	v6 =	vld [tilespmem:s6+$0x4020]  }
0xd9: {  	v5 =	vld [tilespmem:s6+$0x4030]  }
0xda: {  	v4 =	vld [tilespmem:s6+$0x4040]  }
0xdb: {  	v3 =	vld [tilespmem:s6+$0x4050]  }
0xdc: {  	v2 =	vld [tilespmem:s6+$0x4060]  }
0xdd: {  	v1 =	vld [tilespmem:s6+$0x4070]  }
0xde: {  	v13 =	vld [tilespmem:s6+$0x2000]  }
0xdf: {  	v14 =	vld [tilespmem:s6+$0x2010]  }
0xe0: {  	v11 =	vld [tilespmem:s6+$0x2020]  }
0xe1: {  	v10 =	vld [tilespmem:s6+$0x2030]  }
0xe2: {  	v9 =	vld [tilespmem:s6+$0x2040]  }
0xe3: {  	v7 =	vld [tilespmem:s6+$0x2050];
	v13 =	vadd.f32 v8, v13  }
0xe4: {  	s5 =	simm.s32 $0x200;
	v12 =	vadd.f32 v12, v14;
	v8 =	vld [tilespmem:s6+$0x2060]  }
.LBB2_12:
0xe5: {  	s7 =	sshra.s32 s5, $0x2;
	p0 =	sne.s32 s5, $0x7E00;
	[tilespmem:s6+$0x2000] =	vst v13;
	v6 =	vadd.f32 v6, v11;
	v11 =	vld [tilespmem:s6+$0x2070]  }
0xe6: {  	v13 =	vld [tilespmem:s7+$0x4000];
	[tilespmem:s6+$0x2010] =	vst v12;
	v5 =	vadd.f32 v5, v10  }
0xe7: {  	v12 =	vld [tilespmem:s7+$0x4010];
	[tilespmem:s6+$0x2020] =	vst v6;
	v4 =	vadd.f32 v4, v9  }
0xe8: {  	v6 =	vld [tilespmem:s7+$0x4020];
	[tilespmem:s6+$0x2030] =	vst v5;
	v3 =	vadd.f32 v3, v7  }
0xe9: {  	v5 =	vld [tilespmem:s7+$0x4030];
	[tilespmem:s6+$0x2040] =	vst v4;
	v2 =	vadd.f32 v2, v8  }
0xea: {  	v4 =	vld [tilespmem:s7+$0x4040];
	[tilespmem:s6+$0x2050] =	vst v3;
	v1 =	vadd.f32 v1, v11  }
0xeb: {  	v3 =	vld [tilespmem:s7+$0x4050];
	[tilespmem:s6+$0x2060] =	vst v2  }
0xec: {  	v2 =	vld [tilespmem:s7+$0x4060];
	[tilespmem:s6+$0x2070] =	vst v1;
	s6 =	smov.u32 s7  }
0xed: {  	v1 =	vld [tilespmem:s6+$0x4070]  }
0xee: {  	v7 =	vld [tilespmem:s6+$0x2000]  }
0xef: {  	v8 =	vld [tilespmem:s6+$0x2010]  }
.Ltmp7:
0xf0: {  	v11 =	vld [tilespmem:s6+$0x2020];
	(pc) =	sbr.rel @p0 .LBB2_12-.Ltmp7, $4  }
0xf1: {  	v10 =	vld [tilespmem:s6+$0x2030]  }
0xf2: {  	v9 =	vld [tilespmem:s6+$0x2040]  }
0xf3: {  	v13 =	vadd.f32 v13, v7;
	v7 =	vld [tilespmem:s6+$0x2050]  }
0xf4: {  	s5 =	sadd.s32 $0x200, s5;
	v12 =	vadd.f32 v12, v8;
	v8 =	vld [tilespmem:s6+$0x2060]  }
0xf5: {  	[tilespmem:s6+$0x2000] =	vst v13;
	v6 =	vadd.f32 v6, v11;
	v11 =	vld [tilespmem:s6+$0x2070]  }
0xf6: {  	[tilespmem:s6+$0x2010] =	vst v12;
	v5 =	vadd.f32 v5, v10  }
0xf7: {  	[tilespmem:s6+$0x2020] =	vst v6;
	v4 =	vadd.f32 v4, v9  }
0xf8: {  	[tilespmem:s6+$0x2030] =	vst v5;
	v3 =	vadd.f32 v3, v7  }
0xf9: {  	[tilespmem:s6+$0x2040] =	vst v4;
	v2 =	vadd.f32 v2, v8  }
0xfa: {  	s7 =	sshll.u32 s4, $0xA;
	[tilespmem:s6+$0x2050] =	vst v3;
	v1 =	vadd.f32 v1, v11  }
0xfb: {  	s5 =	sshrl.u32 s7, $0x2;
	[tilespmem:s6+$0x2060] =	vst v2  }
0xfc: {  	s8 =	sadd.s32 $0x1000, s5;
	[tilespmem:s6+$0x2070] =	vst v1  }
0xfd: {  	[spmem:s0] =	stream.indirect.scatter.add.f32 [tilespmem:s26], [sflag:$0x3], $0x80, s8, s1, $0xb8;
	[tilespmem:$0x1E000] =	vst v63  }
0xfe: {  	p0 =	seq.s32 s4, $0xF;
	_ =	swait.ge [sflag:s28], $0x2000  }
0xff: {  	s6 =	sshrl.u32 @!p0 s7, $0x2;
	s7 =	simm.s32 @!p0 $0x80;
	[sflag:s28] =	ssyncset.done $0x0  }
0x100: {  	s6 =	sadd.s32 @!p0 $0x100, s6;
	s8 =	simm.s32 @!p0 $0x2000;
	[sflag:s28] =	ssyncadd.s32 $0xFFFFE000  }
0x101: {  	[tilespmem:s8], [sflag:$0x1] =	stream.indirect.gather @!p0 [hbm4b:s19+s7], $0x80, s6, s7, $0xb8;
	[tilespmem:$0x1E000] =	vst v63  }
0x102: {  	_ =	swait.ge [sflag:s3], $0x4000  }
0x103: {  	[sflag:s3] =	ssyncset.done $0x0  }
0x104: {  	s6 =	simm.s32 $0x0;
	[sflag:s3] =	ssyncadd.s32 $0xFFFFC000  }
0x105: {  	v8 =	vld [tilespmem:s6+$0x8000]  }
0x106: {  	v12 =	vld [tilespmem:s6+$0x8010]  }
0x107: {  	v6 =	vld [tilespmem:s6+$0x8020]  }
0x108: {  	v5 =	vld [tilespmem:s6+$0x8030]  }
0x109: {  	v4 =	vld [tilespmem:s6+$0x8040]  }
0x10a: {  	v3 =	vld [tilespmem:s6+$0x8050]  }
0x10b: {  	v2 =	vld [tilespmem:s6+$0x8060]  }
0x10c: {  	v1 =	vld [tilespmem:s6+$0x8070]  }
0x10d: {  	v13 =	vld [tilespmem:s6+$0x6000]  }
0x10e: {  	v14 =	vld [tilespmem:s6+$0x6010]  }
0x10f: {  	v11 =	vld [tilespmem:s6+$0x6020]  }
0x110: {  	v10 =	vld [tilespmem:s6+$0x6030]  }
0x111: {  	v9 =	vld [tilespmem:s6+$0x6040]  }
0x112: {  	v7 =	vld [tilespmem:s6+$0x6050];
	v13 =	vadd.f32 v8, v13  }
0x113: {  	s7 =	simm.s32 $0x200;
	v12 =	vadd.f32 v12, v14;
	v8 =	vld [tilespmem:s6+$0x6060]  }
.LBB2_14:
0x114: {  	s8 =	sshra.s32 s7, $0x2;
	p1 =	sne.s32 s7, $0x7E00;
	[tilespmem:s6+$0x6000] =	vst v13;
	v6 =	vadd.f32 v6, v11;
	v11 =	vld [tilespmem:s6+$0x6070]  }
0x115: {  	v13 =	vld [tilespmem:s8+$0x8000];
	[tilespmem:s6+$0x6010] =	vst v12;
	v5 =	vadd.f32 v5, v10  }
0x116: {  	v12 =	vld [tilespmem:s8+$0x8010];
	[tilespmem:s6+$0x6020] =	vst v6;
	v4 =	vadd.f32 v4, v9  }
0x117: {  	v6 =	vld [tilespmem:s8+$0x8020];
	[tilespmem:s6+$0x6030] =	vst v5;
	v3 =	vadd.f32 v3, v7  }
0x118: {  	v5 =	vld [tilespmem:s8+$0x8030];
	[tilespmem:s6+$0x6040] =	vst v4;
	v2 =	vadd.f32 v2, v8  }
0x119: {  	v4 =	vld [tilespmem:s8+$0x8040];
	[tilespmem:s6+$0x6050] =	vst v3;
	v1 =	vadd.f32 v1, v11  }
0x11a: {  	v3 =	vld [tilespmem:s8+$0x8050];
	[tilespmem:s6+$0x6060] =	vst v2  }
0x11b: {  	v2 =	vld [tilespmem:s8+$0x8060];
	[tilespmem:s6+$0x6070] =	vst v1;
	s6 =	smov.u32 s8  }
0x11c: {  	v1 =	vld [tilespmem:s6+$0x8070]  }
0x11d: {  	v7 =	vld [tilespmem:s6+$0x6000]  }
0x11e: {  	v8 =	vld [tilespmem:s6+$0x6010]  }
.Ltmp8:
0x11f: {  	v11 =	vld [tilespmem:s6+$0x6020];
	(pc) =	sbr.rel @p1 .LBB2_14-.Ltmp8, $4  }
0x120: {  	v10 =	vld [tilespmem:s6+$0x6030]  }
0x121: {  	v9 =	vld [tilespmem:s6+$0x6040]  }
0x122: {  	v13 =	vadd.f32 v13, v7;
	v7 =	vld [tilespmem:s6+$0x6050]  }
0x123: {  	s7 =	sadd.s32 $0x200, s7;
	v12 =	vadd.f32 v12, v8;
	v8 =	vld [tilespmem:s6+$0x6060]  }
0x124: {  	[tilespmem:s6+$0x6000] =	vst v13;
	v6 =	vadd.f32 v6, v11;
	v63 =	vld [tilespmem:s6+$0x6070]  }
0x125: {  	[tilespmem:s6+$0x6010] =	vst v12;
	v5 =	vadd.f32 v5, v10  }
0x126: {  	[tilespmem:s6+$0x6020] =	vst v6;
	v4 =	vadd.f32 v4, v9  }
0x127: {  	[tilespmem:s6+$0x6030] =	vst v5;
	v3 =	vadd.f32 v3, v7  }
0x128: {  	[tilespmem:s6+$0x6040] =	vst v4;
	v2 =	vadd.f32 v2, v8  }
0x129: {  	[tilespmem:s6+$0x6050] =	vst v3;
	v1 =	vadd.f32 v1, v63  }
0x12a: {  	[tilespmem:s6+$0x6060] =	vst v2  }
.Ltmp9:
0x12b: {  	s8 =	sadd.s32 $0x1080, s5;
	[tilespmem:s6+$0x6070] =	vst v1;
	(pc) =	sbr.rel @p0 .LBB2_17-.Ltmp9, $4  }
0x12c: {  	[spmem:s0] =	stream.indirect.scatter.add.f32 [tilespmem:s31], [sflag:$0x3], $0x80, s8, s1, $0xb8;
	[tilespmem:$0x1E000] =	vst v63  }
0x12d: {  	_ =	swait.ge [sflag:s28], $0x2000  }
0x12e: {  	[sflag:s28] =	ssyncset.done $0x0  }
0x12f: {  	[sflag:s28] =	ssyncadd.s32 $0xFFFFE000  }
.Ltmp10:
0x130: {  	(pc) =	sbr.rel .LBB2_11-.Ltmp10, $3  }
0x131: {  	_ =	sdelay $0x1  }
0x132: {  	s5 =	sadd.s32 $0x180, s5;
	s4 =	sadd.s32 $0x1, s4  }
0x133: {  	[tilespmem:s31], [sflag:$0x2] =	stream.indirect.gather [hbm4b:s19+s30], $0x80, s5, s30, $0xb8;
	[tilespmem:$0x1E000] =	vst v63  }
.LBB2_17:
0x134: {  	s4 =	simm.s32 $0x0;
	s5 =	rddreg [dreg:$0x8]  }
0x135: {  	[tilespmem:s4], [sflag:$0x3] =	stream.linear.gather [hbm4b:s5+s4], $0x1000, $0x38;
	[tilespmem:$0x1E000] =	vst v63  }
0x136: {  	_ =	swait.ge [sflag:s28], $0x1000  }
0x137: {  	[sflag:s28] =	ssyncset.done $0x0  }
0x138: {  	s8 =	rddreg [dreg:$0x9];
	[sflag:s28] =	ssyncadd.s32 $0xFFFFF000  }
0x139: {  	[tilespmem:s29], [sflag:$0x3] =	stream.linear.gather [hbm4b:s8+s4], $0x1000, $0x38;
	[tilespmem:$0x1E000] =	vst v63  }
0x13a: {  	_ =	swait.ge [sflag:s28], $0x1000  }
0x13b: {  	[sflag:s28] =	ssyncset.done $0x0  }
0x13c: {  	[sflag:s28] =	ssyncadd.s32 $0xFFFFF000  }
0x13d: {  	[tilespmem:s26], [sflag:$0x1] =	stream.indirect.gather [hbm4b:s19+s30], $0x80, s4, s30, $0xb8;
	[tilespmem:$0x1E000] =	vst v63  }
0x13e: {  	_ = 	snop  }
0x13f: {  	[tilespmem:s31], [sflag:$0x2] =	stream.indirect.gather [hbm4b:s19+s30], $0x80, s30, s30, $0xb8;
	[tilespmem:$0x1E000] =	vst v63  }
.LBB2_18:
0x140: {  	_ =	swait.ge [sflag:s15], $0x4000  }
0x141: {  	[sflag:s15] =	ssyncset.done $0x0  }
0x142: {  	s6 =	simm.s32 $0x0;
	[sflag:s15] =	ssyncadd.s32 $0xFFFFC000  }
0x143: {  	v8 =	vld [tilespmem:s6+$0x4000]  }
0x144: {  	v12 =	vld [tilespmem:s6+$0x4010]  }
0x145: {  	v6 =	vld [tilespmem:s6+$0x4020]  }
0x146: {  	v5 =	vld [tilespmem:s6+$0x4030]  }
0x147: {  	v4 =	vld [tilespmem:s6+$0x4040]  }
0x148: {  	v3 =	vld [tilespmem:s6+$0x4050]  }
0x149: {  	v2 =	vld [tilespmem:s6+$0x4060]  }
0x14a: {  	v1 =	vld [tilespmem:s6+$0x4070]  }
0x14b: {  	v13 =	vld [tilespmem:s6+$0x2000]  }
0x14c: {  	v14 =	vld [tilespmem:s6+$0x2010]  }
0x14d: {  	v11 =	vld [tilespmem:s6+$0x2020]  }
0x14e: {  	v10 =	vld [tilespmem:s6+$0x2030]  }
0x14f: {  	v9 =	vld [tilespmem:s6+$0x2040]  }
0x150: {  	v7 =	vld [tilespmem:s6+$0x2050];
	v13 =	vadd.f32 v8, v13  }
0x151: {  	s5 =	simm.s32 $0x200;
	v12 =	vadd.f32 v12, v14;
	v8 =	vld [tilespmem:s6+$0x2060]  }
.LBB2_19:
0x152: {  	s7 =	sshra.s32 s5, $0x2;
	p0 =	sne.s32 s5, $0x7E00;
	[tilespmem:s6+$0x2000] =	vst v13;
	v6 =	vadd.f32 v6, v11;
	v11 =	vld [tilespmem:s6+$0x2070]  }
0x153: {  	v13 =	vld [tilespmem:s7+$0x4000];
	[tilespmem:s6+$0x2010] =	vst v12;
	v5 =	vadd.f32 v5, v10  }
0x154: {  	v12 =	vld [tilespmem:s7+$0x4010];
	[tilespmem:s6+$0x2020] =	vst v6;
	v4 =	vadd.f32 v4, v9  }
0x155: {  	v6 =	vld [tilespmem:s7+$0x4020];
	[tilespmem:s6+$0x2030] =	vst v5;
	v3 =	vadd.f32 v3, v7  }
0x156: {  	v5 =	vld [tilespmem:s7+$0x4030];
	[tilespmem:s6+$0x2040] =	vst v4;
	v2 =	vadd.f32 v2, v8  }
0x157: {  	v4 =	vld [tilespmem:s7+$0x4040];
	[tilespmem:s6+$0x2050] =	vst v3;
	v1 =	vadd.f32 v1, v11  }
0x158: {  	v3 =	vld [tilespmem:s7+$0x4050];
	[tilespmem:s6+$0x2060] =	vst v2  }
0x159: {  	v2 =	vld [tilespmem:s7+$0x4060];
	[tilespmem:s6+$0x2070] =	vst v1;
	s6 =	smov.u32 s7  }
0x15a: {  	v1 =	vld [tilespmem:s6+$0x4070]  }
0x15b: {  	v7 =	vld [tilespmem:s6+$0x2000]  }
0x15c: {  	v8 =	vld [tilespmem:s6+$0x2010]  }
.Ltmp11:
0x15d: {  	v11 =	vld [tilespmem:s6+$0x2020];
	(pc) =	sbr.rel @p0 .LBB2_19-.Ltmp11, $4  }
0x15e: {  	v10 =	vld [tilespmem:s6+$0x2030]  }
0x15f: {  	v9 =	vld [tilespmem:s6+$0x2040]  }
0x160: {  	v13 =	vadd.f32 v13, v7;
	v7 =	vld [tilespmem:s6+$0x2050]  }
0x161: {  	s5 =	sadd.s32 $0x200, s5;
	v12 =	vadd.f32 v12, v8;
	v8 =	vld [tilespmem:s6+$0x2060]  }
0x162: {  	[tilespmem:s6+$0x2000] =	vst v13;
	v6 =	vadd.f32 v6, v11;
	v11 =	vld [tilespmem:s6+$0x2070]  }
0x163: {  	[tilespmem:s6+$0x2010] =	vst v12;
	v5 =	vadd.f32 v5, v10  }
0x164: {  	[tilespmem:s6+$0x2020] =	vst v6;
	v4 =	vadd.f32 v4, v9  }
0x165: {  	[tilespmem:s6+$0x2030] =	vst v5;
	v3 =	vadd.f32 v3, v7  }
0x166: {  	[tilespmem:s6+$0x2040] =	vst v4;
	v2 =	vadd.f32 v2, v8  }
0x167: {  	s7 =	sshll.u32 s4, $0xA;
	[tilespmem:s6+$0x2050] =	vst v3;
	v1 =	vadd.f32 v1, v11  }
0x168: {  	s5 =	sshrl.u32 s7, $0x2;
	[tilespmem:s6+$0x2060] =	vst v2  }
0x169: {  	s8 =	sadd.s32 $0x1000, s5;
	[tilespmem:s6+$0x2070] =	vst v1  }
0x16a: {  	[spmem:s0] =	stream.indirect.scatter.add.f32 [tilespmem:s26], [sflag:$0x3], $0x80, s8, s1, $0xb8;
	[tilespmem:$0x1E000] =	vst v63  }
0x16b: {  	p0 =	seq.s32 s4, $0xF;
	_ =	swait.ge [sflag:s28], $0x2000  }
0x16c: {  	s6 =	sshrl.u32 @!p0 s7, $0x2;
	s7 =	simm.s32 @!p0 $0x80;
	[sflag:s28] =	ssyncset.done $0x0  }
0x16d: {  	s6 =	sadd.s32 @!p0 $0x100, s6;
	s8 =	simm.s32 @!p0 $0x2000;
	[sflag:s28] =	ssyncadd.s32 $0xFFFFE000  }
0x16e: {  	[tilespmem:s8], [sflag:$0x1] =	stream.indirect.gather @!p0 [hbm4b:s19+s7], $0x80, s6, s7, $0xb8;
	[tilespmem:$0x1E000] =	vst v63  }
0x16f: {  	_ =	swait.ge [sflag:s3], $0x4000  }
0x170: {  	[sflag:s3] =	ssyncset.done $0x0  }
0x171: {  	s6 =	simm.s32 $0x0;
	[sflag:s3] =	ssyncadd.s32 $0xFFFFC000  }
0x172: {  	v8 =	vld [tilespmem:s6+$0x8000]  }
0x173: {  	v12 =	vld [tilespmem:s6+$0x8010]  }
0x174: {  	v6 =	vld [tilespmem:s6+$0x8020]  }
0x175: {  	v5 =	vld [tilespmem:s6+$0x8030]  }
0x176: {  	v4 =	vld [tilespmem:s6+$0x8040]  }
0x177: {  	v3 =	vld [tilespmem:s6+$0x8050]  }
0x178: {  	v2 =	vld [tilespmem:s6+$0x8060]  }
0x179: {  	v1 =	vld [tilespmem:s6+$0x8070]  }
0x17a: {  	v13 =	vld [tilespmem:s6+$0x6000]  }
0x17b: {  	v14 =	vld [tilespmem:s6+$0x6010]  }
0x17c: {  	v11 =	vld [tilespmem:s6+$0x6020]  }
0x17d: {  	v10 =	vld [tilespmem:s6+$0x6030]  }
0x17e: {  	v9 =	vld [tilespmem:s6+$0x6040]  }
0x17f: {  	v7 =	vld [tilespmem:s6+$0x6050];
	v13 =	vadd.f32 v8, v13  }
0x180: {  	s7 =	simm.s32 $0x200;
	v12 =	vadd.f32 v12, v14;
	v8 =	vld [tilespmem:s6+$0x6060]  }
.LBB2_21:
0x181: {  	s8 =	sshra.s32 s7, $0x2;
	p1 =	sne.s32 s7, $0x7E00;
	[tilespmem:s6+$0x6000] =	vst v13;
	v6 =	vadd.f32 v6, v11;
	v11 =	vld [tilespmem:s6+$0x6070]  }
0x182: {  	v13 =	vld [tilespmem:s8+$0x8000];
	[tilespmem:s6+$0x6010] =	vst v12;
	v5 =	vadd.f32 v5, v10  }
0x183: {  	v12 =	vld [tilespmem:s8+$0x8010];
	[tilespmem:s6+$0x6020] =	vst v6;
	v4 =	vadd.f32 v4, v9  }
0x184: {  	v6 =	vld [tilespmem:s8+$0x8020];
	[tilespmem:s6+$0x6030] =	vst v5;
	v3 =	vadd.f32 v3, v7  }
0x185: {  	v5 =	vld [tilespmem:s8+$0x8030];
	[tilespmem:s6+$0x6040] =	vst v4;
	v2 =	vadd.f32 v2, v8  }
0x186: {  	v4 =	vld [tilespmem:s8+$0x8040];
	[tilespmem:s6+$0x6050] =	vst v3;
	v1 =	vadd.f32 v1, v11  }
0x187: {  	v3 =	vld [tilespmem:s8+$0x8050];
	[tilespmem:s6+$0x6060] =	vst v2  }
0x188: {  	v2 =	vld [tilespmem:s8+$0x8060];
	[tilespmem:s6+$0x6070] =	vst v1;
	s6 =	smov.u32 s8  }
0x189: {  	v1 =	vld [tilespmem:s6+$0x8070]  }
0x18a: {  	v7 =	vld [tilespmem:s6+$0x6000]  }
0x18b: {  	v8 =	vld [tilespmem:s6+$0x6010]  }
.Ltmp12:
0x18c: {  	v11 =	vld [tilespmem:s6+$0x6020];
	(pc) =	sbr.rel @p1 .LBB2_21-.Ltmp12, $4  }
0x18d: {  	v10 =	vld [tilespmem:s6+$0x6030]  }
0x18e: {  	v9 =	vld [tilespmem:s6+$0x6040]  }
0x18f: {  	v13 =	vadd.f32 v13, v7;
	v7 =	vld [tilespmem:s6+$0x6050]  }
0x190: {  	s7 =	sadd.s32 $0x200, s7;
	v12 =	vadd.f32 v12, v8;
	v8 =	vld [tilespmem:s6+$0x6060]  }
0x191: {  	[tilespmem:s6+$0x6000] =	vst v13;
	v6 =	vadd.f32 v6, v11;
	v63 =	vld [tilespmem:s6+$0x6070]  }
0x192: {  	[tilespmem:s6+$0x6010] =	vst v12;
	v5 =	vadd.f32 v5, v10  }
0x193: {  	[tilespmem:s6+$0x6020] =	vst v6;
	v4 =	vadd.f32 v4, v9  }
0x194: {  	[tilespmem:s6+$0x6030] =	vst v5;
	v3 =	vadd.f32 v3, v7  }
0x195: {  	[tilespmem:s6+$0x6040] =	vst v4;
	v2 =	vadd.f32 v2, v8  }
0x196: {  	[tilespmem:s6+$0x6050] =	vst v3;
	v1 =	vadd.f32 v1, v63  }
0x197: {  	[tilespmem:s6+$0x6060] =	vst v2  }
.Ltmp13:
0x198: {  	s8 =	sadd.s32 $0x1080, s5;
	[tilespmem:s6+$0x6070] =	vst v1;
	(pc) =	sbr.rel @p0 .LBB2_24-.Ltmp13, $4  }
0x199: {  	[spmem:s0] =	stream.indirect.scatter.add.f32 [tilespmem:s31], [sflag:$0x3], $0x80, s8, s1, $0xb8;
	[tilespmem:$0x1E000] =	vst v63  }
0x19a: {  	_ =	swait.ge [sflag:s28], $0x2000  }
0x19b: {  	[sflag:s28] =	ssyncset.done $0x0  }
0x19c: {  	[sflag:s28] =	ssyncadd.s32 $0xFFFFE000  }
.Ltmp14:
0x19d: {  	(pc) =	sbr.rel .LBB2_18-.Ltmp14, $3  }
0x19e: {  	_ =	sdelay $0x1  }
0x19f: {  	s5 =	sadd.s32 $0x180, s5;
	s4 =	sadd.s32 $0x1, s4  }
0x1a0: {  	[tilespmem:s31], [sflag:$0x2] =	stream.indirect.gather [hbm4b:s19+s30], $0x80, s5, s30, $0xb8;
	[tilespmem:$0x1E000] =	vst v63  }
.LBB2_24:
0x1a1: {  	s4 =	simm.s32 $0x0  }
0x1a2: {  	[tilespmem:s4], [sflag:$0x3] =	stream.linear.gather [hbm4b:s9+s4], $0x1000, $0x38;
	[tilespmem:$0x1E000] =	vst v63  }
0x1a3: {  	_ =	swait.ge [sflag:s28], $0x1000  }
0x1a4: {  	[sflag:s28] =	ssyncset.done $0x0  }
0x1a5: {  	[sflag:s28] =	ssyncadd.s32 $0xFFFFF000  }
0x1a6: {  	[tilespmem:s29], [sflag:$0x3] =	stream.linear.gather [hbm4b:s10+s4], $0x1000, $0x38;
	[tilespmem:$0x1E000] =	vst v63  }
0x1a7: {  	_ =	swait.ge [sflag:s28], $0x1000  }
0x1a8: {  	[sflag:s28] =	ssyncset.done $0x0  }
0x1a9: {  	[sflag:s28] =	ssyncadd.s32 $0xFFFFF000  }
0x1aa: {  	[tilespmem:s26], [sflag:$0x1] =	stream.indirect.gather [hbm4b:s19+s30], $0x80, s4, s30, $0xb8;
	[tilespmem:$0x1E000] =	vst v63  }
0x1ab: {  	_ = 	snop  }
0x1ac: {  	[tilespmem:s31], [sflag:$0x2] =	stream.indirect.gather [hbm4b:s19+s30], $0x80, s30, s30, $0xb8;
	[tilespmem:$0x1E000] =	vst v63  }
.LBB2_25:
0x1ad: {  	_ =	swait.ge [sflag:s15], $0x4000  }
0x1ae: {  	[sflag:s15] =	ssyncset.done $0x0  }
0x1af: {  	s6 =	simm.s32 $0x0;
	[sflag:s15] =	ssyncadd.s32 $0xFFFFC000  }
0x1b0: {  	v8 =	vld [tilespmem:s6+$0x4000]  }
0x1b1: {  	v12 =	vld [tilespmem:s6+$0x4010]  }
0x1b2: {  	v6 =	vld [tilespmem:s6+$0x4020]  }
0x1b3: {  	v5 =	vld [tilespmem:s6+$0x4030]  }
0x1b4: {  	v4 =	vld [tilespmem:s6+$0x4040]  }
0x1b5: {  	v3 =	vld [tilespmem:s6+$0x4050]  }
0x1b6: {  	v2 =	vld [tilespmem:s6+$0x4060]  }
0x1b7: {  	v1 =	vld [tilespmem:s6+$0x4070]  }
0x1b8: {  	v13 =	vld [tilespmem:s6+$0x2000]  }
0x1b9: {  	v14 =	vld [tilespmem:s6+$0x2010]  }
0x1ba: {  	v11 =	vld [tilespmem:s6+$0x2020]  }
0x1bb: {  	v10 =	vld [tilespmem:s6+$0x2030]  }
0x1bc: {  	v9 =	vld [tilespmem:s6+$0x2040]  }
0x1bd: {  	v7 =	vld [tilespmem:s6+$0x2050];
	v13 =	vadd.f32 v8, v13  }
0x1be: {  	s5 =	simm.s32 $0x200;
	v12 =	vadd.f32 v12, v14;
	v8 =	vld [tilespmem:s6+$0x2060]  }
.LBB2_26:
0x1bf: {  	s7 =	sshra.s32 s5, $0x2;
	p0 =	sne.s32 s5, $0x7E00;
	[tilespmem:s6+$0x2000] =	vst v13;
	v6 =	vadd.f32 v6, v11;
	v11 =	vld [tilespmem:s6+$0x2070]  }
0x1c0: {  	v13 =	vld [tilespmem:s7+$0x4000];
	[tilespmem:s6+$0x2010] =	vst v12;
	v5 =	vadd.f32 v5, v10  }
0x1c1: {  	v12 =	vld [tilespmem:s7+$0x4010];
	[tilespmem:s6+$0x2020] =	vst v6;
	v4 =	vadd.f32 v4, v9  }
0x1c2: {  	v6 =	vld [tilespmem:s7+$0x4020];
	[tilespmem:s6+$0x2030] =	vst v5;
	v3 =	vadd.f32 v3, v7  }
0x1c3: {  	v5 =	vld [tilespmem:s7+$0x4030];
	[tilespmem:s6+$0x2040] =	vst v4;
	v2 =	vadd.f32 v2, v8  }
0x1c4: {  	v4 =	vld [tilespmem:s7+$0x4040];
	[tilespmem:s6+$0x2050] =	vst v3;
	v1 =	vadd.f32 v1, v11  }
0x1c5: {  	v3 =	vld [tilespmem:s7+$0x4050];
	[tilespmem:s6+$0x2060] =	vst v2  }
0x1c6: {  	v2 =	vld [tilespmem:s7+$0x4060];
	[tilespmem:s6+$0x2070] =	vst v1;
	s6 =	smov.u32 s7  }
0x1c7: {  	v1 =	vld [tilespmem:s6+$0x4070]  }
0x1c8: {  	v7 =	vld [tilespmem:s6+$0x2000]  }
0x1c9: {  	v8 =	vld [tilespmem:s6+$0x2010]  }
.Ltmp15:
0x1ca: {  	v11 =	vld [tilespmem:s6+$0x2020];
	(pc) =	sbr.rel @p0 .LBB2_26-.Ltmp15, $4  }
0x1cb: {  	v10 =	vld [tilespmem:s6+$0x2030]  }
0x1cc: {  	v9 =	vld [tilespmem:s6+$0x2040]  }
0x1cd: {  	v13 =	vadd.f32 v13, v7;
	v7 =	vld [tilespmem:s6+$0x2050]  }
0x1ce: {  	s5 =	sadd.s32 $0x200, s5;
	v12 =	vadd.f32 v12, v8;
	v8 =	vld [tilespmem:s6+$0x2060]  }
0x1cf: {  	[tilespmem:s6+$0x2000] =	vst v13;
	v6 =	vadd.f32 v6, v11;
	v11 =	vld [tilespmem:s6+$0x2070]  }
0x1d0: {  	[tilespmem:s6+$0x2010] =	vst v12;
	v5 =	vadd.f32 v5, v10  }
0x1d1: {  	[tilespmem:s6+$0x2020] =	vst v6;
	v4 =	vadd.f32 v4, v9  }
0x1d2: {  	[tilespmem:s6+$0x2030] =	vst v5;
	v3 =	vadd.f32 v3, v7  }
0x1d3: {  	[tilespmem:s6+$0x2040] =	vst v4;
	v2 =	vadd.f32 v2, v8  }
0x1d4: {  	s7 =	sshll.u32 s4, $0xA;
	[tilespmem:s6+$0x2050] =	vst v3;
	v1 =	vadd.f32 v1, v11  }
0x1d5: {  	s5 =	sshrl.u32 s7, $0x2;
	[tilespmem:s6+$0x2060] =	vst v2  }
0x1d6: {  	s8 =	sadd.s32 $0x1000, s5;
	[tilespmem:s6+$0x2070] =	vst v1  }
0x1d7: {  	[spmem:s0] =	stream.indirect.scatter.add.f32 [tilespmem:s26], [sflag:$0x3], $0x80, s8, s1, $0xb8;
	[tilespmem:$0x1E000] =	vst v63  }
0x1d8: {  	p0 =	seq.s32 s4, $0xF;
	_ =	swait.ge [sflag:s28], $0x2000  }
0x1d9: {  	s6 =	sshrl.u32 @!p0 s7, $0x2;
	s7 =	simm.s32 @!p0 $0x80;
	[sflag:s28] =	ssyncset.done $0x0  }
0x1da: {  	s6 =	sadd.s32 @!p0 $0x100, s6;
	s8 =	simm.s32 @!p0 $0x2000;
	[sflag:s28] =	ssyncadd.s32 $0xFFFFE000  }
0x1db: {  	[tilespmem:s8], [sflag:$0x1] =	stream.indirect.gather @!p0 [hbm4b:s19+s7], $0x80, s6, s7, $0xb8;
	[tilespmem:$0x1E000] =	vst v63  }
0x1dc: {  	_ =	swait.ge [sflag:s3], $0x4000  }
0x1dd: {  	[sflag:s3] =	ssyncset.done $0x0  }
0x1de: {  	s6 =	simm.s32 $0x0;
	[sflag:s3] =	ssyncadd.s32 $0xFFFFC000  }
0x1df: {  	v8 =	vld [tilespmem:s6+$0x8000]  }
0x1e0: {  	v12 =	vld [tilespmem:s6+$0x8010]  }
0x1e1: {  	v6 =	vld [tilespmem:s6+$0x8020]  }
0x1e2: {  	v5 =	vld [tilespmem:s6+$0x8030]  }
0x1e3: {  	v4 =	vld [tilespmem:s6+$0x8040]  }
0x1e4: {  	v3 =	vld [tilespmem:s6+$0x8050]  }
0x1e5: {  	v2 =	vld [tilespmem:s6+$0x8060]  }
0x1e6: {  	v1 =	vld [tilespmem:s6+$0x8070]  }
0x1e7: {  	v13 =	vld [tilespmem:s6+$0x6000]  }
0x1e8: {  	v14 =	vld [tilespmem:s6+$0x6010]  }
0x1e9: {  	v11 =	vld [tilespmem:s6+$0x6020]  }
0x1ea: {  	v10 =	vld [tilespmem:s6+$0x6030]  }
0x1eb: {  	v9 =	vld [tilespmem:s6+$0x6040]  }
0x1ec: {  	v7 =	vld [tilespmem:s6+$0x6050];
	v13 =	vadd.f32 v8, v13  }
0x1ed: {  	s7 =	simm.s32 $0x200;
	v12 =	vadd.f32 v12, v14;
	v8 =	vld [tilespmem:s6+$0x6060]  }
.LBB2_28:
0x1ee: {  	s8 =	sshra.s32 s7, $0x2;
	p1 =	sne.s32 s7, $0x7E00;
	[tilespmem:s6+$0x6000] =	vst v13;
	v6 =	vadd.f32 v6, v11;
	v11 =	vld [tilespmem:s6+$0x6070]  }
0x1ef: {  	v13 =	vld [tilespmem:s8+$0x8000];
	[tilespmem:s6+$0x6010] =	vst v12;
	v5 =	vadd.f32 v5, v10  }
0x1f0: {  	v12 =	vld [tilespmem:s8+$0x8010];
	[tilespmem:s6+$0x6020] =	vst v6;
	v4 =	vadd.f32 v4, v9  }
0x1f1: {  	v6 =	vld [tilespmem:s8+$0x8020];
	[tilespmem:s6+$0x6030] =	vst v5;
	v3 =	vadd.f32 v3, v7  }
0x1f2: {  	v5 =	vld [tilespmem:s8+$0x8030];
	[tilespmem:s6+$0x6040] =	vst v4;
	v2 =	vadd.f32 v2, v8  }
0x1f3: {  	v4 =	vld [tilespmem:s8+$0x8040];
	[tilespmem:s6+$0x6050] =	vst v3;
	v1 =	vadd.f32 v1, v11  }
0x1f4: {  	v3 =	vld [tilespmem:s8+$0x8050];
	[tilespmem:s6+$0x6060] =	vst v2  }
0x1f5: {  	v2 =	vld [tilespmem:s8+$0x8060];
	[tilespmem:s6+$0x6070] =	vst v1;
	s6 =	smov.u32 s8  }
0x1f6: {  	v1 =	vld [tilespmem:s6+$0x8070]  }
0x1f7: {  	v7 =	vld [tilespmem:s6+$0x6000]  }
0x1f8: {  	v8 =	vld [tilespmem:s6+$0x6010]  }
.Ltmp16:
0x1f9: {  	v11 =	vld [tilespmem:s6+$0x6020];
	(pc) =	sbr.rel @p1 .LBB2_28-.Ltmp16, $4  }
0x1fa: {  	v10 =	vld [tilespmem:s6+$0x6030]  }
0x1fb: {  	v9 =	vld [tilespmem:s6+$0x6040]  }
0x1fc: {  	v13 =	vadd.f32 v13, v7;
	v7 =	vld [tilespmem:s6+$0x6050]  }
0x1fd: {  	s7 =	sadd.s32 $0x200, s7;
	v12 =	vadd.f32 v12, v8;
	v8 =	vld [tilespmem:s6+$0x6060]  }
0x1fe: {  	[tilespmem:s6+$0x6000] =	vst v13;
	v6 =	vadd.f32 v6, v11;
	v63 =	vld [tilespmem:s6+$0x6070]  }
0x1ff: {  	[tilespmem:s6+$0x6010] =	vst v12;
	v5 =	vadd.f32 v5, v10  }
0x200: {  	[tilespmem:s6+$0x6020] =	vst v6;
	v4 =	vadd.f32 v4, v9  }
0x201: {  	[tilespmem:s6+$0x6030] =	vst v5;
	v3 =	vadd.f32 v3, v7  }
0x202: {  	[tilespmem:s6+$0x6040] =	vst v4;
	v2 =	vadd.f32 v2, v8  }
0x203: {  	[tilespmem:s6+$0x6050] =	vst v3;
	v1 =	vadd.f32 v1, v63  }
0x204: {  	[tilespmem:s6+$0x6060] =	vst v2  }
.Ltmp17:
0x205: {  	s8 =	sadd.s32 $0x1080, s5;
	[tilespmem:s6+$0x6070] =	vst v1;
	(pc) =	sbr.rel @p0 .LBB2_31-.Ltmp17, $4  }
0x206: {  	[spmem:s0] =	stream.indirect.scatter.add.f32 [tilespmem:s31], [sflag:$0x3], $0x80, s8, s1, $0xb8;
	[tilespmem:$0x1E000] =	vst v63  }
0x207: {  	_ =	swait.ge [sflag:s28], $0x2000  }
0x208: {  	[sflag:s28] =	ssyncset.done $0x0  }
0x209: {  	[sflag:s28] =	ssyncadd.s32 $0xFFFFE000  }
.Ltmp18:
0x20a: {  	(pc) =	sbr.rel .LBB2_25-.Ltmp18, $3  }
0x20b: {  	_ =	sdelay $0x1  }
0x20c: {  	s5 =	sadd.s32 $0x180, s5;
	s4 =	sadd.s32 $0x1, s4  }
0x20d: {  	[tilespmem:s31], [sflag:$0x2] =	stream.indirect.gather [hbm4b:s19+s30], $0x80, s5, s30, $0xb8;
	[tilespmem:$0x1E000] =	vst v63  }
.LBB2_31:
0x20e: {  	s4 =	simm.s32 $0x0  }
0x20f: {  	[tilespmem:s4], [sflag:$0x3] =	stream.linear.gather [hbm4b:s11+s4], $0x1000, $0x38;
	[tilespmem:$0x1E000] =	vst v63  }
0x210: {  	_ =	swait.ge [sflag:s28], $0x1000  }
0x211: {  	[sflag:s28] =	ssyncset.done $0x0  }
0x212: {  	[sflag:s28] =	ssyncadd.s32 $0xFFFFF000  }
0x213: {  	[tilespmem:s29], [sflag:$0x3] =	stream.linear.gather [hbm4b:s12+s4], $0x1000, $0x38;
	[tilespmem:$0x1E000] =	vst v63  }
0x214: {  	_ =	swait.ge [sflag:s28], $0x1000  }
0x215: {  	[sflag:s28] =	ssyncset.done $0x0  }
0x216: {  	[sflag:s28] =	ssyncadd.s32 $0xFFFFF000  }
0x217: {  	[tilespmem:s26], [sflag:$0x1] =	stream.indirect.gather [hbm4b:s19+s30], $0x80, s4, s30, $0xb8;
	[tilespmem:$0x1E000] =	vst v63  }
0x218: {  	_ = 	snop  }
0x219: {  	[tilespmem:s31], [sflag:$0x2] =	stream.indirect.gather [hbm4b:s19+s30], $0x80, s30, s30, $0xb8;
	[tilespmem:$0x1E000] =	vst v63  }
.LBB2_32:
0x21a: {  	_ =	swait.ge [sflag:s15], $0x4000  }
0x21b: {  	[sflag:s15] =	ssyncset.done $0x0  }
0x21c: {  	s6 =	simm.s32 $0x0;
	[sflag:s15] =	ssyncadd.s32 $0xFFFFC000  }
0x21d: {  	v8 =	vld [tilespmem:s6+$0x4000]  }
0x21e: {  	v12 =	vld [tilespmem:s6+$0x4010]  }
0x21f: {  	v6 =	vld [tilespmem:s6+$0x4020]  }
0x220: {  	v5 =	vld [tilespmem:s6+$0x4030]  }
0x221: {  	v4 =	vld [tilespmem:s6+$0x4040]  }
0x222: {  	v3 =	vld [tilespmem:s6+$0x4050]  }
0x223: {  	v2 =	vld [tilespmem:s6+$0x4060]  }
0x224: {  	v1 =	vld [tilespmem:s6+$0x4070]  }
0x225: {  	v13 =	vld [tilespmem:s6+$0x2000]  }
0x226: {  	v14 =	vld [tilespmem:s6+$0x2010]  }
0x227: {  	v11 =	vld [tilespmem:s6+$0x2020]  }
0x228: {  	v10 =	vld [tilespmem:s6+$0x2030]  }
0x229: {  	v9 =	vld [tilespmem:s6+$0x2040]  }
0x22a: {  	v7 =	vld [tilespmem:s6+$0x2050];
	v13 =	vadd.f32 v8, v13  }
0x22b: {  	s5 =	simm.s32 $0x200;
	v12 =	vadd.f32 v12, v14;
	v8 =	vld [tilespmem:s6+$0x2060]  }
.LBB2_33:
0x22c: {  	s7 =	sshra.s32 s5, $0x2;
	p0 =	sne.s32 s5, $0x7E00;
	[tilespmem:s6+$0x2000] =	vst v13;
	v6 =	vadd.f32 v6, v11;
	v11 =	vld [tilespmem:s6+$0x2070]  }
0x22d: {  	v13 =	vld [tilespmem:s7+$0x4000];
	[tilespmem:s6+$0x2010] =	vst v12;
	v5 =	vadd.f32 v5, v10  }
0x22e: {  	v12 =	vld [tilespmem:s7+$0x4010];
	[tilespmem:s6+$0x2020] =	vst v6;
	v4 =	vadd.f32 v4, v9  }
0x22f: {  	v6 =	vld [tilespmem:s7+$0x4020];
	[tilespmem:s6+$0x2030] =	vst v5;
	v3 =	vadd.f32 v3, v7  }
0x230: {  	v5 =	vld [tilespmem:s7+$0x4030];
	[tilespmem:s6+$0x2040] =	vst v4;
	v2 =	vadd.f32 v2, v8  }
0x231: {  	v4 =	vld [tilespmem:s7+$0x4040];
	[tilespmem:s6+$0x2050] =	vst v3;
	v1 =	vadd.f32 v1, v11  }
0x232: {  	v3 =	vld [tilespmem:s7+$0x4050];
	[tilespmem:s6+$0x2060] =	vst v2  }
0x233: {  	v2 =	vld [tilespmem:s7+$0x4060];
	[tilespmem:s6+$0x2070] =	vst v1;
	s6 =	smov.u32 s7  }
0x234: {  	v1 =	vld [tilespmem:s6+$0x4070]  }
0x235: {  	v7 =	vld [tilespmem:s6+$0x2000]  }
0x236: {  	v8 =	vld [tilespmem:s6+$0x2010]  }
.Ltmp19:
0x237: {  	v11 =	vld [tilespmem:s6+$0x2020];
	(pc) =	sbr.rel @p0 .LBB2_33-.Ltmp19, $4  }
0x238: {  	v10 =	vld [tilespmem:s6+$0x2030]  }
0x239: {  	v9 =	vld [tilespmem:s6+$0x2040]  }
0x23a: {  	v13 =	vadd.f32 v13, v7;
	v7 =	vld [tilespmem:s6+$0x2050]  }
0x23b: {  	s5 =	sadd.s32 $0x200, s5;
	v12 =	vadd.f32 v12, v8;
	v8 =	vld [tilespmem:s6+$0x2060]  }
0x23c: {  	[tilespmem:s6+$0x2000] =	vst v13;
	v6 =	vadd.f32 v6, v11;
	v11 =	vld [tilespmem:s6+$0x2070]  }
0x23d: {  	[tilespmem:s6+$0x2010] =	vst v12;
	v5 =	vadd.f32 v5, v10  }
0x23e: {  	[tilespmem:s6+$0x2020] =	vst v6;
	v4 =	vadd.f32 v4, v9  }
0x23f: {  	[tilespmem:s6+$0x2030] =	vst v5;
	v3 =	vadd.f32 v3, v7  }
0x240: {  	[tilespmem:s6+$0x2040] =	vst v4;
	v2 =	vadd.f32 v2, v8  }
0x241: {  	s7 =	sshll.u32 s4, $0xA;
	[tilespmem:s6+$0x2050] =	vst v3;
	v1 =	vadd.f32 v1, v11  }
0x242: {  	s5 =	sshrl.u32 s7, $0x2;
	[tilespmem:s6+$0x2060] =	vst v2  }
0x243: {  	s8 =	sadd.s32 $0x1000, s5;
	[tilespmem:s6+$0x2070] =	vst v1  }
0x244: {  	[spmem:s0] =	stream.indirect.scatter.add.f32 [tilespmem:s26], [sflag:$0x3], $0x80, s8, s1, $0xb8;
	[tilespmem:$0x1E000] =	vst v63  }
0x245: {  	p0 =	seq.s32 s4, $0xF;
	_ =	swait.ge [sflag:s28], $0x2000  }
0x246: {  	s6 =	sshrl.u32 @!p0 s7, $0x2;
	s7 =	simm.s32 @!p0 $0x80;
	[sflag:s28] =	ssyncset.done $0x0  }
0x247: {  	s6 =	sadd.s32 @!p0 $0x100, s6;
	s8 =	simm.s32 @!p0 $0x2000;
	[sflag:s28] =	ssyncadd.s32 $0xFFFFE000  }
0x248: {  	[tilespmem:s8], [sflag:$0x1] =	stream.indirect.gather @!p0 [hbm4b:s19+s7], $0x80, s6, s7, $0xb8;
	[tilespmem:$0x1E000] =	vst v63  }
0x249: {  	_ =	swait.ge [sflag:s3], $0x4000  }
0x24a: {  	[sflag:s3] =	ssyncset.done $0x0  }
0x24b: {  	s6 =	simm.s32 $0x0;
	[sflag:s3] =	ssyncadd.s32 $0xFFFFC000  }
0x24c: {  	v8 =	vld [tilespmem:s6+$0x8000]  }
0x24d: {  	v12 =	vld [tilespmem:s6+$0x8010]  }
0x24e: {  	v6 =	vld [tilespmem:s6+$0x8020]  }
0x24f: {  	v5 =	vld [tilespmem:s6+$0x8030]  }
0x250: {  	v4 =	vld [tilespmem:s6+$0x8040]  }
0x251: {  	v3 =	vld [tilespmem:s6+$0x8050]  }
0x252: {  	v2 =	vld [tilespmem:s6+$0x8060]  }
0x253: {  	v1 =	vld [tilespmem:s6+$0x8070]  }
0x254: {  	v13 =	vld [tilespmem:s6+$0x6000]  }
0x255: {  	v14 =	vld [tilespmem:s6+$0x6010]  }
0x256: {  	v11 =	vld [tilespmem:s6+$0x6020]  }
0x257: {  	v10 =	vld [tilespmem:s6+$0x6030]  }
0x258: {  	v9 =	vld [tilespmem:s6+$0x6040]  }
0x259: {  	v7 =	vld [tilespmem:s6+$0x6050];
	v13 =	vadd.f32 v8, v13  }
0x25a: {  	s7 =	simm.s32 $0x200;
	v12 =	vadd.f32 v12, v14;
	v8 =	vld [tilespmem:s6+$0x6060]  }
.LBB2_35:
0x25b: {  	s8 =	sshra.s32 s7, $0x2;
	p1 =	sne.s32 s7, $0x7E00;
	[tilespmem:s6+$0x6000] =	vst v13;
	v6 =	vadd.f32 v6, v11;
	v11 =	vld [tilespmem:s6+$0x6070]  }
0x25c: {  	v13 =	vld [tilespmem:s8+$0x8000];
	[tilespmem:s6+$0x6010] =	vst v12;
	v5 =	vadd.f32 v5, v10  }
0x25d: {  	v12 =	vld [tilespmem:s8+$0x8010];
	[tilespmem:s6+$0x6020] =	vst v6;
	v4 =	vadd.f32 v4, v9  }
0x25e: {  	v6 =	vld [tilespmem:s8+$0x8020];
	[tilespmem:s6+$0x6030] =	vst v5;
	v3 =	vadd.f32 v3, v7  }
0x25f: {  	v5 =	vld [tilespmem:s8+$0x8030];
	[tilespmem:s6+$0x6040] =	vst v4;
	v2 =	vadd.f32 v2, v8  }
0x260: {  	v4 =	vld [tilespmem:s8+$0x8040];
	[tilespmem:s6+$0x6050] =	vst v3;
	v1 =	vadd.f32 v1, v11  }
0x261: {  	v3 =	vld [tilespmem:s8+$0x8050];
	[tilespmem:s6+$0x6060] =	vst v2  }
0x262: {  	v2 =	vld [tilespmem:s8+$0x8060];
	[tilespmem:s6+$0x6070] =	vst v1;
	s6 =	smov.u32 s8  }
0x263: {  	v1 =	vld [tilespmem:s6+$0x8070]  }
0x264: {  	v7 =	vld [tilespmem:s6+$0x6000]  }
0x265: {  	v8 =	vld [tilespmem:s6+$0x6010]  }
.Ltmp20:
0x266: {  	v11 =	vld [tilespmem:s6+$0x6020];
	(pc) =	sbr.rel @p1 .LBB2_35-.Ltmp20, $4  }
0x267: {  	v10 =	vld [tilespmem:s6+$0x6030]  }
0x268: {  	v9 =	vld [tilespmem:s6+$0x6040]  }
0x269: {  	v13 =	vadd.f32 v13, v7;
	v7 =	vld [tilespmem:s6+$0x6050]  }
0x26a: {  	s7 =	sadd.s32 $0x200, s7;
	v12 =	vadd.f32 v12, v8;
	v8 =	vld [tilespmem:s6+$0x6060]  }
0x26b: {  	[tilespmem:s6+$0x6000] =	vst v13;
	v6 =	vadd.f32 v6, v11;
	v63 =	vld [tilespmem:s6+$0x6070]  }
0x26c: {  	[tilespmem:s6+$0x6010] =	vst v12;
	v5 =	vadd.f32 v5, v10  }
0x26d: {  	[tilespmem:s6+$0x6020] =	vst v6;
	v4 =	vadd.f32 v4, v9  }
0x26e: {  	[tilespmem:s6+$0x6030] =	vst v5;
	v3 =	vadd.f32 v3, v7  }
0x26f: {  	[tilespmem:s6+$0x6040] =	vst v4;
	v2 =	vadd.f32 v2, v8  }
0x270: {  	[tilespmem:s6+$0x6050] =	vst v3;
	v1 =	vadd.f32 v1, v63  }
0x271: {  	[tilespmem:s6+$0x6060] =	vst v2  }
.Ltmp21:
0x272: {  	s8 =	sadd.s32 $0x1080, s5;
	[tilespmem:s6+$0x6070] =	vst v1;
	(pc) =	sbr.rel @p0 .LBB2_38-.Ltmp21, $4  }
0x273: {  	[spmem:s0] =	stream.indirect.scatter.add.f32 [tilespmem:s31], [sflag:$0x3], $0x80, s8, s1, $0xb8;
	[tilespmem:$0x1E000] =	vst v63  }
0x274: {  	_ =	swait.ge [sflag:s28], $0x2000  }
0x275: {  	[sflag:s28] =	ssyncset.done $0x0  }
0x276: {  	[sflag:s28] =	ssyncadd.s32 $0xFFFFE000  }
.Ltmp22:
0x277: {  	(pc) =	sbr.rel .LBB2_32-.Ltmp22, $3  }
0x278: {  	_ =	sdelay $0x1  }
0x279: {  	s5 =	sadd.s32 $0x180, s5;
	s4 =	sadd.s32 $0x1, s4  }
0x27a: {  	[tilespmem:s31], [sflag:$0x2] =	stream.indirect.gather [hbm4b:s19+s30], $0x80, s5, s30, $0xb8;
	[tilespmem:$0x1E000] =	vst v63  }
.LBB2_39:
0x27b: {  	_ =	sfence.sel $0x180000  }
0x27c: {  	[bflag:$0x0] =	sbarrier.arrive $0xFFFF  }
0x27d: {  	_ =	strace $0x90000047  }
0x27e: {  	s0 =	stileid.u32;
	[bflag:$0x2] =	sbarrier.arrive $0xFFFF  }
0x27f: {  	p0 =	sne.s32 s0, $0x0;
	s0 =	rddreg [dreg:$0x3]  }
0x280: {  	s0 =	sadd.s32 @!p0 $0x100000, s0  }
0x281: {  	[sflag:s0] =	ssyncadd.tile.s32 @!p0 $0x1;
	_ =	shalt  }
.Lfunc_end2:
_tile_overlayer_lowered:
.L_overlay_start_2:
0x282: {  	(tag) =	ssettag $0x2  }
0x283: {  	s0 =	rddreg [dreg:$0x0];
	s2 =	stileid.u32  }
0x284: {  	s1 =	rddreg [dreg:$0x1];
	p0 =	sne.s32 s2, $0x0  }
0x285: {  	s3 =	rddreg [dreg:$0x2];
	[bflag:$0x3] =	sbarrier.arrive $0xFFFF;
	s2 =	simm.s32 @!p0 $0x1C03  }
0x286: {  	[timem:s3], [sflag:s2] =	dma.local @!p0 [hbm:s0], s1  }
0x287: {  	s0 =	simm.s32 @!p0 $0x3  }
0x288: {  	_ =	swait.ge @!p0 [sflag:s0], s1  }
0x289: {  	s1 =	ssub.s32 @!p0 $0x0, s1;
	[sflag:s0] =	ssyncset.done @!p0 $0x0  }
0x28a: {  	[sflag:s0] =	ssyncadd.s32 @!p0 s1  }
0x28b: {  	[bflag:$0x3] =	sbarrier.arrive $0xFFFF  }
0x28c: {  	_ =	shalt  }

// kernel: kernel.9.cloned.1.call-start
scs
__scs_entry_jumppad:
0x0: {  	(pc) =	sbr.rel $0x88, $3  }
0x1: {  	(tag) =	ssettag $0x0;
	lr =	simm.s32 $0x1  }
0x2: {  	[smem:$0x3F9A] =	sst lr;
	_ =	strace $0xD0000000  }
0x3: {  	_ = 	snop  }
0x4: {  	_ = 	snop  }
0x5: {  	_ = 	snop  }
0x6: {  	_ = 	snop  }
0x7: {  	_ = 	snop  }
__scs_overlays_trampoline_lowered:
0x8: {  	[smem:$0x3FA9] =	sst s0  }
0x9: {  	[smem:$0x3FAA] =	sst s1  }
0xa: {  	[smem:$0x3FAB] =	sst s2  }
0xb: {  	[smem:$0x3FAC] =	sst s3  }
0xc: {  	[smem:$0x3FAD] =	sst s4  }
0xd: {  	[smem:$0x3FAE] =	sst s5  }
0xe: {  	[smem:$0x3FAF] =	sst s6  }
0xf: {  	[smem:$0x3FB0] =	sst s7  }
0x10: {  	[smem:$0x3FB1] =	sst s8  }
0x11: {  	[smem:$0x3FB2] =	sst s9;
	s0 =	simm.s32 @!p0 $0x0  }
0x12: {  	s1 =	sld [smem:$0x3F98];
	s0 =	simm.s32 @p0 $0x1  }
0x13: {  	[smem:$0x3FB3] =	sst s0;
	s0 =	simm.s32 @!p1 $0x0  }
0x14: {  	s2 =	sld [smem:$0x3F97];
	s0 =	simm.s32 @p1 $0x1  }
0x15: {  	[smem:$0x3FB4] =	sst s0;
	s0 =	simm.s32 @!p2 $0x0  }
0x16: {  	s3 =	sld [smem:$0x3FDB];
	s0 =	simm.s32 @p2 $0x1  }
0x17: {  	s4 =	simm.s32 $0x1BF5;
	[smem:$0x3FB6] =	sst s0  }
0x18: {  	s0 =	sld [smem:$0x3F99];
	_ =	swait.ge [sflag:s4], $0x0  }
0x19: {  	s7 =	sld [smem:$0x3F9A]  }
0x1a: {  	s8 =	sadd.s32 $0xFFFFE003, lr  }
0x1b: {  	s9 =	sadd.s32 $0xFFFFFEF7, lr;
	s5 =	simm.s32 $0xFFFFFFFF;
	p2 =	slt.u32 s8, $0xFFFFF086  }
0x1c: {  	p1 =	slt.u32 s9, $0xF7A;
	s5 =	simm.s32 @!p2 $0x0  }
0x1d: {  	s5 =	simm.s32 @p1 $0x1;
	p0 =	seq.s32 s7, s2  }
0x1e: {  	s7 =	smul.u32 @!p0 $0xF7A, s2;
	p2 =	seq.s32 @!p0 s5, $0x0  }
0x1f: {  	s9 =	smul.u32 $0xF7A, s1;
	s8 =	simm.s32 @!p0 $0x1BF5;
	p2 =	por !p2, p0  }
0x20: {  	[sflag:s8] =	ssyncset.s32 @!p0 $0xFFFFF086;
	s6 =	sadd.s32 @!p0 s3, s7;
	s7 =	simm.s32 @!p0 $0x108  }
0x21: {  	s3 =	sadd.s32 s3, s9;
	s6 =	sadd.s32 @!p0 $0x88, s6;
	s7 =	simm.s32 @p2 $0x1082  }
0x22: {  	[simem:s7], [sflag:s8] =	dma.local @!p0 [hbm:s6], $0xF7A  }
0x23: {  	s9 =	sor.u32 $0xD0000000, s2;
	s6 =	simm.s32 $0x108;
	_ =	swait.ge @!p0 [sflag:s8], $0x0  }
0x24: {  	s3 =	sadd.s32 $0x88, s3;
	s6 =	simm.s32 @!p1 $0x1082;
	[sflag:s4] =	ssyncset.s32 $0xFFFFF086  }
0x25: {  	[simem:s6], [sflag:s4] =	dma.local [hbm:s3], $0xF7A  }
0x26: {  	[smem:$0x3F9A] =	sst s1;
	(tag) =	ssettag s2;
	_ =	strace s9  }
0x27: {  	s1 =	sld [smem:$0x3FAA]  }
0x28: {  	s2 =	sld [smem:$0x3FAB]  }
0x29: {  	s4 =	sld [smem:$0x3FAD]  }
0x2a: {  	p0 =	seq.s32 s5, $0x0;
	s5 =	sld [smem:$0x3FAE]  }
0x2b: {  	s6 =	sld [smem:$0x3FAF]  }
0x2c: {  	s7 =	sld [smem:$0x3FB0]  }
0x2d: {  	s3 =	simm.s32 $0x108;
	s8 =	sld [smem:$0x3FB1]  }
0x2e: {  	s3 =	simm.s32 @!p0 $0x1082;
	s9 =	sld [smem:$0x3FB2]  }
0x2f: {  	lr =	sadd.s32 s0, s3;
	s0 =	sld [smem:$0x3FA9]  }
0x30: {  	s3 =	sld [smem:$0x3FAC]  }
0x31: {  	[smem:$0x3FB5] =	sst s10  }
0x32: {  	s10 =	sld [smem:$0x3FB3];
	_ =	sdelay $0x3  }
0x33: {  	p0 =	seq.s32 s10, $0x1;
	s10 =	sld [smem:$0x3FB5];
	_ =	sdelay $0x3  }
0x34: {  	[smem:$0x3FB5] =	sst s10  }
0x35: {  	s10 =	sld [smem:$0x3FB4];
	_ =	sdelay $0x3  }
0x36: {  	p1 =	seq.s32 s10, $0x1;
	s10 =	sld [smem:$0x3FB5];
	_ =	sdelay $0x3  }
0x37: {  	[smem:$0x3FB5] =	sst s10  }
0x38: {  	s10 =	sld [smem:$0x3FB6]  }
0x39: {  	_ = 	snop;
	(pc) =	sbr.ind lr, $3  }
0x3a: {  	_ = 	snop  }
0x3b: {  	_ = 	snop  }
0x3c: {  	p2 =	seq.s32 s10, $0x1;
	s10 =	sld [smem:$0x3FB5]  }
0x3d: {  	_ =	shalt  }
0x3e: {  	_ =	shalt  }
0x3f: {  	_ =	shalt  }
0x40: {  	_ =	shalt  }
0x41: {  	_ =	shalt  }
0x42: {  	_ =	shalt  }
0x43: {  	_ =	shalt  }
0x44: {  	_ =	shalt  }
0x45: {  	_ =	shalt  }
0x46: {  	_ =	shalt  }
0x47: {  	_ =	shalt  }
0x48: {  	_ =	shalt  }
0x49: {  	_ =	shalt  }
0x4a: {  	_ =	shalt  }
0x4b: {  	_ =	shalt  }
0x4c: {  	_ =	shalt  }
0x4d: {  	_ =	shalt  }
0x4e: {  	_ =	shalt  }
0x4f: {  	_ =	shalt  }
0x50: {  	_ =	shalt  }
0x51: {  	_ =	shalt  }
0x52: {  	_ =	shalt  }
0x53: {  	_ =	shalt  }
0x54: {  	_ =	shalt  }
0x55: {  	_ =	shalt  }
0x56: {  	_ =	shalt  }
0x57: {  	_ =	shalt  }
0x58: {  	_ =	shalt  }
0x59: {  	_ =	shalt  }
0x5a: {  	_ =	shalt  }
0x5b: {  	_ =	shalt  }
0x5c: {  	_ =	shalt  }
0x5d: {  	_ =	shalt  }
0x5e: {  	_ =	shalt  }
0x5f: {  	_ =	shalt  }
0x60: {  	_ =	shalt  }
0x61: {  	_ =	shalt  }
0x62: {  	_ =	shalt  }
0x63: {  	_ =	shalt  }
0x64: {  	_ =	shalt  }
0x65: {  	_ =	shalt  }
0x66: {  	_ =	shalt  }
0x67: {  	_ =	shalt  }
0x68: {  	_ =	shalt  }
0x69: {  	_ =	shalt  }
0x6a: {  	_ =	shalt  }
0x6b: {  	_ =	shalt  }
0x6c: {  	_ =	shalt  }
0x6d: {  	_ =	shalt  }
0x6e: {  	_ =	shalt  }
0x6f: {  	_ =	shalt  }
0x70: {  	_ =	shalt  }
0x71: {  	_ =	shalt  }
0x72: {  	_ =	shalt  }
0x73: {  	_ =	shalt  }
0x74: {  	_ =	shalt  }
0x75: {  	_ =	shalt  }
0x76: {  	_ =	shalt  }
0x77: {  	_ =	shalt  }
0x78: {  	_ =	shalt  }
0x79: {  	_ =	shalt  }
0x7a: {  	_ =	shalt  }
0x7b: {  	_ =	shalt  }
0x7c: {  	_ =	shalt  }
0x7d: {  	_ =	shalt  }
0x7e: {  	_ =	shalt  }
0x7f: {  	_ =	shalt  }
0x80: {  	_ =	shalt  }
0x81: {  	_ =	shalt  }
0x82: {  	_ =	shalt  }
0x83: {  	_ =	shalt  }
0x84: {  	_ =	shalt  }
0x85: {  	_ =	shalt  }
0x86: {  	_ =	shalt  }
0x87: {  	_ =	shalt  }
.Lfunc_end0:
.L_simem_size_0:
called_computation.1_lowered:
.L_overlay_start_0:
0x88: {  	s2 =	sld [smem:$0x3FD9]  }
0x89: {  	s3 =	sld [smem:$0x3FFE];
	_ =	sdelay $0x1  }
0x8a: {  	s1 =	srdreg.scid  }
0x8b: {  	s0 =	sand.u32 $0x1, s1  }
0x8c: {  	s17 =	sshll.u32 s0, $0xA;
	s2 =	sadd.s32 s3, s2  }
0x8d: {  	s2 =	sadd.s32 s2, s17  }
0x8e: {  	[smem:$0x3FC1] =	sst s2  }
0x8f: {  	_ = 	snop  }
0x90: {  	s2 =	sld [smem:$0x3FD0];
	(tm) =	ssettm $0x1  }
0x91: {  	s18 =	sld [smem:$0x3FFB];
	_ =	sdelay $0x3  }
0x92: {  	_ =	strace s18  }
0x93: {  	s3 =	sld [smem:$0x3FFC];
	_ =	sdelay $0x3  }
0x94: {  	_ =	strace s3  }
0x95: {  	s3 =	sld [smem:$0x3FFD];
	_ =	sdelay $0x3  }
0x96: {  	_ =	strace s3  }
0x97: {  	_ =	strace $0x8FFFFFFF  }
0x98: {  	s19 =	sld [smem:$0x3FDB];
	_ =	sdelay $0x1  }
0x99: {  	s4 =	simm.s32 $_scs_section_size  }
0x9a: {  	s5 =	simm.s32 $_size__tile_overlayer_lowered;
	s6 =	simm.s32 $_tile_overlayer_lowered  }
0x9b: {  	s22 =	simm.s32 $0x1BFF;
	s21 =	sshll.u32 s6, $0x1;
	s3 =	sadd.s32 s4, s19  }
0x9c: {  	s7 =	simm.s32 $0x0;
	s20 =	sshll.u32 s5, $0x1;
	s5 =	sadd.s32 s21, s3  }
0x9d: {  	[timem:s7], [sflag:s22] =	dma.local [hbm:s5], s20  }
0x9e: {  	_ =	swait.ge [sflag:s22], s20  }
0x9f: {  	s4 =	ssub.s32 $0x0, s20;
	[sflag:s22] =	ssyncset.done $0x0  }
0xa0: {  	[sflag:s22] =	ssyncadd.s32 s4;
	_ =	sdelay $0x1  }
0xa1: {  	s23 =	simm.s32 $0x1B8B  }
0xa2: {  	_ =	swait.ge [sflag:s23], $0x1  }
0xa3: {  	[sflag:s23] =	ssyncset.done $0x0  }
0xa4: {  	s25 =	simm.s32 $0x1B8E;
	s24 =	sld [smem:$0x3FFE];
	[sflag:s23] =	ssyncadd.s32 $0xFFFFFFFF  }
0xa5: {  	s26 =	simm.s32 $execute0_lowered;
	[smem:$0x3FD2] =	sst s25  }
0xa6: {  	s5 =	sshll.u32 s26, $0x1;
	_ =	strace $0x80000049;
	[dreg:$0x1] =	wrdreg $0xFFFFFFFF  }
0xa7: {  	s28 =	simm.s32 $_size_execute0_lowered;
	s3 =	sadd.s32 s3, s5;
	[dreg:$0x0] =	wrdreg $0x0  }
0xa8: {  	s5 =	sshll.u32 s28, $0x1;
	[dreg:$0x2] =	wrdreg s3  }
0xa9: {  	[dreg:$0x3] =	wrdreg s5  }
0xaa: {  	[dreg:$0x4] =	wrdreg $0xC0  }
0xab: {  	_ =	task [dreg:s7], $0x5FFFF  }
0xac: {  	[dreg:$0x1] =	wrdreg $0xFFFFFFFF  }
0xad: {  	[dreg:$0x0] =	wrdreg $0x60  }
0xae: {  	[dreg:$0x2] =	wrdreg s24  }
0xaf: {  	[dreg:$0x3] =	wrdreg s2  }
0xb0: {  	[dreg:$0x4] =	wrdreg $0x9  }
0xb1: {  	_ =	task.clear_ibuf [dreg:s7], $0x5FFFF;
	_ =	strace $0x90000049  }
0xb2: {  	s29 =	simm.s32 $0x9;
	_ =	strace $0x8000004B  }
0xb3: {  	_ =	swait.ge [sflag:s29], $0x1  }
0xb4: {  	[sflag:s29] =	ssyncadd.s32 $0xFFFFFFFF  }
0xb5: {  	_ =	strace $0x9000004B  }
0xb6: {  	_ =	sfence  }
0xb7: {  	s30 =	sld [smem:$0x0];
	_ =	sdelay $0x2  }
0xb8: {  	s31 =	sshll.u32 s1, $0xD;
	s1 =	sshrl.u32 s1, $0x2  }
0xb9: {  	s3 =	sand.u32 $0x4000, s31;
	s1 =	sadd.s32 s1, s30  }
0xba: {  	s0 =	sor.u32 s3, s0;
	s1 =	sshll.u32 s1, $0x11  }
0xbb: {  	s0 =	sor.u32 s1, s0  }
0xbc: {  	s0 =	sadd.s32 $0x8F2B, s0  }
0xbd: {  	[sflag:s0] =	ssyncadd.remote.s32 $0x1  }
0xbe: {  	_ =	sfence.sel $0xFFFF  }
0xbf: {  	[dreg:$0x0] =	wrdreg $0xFFFFFFFF;
	(pc) =	sbr.abs _section_cstart, $3  }
0xc0: {  	[dreg:$0x1] =	wrdreg $0xFFFFFFFF  }
0xc1: {  	_ =	task.clear_ibuf [dreg:s7], $0x2FFFF;
	_ =	strace $0x9FFFFFFF  }
0xc2: {  	(tm) =	ssettm $0x7FFFFFFF  }
0xc3: {  	_ =	shalt  }
tec
execute0_lowered:
.L_overlay_start_1:
0x0: {  	(tag) =	ssettag $0x1  }
0x1: {  	s0 =	srdreg.scid;
	s1 =	rddreg [dreg:$0x0]  }
0x2: {  	s4 =	stileid.u32;
	s2 =	rddreg [dreg:$0x1]  }
0x3: {  	s6 =	simm.s32 $0x14;
	s13 =	simm.s32 $0x5;
	s14 =	simm.s32 $0x2800  }
0x4: {  	s15 =	simm.s32 $0x80;
	s16 =	simm.s32 $0x5000;
	s17 =	simm.s32 $0x9000  }
0x5: {  	s18 =	simm.s32 $0x11000;
	s19 =	simm.s32 $0x2880;
	s20 =	simm.s32 $0x15000  }
0x6: {  	s21 =	simm.s32 $0x1;
	s22 =	simm.s32 $0xD000;
	s23 =	simm.s32 $0x2  }
0x7: {  	s24 =	simm.s32 $0x19000;
	s25 =	simm.s32 $0x3;
	s0 =	sand.u32 $0x1, s0  }
0x8: {  	s26 =	simm.s32 $0x4;
	s28 =	simm.s32 $0x0;
	s3 =	sshll.u32 s0, $0x4  }
0x9: {  	s5 =	sadd.s32 $0x3D000, s1;
	s0 =	ssub.s32 $0x2, s0;
	s10 =	sor.u32 s4, s3  }
0xa: {  	s3 =	simm.s32 $0x0;
	s30 =	sshrl.u32 s0, $0x1;
	s4 =	smul.u32 $0x500, s10  }
0xb: {  	[smem:$0x7FF] =	sst s3;
	p0 =	seq.s32 s10, $0x1F;
	s11 =	smul.u32 $0x28000, s10  }
0xc: {  	s0 =	ssub.s32 s0, s30;
	s10 =	smul.u32 $0x140000, s10;
	_ =	strace $0x8000004A  }
0xd: {  	s6 =	simm.s32 @!p0 $0x50;
	s8 =	sadd.s32 s4, s1;
	s4 =	sadd.s32 $0x15E00, s1  }
0xe: {  	s9 =	sshrl.u32 s6, $0x1;
	s31 =	sadd.s32 s11, s2;
	s11 =	smax.u32 s0, $0x1  }
0xf: {  	s7 =	sadd.s32 $0x1E00, s8;
	s8 =	sadd.s32 $0xBE00, s8;
	s12 =	sadd.s32 $0x800, s31  }
.LBB2_1:
0x10: {  	[tilespmem:s3], [sflag:$0x5] =	stream.linear.gather [hbm4b:s7+s3], $0x2800, $0x38;
	[tilespmem:$0x1D000] =	vst v63  }
0x11: {  	_ =	swait.ge [sflag:s13], $0x2800  }
0x12: {  	[sflag:s13] =	ssyncset.done $0x0  }
0x13: {  	[sflag:s13] =	ssyncadd.s32 $0xFFFFD800  }
0x14: {  	[tilespmem:s14], [sflag:$0x5] =	stream.linear.gather [hbm4b:s8+s3], $0x2800, $0x38;
	[tilespmem:$0x1D000] =	vst v63  }
0x15: {  	_ =	swait.ge [sflag:s13], $0x2800  }
0x16: {  	[sflag:s13] =	ssyncset.done $0x0  }
0x17: {  	[sflag:s13] =	ssyncadd.s32 $0xFFFFD800  }
0x18: {  	[tilespmem:s16], [sflag:$0x1] =	stream.indirect.gather [hbm4b:s4+s15], $0x80, s3, s15, $0xb8;
	[tilespmem:$0x1D000] =	vst v63  }
0x19: {  	_ = 	snop  }
0x1a: {  	[tilespmem:s17], [sflag:$0x1] =	stream.indirect.gather [hbm4b:s5+s15], $0x80, s14, s15, $0xb8;
	[tilespmem:$0x1D000] =	vst v63  }
0x1b: {  	_ = 	snop  }
0x1c: {  	[tilespmem:s18], [sflag:$0x2] =	stream.indirect.gather [hbm4b:s4+s15], $0x80, s15, s15, $0xb8;
	[tilespmem:$0x1D000] =	vst v63  }
0x1d: {  	s29 =	simm.s32 $0x0  }
0x1e: {  	[tilespmem:s20], [sflag:$0x2] =	stream.indirect.gather [hbm4b:s5+s15], $0x80, s19, s15, $0xb8;
	[tilespmem:$0x1D000] =	vst v63  }
.LBB2_2:
0x1f: {  	_ =	swait.ge [sflag:s21], $0x4000  }
0x20: {  	[sflag:s21] =	ssyncset.done $0x0  }
0x21: {  	[sflag:s21] =	ssyncadd.s32 $0xFFFFC000  }
0x22: {  	_ =	swait.ge [sflag:s21], $0x4000  }
0x23: {  	p0 =	seq.s32 s29, $0x0;
	[sflag:s21] =	ssyncset.done $0x0  }
0x24: {  	s0 =	simm.s32 @!p0 $0x3;
	[sflag:s21] =	ssyncadd.s32 $0xFFFFC000  }
0x25: {  	_ =	swait.ge @!p0 [sflag:s0], $0x4000  }
0x26: {  	[sflag:s0] =	ssyncset.done @!p0 $0x0  }
0x27: {  	s31 =	simm.s32 $0x0;
	[sflag:s0] =	ssyncadd.s32 @!p0 $0xFFFFC000  }
0x28: {  	v0 =	vld [tilespmem:s31+$0x5070]  }
0x29: {  	v1 =	vld [tilespmem:s31+$0x9070]  }
0x2a: {  	v2 =	vld [tilespmem:s31+$0x5000]  }
0x2b: {  	v3 =	vld [tilespmem:s31+$0x9000]  }
0x2c: {  	v4 =	vld [tilespmem:s31+$0x5010]  }
0x2d: {  	v5 =	vld [tilespmem:s31+$0x9010]  }
0x2e: {  	v6 =	vld [tilespmem:s31+$0x5020]  }
0x2f: {  	v7 =	vld [tilespmem:s31+$0x5030]  }
0x30: {  	v0 =	vadd.f32 v1, v0;
	v1 =	vld [tilespmem:s31+$0x9020]  }
0x31: {  	v8 =	vld [tilespmem:s31+$0x9030]  }
0x32: {  	v9 =	vld [tilespmem:s31+$0x9040];
	v2 =	vadd.f32 v3, v2  }
0x33: {  	[tilespmem:s31+$0xD070] =	vst v0;
	v0 =	vadd.f32 v5, v4;
	v5 =	vld [tilespmem:s31+$0x5040]  }
0x34: {  	v3 =	vld [tilespmem:s31+$0x9050];
	[tilespmem:s31+$0xD000] =	vst v2  }
0x35: {  	v2 =	vld [tilespmem:s31+$0x5050];
	[tilespmem:s31+$0xD010] =	vst v0;
	v0 =	vadd.f32 v1, v6  }
0x36: {  	v4 =	vld [tilespmem:s31+$0x9060];
	v6 =	vadd.f32 v8, v7  }
0x37: {  	s1 =	simm.s32 $0x80;
	[tilespmem:s31+$0xD020] =	vst v0;
	v0 =	vld [tilespmem:s31+$0x5060]  }
0x38: {  	s30 =	sshll.u32 s29, $0x1;
	s0 =	simm.s32 $0x400;
	v5 =	vadd.f32 v9, v5;
	v1 =	vld [tilespmem:s1+$0x5070];
	[tilespmem:s31+$0xD030] =	vst v6  }
.LBB2_3:
0x39: {  	p1 =	sne.s32 s0, $0xFE00;
	v6 =	vld [tilespmem:s1+$0x9070]  }
0x3a: {  	v7 =	vld [tilespmem:s1+$0x5000];
	[tilespmem:s31+$0xD040] =	vst v5;
	v2 =	vadd.f32 v3, v2  }
0x3b: {  	v3 =	vld [tilespmem:s1+$0x9000]  }
0x3c: {  	v5 =	vld [tilespmem:s1+$0x5010];
	[tilespmem:s31+$0xD050] =	vst v2;
	v0 =	vadd.f32 v4, v0  }
0x3d: {  	v2 =	vld [tilespmem:s1+$0x9010]  }
0x3e: {  	v4 =	vld [tilespmem:s1+$0x5020];
	v1 =	vadd.f32 v6, v1;
	[tilespmem:s31+$0xD060] =	vst v0;
	s31 =	smov.u32 s1  }
0x3f: {  	v0 =	vld [tilespmem:s31+$0x9020]  }
0x40: {  	v3 =	vadd.f32 v3, v7;
	v6 =	vld [tilespmem:s31+$0x5030];
	[tilespmem:s31+$0xD070] =	vst v1  }
0x41: {  	v1 =	vld [tilespmem:s31+$0x9030]  }
0x42: {  	[tilespmem:s31+$0xD000] =	vst v3;
	v2 =	vadd.f32 v2, v5;
	v5 =	vld [tilespmem:s31+$0x5040]  }
0x43: {  	v7 =	vld [tilespmem:s31+$0x9040]  }
.Ltmp0:
0x44: {  	[tilespmem:s31+$0xD010] =	vst v2;
	v0 =	vadd.f32 v0, v4;
	v2 =	vld [tilespmem:s31+$0x5050];
	(pc) =	sbr.rel @p1 .LBB2_3-.Ltmp0, $4  }
0x45: {  	v3 =	vld [tilespmem:s31+$0x9050]  }
0x46: {  	[tilespmem:s31+$0xD020] =	vst v0;
	v6 =	vadd.f32 v1, v6;
	v0 =	vld [tilespmem:s31+$0x5060]  }
0x47: {  	s1 =	sshra.s32 s0, $0x2;
	v4 =	vld [tilespmem:s31+$0x9060]  }
0x48: {  	s0 =	sadd.s32 $0x200, s0;
	v1 =	vld [tilespmem:s1+$0x5070];
	[tilespmem:s31+$0xD030] =	vst v6;
	v5 =	vadd.f32 v7, v5  }
0x49: {  	v6 =	vld [tilespmem:s1+$0x9070]  }
0x4a: {  	v7 =	vld [tilespmem:s1+$0x5000];
	[tilespmem:s31+$0xD040] =	vst v5;
	v2 =	vadd.f32 v3, v2  }
0x4b: {  	v3 =	vld [tilespmem:s1+$0x9000]  }
0x4c: {  	v5 =	vld [tilespmem:s1+$0x5010];
	[tilespmem:s31+$0xD050] =	vst v2;
	v0 =	vadd.f32 v4, v0  }
0x4d: {  	v2 =	vld [tilespmem:s1+$0x9010]  }
0x4e: {  	v4 =	vld [tilespmem:s1+$0x5020];
	[tilespmem:s31+$0xD060] =	vst v0  }
0x4f: {  	v0 =	vadd.f32 v6, v1;
	v1 =	vld [tilespmem:s1+$0x9020]  }
0x50: {  	v6 =	vld [tilespmem:s1+$0x5030]  }
0x51: {  	v3 =	vadd.f32 v3, v7;
	[tilespmem:s1+$0xD070] =	vst v0;
	v0 =	vld [tilespmem:s1+$0x9030]  }
0x52: {  	v7 =	vld [tilespmem:s1+$0x9060]  }
0x53: {  	[tilespmem:s1+$0xD000] =	vst v3;
	v2 =	vadd.f32 v2, v5;
	v3 =	vld [tilespmem:s1+$0x5040]  }
0x54: {  	v5 =	vld [tilespmem:s1+$0x9040]  }
0x55: {  	[tilespmem:s1+$0xD010] =	vst v2;
	v1 =	vadd.f32 v1, v4;
	v2 =	vld [tilespmem:s1+$0x5050]  }
0x56: {  	v4 =	vld [tilespmem:s1+$0x9050]  }
0x57: {  	[tilespmem:s1+$0xD020] =	vst v1;
	v1 =	vld [tilespmem:s1+$0x5060];
	_ =	sdelay $0x1  }
0x58: {  	v0 =	vadd.f32 v0, v6  }
0x59: {  	v3 =	vadd.f32 v5, v3  }
0x5a: {  	s0 =	sshll.u32 s29, $0xF;
	[tilespmem:s1+$0xD030] =	vst v0;
	v0 =	vadd.f32 v4, v2  }
0x5b: {  	s0 =	sadd.s32 s10, s0;
	[tilespmem:s1+$0xD040] =	vst v3;
	v1 =	vadd.f32 v7, v1  }
0x5c: {  	s0 =	sshrl.u32 s0, $0x3;
	[tilespmem:s1+$0xD050] =	vst v0  }
0x5d: {  	s0 =	sadd.s32 s2, s0;
	[tilespmem:s1+$0xD060] =	vst v1  }
0x5e: {  	[hbm4b:s0+s3] =	stream.linear.scatter [tilespmem:s22], [sflag:$0x3], $0x4000, $0x38;
	[tilespmem:$0x1D000] =	vst v63  }
0x5f: {  	s0 =	sadd.s32 $0x2, s30  }
0x60: {  	p1 =	sge.u32 s0, s6  }
0x61: {  	s0 =	sshll.u32 @!p1 s0, $0x7;
	s1 =	simm.s32 @!p1 $0x80;
	s31 =	simm.s32 @!p1 $0x5000  }
0x62: {  	[tilespmem:s31], [sflag:$0x1] =	stream.indirect.gather @!p1 [hbm4b:s4+s1], $0x80, s0, s1, $0xb8;
	[tilespmem:$0x1D000] =	vst v63  }
0x63: {  	s0 =	sadd.s32 @!p1 $0x2800, s0;
	s31 =	simm.s32 @!p1 $0x9000  }
0x64: {  	[tilespmem:s31], [sflag:$0x1] =	stream.indirect.gather @!p1 [hbm4b:s5+s1], $0x80, s0, s1, $0xb8;
	[tilespmem:$0x1D000] =	vst v63  }
0x65: {  	_ =	swait.ge [sflag:s23], $0x4000  }
0x66: {  	[sflag:s23] =	ssyncset.done $0x0  }
0x67: {  	[sflag:s23] =	ssyncadd.s32 $0xFFFFC000  }
0x68: {  	_ =	swait.ge [sflag:s23], $0x4000  }
0x69: {  	[sflag:s23] =	ssyncset.done $0x0  }
0x6a: {  	s0 =	simm.s32 @!p0 $0x4;
	[sflag:s23] =	ssyncadd.s32 $0xFFFFC000  }
0x6b: {  	_ =	swait.ge @!p0 [sflag:s0], $0x4000  }
0x6c: {  	[sflag:s0] =	ssyncset.done @!p0 $0x0  }
0x6d: {  	s31 =	simm.s32 $0x0;
	[sflag:s0] =	ssyncadd.s32 @!p0 $0xFFFFC000  }
0x6e: {  	v0 =	vld [tilespmem:s31+$0x11070]  }
0x6f: {  	v1 =	vld [tilespmem:s31+$0x15070]  }
0x70: {  	v2 =	vld [tilespmem:s31+$0x11000]  }
0x71: {  	v3 =	vld [tilespmem:s31+$0x15000]  }
0x72: {  	v4 =	vld [tilespmem:s31+$0x11010]  }
0x73: {  	v5 =	vld [tilespmem:s31+$0x15010]  }
0x74: {  	v6 =	vld [tilespmem:s31+$0x11020]  }
0x75: {  	v7 =	vld [tilespmem:s31+$0x11030]  }
0x76: {  	v0 =	vadd.f32 v1, v0;
	v1 =	vld [tilespmem:s31+$0x15020]  }
0x77: {  	v8 =	vld [tilespmem:s31+$0x15030]  }
0x78: {  	v9 =	vld [tilespmem:s31+$0x15040];
	v2 =	vadd.f32 v3, v2  }
0x79: {  	[tilespmem:s31+$0x19070] =	vst v0;
	v0 =	vadd.f32 v5, v4;
	v5 =	vld [tilespmem:s31+$0x11040]  }
0x7a: {  	v3 =	vld [tilespmem:s31+$0x15050];
	[tilespmem:s31+$0x19000] =	vst v2  }
0x7b: {  	v2 =	vld [tilespmem:s31+$0x11050];
	[tilespmem:s31+$0x19010] =	vst v0;
	v0 =	vadd.f32 v1, v6  }
0x7c: {  	v4 =	vld [tilespmem:s31+$0x15060];
	v6 =	vadd.f32 v8, v7  }
0x7d: {  	s1 =	simm.s32 $0x80;
	[tilespmem:s31+$0x19020] =	vst v0;
	v0 =	vld [tilespmem:s31+$0x11060]  }
0x7e: {  	s0 =	simm.s32 $0x400;
	v5 =	vadd.f32 v9, v5;
	v1 =	vld [tilespmem:s1+$0x11070];
	[tilespmem:s31+$0x19030] =	vst v6  }
.LBB2_5:
0x7f: {  	p0 =	sne.s32 s0, $0xFE00;
	v6 =	vld [tilespmem:s1+$0x15070]  }
0x80: {  	v7 =	vld [tilespmem:s1+$0x11000];
	[tilespmem:s31+$0x19040] =	vst v5;
	v2 =	vadd.f32 v3, v2  }
0x81: {  	v3 =	vld [tilespmem:s1+$0x15000]  }
0x82: {  	v5 =	vld [tilespmem:s1+$0x11010];
	[tilespmem:s31+$0x19050] =	vst v2;
	v0 =	vadd.f32 v4, v0  }
0x83: {  	v2 =	vld [tilespmem:s1+$0x15010]  }
0x84: {  	v4 =	vld [tilespmem:s1+$0x11020];
	v1 =	vadd.f32 v6, v1;
	[tilespmem:s31+$0x19060] =	vst v0;
	s31 =	smov.u32 s1  }
0x85: {  	v0 =	vld [tilespmem:s31+$0x15020]  }
0x86: {  	v3 =	vadd.f32 v3, v7;
	v6 =	vld [tilespmem:s31+$0x11030];
	[tilespmem:s31+$0x19070] =	vst v1  }
0x87: {  	v1 =	vld [tilespmem:s31+$0x15030]  }
0x88: {  	[tilespmem:s31+$0x19000] =	vst v3;
	v2 =	vadd.f32 v2, v5;
	v5 =	vld [tilespmem:s31+$0x11040]  }
0x89: {  	v7 =	vld [tilespmem:s31+$0x15040]  }
.Ltmp1:
0x8a: {  	[tilespmem:s31+$0x19010] =	vst v2;
	v0 =	vadd.f32 v0, v4;
	v2 =	vld [tilespmem:s31+$0x11050];
	(pc) =	sbr.rel @p0 .LBB2_5-.Ltmp1, $4  }
0x8b: {  	v3 =	vld [tilespmem:s31+$0x15050]  }
0x8c: {  	[tilespmem:s31+$0x19020] =	vst v0;
	v6 =	vadd.f32 v1, v6;
	v0 =	vld [tilespmem:s31+$0x11060]  }
0x8d: {  	s1 =	sshra.s32 s0, $0x2;
	v4 =	vld [tilespmem:s31+$0x15060]  }
0x8e: {  	s0 =	sadd.s32 $0x200, s0;
	v1 =	vld [tilespmem:s1+$0x11070];
	[tilespmem:s31+$0x19030] =	vst v6;
	v5 =	vadd.f32 v7, v5  }
0x8f: {  	v6 =	vld [tilespmem:s1+$0x15070]  }
0x90: {  	v7 =	vld [tilespmem:s1+$0x11000];
	[tilespmem:s31+$0x19040] =	vst v5;
	v2 =	vadd.f32 v3, v2  }
0x91: {  	v51 =	vld [tilespmem:s1+$0x15000]  }
0x92: {  	v5 =	vld [tilespmem:s1+$0x11010];
	[tilespmem:s31+$0x19050] =	vst v2;
	v0 =	vadd.f32 v4, v0  }
0x93: {  	v2 =	vld [tilespmem:s1+$0x15010]  }
0x94: {  	v52 =	vld [tilespmem:s1+$0x11020];
	[tilespmem:s31+$0x19060] =	vst v0  }
0x95: {  	v54 =	vld [tilespmem:s1+$0x15020]  }
0x96: {  	v55 =	vld [tilespmem:s1+$0x11030]  }
0x97: {  	v56 =	vld [tilespmem:s1+$0x15030]  }
0x98: {  	v57 =	vld [tilespmem:s1+$0x11040]  }
0x99: {  	v58 =	vld [tilespmem:s1+$0x15040]  }
0x9a: {  	v59 =	vld [tilespmem:s1+$0x11050]  }
0x9b: {  	v53 =	vadd.f32 v6, v1;
	v60 =	vld [tilespmem:s1+$0x15050]  }
0x9c: {  	v61 =	vld [tilespmem:s1+$0x11060];
	v3 =	vadd.f32 v51, v7  }
0x9d: {  	v62 =	vld [tilespmem:s1+$0x15060];
	[tilespmem:s1+$0x19070] =	vst v53;
	v2 =	vadd.f32 v2, v5  }
0x9e: {  	[tilespmem:s1+$0x19000] =	vst v3;
	v1 =	vadd.f32 v54, v52  }
0x9f: {  	[tilespmem:s1+$0x19010] =	vst v2;
	v0 =	vadd.f32 v56, v55  }
0xa0: {  	v3 =	vadd.f32 v58, v57;
	[tilespmem:s1+$0x19020] =	vst v1  }
0xa1: {  	v63 =	vadd.f32 v60, v59;
	[tilespmem:s1+$0x19030] =	vst v0  }
0xa2: {  	[tilespmem:s1+$0x19040] =	vst v3;
	v1 =	vadd.f32 v62, v61  }
0xa3: {  	s0 =	sshll.u32 s29, $0xC;
	[tilespmem:s1+$0x19050] =	vst v63  }
0xa4: {  	s0 =	sadd.s32 s12, s0;
	[tilespmem:s1+$0x19060] =	vst v1  }
0xa5: {  	[hbm4b:s0+s3] =	stream.linear.scatter [tilespmem:s24], [sflag:$0x4], $0x4000, $0x38;
	[tilespmem:$0x1D000] =	vst v63  }
0xa6: {  	s0 =	sadd.s32 $0x3, s30  }
0xa7: {  	p0 =	sge.u32 s0, s6  }
0xa8: {  	s0 =	sshll.u32 @!p0 s0, $0x7;
	s1 =	simm.s32 @!p0 $0x80;
	s30 =	simm.s32 @!p0 $0x11000  }
0xa9: {  	[tilespmem:s30], [sflag:$0x2] =	stream.indirect.gather @!p0 [hbm4b:s4+s1], $0x80, s0, s1, $0xb8;
	[tilespmem:$0x1D000] =	vst v63  }
0xaa: {  	s29 =	sadd.s32 $0x1, s29;
	s0 =	sadd.s32 @!p0 $0x2800, s0;
	s30 =	simm.s32 @!p0 $0x15000  }
0xab: {  	[tilespmem:s30], [sflag:$0x2] =	stream.indirect.gather @!p0 [hbm4b:s5+s1], $0x80, s0, s1, $0xb8;
	[tilespmem:$0x1D000] =	vst v63  }
0xac: {  	p0 =	sne.s32 s29, s9  }
.Ltmp2:
0xad: {  	_ = 	snop;
	(pc) =	sbr.rel @p0 .LBB2_2-.Ltmp2, $1  }
0xae: {  	_ =	sdelay $0x3  }
0xaf: {  	s28 =	sadd.s32 $0x1, s28  }
0xb0: {  	_ =	swait.ge [sflag:s25], $0x4000;
	p0 =	sne.s32 s28, s11  }
.Ltmp3:
0xb1: {  	[sflag:s25] =	ssyncset.done $0x0;
	(pc) =	sbr.rel @p0 .LBB2_1-.Ltmp3, $4  }
0xb2: {  	[sflag:s25] =	ssyncadd.s32 $0xFFFFC000  }
0xb3: {  	_ =	swait.ge [sflag:s26], $0x4000  }
0xb4: {  	[sflag:s26] =	ssyncset.done $0x0  }
0xb5: {  	[sflag:s26] =	ssyncadd.s32 $0xFFFFC000  }
0xb6: {  	_ =	sfence.sel $0x180000  }
0xb7: {  	[bflag:$0x0] =	sbarrier.arrive $0xFFFF  }
0xb8: {  	_ =	strace $0x9000004A  }
0xb9: {  	s0 =	stileid.u32;
	[bflag:$0x2] =	sbarrier.arrive $0xFFFF  }
0xba: {  	p0 =	sne.s32 s0, $0x0;
	s0 =	rddreg [dreg:$0x2]  }
0xbb: {  	s0 =	sadd.s32 @!p0 $0x100000, s0  }
0xbc: {  	[sflag:s0] =	ssyncadd.tile.s32 @!p0 $0x1;
	_ =	shalt  }
.Lfunc_end2:
_tile_overlayer_lowered:
.L_overlay_start_2:
0xbd: {  	(tag) =	ssettag $0x2  }
0xbe: {  	s0 =	rddreg [dreg:$0x0];
	s2 =	stileid.u32  }
0xbf: {  	s1 =	rddreg [dreg:$0x1];
	p0 =	sne.s32 s2, $0x0  }
0xc0: {  	s3 =	rddreg [dreg:$0x2];
	[bflag:$0x3] =	sbarrier.arrive $0xFFFF;
	s2 =	simm.s32 @!p0 $0x1C05  }
0xc1: {  	[timem:s3], [sflag:s2] =	dma.local @!p0 [hbm:s0], s1  }
0xc2: {  	s0 =	simm.s32 @!p0 $0x5  }
0xc3: {  	_ =	swait.ge @!p0 [sflag:s0], s1  }
0xc4: {  	s1 =	ssub.s32 @!p0 $0x0, s1;
	[sflag:s0] =	ssyncset.done @!p0 $0x0  }
0xc5: {  	[sflag:s0] =	ssyncadd.s32 @!p0 s1  }
0xc6: {  	[bflag:$0x3] =	sbarrier.arrive $0xFFFF  }
0xc7: {  	_ =	shalt  }

</sc_bundles>
